<compile_context>
chip_gen: v7x
topology: tpu7x:2x2x1
jax: 0.10.2.dev20260603
libtpu: 0.0.44.dev20260713+nightly
codegen_flags: <defaults>
</compile_context>

<pallas_src>
import functools

import jax
import jax.numpy as jnp
from jax import lax
from jax.experimental import pallas as pl
from jax.experimental.pallas import tpu as pltpu
from jax.experimental.pallas import tpu_sc as plsc

T = 2048
DIM = 1024
HID = 768
E = 8
TOPK = 2
EPS = 1e-20

BT = 1024
NT = T // BT
BG = 512
F = T * TOPK
NB = (F + E * (BG - 1) + BG - 1) // BG
P = NB * BG


def _nt_dot(a, b):
    return jax.lax.dot_general(a, b, (((1,), (1,)), ((), ())),
                               preferred_element_type=jnp.float32)


def _router_body(x_ref, Wg_ref, bias_ref, sel_ref, gate_ref):
    xb = x_ref[...].astype(jnp.bfloat16)
    logits = _nt_dot(xb, Wg_ref[...].astype(jnp.bfloat16))
    scores = jax.nn.sigmoid(logits)
    biased = scores + bias_ref[...]
    iota = jax.lax.broadcasted_iota(jnp.int32, (T, E), 1)
    m1 = jnp.argmax(biased, axis=1)[:, None]
    sel1 = iota == m1
    m2 = jnp.argmax(jnp.where(sel1, -jnp.inf, biased), axis=1)[:, None]
    sel2 = iota == m2
    w1 = jnp.sum(jnp.where(sel1, scores, 0.0), axis=1, keepdims=True)
    w2 = jnp.sum(jnp.where(sel2, scores, 0.0), axis=1, keepdims=True)
    denom = w1 + w2 + EPS
    sel_ref[...] = jnp.concatenate([m1, m2], axis=1).astype(jnp.int32)
    gate_ref[...] = jnp.concatenate(
        [(w1 / denom).reshape(1, T), (w2 / denom).reshape(1, T)], axis=0)


def _shared_body(x_ref, S1_ref, S2_ref, S3_ref, shared_ref):
    xb = x_ref[...].astype(jnp.bfloat16)
    a = _nt_dot(xb, S1_ref[...].astype(jnp.bfloat16))
    b = _nt_dot(xb, S3_ref[...].astype(jnp.bfloat16))
    h = (a * jax.nn.sigmoid(a) * b).astype(jnp.bfloat16)
    shared_ref[...] = _nt_dot(h, S2_ref[...].astype(jnp.bfloat16))


def _f32_dot(a, b):
    return jax.lax.dot_general(a, b, (((1,), (0,)), ((), ())),
                               preferred_element_type=jnp.float32,
                               precision=jax.lax.Precision.HIGHEST)


def _dispatch_body(sel_ref, destA_ref, destB_ref, blocks_ref):
    f32 = jnp.float32
    sel = sel_ref[...]
    il = jax.lax.broadcasted_iota(jnp.int32, (128, 128), 0)
    jl = jax.lax.broadcasted_iota(jnp.int32, (128, 128), 1)
    Lt = (il < jl).astype(f32)
    ir = jax.lax.broadcasted_iota(jnp.int32, (32, 32), 0)
    jr = jax.lax.broadcasted_iota(jnp.int32, (32, 32), 1)
    Lr = (jr < ir).astype(f32)
    ones128 = jnp.ones((128, 1), f32)

    rank = jnp.zeros((32, 128), f32)
    counts = []
    for e in range(E):
        Ae = (sel == e).astype(f32)
        ce = _f32_dot(Ae, Lt)
        se = _f32_dot(Ae, ones128)
        carry = _f32_dot(Lr, se)
        rank = rank + Ae * (ce + carry)
        counts.append(jnp.sum(Ae))

    offs, acc = [], jnp.float32(0.0)
    padded_total = jnp.float32(0.0)
    for e in range(E):
        offs.append(acc)
        pe = jnp.ceil(counts[e] / BG) * BG
        acc = acc + pe
        padded_total = padded_total + pe
    off_of_sel = jnp.zeros((32, 128), f32)
    for e in range(E):
        off_of_sel = off_of_sel + (sel == e).astype(f32) * offs[e]
    dest = off_of_sel + rank

    ilc = jax.lax.broadcasted_iota(jnp.int32, (128, 64), 0)
    jlc = jax.lax.broadcasted_iota(jnp.int32, (128, 64), 1)
    SA = (ilc == 2 * jlc).astype(f32)
    SB = (ilc == 2 * jlc + 1).astype(f32)
    destA_ref[...] = jnp.round(_f32_dot(dest, SA)).astype(jnp.int32)
    destB_ref[...] = jnp.round(_f32_dot(dest, SB)).astype(jnp.int32)

    nb_used = (padded_total / BG).astype(jnp.int32)
    bidx = jax.lax.broadcasted_iota(jnp.int32, (1, 32), 1)
    bexp = jnp.full((1, 32), -1, jnp.int32)
    eb_last = jnp.int32(-1)
    last_b = (jnp.maximum(nb_used - 1, 0) * BG).astype(f32)
    for e in range(E):
        bexp = bexp + ((bidx * BG).astype(f32) >= offs[e]).astype(jnp.int32)
        eb_last = eb_last + (last_b >= offs[e]).astype(jnp.int32)
    bexp = jnp.clip(bexp, 0, E - 1)
    eb_last = jnp.clip(eb_last, 0, E - 1)
    valid = bidx < nb_used
    bexp = jnp.where(valid, bexp, eb_last)
    bsrc = jnp.minimum(bidx, jnp.maximum(nb_used - 1, 0))
    blocks = jnp.concatenate(
        [bsrc, bexp, valid.astype(jnp.int32),
         jnp.zeros((5, 32), jnp.int32)], axis=0)
    blocks_ref[...] = blocks


def _grouped_gemm_body(bs_ref, be_ref, bv_ref,
                       xg_ref, W1_ref, W2_ref, W3_ref, out_ref):
    b = pl.program_id(0)

    @pl.when(bv_ref[b] == 1)
    def _():
        xb = xg_ref[...].astype(jnp.bfloat16)
        a = _nt_dot(xb, W1_ref[0].astype(jnp.bfloat16))
        c = _nt_dot(xb, W3_ref[0].astype(jnp.bfloat16))
        h = (a * jax.nn.sigmoid(a) * c).astype(jnp.bfloat16)
        out_ref[...] = _nt_dot(h, W2_ref[0].astype(jnp.bfloat16))

    @pl.when(bv_ref[b] == 0)
    def _():
        out_ref[...] = jnp.zeros((BG, DIM), jnp.float32)


def _router(x, Wg, bias2):
    return pl.pallas_call(
        _router_body,
        grid=(1,),
        in_specs=[
            pl.BlockSpec((T, DIM), lambda g: (0, 0)),
            pl.BlockSpec((E, DIM), lambda g: (0, 0)),
            pl.BlockSpec((1, E), lambda g: (0, 0)),
        ],
        out_specs=[
            pl.BlockSpec((T, TOPK), lambda g: (0, 0)),
            pl.BlockSpec((TOPK, T), lambda g: (0, 0)),
        ],
        out_shape=[
            jax.ShapeDtypeStruct((T, TOPK), jnp.int32),
            jax.ShapeDtypeStruct((TOPK, T), jnp.float32),
        ],
    )(x, Wg, bias2)


def _shared(x, S1, S2, S3):
    return pl.pallas_call(
        _shared_body,
        grid=(NT,),
        in_specs=[
            pl.BlockSpec((BT, DIM), lambda t: (t, 0)),
            pl.BlockSpec((HID, DIM), lambda t: (0, 0)),
            pl.BlockSpec((DIM, HID), lambda t: (0, 0)),
            pl.BlockSpec((HID, DIM), lambda t: (0, 0)),
        ],
        out_specs=pl.BlockSpec((BT, DIM), lambda t: (t, 0)),
        out_shape=jax.ShapeDtypeStruct((T, DIM), jnp.float32),
    )(x, S1, S2, S3)


def _dispatch(sel):
    sel32 = sel.reshape(32, 128)
    destA, destB, blocks = pl.pallas_call(
        _dispatch_body,
        grid=(1,),
        in_specs=[pl.BlockSpec((32, 128), lambda g: (0, 0))],
        out_specs=[
            pl.BlockSpec((32, 64), lambda g: (0, 0)),
            pl.BlockSpec((32, 64), lambda g: (0, 0)),
            pl.BlockSpec((8, 32), lambda g: (0, 0)),
        ],
        out_shape=[
            jax.ShapeDtypeStruct((32, 64), jnp.int32),
            jax.ShapeDtypeStruct((32, 64), jnp.int32),
            jax.ShapeDtypeStruct((8, 32), jnp.int32),
        ],
    )(sel32)
    destA = destA.reshape(-1)
    destB = destB.reshape(-1)
    return (destA, destB, blocks[0, :NB], blocks[1, :NB], blocks[2, :NB])


def _grouped_gemm(block_src, block_expert, block_valid, xg, W1, W2, W3):
    grid_spec = pltpu.PrefetchScalarGridSpec(
        num_scalar_prefetch=3,
        grid=(NB,),
        in_specs=[
            pl.BlockSpec((BG, DIM), lambda b, bs, be, bv: (bs[b], 0)),
            pl.BlockSpec((1, HID, DIM), lambda b, bs, be, bv: (be[b], 0, 0)),
            pl.BlockSpec((1, DIM, HID), lambda b, bs, be, bv: (be[b], 0, 0)),
            pl.BlockSpec((1, HID, DIM), lambda b, bs, be, bv: (be[b], 0, 0)),
        ],
        out_specs=pl.BlockSpec((BG, DIM), lambda b, bs, be, bv: (b, 0)),
    )
    return pl.pallas_call(
        _grouped_gemm_body,
        grid_spec=grid_spec,
        out_shape=jax.ShapeDtypeStruct((P, DIM), jnp.float32),
    )(block_src, block_expert, block_valid, xg, W1, W2, W3)


_SC_MESH = plsc.VectorSubcoreMesh(core_axis_name="c", subcore_axis_name="s")
NW = 32
TPW = T // NW


_SCH = 32


@functools.partial(
    pl.kernel,
    out_type=jax.ShapeDtypeStruct((P, DIM), jnp.float32),
    mesh=_SC_MESH,
    scratch_types=[
        pltpu.VMEM((2, _SCH), jnp.int32),
        pltpu.VMEM((2, _SCH), jnp.int32),
        pltpu.VMEM((2, _SCH, DIM), jnp.float32),
        pltpu.SemaphoreType.DMA,
        pltpu.SemaphoreType.DMA,
    ],
)
def _sc_scatter(x_hbm, destA_hbm, destB_hbm, xg_hbm,
                idxA_v, idxB_v, rows_v, semX, semW):
    wid = lax.axis_index("s") * 2 + lax.axis_index("c")
    prev = [None, None]

    def load(c, s):
        base = wid * TPW + c * _SCH
        if prev[s] is not None:
            for cc in prev[s]:
                cc.wait()
            prev[s] = None
        pltpu.sync_copy(destA_hbm.at[pl.ds(base, _SCH)], idxA_v.at[s])
        pltpu.sync_copy(destB_hbm.at[pl.ds(base, _SCH)], idxB_v.at[s])
        return pltpu.async_copy(x_hbm.at[pl.ds(base, _SCH)],
                                rows_v.at[s], semX)

    pend = load(0, 0)
    for c in range(TPW // _SCH):
        s = c % 2
        cx = pend
        if c + 1 < TPW // _SCH:
            pend = load(c + 1, (c + 1) % 2)
        cx.wait()
        cA = pltpu.async_copy(rows_v.at[s], xg_hbm.at[idxA_v.at[s]], semW)
        cB = pltpu.async_copy(rows_v.at[s], xg_hbm.at[idxB_v.at[s]], semW)
        prev[s] = (cA, cB)
    for s in range(2):
        if prev[s] is not None:
            for cc in prev[s]:
                cc.wait()


_CHUNK = 16
_NCH = TPW // _CHUNK


@functools.partial(
    pl.kernel,
    out_type=jax.ShapeDtypeStruct((T, DIM), jnp.float32),
    mesh=_SC_MESH,
    scratch_types=[
        pltpu.VMEM((2, 2 * _CHUNK), jnp.int32),
        pltpu.VMEM((2, _CHUNK), jnp.float32),
        pltpu.VMEM((2, _CHUNK), jnp.float32),
        pltpu.VMEM((2, 2 * _CHUNK, DIM), jnp.float32),
        pltpu.VMEM((2, _CHUNK, DIM), jnp.float32),
        pltpu.SemaphoreType.DMA,
        pltpu.SemaphoreType.DMA,
        pltpu.SemaphoreType.DMA,
    ],
)
def _sc_combine(routed_hbm, shared_hbm, destA_hbm, destB_hbm,
                gA_hbm, gB_hbm, out_hbm,
                idx_v, gA_v, gB_v, rAB_v, acc_v, semR, semS, semO):
    wid = lax.axis_index("s") * 2 + lax.axis_index("c")
    wb = [None, None]

    def issue(c, s):
        base = wid * TPW + c * _CHUNK
        if wb[s] is not None:
            wb[s].wait()
            wb[s] = None
        pltpu.sync_copy(destA_hbm.at[pl.ds(base, _CHUNK)],
                        idx_v.at[s, pl.ds(0, _CHUNK)])
        pltpu.sync_copy(destB_hbm.at[pl.ds(base, _CHUNK)],
                        idx_v.at[s, pl.ds(_CHUNK, _CHUNK)])
        cR = pltpu.async_copy(routed_hbm.at[idx_v.at[s]], rAB_v.at[s], semR)
        cS = pltpu.async_copy(shared_hbm.at[pl.ds(base, _CHUNK)],
                              acc_v.at[s], semS)
        pltpu.sync_copy(gA_hbm.at[pl.ds(base, _CHUNK)], gA_v.at[s])
        pltpu.sync_copy(gB_hbm.at[pl.ds(base, _CHUNK)], gB_v.at[s])
        return cR, cS

    pend = issue(0, 0)
    for c in range(_NCH):
        s = c % 2
        cR, cS = pend
        if c + 1 < _NCH:
            pend = issue(c + 1, (c + 1) % 2)
        cR.wait()
        cS.wait()

        va = gA_v[s]
        vbv = gB_v[s]
        gasA = [va[l] for l in range(16)]
        gasB = [vbv[l] for l in range(16)]

        def body(cc, _):
            sl = pl.ds(cc * 16, 16)
            for j in range(_CHUNK):
                acc_v[s, j, sl] = (acc_v[s, j, sl]
                                   + gasA[j] * rAB_v[s, j, sl]
                                   + gasB[j] * rAB_v[s, _CHUNK + j, sl])
            return 0

        lax.fori_loop(0, DIM // 16, body, 0)
        base = wid * TPW + c * _CHUNK
        wb[s] = pltpu.async_copy(acc_v.at[s],
                                 out_hbm.at[pl.ds(base, _CHUNK)], semO)
    for s in range(2):
        if wb[s] is not None:
            wb[s].wait()


def kernel(x, Wg, W1, W2, W3, S1, S2, S3, expert_bias):
    bias2 = expert_bias.reshape(1, E)
    sel, gates = _router(x, Wg, bias2)
    destA, destB, block_src, block_expert, block_valid = _dispatch(sel)
    xg = _sc_scatter(x, destA, destB)
    shared_out = _shared(x, S1, S2, S3)
    routed = _grouped_gemm(block_src, block_expert, block_valid,
                           xg, W1, W2, W3)
    out = _sc_combine(routed, shared_out, destA, destB, gates[0], gates[1])
    return out

# --- scband reference (transcript-rebuilt; emitter-appended) ---
"""Pipeline reference for scband-mo-e-55181739819598 (READ-ONLY COPY).

The authoritative reference and input builder live on the scoring server;
editing this copy changes nothing except your own understanding.
"""

import jax, jax.numpy as jnp
import numpy as np

T = 2048      # bs*slen tokens
DIM = 1024    # model dim
HID = 768     # derived routed/shared expert hidden dim
E = 8         # n_routed_experts
TOPK = 2      # activate_experts
EPS = 1e-20


def setup_inputs(seed: int = 0) -> dict:
    key = jax.random.key(seed)
    ks = jax.random.split(key, 8)
    x = jax.random.normal(ks[0], (T, DIM), dtype=jnp.float32)
    Wg = jax.random.normal(ks[1], (E, DIM), dtype=jnp.float32) * 0.02
    W1 = jax.random.normal(ks[2], (E, HID, DIM), dtype=jnp.float32) * 0.02
    W2 = jax.random.normal(ks[3], (E, DIM, HID), dtype=jnp.float32) * 0.02
    W3 = jax.random.normal(ks[4], (E, HID, DIM), dtype=jnp.float32) * 0.02
    S1 = jax.random.normal(ks[5], (HID, DIM), dtype=jnp.float32) * 0.02
    S2 = jax.random.normal(ks[6], (DIM, HID), dtype=jnp.float32) * 0.02
    S3 = jax.random.normal(ks[7], (HID, DIM), dtype=jnp.float32) * 0.02
    expert_bias = jnp.zeros((E,), dtype=jnp.float32)
    return {"x": x, "Wg": Wg, "W1": W1, "W2": W2, "W3": W3,
            "S1": S1, "S2": S2, "S3": S3, "expert_bias": expert_bias}


def reference(x, Wg, W1, W2, W3, S1, S2, S3, expert_bias):
    # ---- TokenChoiceTopKRouter ----
    logits = x @ Wg.T                                  # (T, E)
    scores = jax.nn.sigmoid(logits.astype(jnp.float32))
    biased = scores + expert_bias[None, :]             # use_bias_for_routing=True
    _, sel_idx = jax.lax.top_k(biased, TOPK)           # (T, TOPK) int32
    top_scores = jnp.take_along_axis(scores, sel_idx, axis=1)
    top_scores = top_scores / (top_scores.sum(axis=-1, keepdims=True) + EPS)
    flat_sel = sel_idx.reshape(-1)                     # (T*TOPK,)
    order = jnp.argsort(flat_sel)                      # stable in JAX
    top_sorted = top_scores.reshape(-1)[order]         # (T*TOPK,)
    tok_idx = order // TOPK                            # (T*TOPK,) token ids
    expert_for = flat_sel[order]                       # (T*TOPK,) expert ids (sorted)
    num_tokens_per_expert = jnp.bincount(flat_sel, length=E)  # histc equivalent
    # ---- routed GroupedExperts (per-expert SwiGLU FFN, same math as grouped gemm) ----
    routed_in = x[tok_idx]                             # permute by expert-sorted order
    routed_out = jnp.zeros((T * TOPK, DIM), dtype=jnp.float32)
    for e in range(E):
        h = jax.nn.silu(routed_in @ W1[e].T) * (routed_in @ W3[e].T)
        oe = h @ W2[e].T
        routed_out = routed_out + jnp.where((expert_for == e)[:, None], oe, 0.0)
    routed_out = routed_out * top_sorted[:, None]      # router_scaling_factor=1.0
    # ---- unpermute: scatter-add back to token positions ----
    out = jnp.zeros_like(x).at[tok_idx].add(routed_out)
    # ---- shared expert (FeedForward, SwiGLU) ----
    shared = (jax.nn.silu(x @ S1.T) * (x @ S3.T)) @ S2.T
    return out + shared

if __name__ == "__main__":
    import jax
    _d = setup_inputs()
    print(jax.jit(kernel)(*tuple(_d.values())))

</pallas_src>

<mosaic_0001>
#map = affine_map<(d0, d1) -> (0, 0)>
#map1 = affine_map<(d0, d1) -> (0)>
module attributes {stable_mosaic.version = 14 : i64} {
  func.func @_sc_combine(%arg0: i32, %arg1: i32, %arg2: memref<8192x1024xf32, #tpu.memory_space<hbm>>, %arg3: memref<2048x1024xf32, #tpu.memory_space<hbm>>, %arg4: memref<2048xi32, #tpu.memory_space<hbm>>, %arg5: memref<2048xi32, #tpu.memory_space<hbm>>, %arg6: memref<2048xf32, #tpu.memory_space<hbm>>, %arg7: memref<2048xf32, #tpu.memory_space<hbm>>, %arg8: memref<2048x1024xf32, #tpu.memory_space<hbm>>, %arg9: memref<2x32xi32, #tpu.memory_space<vmem>>, %arg10: memref<2x16xf32, #tpu.memory_space<vmem>>, %arg11: memref<2x16xf32, #tpu.memory_space<vmem>>, %arg12: memref<2x32x1024xf32, #tpu.memory_space<vmem>>, %arg13: memref<2x16x1024xf32, #tpu.memory_space<vmem>>, %arg14: memref<!tpu.dma_semaphore, #tpu.memory_space<semaphore_mem>>, %arg15: memref<!tpu.dma_semaphore, #tpu.memory_space<semaphore_mem>>, %arg16: memref<!tpu.dma_semaphore, #tpu.memory_space<semaphore_mem>>) attributes {dimension_semantics = [#tpu.dimension_semantics<core_parallel>, #tpu.dimension_semantics<subcore_parallel>], iteration_bounds = array<i64: 2, 16>, scalar_prefetch = 0 : i64, scratch_operands = 8 : i64, tpu.core_type = #tpu.core_type<sc_vector_subcore>, window_params = [{transform_indices = #map}, {transform_indices = #map}, {transform_indices = #map1}, {transform_indices = #map1}, {transform_indices = #map1}, {transform_indices = #map1}, {transform_indices = #map}]} {
    %mul3A = arith.constant 2 : i32
    %mul3A_0 = arith.muli %arg1, %mul3A : i32
    %add3A = arith.addi %mul3A_0, %arg0 : i32
    %mul3A_1 = arith.constant 64 : i32
    %mul3A_2 = arith.muli %add3A, %mul3A_1 : i32
    %add3A_3 = arith.constant 0 : i32
    %add3A_4 = arith.addi %mul3A_2, %add3A_3 : i32
    %run_scoped3A = arith.constant 0 : i32
    "tpu.region"() ({
      %run_scoped3A_670 = tpu.sem_alloc : memref<!tpu.dma_semaphore, #tpu.memory_space<semaphore_mem>>
      %dma_start3A_671 = arith.constant 0 : i32
      %dma_start3A_672 = tpu.memref_slice %arg9[%run_scoped3A, %dma_start3A_671] : memref<2x32xi32, #tpu.memory_space<vmem>> -> memref<1x16xi32, #tpu.memory_space<vmem>>
      %dma_start3A_673 = tpu.memref_squeeze %dma_start3A_672 : memref<1x16xi32, #tpu.memory_space<vmem>> -> memref<16xi32, #tpu.memory_space<vmem>>
      %dma_start3A_674 = tpu.memref_slice %arg4[%add3A_4] : memref<2048xi32, #tpu.memory_space<hbm>> -> memref<16xi32, #tpu.memory_space<hbm>>
      %dma_start3A_675 = arith.constant 0 : i32
      %dma_start3A_676 = tpu.memref_slice %arg9[%run_scoped3A, %dma_start3A_675] : memref<2x32xi32, #tpu.memory_space<vmem>> -> memref<1x16xi32, #tpu.memory_space<vmem>>
      %dma_start3A_677 = tpu.memref_squeeze %dma_start3A_676 : memref<1x16xi32, #tpu.memory_space<vmem>> -> memref<16xi32, #tpu.memory_space<vmem>>
      %dma_start3A_678 = tpu.memref_slice %arg4[%add3A_4] : memref<2048xi32, #tpu.memory_space<hbm>> -> memref<16xi32, #tpu.memory_space<hbm>>
      tpu.enqueue_dma source(%dma_start3A_678 : memref<16xi32, #tpu.memory_space<hbm>>) target(%dma_start3A_677 : memref<16xi32, #tpu.memory_space<vmem>>) target_semaphore(%run_scoped3A_670 : memref<!tpu.dma_semaphore, #tpu.memory_space<semaphore_mem>>)
      %dma_wait3A_679 = arith.constant 0 : i32
      %dma_wait3A_680 = tpu.memref_slice %arg9[%run_scoped3A, %dma_wait3A_679] : memref<2x32xi32, #tpu.memory_space<vmem>> -> memref<1x16xi32, #tpu.memory_space<vmem>>
      %dma_wait3A_681 = tpu.memref_squeeze %dma_wait3A_680 : memref<1x16xi32, #tpu.memory_space<vmem>> -> memref<16xi32, #tpu.memory_space<vmem>>
      %dma_wait3A_682 = tpu.memref_slice %arg4[%add3A_4] : memref<2048xi32, #tpu.memory_space<hbm>> -> memref<16xi32, #tpu.memory_space<hbm>>
      %dma_wait3A_683 = arith.constant 0 : i32
      %dma_wait3A_684 = tpu.memref_slice %arg9[%run_scoped3A, %dma_wait3A_683] : memref<2x32xi32, #tpu.memory_space<vmem>> -> memref<1x16xi32, #tpu.memory_space<vmem>>
      %dma_wait3A_685 = tpu.memref_squeeze %dma_wait3A_684 : memref<1x16xi32, #tpu.memory_space<vmem>> -> memref<16xi32, #tpu.memory_space<vmem>>
      %dma_wait3A_686 = tpu.memref_slice %arg4[%add3A_4] : memref<2048xi32, #tpu.memory_space<hbm>> -> memref<16xi32, #tpu.memory_space<hbm>>
      tpu.wait_dma2 semaphore(%run_scoped3A_670 : memref<!tpu.dma_semaphore, #tpu.memory_space<semaphore_mem>>) src(%dma_wait3A_686 : memref<16xi32, #tpu.memory_space<hbm>>) dst(%dma_wait3A_685 : memref<16xi32, #tpu.memory_space<vmem>>)
      tpu.yield
    }) : () -> ()
    %run_scoped3A_5 = arith.constant 0 : i32
    "tpu.region"() ({
      %run_scoped3A_670 = tpu.sem_alloc : memref<!tpu.dma_semaphore, #tpu.memory_space<semaphore_mem>>
      %dma_start3A_671 = arith.constant 16 : i32
      %dma_start3A_672 = tpu.memref_slice %arg9[%run_scoped3A_5, %dma_start3A_671] : memref<2x32xi32, #tpu.memory_space<vmem>> -> memref<1x16xi32, #tpu.memory_space<vmem>>
      %dma_start3A_673 = tpu.memref_squeeze %dma_start3A_672 : memref<1x16xi32, #tpu.memory_space<vmem>> -> memref<16xi32, #tpu.memory_space<vmem>>
      %dma_start3A_674 = tpu.memref_slice %arg5[%add3A_4] : memref<2048xi32, #tpu.memory_space<hbm>> -> memref<16xi32, #tpu.memory_space<hbm>>
      %dma_start3A_675 = arith.constant 16 : i32
      %dma_start3A_676 = tpu.memref_slice %arg9[%run_scoped3A_5, %dma_start3A_675] : memref<2x32xi32, #tpu.memory_space<vmem>> -> memref<1x16xi32, #tpu.memory_space<vmem>>
      %dma_start3A_677 = tpu.memref_squeeze %dma_start3A_676 : memref<1x16xi32, #tpu.memory_space<vmem>> -> memref<16xi32, #tpu.memory_space<vmem>>
      %dma_start3A_678 = tpu.memref_slice %arg5[%add3A_4] : memref<2048xi32, #tpu.memory_space<hbm>> -> memref<16xi32, #tpu.memory_space<hbm>>
      tpu.enqueue_dma source(%dma_start3A_678 : memref<16xi32, #tpu.memory_space<hbm>>) target(%dma_start3A_677 : memref<16xi32, #tpu.memory_space<vmem>>) target_semaphore(%run_scoped3A_670 : memref<!tpu.dma_semaphore, #tpu.memory_space<semaphore_mem>>)
      %dma_wait3A_679 = arith.constant 16 : i32
      %dma_wait3A_680 = tpu.memref_slice %arg9[%run_scoped3A_5, %dma_wait3A_679] : memref<2x32xi32, #tpu.memory_space<vmem>> -> memref<1x16xi32, #tpu.memory_space<vmem>>
      %dma_wait3A_681 = tpu.memref_squeeze %dma_wait3A_680 : memref<1x16xi32, #tpu.memory_space<vmem>> -> memref<16xi32, #tpu.memory_space<vmem>>
      %dma_wait3A_682 = tpu.memref_slice %arg5[%add3A_4] : memref<2048xi32, #tpu.memory_space<hbm>> -> memref<16xi32, #tpu.memory_space<hbm>>
      %dma_wait3A_683 = arith.constant 16 : i32
      %dma_wait3A_684 = tpu.memref_slice %arg9[%run_scoped3A_5, %dma_wait3A_683] : memref<2x32xi32, #tpu.memory_space<vmem>> -> memref<1x16xi32, #tpu.memory_space<vmem>>
      %dma_wait3A_685 = tpu.memref_squeeze %dma_wait3A_684 : memref<1x16xi32, #tpu.memory_space<vmem>> -> memref<16xi32, #tpu.memory_space<vmem>>
      %dma_wait3A_686 = tpu.memref_slice %arg5[%add3A_4] : memref<2048xi32, #tpu.memory_space<hbm>> -> memref<16xi32, #tpu.memory_space<hbm>>
      tpu.wait_dma2 semaphore(%run_scoped3A_670 : memref<!tpu.dma_semaphore, #tpu.memory_space<semaphore_mem>>) src(%dma_wait3A_686 : memref<16xi32, #tpu.memory_space<hbm>>) dst(%dma_wait3A_685 : memref<16xi32, #tpu.memory_space<vmem>>)
      tpu.yield
    }) : () -> ()
    %dma_start3A = arith.constant 0 : i32
    %dma_start3A_6 = arith.constant 0 : i32
    %dma_start3A_7 = arith.constant 0 : i32
    %dma_start3A_8 = arith.constant 0 : i32
    %dma_start3A_9 = tpu.memref_slice %arg12[%dma_start3A_6, %dma_start3A_7, %dma_start3A_8] : memref<2x32x1024xf32, #tpu.memory_space<vmem>> -> memref<1x32x1024xf32, #tpu.memory_space<vmem>>
    %dma_start3A_10 = tpu.memref_squeeze %dma_start3A_9 : memref<1x32x1024xf32, #tpu.memory_space<vmem>> -> memref<32x1024xf32, #tpu.memory_space<vmem>>
    %dma_start3A_11 = arith.constant 0 : i32
    %dma_start3A_12 = tpu.memref_slice %arg9[%dma_start3A, %dma_start3A_11] : memref<2x32xi32, #tpu.memory_space<vmem>> -> memref<1x32xi32, #tpu.memory_space<vmem>>
    %dma_start3A_13 = tpu.memref_squeeze %dma_start3A_12 : memref<1x32xi32, #tpu.memory_space<vmem>> -> memref<32xi32, #tpu.memory_space<vmem>>
    %dma_start3A_14 = arith.constant 0 : i32
    %dma_start3A_15 = arith.constant 0 : i32
    %dma_start3A_16 = tpu.memref_slice %arg2[%dma_start3A_14, %dma_start3A_15] : memref<8192x1024xf32, #tpu.memory_space<hbm>> -> memref<8192x1024xf32, #tpu.memory_space<hbm>>
    tpu.enqueue_indirect_dma source(%dma_start3A_16 : memref<8192x1024xf32, #tpu.memory_space<hbm>>) target(%dma_start3A_10 : memref<32x1024xf32, #tpu.memory_space<vmem>>) offsets(%dma_start3A_13 : memref<32xi32, #tpu.memory_space<vmem>>) semaphore(%arg14 : memref<!tpu.dma_semaphore, #tpu.memory_space<semaphore_mem>>)
    %dma_start3A_17 = arith.constant 0 : i32
    %dma_start3A_18 = arith.constant 0 : i32
    %dma_start3A_19 = arith.constant 0 : i32
    %dma_start3A_20 = tpu.memref_slice %arg13[%dma_start3A_17, %dma_start3A_18, %dma_start3A_19] : memref<2x16x1024xf32, #tpu.memory_space<vmem>> -> memref<1x16x1024xf32, #tpu.memory_space<vmem>>
    %dma_start3A_21 = tpu.memref_squeeze %dma_start3A_20 : memref<1x16x1024xf32, #tpu.memory_space<vmem>> -> memref<16x1024xf32, #tpu.memory_space<vmem>>
    %dma_start3A_22 = arith.constant 0 : i32
    %dma_start3A_23 = tpu.memref_slice %arg3[%add3A_4, %dma_start3A_22] : memref<2048x1024xf32, #tpu.memory_space<hbm>> -> memref<16x1024xf32, #tpu.memory_space<hbm>>
    %dma_start3A_24 = arith.constant 0 : i32
    %dma_start3A_25 = arith.constant 0 : i32
    %dma_start3A_26 = tpu.memref_slice %arg13[%dma_start3A_17, %dma_start3A_24, %dma_start3A_25] : memref<2x16x1024xf32, #tpu.memory_space<vmem>> -> memref<1x16x1024xf32, #tpu.memory_space<vmem>>
    %dma_start3A_27 = tpu.memref_squeeze %dma_start3A_26 : memref<1x16x1024xf32, #tpu.memory_space<vmem>> -> memref<16x1024xf32, #tpu.memory_space<vmem>>
    %dma_start3A_28 = arith.constant 0 : i32
    %dma_start3A_29 = tpu.memref_slice %arg3[%add3A_4, %dma_start3A_28] : memref<2048x1024xf32, #tpu.memory_space<hbm>> -> memref<16x1024xf32, #tpu.memory_space<hbm>>
    tpu.enqueue_dma source(%dma_start3A_29 : memref<16x1024xf32, #tpu.memory_space<hbm>>) target(%dma_start3A_27 : memref<16x1024xf32, #tpu.memory_space<vmem>>) target_semaphore(%arg15 : memref<!tpu.dma_semaphore, #tpu.memory_space<semaphore_mem>>)
    %run_scoped3A_30 = arith.constant 0 : i32
    "tpu.region"() ({
      %run_scoped3A_670 = tpu.sem_alloc : memref<!tpu.dma_semaphore, #tpu.memory_space<semaphore_mem>>
      %dma_start3A_671 = arith.constant 0 : i32
      %dma_start3A_672 = tpu.memref_slice %arg10[%run_scoped3A_30, %dma_start3A_671] : memref<2x16xf32, #tpu.memory_space<vmem>> -> memref<1x16xf32, #tpu.memory_space<vmem>>
      %dma_start3A_673 = tpu.memref_squeeze %dma_start3A_672 : memref<1x16xf32, #tpu.memory_space<vmem>> -> memref<16xf32, #tpu.memory_space<vmem>>
      %dma_start3A_674 = tpu.memref_slice %arg6[%add3A_4] : memref<2048xf32, #tpu.memory_space<hbm>> -> memref<16xf32, #tpu.memory_space<hbm>>
      %dma_start3A_675 = arith.constant 0 : i32
      %dma_start3A_676 = tpu.memref_slice %arg10[%run_scoped3A_30, %dma_start3A_675] : memref<2x16xf32, #tpu.memory_space<vmem>> -> memref<1x16xf32, #tpu.memory_space<vmem>>
      %dma_start3A_677 = tpu.memref_squeeze %dma_start3A_676 : memref<1x16xf32, #tpu.memory_space<vmem>> -> memref<16xf32, #tpu.memory_space<vmem>>
      %dma_start3A_678 = tpu.memref_slice %arg6[%add3A_4] : memref<2048xf32, #tpu.memory_space<hbm>> -> memref<16xf32, #tpu.memory_space<hbm>>
      tpu.enqueue_dma source(%dma_start3A_678 : memref<16xf32, #tpu.memory_space<hbm>>) target(%dma_start3A_677 : memref<16xf32, #tpu.memory_space<vmem>>) target_semaphore(%run_scoped3A_670 : memref<!tpu.dma_semaphore, #tpu.memory_space<semaphore_mem>>)
      %dma_wait3A_679 = arith.constant 0 : i32
      %dma_wait3A_680 = tpu.memref_slice %arg10[%run_scoped3A_30, %dma_wait3A_679] : memref<2x16xf32, #tpu.memory_space<vmem>> -> memref<1x16xf32, #tpu.memory_space<vmem>>
      %dma_wait3A_681 = tpu.memref_squeeze %dma_wait3A_680 : memref<1x16xf32, #tpu.memory_space<vmem>> -> memref<16xf32, #tpu.memory_space<vmem>>
      %dma_wait3A_682 = tpu.memref_slice %arg6[%add3A_4] : memref<2048xf32, #tpu.memory_space<hbm>> -> memref<16xf32, #tpu.memory_space<hbm>>
      %dma_wait3A_683 = arith.constant 0 : i32
      %dma_wait3A_684 = tpu.memref_slice %arg10[%run_scoped3A_30, %dma_wait3A_683] : memref<2x16xf32, #tpu.memory_space<vmem>> -> memref<1x16xf32, #tpu.memory_space<vmem>>
      %dma_wait3A_685 = tpu.memref_squeeze %dma_wait3A_684 : memref<1x16xf32, #tpu.memory_space<vmem>> -> memref<16xf32, #tpu.memory_space<vmem>>
      %dma_wait3A_686 = tpu.memref_slice %arg6[%add3A_4] : memref<2048xf32, #tpu.memory_space<hbm>> -> memref<16xf32, #tpu.memory_space<hbm>>
      tpu.wait_dma2 semaphore(%run_scoped3A_670 : memref<!tpu.dma_semaphore, #tpu.memory_space<semaphore_mem>>) src(%dma_wait3A_686 : memref<16xf32, #tpu.memory_space<hbm>>) dst(%dma_wait3A_685 : memref<16xf32, #tpu.memory_space<vmem>>)
      tpu.yield
    }) : () -> ()
    %run_scoped3A_31 = arith.constant 0 : i32
    "tpu.region"() ({
      %run_scoped3A_670 = tpu.sem_alloc : memref<!tpu.dma_semaphore, #tpu.memory_space<semaphore_mem>>
      %dma_start3A_671 = arith.constant 0 : i32
      %dma_start3A_672 = tpu.memref_slice %arg11[%run_scoped3A_31, %dma_start3A_671] : memref<2x16xf32, #tpu.memory_space<vmem>> -> memref<1x16xf32, #tpu.memory_space<vmem>>
      %dma_start3A_673 = tpu.memref_squeeze %dma_start3A_672 : memref<1x16xf32, #tpu.memory_space<vmem>> -> memref<16xf32, #tpu.memory_space<vmem>>
      %dma_start3A_674 = tpu.memref_slice %arg7[%add3A_4] : memref<2048xf32, #tpu.memory_space<hbm>> -> memref<16xf32, #tpu.memory_space<hbm>>
      %dma_start3A_675 = arith.constant 0 : i32
      %dma_start3A_676 = tpu.memref_slice %arg11[%run_scoped3A_31, %dma_start3A_675] : memref<2x16xf32, #tpu.memory_space<vmem>> -> memref<1x16xf32, #tpu.memory_space<vmem>>
      %dma_start3A_677 = tpu.memref_squeeze %dma_start3A_676 : memref<1x16xf32, #tpu.memory_space<vmem>> -> memref<16xf32, #tpu.memory_space<vmem>>
      %dma_start3A_678 = tpu.memref_slice %arg7[%add3A_4] : memref<2048xf32, #tpu.memory_space<hbm>> -> memref<16xf32, #tpu.memory_space<hbm>>
      tpu.enqueue_dma source(%dma_start3A_678 : memref<16xf32, #tpu.memory_space<hbm>>) target(%dma_start3A_677 : memref<16xf32, #tpu.memory_space<vmem>>) target_semaphore(%run_scoped3A_670 : memref<!tpu.dma_semaphore, #tpu.memory_space<semaphore_mem>>)
      %dma_wait3A_679 = arith.constant 0 : i32
      %dma_wait3A_680 = tpu.memref_slice %arg11[%run_scoped3A_31, %dma_wait3A_679] : memref<2x16xf32, #tpu.memory_space<vmem>> -> memref<1x16xf32, #tpu.memory_space<vmem>>
      %dma_wait3A_681 = tpu.memref_squeeze %dma_wait3A_680 : memref<1x16xf32, #tpu.memory_space<vmem>> -> memref<16xf32, #tpu.memory_space<vmem>>
      %dma_wait3A_682 = tpu.memref_slice %arg7[%add3A_4] : memref<2048xf32, #tpu.memory_space<hbm>> -> memref<16xf32, #tpu.memory_space<hbm>>
      %dma_wait3A_683 = arith.constant 0 : i32
      %dma_wait3A_684 = tpu.memref_slice %arg11[%run_scoped3A_31, %dma_wait3A_683] : memref<2x16xf32, #tpu.memory_space<vmem>> -> memref<1x16xf32, #tpu.memory_space<vmem>>
      %dma_wait3A_685 = tpu.memref_squeeze %dma_wait3A_684 : memref<1x16xf32, #tpu.memory_space<vmem>> -> memref<16xf32, #tpu.memory_space<vmem>>
      %dma_wait3A_686 = tpu.memref_slice %arg7[%add3A_4] : memref<2048xf32, #tpu.memory_space<hbm>> -> memref<16xf32, #tpu.memory_space<hbm>>
      tpu.wait_dma2 semaphore(%run_scoped3A_670 : memref<!tpu.dma_semaphore, #tpu.memory_space<semaphore_mem>>) src(%dma_wait3A_686 : memref<16xf32, #tpu.memory_space<hbm>>) dst(%dma_wait3A_685 : memref<16xf32, #tpu.memory_space<vmem>>)
      tpu.yield
    }) : () -> ()
    %mul3A_32 = arith.constant 64 : i32
    %mul3A_33 = arith.muli %add3A, %mul3A_32 : i32
    %add3A_34 = arith.constant 16 : i32
    %add3A_35 = arith.addi %mul3A_33, %add3A_34 : i32
    %run_scoped3A_36 = arith.constant 1 : i32
    "tpu.region"() ({
      %run_scoped3A_670 = tpu.sem_alloc : memref<!tpu.dma_semaphore, #tpu.memory_space<semaphore_mem>>
      %dma_start3A_671 = arith.constant 0 : i32
      %dma_start3A_672 = tpu.memref_slice %arg9[%run_scoped3A_36, %dma_start3A_671] : memref<2x32xi32, #tpu.memory_space<vmem>> -> memref<1x16xi32, #tpu.memory_space<vmem>>
      %dma_start3A_673 = tpu.memref_squeeze %dma_start3A_672 : memref<1x16xi32, #tpu.memory_space<vmem>> -> memref<16xi32, #tpu.memory_space<vmem>>
      %dma_start3A_674 = tpu.memref_slice %arg4[%add3A_35] : memref<2048xi32, #tpu.memory_space<hbm>> -> memref<16xi32, #tpu.memory_space<hbm>>
      %dma_start3A_675 = arith.constant 0 : i32
      %dma_start3A_676 = tpu.memref_slice %arg9[%run_scoped3A_36, %dma_start3A_675] : memref<2x32xi32, #tpu.memory_space<vmem>> -> memref<1x16xi32, #tpu.memory_space<vmem>>
      %dma_start3A_677 = tpu.memref_squeeze %dma_start3A_676 : memref<1x16xi32, #tpu.memory_space<vmem>> -> memref<16xi32, #tpu.memory_space<vmem>>
      %dma_start3A_678 = tpu.memref_slice %arg4[%add3A_35] : memref<2048xi32, #tpu.memory_space<hbm>> -> memref<16xi32, #tpu.memory_space<hbm>>
      tpu.enqueue_dma source(%dma_start3A_678 : memref<16xi32, #tpu.memory_space<hbm>>) target(%dma_start3A_677 : memref<16xi32, #tpu.memory_space<vmem>>) target_semaphore(%run_scoped3A_670 : memref<!tpu.dma_semaphore, #tpu.memory_space<semaphore_mem>>)
      %dma_wait3A_679 = arith.constant 0 : i32
      %dma_wait3A_680 = tpu.memref_slice %arg9[%run_scoped3A_36, %dma_wait3A_679] : memref<2x32xi32, #tpu.memory_space<vmem>> -> memref<1x16xi32, #tpu.memory_space<vmem>>
      %dma_wait3A_681 = tpu.memref_squeeze %dma_wait3A_680 : memref<1x16xi32, #tpu.memory_space<vmem>> -> memref<16xi32, #tpu.memory_space<vmem>>
      %dma_wait3A_682 = tpu.memref_slice %arg4[%add3A_35] : memref<2048xi32, #tpu.memory_space<hbm>> -> memref<16xi32, #tpu.memory_space<hbm>>
      %dma_wait3A_683 = arith.constant 0 : i32
      %dma_wait3A_684 = tpu.memref_slice %arg9[%run_scoped3A_36, %dma_wait3A_683] : memref<2x32xi32, #tpu.memory_space<vmem>> -> memref<1x16xi32, #tpu.memory_space<vmem>>
      %dma_wait3A_685 = tpu.memref_squeeze %dma_wait3A_684 : memref<1x16xi32, #tpu.memory_space<vmem>> -> memref<16xi32, #tpu.memory_space<vmem>>
      %dma_wait3A_686 = tpu.memref_slice %arg4[%add3A_35] : memref<2048xi32, #tpu.memory_space<hbm>> -> memref<16xi32, #tpu.memory_space<hbm>>
      tpu.wait_dma2 semaphore(%run_scoped3A_670 : memref<!tpu.dma_semaphore, #tpu.memory_space<semaphore_mem>>) src(%dma_wait3A_686 : memref<16xi32, #tpu.memory_space<hbm>>) dst(%dma_wait3A_685 : memref<16xi32, #tpu.memory_space<vmem>>)
      tpu.yield
    }) : () -> ()
    %run_scoped3A_37 = arith.constant 1 : i32
    "tpu.region"() ({
      %run_scoped3A_670 = tpu.sem_alloc : memref<!tpu.dma_semaphore, #tpu.memory_space<semaphore_mem>>
      %dma_start3A_671 = arith.constant 16 : i32
      %dma_start3A_672 = tpu.memref_slice %arg9[%run_scoped3A_37, %dma_start3A_671] : memref<2x32xi32, #tpu.memory_space<vmem>> -> memref<1x16xi32, #tpu.memory_space<vmem>>
      %dma_start3A_673 = tpu.memref_squeeze %dma_start3A_672 : memref<1x16xi32, #tpu.memory_space<vmem>> -> memref<16xi32, #tpu.memory_space<vmem>>
      %dma_start3A_674 = tpu.memref_slice %arg5[%add3A_35] : memref<2048xi32, #tpu.memory_space<hbm>> -> memref<16xi32, #tpu.memory_space<hbm>>
      %dma_start3A_675 = arith.constant 16 : i32
      %dma_start3A_676 = tpu.memref_slice %arg9[%run_scoped3A_37, %dma_start3A_675] : memref<2x32xi32, #tpu.memory_space<vmem>> -> memref<1x16xi32, #tpu.memory_space<vmem>>
      %dma_start3A_677 = tpu.memref_squeeze %dma_start3A_676 : memref<1x16xi32, #tpu.memory_space<vmem>> -> memref<16xi32, #tpu.memory_space<vmem>>
      %dma_start3A_678 = tpu.memref_slice %arg5[%add3A_35] : memref<2048xi32, #tpu.memory_space<hbm>> -> memref<16xi32, #tpu.memory_space<hbm>>
      tpu.enqueue_dma source(%dma_start3A_678 : memref<16xi32, #tpu.memory_space<hbm>>) target(%dma_start3A_677 : memref<16xi32, #tpu.memory_space<vmem>>) target_semaphore(%run_scoped3A_670 : memref<!tpu.dma_semaphore, #tpu.memory_space<semaphore_mem>>)
      %dma_wait3A_679 = arith.constant 16 : i32
      %dma_wait3A_680 = tpu.memref_slice %arg9[%run_scoped3A_37, %dma_wait3A_679] : memref<2x32xi32, #tpu.memory_space<vmem>> -> memref<1x16xi32, #tpu.memory_space<vmem>>
      %dma_wait3A_681 = tpu.memref_squeeze %dma_wait3A_680 : memref<1x16xi32, #tpu.memory_space<vmem>> -> memref<16xi32, #tpu.memory_space<vmem>>
      %dma_wait3A_682 = tpu.memref_slice %arg5[%add3A_35] : memref<2048xi32, #tpu.memory_space<hbm>> -> memref<16xi32, #tpu.memory_space<hbm>>
      %dma_wait3A_683 = arith.constant 16 : i32
      %dma_wait3A_684 = tpu.memref_slice %arg9[%run_scoped3A_37, %dma_wait3A_683] : memref<2x32xi32, #tpu.memory_space<vmem>> -> memref<1x16xi32, #tpu.memory_space<vmem>>
      %dma_wait3A_685 = tpu.memref_squeeze %dma_wait3A_684 : memref<1x16xi32, #tpu.memory_space<vmem>> -> memref<16xi32, #tpu.memory_space<vmem>>
      %dma_wait3A_686 = tpu.memref_slice %arg5[%add3A_35] : memref<2048xi32, #tpu.memory_space<hbm>> -> memref<16xi32, #tpu.memory_space<hbm>>
      tpu.wait_dma2 semaphore(%run_scoped3A_670 : memref<!tpu.dma_semaphore, #tpu.memory_space<semaphore_mem>>) src(%dma_wait3A_686 : memref<16xi32, #tpu.memory_space<hbm>>) dst(%dma_wait3A_685 : memref<16xi32, #tpu.memory_space<vmem>>)
      tpu.yield
    }) : () -> ()
    %dma_start3A_38 = arith.constant 1 : i32
    %dma_start3A_39 = arith.constant 1 : i32
    %dma_start3A_40 = arith.constant 0 : i32
    %dma_start3A_41 = arith.constant 0 : i32
    %dma_start3A_42 = tpu.memref_slice %arg12[%dma_start3A_39, %dma_start3A_40, %dma_start3A_41] : memref<2x32x1024xf32, #tpu.memory_space<vmem>> -> memref<1x32x1024xf32, #tpu.memory_space<vmem>>
    %dma_start3A_43 = tpu.memref_squeeze %dma_start3A_42 : memref<1x32x1024xf32, #tpu.memory_space<vmem>> -> memref<32x1024xf32, #tpu.memory_space<vmem>>
    %dma_start3A_44 = arith.constant 0 : i32
    %dma_start3A_45 = tpu.memref_slice %arg9[%dma_start3A_38, %dma_start3A_44] : memref<2x32xi32, #tpu.memory_space<vmem>> -> memref<1x32xi32, #tpu.memory_space<vmem>>
    %dma_start3A_46 = tpu.memref_squeeze %dma_start3A_45 : memref<1x32xi32, #tpu.memory_space<vmem>> -> memref<32xi32, #tpu.memory_space<vmem>>
    %dma_start3A_47 = arith.constant 0 : i32
    %dma_start3A_48 = arith.constant 0 : i32
    %dma_start3A_49 = tpu.memref_slice %arg2[%dma_start3A_47, %dma_start3A_48] : memref<8192x1024xf32, #tpu.memory_space<hbm>> -> memref<8192x1024xf32, #tpu.memory_space<hbm>>
    tpu.enqueue_indirect_dma source(%dma_start3A_49 : memref<8192x1024xf32, #tpu.memory_space<hbm>>) target(%dma_start3A_43 : memref<32x1024xf32, #tpu.memory_space<vmem>>) offsets(%dma_start3A_46 : memref<32xi32, #tpu.memory_space<vmem>>) semaphore(%arg14 : memref<!tpu.dma_semaphore, #tpu.memory_space<semaphore_mem>>)
    %dma_start3A_50 = arith.constant 1 : i32
    %dma_start3A_51 = arith.constant 0 : i32
    %dma_start3A_52 = arith.constant 0 : i32
    %dma_start3A_53 = tpu.memref_slice %arg13[%dma_start3A_50, %dma_start3A_51, %dma_start3A_52] : memref<2x16x1024xf32, #tpu.memory_space<vmem>> -> memref<1x16x1024xf32, #tpu.memory_space<vmem>>
    %dma_start3A_54 = tpu.memref_squeeze %dma_start3A_53 : memref<1x16x1024xf32, #tpu.memory_space<vmem>> -> memref<16x1024xf32, #tpu.memory_space<vmem>>
    %dma_start3A_55 = arith.constant 0 : i32
    %dma_start3A_56 = tpu.memref_slice %arg3[%add3A_35, %dma_start3A_55] : memref<2048x1024xf32, #tpu.memory_space<hbm>> -> memref<16x1024xf32, #tpu.memory_space<hbm>>
    %dma_start3A_57 = arith.constant 0 : i32
    %dma_start3A_58 = arith.constant 0 : i32
    %dma_start3A_59 = tpu.memref_slice %arg13[%dma_start3A_50, %dma_start3A_57, %dma_start3A_58] : memref<2x16x1024xf32, #tpu.memory_space<vmem>> -> memref<1x16x1024xf32, #tpu.memory_space<vmem>>
    %dma_start3A_60 = tpu.memref_squeeze %dma_start3A_59 : memref<1x16x1024xf32, #tpu.memory_space<vmem>> -> memref<16x1024xf32, #tpu.memory_space<vmem>>
    %dma_start3A_61 = arith.constant 0 : i32
    %dma_start3A_62 = tpu.memref_slice %arg3[%add3A_35, %dma_start3A_61] : memref<2048x1024xf32, #tpu.memory_space<hbm>> -> memref<16x1024xf32, #tpu.memory_space<hbm>>
    tpu.enqueue_dma source(%dma_start3A_62 : memref<16x1024xf32, #tpu.memory_space<hbm>>) target(%dma_start3A_60 : memref<16x1024xf32, #tpu.memory_space<vmem>>) target_semaphore(%arg15 : memref<!tpu.dma_semaphore, #tpu.memory_space<semaphore_mem>>)
    %run_scoped3A_63 = arith.constant 1 : i32
    "tpu.region"() ({
      %run_scoped3A_670 = tpu.sem_alloc : memref<!tpu.dma_semaphore, #tpu.memory_space<semaphore_mem>>
      %dma_start3A_671 = arith.constant 0 : i32
      %dma_start3A_672 = tpu.memref_slice %arg10[%run_scoped3A_63, %dma_start3A_671] : memref<2x16xf32, #tpu.memory_space<vmem>> -> memref<1x16xf32, #tpu.memory_space<vmem>>
      %dma_start3A_673 = tpu.memref_squeeze %dma_start3A_672 : memref<1x16xf32, #tpu.memory_space<vmem>> -> memref<16xf32, #tpu.memory_space<vmem>>
      %dma_start3A_674 = tpu.memref_slice %arg6[%add3A_35] : memref<2048xf32, #tpu.memory_space<hbm>> -> memref<16xf32, #tpu.memory_space<hbm>>
      %dma_start3A_675 = arith.constant 0 : i32
      %dma_start3A_676 = tpu.memref_slice %arg10[%run_scoped3A_63, %dma_start3A_675] : memref<2x16xf32, #tpu.memory_space<vmem>> -> memref<1x16xf32, #tpu.memory_space<vmem>>
      %dma_start3A_677 = tpu.memref_squeeze %dma_start3A_676 : memref<1x16xf32, #tpu.memory_space<vmem>> -> memref<16xf32, #tpu.memory_space<vmem>>
      %dma_start3A_678 = tpu.memref_slice %arg6[%add3A_35] : memref<2048xf32, #tpu.memory_space<hbm>> -> memref<16xf32, #tpu.memory_space<hbm>>
      tpu.enqueue_dma source(%dma_start3A_678 : memref<16xf32, #tpu.memory_space<hbm>>) target(%dma_start3A_677 : memref<16xf32, #tpu.memory_space<vmem>>) target_semaphore(%run_scoped3A_670 : memref<!tpu.dma_semaphore, #tpu.memory_space<semaphore_mem>>)
      %dma_wait3A_679 = arith.constant 0 : i32
      %dma_wait3A_680 = tpu.memref_slice %arg10[%run_scoped3A_63, %dma_wait3A_679] : memref<2x16xf32, #tpu.memory_space<vmem>> -> memref<1x16xf32, #tpu.memory_space<vmem>>
      %dma_wait3A_681 = tpu.memref_squeeze %dma_wait3A_680 : memref<1x16xf32, #tpu.memory_space<vmem>> -> memref<16xf32, #tpu.memory_space<vmem>>
      %dma_wait3A_682 = tpu.memref_slice %arg6[%add3A_35] : memref<2048xf32, #tpu.memory_space<hbm>> -> memref<16xf32, #tpu.memory_space<hbm>>
      %dma_wait3A_683 = arith.constant 0 : i32
      %dma_wait3A_684 = tpu.memref_slice %arg10[%run_scoped3A_63, %dma_wait3A_683] : memref<2x16xf32, #tpu.memory_space<vmem>> -> memref<1x16xf32, #tpu.memory_space<vmem>>
      %dma_wait3A_685 = tpu.memref_squeeze %dma_wait3A_684 : memref<1x16xf32, #tpu.memory_space<vmem>> -> memref<16xf32, #tpu.memory_space<vmem>>
      %dma_wait3A_686 = tpu.memref_slice %arg6[%add3A_35] : memref<2048xf32, #tpu.memory_space<hbm>> -> memref<16xf32, #tpu.memory_space<hbm>>
      tpu.wait_dma2 semaphore(%run_scoped3A_670 : memref<!tpu.dma_semaphore, #tpu.memory_space<semaphore_mem>>) src(%dma_wait3A_686 : memref<16xf32, #tpu.memory_space<hbm>>) dst(%dma_wait3A_685 : memref<16xf32, #tpu.memory_space<vmem>>)
      tpu.yield
    }) : () -> ()
    %run_scoped3A_64 = arith.constant 1 : i32
    "tpu.region"() ({
      %run_scoped3A_670 = tpu.sem_alloc : memref<!tpu.dma_semaphore, #tpu.memory_space<semaphore_mem>>
      %dma_start3A_671 = arith.constant 0 : i32
      %dma_start3A_672 = tpu.memref_slice %arg11[%run_scoped3A_64, %dma_start3A_671] : memref<2x16xf32, #tpu.memory_space<vmem>> -> memref<1x16xf32, #tpu.memory_space<vmem>>
      %dma_start3A_673 = tpu.memref_squeeze %dma_start3A_672 : memref<1x16xf32, #tpu.memory_space<vmem>> -> memref<16xf32, #tpu.memory_space<vmem>>
      %dma_start3A_674 = tpu.memref_slice %arg7[%add3A_35] : memref<2048xf32, #tpu.memory_space<hbm>> -> memref<16xf32, #tpu.memory_space<hbm>>
      %dma_start3A_675 = arith.constant 0 : i32
      %dma_start3A_676 = tpu.memref_slice %arg11[%run_scoped3A_64, %dma_start3A_675] : memref<2x16xf32, #tpu.memory_space<vmem>> -> memref<1x16xf32, #tpu.memory_space<vmem>>
      %dma_start3A_677 = tpu.memref_squeeze %dma_start3A_676 : memref<1x16xf32, #tpu.memory_space<vmem>> -> memref<16xf32, #tpu.memory_space<vmem>>
      %dma_start3A_678 = tpu.memref_slice %arg7[%add3A_35] : memref<2048xf32, #tpu.memory_space<hbm>> -> memref<16xf32, #tpu.memory_space<hbm>>
      tpu.enqueue_dma source(%dma_start3A_678 : memref<16xf32, #tpu.memory_space<hbm>>) target(%dma_start3A_677 : memref<16xf32, #tpu.memory_space<vmem>>) target_semaphore(%run_scoped3A_670 : memref<!tpu.dma_semaphore, #tpu.memory_space<semaphore_mem>>)
      %dma_wait3A_679 = arith.constant 0 : i32
      %dma_wait3A_680 = tpu.memref_slice %arg11[%run_scoped3A_64, %dma_wait3A_679] : memref<2x16xf32, #tpu.memory_space<vmem>> -> memref<1x16xf32, #tpu.memory_space<vmem>>
      %dma_wait3A_681 = tpu.memref_squeeze %dma_wait3A_680 : memref<1x16xf32, #tpu.memory_space<vmem>> -> memref<16xf32, #tpu.memory_space<vmem>>
      %dma_wait3A_682 = tpu.memref_slice %arg7[%add3A_35] : memref<2048xf32, #tpu.memory_space<hbm>> -> memref<16xf32, #tpu.memory_space<hbm>>
      %dma_wait3A_683 = arith.constant 0 : i32
      %dma_wait3A_684 = tpu.memref_slice %arg11[%run_scoped3A_64, %dma_wait3A_683] : memref<2x16xf32, #tpu.memory_space<vmem>> -> memref<1x16xf32, #tpu.memory_space<vmem>>
      %dma_wait3A_685 = tpu.memref_squeeze %dma_wait3A_684 : memref<1x16xf32, #tpu.memory_space<vmem>> -> memref<16xf32, #tpu.memory_space<vmem>>
      %dma_wait3A_686 = tpu.memref_slice %arg7[%add3A_35] : memref<2048xf32, #tpu.memory_space<hbm>> -> memref<16xf32, #tpu.memory_space<hbm>>
      tpu.wait_dma2 semaphore(%run_scoped3A_670 : memref<!tpu.dma_semaphore, #tpu.memory_space<semaphore_mem>>) src(%dma_wait3A_686 : memref<16xf32, #tpu.memory_space<hbm>>) dst(%dma_wait3A_685 : memref<16xf32, #tpu.memory_space<vmem>>)
      tpu.yield
    }) : () -> ()
    %dma_wait3A = arith.constant 0 : i32
    %dma_wait3A_65 = arith.constant 0 : i32
    %dma_wait3A_66 = arith.constant 0 : i32
    %dma_wait3A_67 = arith.constant 0 : i32
    %dma_wait3A_68 = tpu.memref_slice %arg12[%dma_wait3A_65, %dma_wait3A_66, %dma_wait3A_67] : memref<2x32x1024xf32, #tpu.memory_space<vmem>> -> memref<1x32x1024xf32, #tpu.memory_space<vmem>>
    %dma_wait3A_69 = tpu.memref_squeeze %dma_wait3A_68 : memref<1x32x1024xf32, #tpu.memory_space<vmem>> -> memref<32x1024xf32, #tpu.memory_space<vmem>>
    %dma_wait3A_70 = arith.constant 0 : i32
    %dma_wait3A_71 = tpu.memref_slice %arg9[%dma_wait3A, %dma_wait3A_70] : memref<2x32xi32, #tpu.memory_space<vmem>> -> memref<1x32xi32, #tpu.memory_space<vmem>>
    %dma_wait3A_72 = tpu.memref_squeeze %dma_wait3A_71 : memref<1x32xi32, #tpu.memory_space<vmem>> -> memref<32xi32, #tpu.memory_space<vmem>>
    %dma_wait3A_73 = arith.constant 0 : i32
    %dma_wait3A_74 = arith.constant 0 : i32
    %dma_wait3A_75 = tpu.memref_slice %arg2[%dma_wait3A_73, %dma_wait3A_74] : memref<8192x1024xf32, #tpu.memory_space<hbm>> -> memref<8192x1024xf32, #tpu.memory_space<hbm>>
    tpu.wait_indirect_dma semaphore(%arg14 : memref<!tpu.dma_semaphore, #tpu.memory_space<semaphore_mem>>) src(%dma_wait3A_75 : memref<8192x1024xf32, #tpu.memory_space<hbm>>) dst(%dma_wait3A_69 : memref<32x1024xf32, #tpu.memory_space<vmem>>)
    %dma_wait3A_76 = arith.constant 0 : i32
    %dma_wait3A_77 = arith.constant 0 : i32
    %dma_wait3A_78 = arith.constant 0 : i32
    %dma_wait3A_79 = tpu.memref_slice %arg13[%dma_wait3A_76, %dma_wait3A_77, %dma_wait3A_78] : memref<2x16x1024xf32, #tpu.memory_space<vmem>> -> memref<1x16x1024xf32, #tpu.memory_space<vmem>>
    %dma_wait3A_80 = tpu.memref_squeeze %dma_wait3A_79 : memref<1x16x1024xf32, #tpu.memory_space<vmem>> -> memref<16x1024xf32, #tpu.memory_space<vmem>>
    %dma_wait3A_81 = arith.constant 0 : i32
    %dma_wait3A_82 = tpu.memref_slice %arg3[%add3A_4, %dma_wait3A_81] : memref<2048x1024xf32, #tpu.memory_space<hbm>> -> memref<16x1024xf32, #tpu.memory_space<hbm>>
    %dma_wait3A_83 = arith.constant 0 : i32
    %dma_wait3A_84 = arith.constant 0 : i32
    %dma_wait3A_85 = tpu.memref_slice %arg13[%dma_wait3A_76, %dma_wait3A_83, %dma_wait3A_84] : memref<2x16x1024xf32, #tpu.memory_space<vmem>> -> memref<1x16x1024xf32, #tpu.memory_space<vmem>>
    %dma_wait3A_86 = tpu.memref_squeeze %dma_wait3A_85 : memref<1x16x1024xf32, #tpu.memory_space<vmem>> -> memref<16x1024xf32, #tpu.memory_space<vmem>>
    %dma_wait3A_87 = arith.constant 0 : i32
    %dma_wait3A_88 = tpu.memref_slice %arg3[%add3A_4, %dma_wait3A_87] : memref<2048x1024xf32, #tpu.memory_space<hbm>> -> memref<16x1024xf32, #tpu.memory_space<hbm>>
    tpu.wait_dma2 semaphore(%arg15 : memref<!tpu.dma_semaphore, #tpu.memory_space<semaphore_mem>>) src(%dma_wait3A_88 : memref<16x1024xf32, #tpu.memory_space<hbm>>) dst(%dma_wait3A_86 : memref<16x1024xf32, #tpu.memory_space<vmem>>)
    %get3A = arith.constant 0 : i32
    %get3A_89 = arith.index_cast %get3A : i32 to index
    %get3A_90 = arith.constant 0 : index
    %get3A_91 = tpu.vector_load %arg10[%get3A_89, %get3A_90] {strides = array<i32>} : memref<2x16xf32, #tpu.memory_space<vmem>>, vector<1x16xf32>,
    %get3A_92 = vector.shape_cast %get3A_91 : vector<1x16xf32> to vector<16xf32>
    %get3A_93 = arith.constant 0 : i32
    %get3A_94 = arith.index_cast %get3A_93 : i32 to index
    %get3A_95 = arith.constant 0 : index
    %get3A_96 = tpu.vector_load %arg11[%get3A_94, %get3A_95] {strides = array<i32>} : memref<2x16xf32, #tpu.memory_space<vmem>>, vector<1x16xf32>,
    %get3A_97 = vector.shape_cast %get3A_96 : vector<1x16xf32> to vector<16xf32>
    %slice3A = vector.extract_strided_slice %get3A_92 {offsets = [0], sizes = [1], strides = [1]} : vector<16xf32> to vector<1xf32>
    %squeeze3A = vector.extract %slice3A[0] : f32 from vector<1xf32>
    %slice3A_98 = vector.extract_strided_slice %get3A_92 {offsets = [1], sizes = [1], strides = [1]} : vector<16xf32> to vector<1xf32>
    %squeeze3A_99 = vector.extract %slice3A_98[0] : f32 from vector<1xf32>
    %slice3A_100 = vector.extract_strided_slice %get3A_92 {offsets = [2], sizes = [1], strides = [1]} : vector<16xf32> to vector<1xf32>
    %squeeze3A_101 = vector.extract %slice3A_100[0] : f32 from vector<1xf32>
    %slice3A_102 = vector.extract_strided_slice %get3A_92 {offsets = [3], sizes = [1], strides = [1]} : vector<16xf32> to vector<1xf32>
    %squeeze3A_103 = vector.extract %slice3A_102[0] : f32 from vector<1xf32>
    %slice3A_104 = vector.extract_strided_slice %get3A_92 {offsets = [4], sizes = [1], strides = [1]} : vector<16xf32> to vector<1xf32>
    %squeeze3A_105 = vector.extract %slice3A_104[0] : f32 from vector<1xf32>
    %slice3A_106 = vector.extract_strided_slice %get3A_92 {offsets = [5], sizes = [1], strides = [1]} : vector<16xf32> to vector<1xf32>
    %squeeze3A_107 = vector.extract %slice3A_106[0] : f32 from vector<1xf32>
    %slice3A_108 = vector.extract_strided_slice %get3A_92 {offsets = [6], sizes = [1], strides = [1]} : vector<16xf32> to vector<1xf32>
    %squeeze3A_109 = vector.extract %slice3A_108[0] : f32 from vector<1xf32>
    %slice3A_110 = vector.extract_strided_slice %get3A_92 {offsets = [7], sizes = [1], strides = [1]} : vector<16xf32> to vector<1xf32>
    %squeeze3A_111 = vector.extract %slice3A_110[0] : f32 from vector<1xf32>
    %slice3A_112 = vector.extract_strided_slice %get3A_92 {offsets = [8], sizes = [1], strides = [1]} : vector<16xf32> to vector<1xf32>
    %squeeze3A_113 = vector.extract %slice3A_112[0] : f32 from vector<1xf32>
    %slice3A_114 = vector.extract_strided_slice %get3A_92 {offsets = [9], sizes = [1], strides = [1]} : vector<16xf32> to vector<1xf32>
    %squeeze3A_115 = vector.extract %slice3A_114[0] : f32 from vector<1xf32>
    %slice3A_116 = vector.extract_strided_slice %get3A_92 {offsets = [10], sizes = [1], strides = [1]} : vector<16xf32> to vector<1xf32>
    %squeeze3A_117 = vector.extract %slice3A_116[0] : f32 from vector<1xf32>
    %slice3A_118 = vector.extract_strided_slice %get3A_92 {offsets = [11], sizes = [1], strides = [1]} : vector<16xf32> to vector<1xf32>
    %squeeze3A_119 = vector.extract %slice3A_118[0] : f32 from vector<1xf32>
    %slice3A_120 = vector.extract_strided_slice %get3A_92 {offsets = [12], sizes = [1], strides = [1]} : vector<16xf32> to vector<1xf32>
    %squeeze3A_121 = vector.extract %slice3A_120[0] : f32 from vector<1xf32>
    %slice3A_122 = vector.extract_strided_slice %get3A_92 {offsets = [13], sizes = [1], strides = [1]} : vector<16xf32> to vector<1xf32>
    %squeeze3A_123 = vector.extract %slice3A_122[0] : f32 from vector<1xf32>
    %slice3A_124 = vector.extract_strided_slice %get3A_92 {offsets = [14], sizes = [1], strides = [1]} : vector<16xf32> to vector<1xf32>
    %squeeze3A_125 = vector.extract %slice3A_124[0] : f32 from vector<1xf32>
    %slice3A_126 = vector.extract_strided_slice %get3A_92 {offsets = [15], sizes = [1], strides = [1]} : vector<16xf32> to vector<1xf32>
    %squeeze3A_127 = vector.extract %slice3A_126[0] : f32 from vector<1xf32>
    %slice3A_128 = vector.extract_strided_slice %get3A_97 {offsets = [0], sizes = [1], strides = [1]} : vector<16xf32> to vector<1xf32>
    %squeeze3A_129 = vector.extract %slice3A_128[0] : f32 from vector<1xf32>
    %slice3A_130 = vector.extract_strided_slice %get3A_97 {offsets = [1], sizes = [1], strides = [1]} : vector<16xf32> to vector<1xf32>
    %squeeze3A_131 = vector.extract %slice3A_130[0] : f32 from vector<1xf32>
    %slice3A_132 = vector.extract_strided_slice %get3A_97 {offsets = [2], sizes = [1], strides = [1]} : vector<16xf32> to vector<1xf32>
    %squeeze3A_133 = vector.extract %slice3A_132[0] : f32 from vector<1xf32>
    %slice3A_134 = vector.extract_strided_slice %get3A_97 {offsets = [3], sizes = [1], strides = [1]} : vector<16xf32> to vector<1xf32>
    %squeeze3A_135 = vector.extract %slice3A_134[0] : f32 from vector<1xf32>
    %slice3A_136 = vector.extract_strided_slice %get3A_97 {offsets = [4], sizes = [1], strides = [1]} : vector<16xf32> to vector<1xf32>
    %squeeze3A_137 = vector.extract %slice3A_136[0] : f32 from vector<1xf32>
    %slice3A_138 = vector.extract_strided_slice %get3A_97 {offsets = [5], sizes = [1], strides = [1]} : vector<16xf32> to vector<1xf32>
    %squeeze3A_139 = vector.extract %slice3A_138[0] : f32 from vector<1xf32>
    %slice3A_140 = vector.extract_strided_slice %get3A_97 {offsets = [6], sizes = [1], strides = [1]} : vector<16xf32> to vector<1xf32>
    %squeeze3A_141 = vector.extract %slice3A_140[0] : f32 from vector<1xf32>
    %slice3A_142 = vector.extract_strided_slice %get3A_97 {offsets = [7], sizes = [1], strides = [1]} : vector<16xf32> to vector<1xf32>
    %squeeze3A_143 = vector.extract %slice3A_142[0] : f32 from vector<1xf32>
    %slice3A_144 = vector.extract_strided_slice %get3A_97 {offsets = [8], sizes = [1], strides = [1]} : vector<16xf32> to vector<1xf32>
    %squeeze3A_145 = vector.extract %slice3A_144[0] : f32 from vector<1xf32>
    %slice3A_146 = vector.extract_strided_slice %get3A_97 {offsets = [9], sizes = [1], strides = [1]} : vector<16xf32> to vector<1xf32>
    %squeeze3A_147 = vector.extract %slice3A_146[0] : f32 from vector<1xf32>
    %slice3A_148 = vector.extract_strided_slice %get3A_97 {offsets = [10], sizes = [1], strides = [1]} : vector<16xf32> to vector<1xf32>
    %squeeze3A_149 = vector.extract %slice3A_148[0] : f32 from vector<1xf32>
    %slice3A_150 = vector.extract_strided_slice %get3A_97 {offsets = [11], sizes = [1], strides = [1]} : vector<16xf32> to vector<1xf32>
    %squeeze3A_151 = vector.extract %slice3A_150[0] : f32 from vector<1xf32>
    %slice3A_152 = vector.extract_strided_slice %get3A_97 {offsets = [12], sizes = [1], strides = [1]} : vector<16xf32> to vector<1xf32>
    %squeeze3A_153 = vector.extract %slice3A_152[0] : f32 from vector<1xf32>
    %slice3A_154 = vector.extract_strided_slice %get3A_97 {offsets = [13], sizes = [1], strides = [1]} : vector<16xf32> to vector<1xf32>
    %squeeze3A_155 = vector.extract %slice3A_154[0] : f32 from vector<1xf32>
    %slice3A_156 = vector.extract_strided_slice %get3A_97 {offsets = [14], sizes = [1], strides = [1]} : vector<16xf32> to vector<1xf32>
    %squeeze3A_157 = vector.extract %slice3A_156[0] : f32 from vector<1xf32>
    %slice3A_158 = vector.extract_strided_slice %get3A_97 {offsets = [15], sizes = [1], strides = [1]} : vector<16xf32> to vector<1xf32>
    %squeeze3A_159 = vector.extract %slice3A_158[0] : f32 from vector<1xf32>
    %scan3A = arith.constant 0 : i32
    %scan3A_160 = arith.constant 0 : i32
    %scan3A_161 = arith.constant 64 : i32
    %scan3A_162 = arith.addi %scan3A_160, %scan3A_161 : i32
    %scan3A_163 = arith.constant 1 : i32
    %scan3A_164 = scf.for %scan3A_670 = %scan3A_160 to %scan3A_162 step %scan3A_163 iter_args(%scan3A_671 = %scan3A) -> (i32)  : i32 {
      %mul3A_672 = arith.constant 16 : i32
      %mul3A_673 = arith.muli %scan3A_670, %mul3A_672 : i32
      %get3A_674 = arith.constant 0 : i32
      %get3A_675 = arith.constant 0 : i32
      %get3A_676 = arith.index_cast %get3A_674 : i32 to index
      %get3A_677 = arith.index_cast %get3A_675 : i32 to index
      %get3A_678 = arith.index_cast %mul3A_673 : i32 to index
      %get3A_679 = tpu.vector_load %arg13[%get3A_676, %get3A_677, %get3A_678] {strides = array<i32>} : memref<2x16x1024xf32, #tpu.memory_space<vmem>>, vector<1x1x16xf32>,
      %get3A_680 = vector.shape_cast %get3A_679 : vector<1x1x16xf32> to vector<16xf32>
      %get3A_681 = arith.constant 0 : i32
      %get3A_682 = arith.constant 0 : i32
      %get3A_683 = arith.index_cast %get3A_681 : i32 to index
      %get3A_684 = arith.index_cast %get3A_682 : i32 to index
      %get3A_685 = arith.index_cast %mul3A_673 : i32 to index
      %get3A_686 = tpu.vector_load %arg12[%get3A_683, %get3A_684, %get3A_685] {strides = array<i32>} : memref<2x32x1024xf32, #tpu.memory_space<vmem>>, vector<1x1x16xf32>,
      %get3A_687 = vector.shape_cast %get3A_686 : vector<1x1x16xf32> to vector<16xf32>
      %mul3A_688 = vector.broadcast %squeeze3A : f32 to vector<16xf32>
      %mul3A_689 = arith.mulf %mul3A_688, %get3A_687 : vector<16xf32>
      %add3A_690 = arith.addf %get3A_680, %mul3A_689 : vector<16xf32>
      %get3A_691 = arith.constant 0 : i32
      %get3A_692 = arith.constant 16 : i32
      %get3A_693 = arith.index_cast %get3A_691 : i32 to index
      %get3A_694 = arith.index_cast %get3A_692 : i32 to index
      %get3A_695 = arith.index_cast %mul3A_673 : i32 to index
      %get3A_696 = tpu.vector_load %arg12[%get3A_693, %get3A_694, %get3A_695] {strides = array<i32>} : memref<2x32x1024xf32, #tpu.memory_space<vmem>>, vector<1x1x16xf32>,
      %get3A_697 = vector.shape_cast %get3A_696 : vector<1x1x16xf32> to vector<16xf32>
      %mul3A_698 = vector.broadcast %squeeze3A_129 : f32 to vector<16xf32>
      %mul3A_699 = arith.mulf %mul3A_698, %get3A_697 : vector<16xf32>
      %add3A_700 = arith.addf %add3A_690, %mul3A_699 : vector<16xf32>
      %swap3A = arith.constant 0 : i32
      %swap3A_701 = arith.constant 0 : i32
      %swap3A_702 = arith.index_cast %swap3A : i32 to index
      %swap3A_703 = arith.index_cast %swap3A_701 : i32 to index
      %swap3A_704 = arith.index_cast %mul3A_673 : i32 to index
      %swap3A_705 = tpu.vector_load %arg13[%swap3A_702, %swap3A_703, %swap3A_704] {strides = array<i32>} : memref<2x16x1024xf32, #tpu.memory_space<vmem>>, vector<1x1x16xf32>,
      %swap3A_706 = vector.shape_cast %swap3A_705 : vector<1x1x16xf32> to vector<16xf32>
      %swap3A_707 = vector.shape_cast %add3A_700 : vector<16xf32> to vector<1x1x16xf32>
      tpu.vector_store %arg13[%swap3A_702, %swap3A_703, %swap3A_704], %swap3A_707 {strides = array<i32>} : memref<2x16x1024xf32, #tpu.memory_space<vmem>>, vector<1x1x16xf32>,
      %get3A_708 = arith.constant 0 : i32
      %get3A_709 = arith.constant 1 : i32
      %get3A_710 = arith.index_cast %get3A_708 : i32 to index
      %get3A_711 = arith.index_cast %get3A_709 : i32 to index
      %get3A_712 = arith.index_cast %mul3A_673 : i32 to index
      %get3A_713 = tpu.vector_load %arg13[%get3A_710, %get3A_711, %get3A_712] {strides = array<i32>} : memref<2x16x1024xf32, #tpu.memory_space<vmem>>, vector<1x1x16xf32>,
      %get3A_714 = vector.shape_cast %get3A_713 : vector<1x1x16xf32> to vector<16xf32>
      %get3A_715 = arith.constant 0 : i32
      %get3A_716 = arith.constant 1 : i32
      %get3A_717 = arith.index_cast %get3A_715 : i32 to index
      %get3A_718 = arith.index_cast %get3A_716 : i32 to index
      %get3A_719 = arith.index_cast %mul3A_673 : i32 to index
      %get3A_720 = tpu.vector_load %arg12[%get3A_717, %get3A_718, %get3A_719] {strides = array<i32>} : memref<2x32x1024xf32, #tpu.memory_space<vmem>>, vector<1x1x16xf32>,
      %get3A_721 = vector.shape_cast %get3A_720 : vector<1x1x16xf32> to vector<16xf32>
      %mul3A_722 = vector.broadcast %squeeze3A_99 : f32 to vector<16xf32>
      %mul3A_723 = arith.mulf %mul3A_722, %get3A_721 : vector<16xf32>
      %add3A_724 = arith.addf %get3A_714, %mul3A_723 : vector<16xf32>
      %get3A_725 = arith.constant 0 : i32
      %get3A_726 = arith.constant 17 : i32
      %get3A_727 = arith.index_cast %get3A_725 : i32 to index
      %get3A_728 = arith.index_cast %get3A_726 : i32 to index
      %get3A_729 = arith.index_cast %mul3A_673 : i32 to index
      %get3A_730 = tpu.vector_load %arg12[%get3A_727, %get3A_728, %get3A_729] {strides = array<i32>} : memref<2x32x1024xf32, #tpu.memory_space<vmem>>, vector<1x1x16xf32>,
      %get3A_731 = vector.shape_cast %get3A_730 : vector<1x1x16xf32> to vector<16xf32>
      %mul3A_732 = vector.broadcast %squeeze3A_131 : f32 to vector<16xf32>
      %mul3A_733 = arith.mulf %mul3A_732, %get3A_731 : vector<16xf32>
      %add3A_734 = arith.addf %add3A_724, %mul3A_733 : vector<16xf32>
      %swap3A_735 = arith.constant 0 : i32
      %swap3A_736 = arith.constant 1 : i32
      %swap3A_737 = arith.index_cast %swap3A_735 : i32 to index
      %swap3A_738 = arith.index_cast %swap3A_736 : i32 to index
      %swap3A_739 = arith.index_cast %mul3A_673 : i32 to index
      %swap3A_740 = tpu.vector_load %arg13[%swap3A_737, %swap3A_738, %swap3A_739] {strides = array<i32>} : memref<2x16x1024xf32, #tpu.memory_space<vmem>>, vector<1x1x16xf32>,
      %swap3A_741 = vector.shape_cast %swap3A_740 : vector<1x1x16xf32> to vector<16xf32>
      %swap3A_742 = vector.shape_cast %add3A_734 : vector<16xf32> to vector<1x1x16xf32>
      tpu.vector_store %arg13[%swap3A_737, %swap3A_738, %swap3A_739], %swap3A_742 {strides = array<i32>} : memref<2x16x1024xf32, #tpu.memory_space<vmem>>, vector<1x1x16xf32>,
      %get3A_743 = arith.constant 0 : i32
      %get3A_744 = arith.constant 2 : i32
      %get3A_745 = arith.index_cast %get3A_743 : i32 to index
      %get3A_746 = arith.index_cast %get3A_744 : i32 to index
      %get3A_747 = arith.index_cast %mul3A_673 : i32 to index
      %get3A_748 = tpu.vector_load %arg13[%get3A_745, %get3A_746, %get3A_747] {strides = array<i32>} : memref<2x16x1024xf32, #tpu.memory_space<vmem>>, vector<1x1x16xf32>,
      %get3A_749 = vector.shape_cast %get3A_748 : vector<1x1x16xf32> to vector<16xf32>
      %get3A_750 = arith.constant 0 : i32
      %get3A_751 = arith.constant 2 : i32
      %get3A_752 = arith.index_cast %get3A_750 : i32 to index
      %get3A_753 = arith.index_cast %get3A_751 : i32 to index
      %get3A_754 = arith.index_cast %mul3A_673 : i32 to index
      %get3A_755 = tpu.vector_load %arg12[%get3A_752, %get3A_753, %get3A_754] {strides = array<i32>} : memref<2x32x1024xf32, #tpu.memory_space<vmem>>, vector<1x1x16xf32>,
      %get3A_756 = vector.shape_cast %get3A_755 : vector<1x1x16xf32> to vector<16xf32>
      %mul3A_757 = vector.broadcast %squeeze3A_101 : f32 to vector<16xf32>
      %mul3A_758 = arith.mulf %mul3A_757, %get3A_756 : vector<16xf32>
      %add3A_759 = arith.addf %get3A_749, %mul3A_758 : vector<16xf32>
      %get3A_760 = arith.constant 0 : i32
      %get3A_761 = arith.constant 18 : i32
      %get3A_762 = arith.index_cast %get3A_760 : i32 to index
      %get3A_763 = arith.index_cast %get3A_761 : i32 to index
      %get3A_764 = arith.index_cast %mul3A_673 : i32 to index
      %get3A_765 = tpu.vector_load %arg12[%get3A_762, %get3A_763, %get3A_764] {strides = array<i32>} : memref<2x32x1024xf32, #tpu.memory_space<vmem>>, vector<1x1x16xf32>,
      %get3A_766 = vector.shape_cast %get3A_765 : vector<1x1x16xf32> to vector<16xf32>
      %mul3A_767 = vector.broadcast %squeeze3A_133 : f32 to vector<16xf32>
      %mul3A_768 = arith.mulf %mul3A_767, %get3A_766 : vector<16xf32>
      %add3A_769 = arith.addf %add3A_759, %mul3A_768 : vector<16xf32>
      %swap3A_770 = arith.constant 0 : i32
      %swap3A_771 = arith.constant 2 : i32
      %swap3A_772 = arith.index_cast %swap3A_770 : i32 to index
      %swap3A_773 = arith.index_cast %swap3A_771 : i32 to index
      %swap3A_774 = arith.index_cast %mul3A_673 : i32 to index
      %swap3A_775 = tpu.vector_load %arg13[%swap3A_772, %swap3A_773, %swap3A_774] {strides = array<i32>} : memref<2x16x1024xf32, #tpu.memory_space<vmem>>, vector<1x1x16xf32>,
      %swap3A_776 = vector.shape_cast %swap3A_775 : vector<1x1x16xf32> to vector<16xf32>
      %swap3A_777 = vector.shape_cast %add3A_769 : vector<16xf32> to vector<1x1x16xf32>
      tpu.vector_store %arg13[%swap3A_772, %swap3A_773, %swap3A_774], %swap3A_777 {strides = array<i32>} : memref<2x16x1024xf32, #tpu.memory_space<vmem>>, vector<1x1x16xf32>,
      %get3A_778 = arith.constant 0 : i32
      %get3A_779 = arith.constant 3 : i32
      %get3A_780 = arith.index_cast %get3A_778 : i32 to index
      %get3A_781 = arith.index_cast %get3A_779 : i32 to index
      %get3A_782 = arith.index_cast %mul3A_673 : i32 to index
      %get3A_783 = tpu.vector_load %arg13[%get3A_780, %get3A_781, %get3A_782] {strides = array<i32>} : memref<2x16x1024xf32, #tpu.memory_space<vmem>>, vector<1x1x16xf32>,
      %get3A_784 = vector.shape_cast %get3A_783 : vector<1x1x16xf32> to vector<16xf32>
      %get3A_785 = arith.constant 0 : i32
      %get3A_786 = arith.constant 3 : i32
      %get3A_787 = arith.index_cast %get3A_785 : i32 to index
      %get3A_788 = arith.index_cast %get3A_786 : i32 to index
      %get3A_789 = arith.index_cast %mul3A_673 : i32 to index
      %get3A_790 = tpu.vector_load %arg12[%get3A_787, %get3A_788, %get3A_789] {strides = array<i32>} : memref<2x32x1024xf32, #tpu.memory_space<vmem>>, vector<1x1x16xf32>,
      %get3A_791 = vector.shape_cast %get3A_790 : vector<1x1x16xf32> to vector<16xf32>
      %mul3A_792 = vector.broadcast %squeeze3A_103 : f32 to vector<16xf32>
      %mul3A_793 = arith.mulf %mul3A_792, %get3A_791 : vector<16xf32>
      %add3A_794 = arith.addf %get3A_784, %mul3A_793 : vector<16xf32>
      %get3A_795 = arith.constant 0 : i32
      %get3A_796 = arith.constant 19 : i32
      %get3A_797 = arith.index_cast %get3A_795 : i32 to index
      %get3A_798 = arith.index_cast %get3A_796 : i32 to index
      %get3A_799 = arith.index_cast %mul3A_673 : i32 to index
      %get3A_800 = tpu.vector_load %arg12[%get3A_797, %get3A_798, %get3A_799] {strides = array<i32>} : memref<2x32x1024xf32, #tpu.memory_space<vmem>>, vector<1x1x16xf32>,
      %get3A_801 = vector.shape_cast %get3A_800 : vector<1x1x16xf32> to vector<16xf32>
      %mul3A_802 = vector.broadcast %squeeze3A_135 : f32 to vector<16xf32>
      %mul3A_803 = arith.mulf %mul3A_802, %get3A_801 : vector<16xf32>
      %add3A_804 = arith.addf %add3A_794, %mul3A_803 : vector<16xf32>
      %swap3A_805 = arith.constant 0 : i32
      %swap3A_806 = arith.constant 3 : i32
      %swap3A_807 = arith.index_cast %swap3A_805 : i32 to index
      %swap3A_808 = arith.index_cast %swap3A_806 : i32 to index
      %swap3A_809 = arith.index_cast %mul3A_673 : i32 to index
      %swap3A_810 = tpu.vector_load %arg13[%swap3A_807, %swap3A_808, %swap3A_809] {strides = array<i32>} : memref<2x16x1024xf32, #tpu.memory_space<vmem>>, vector<1x1x16xf32>,
      %swap3A_811 = vector.shape_cast %swap3A_810 : vector<1x1x16xf32> to vector<16xf32>
      %swap3A_812 = vector.shape_cast %add3A_804 : vector<16xf32> to vector<1x1x16xf32>
      tpu.vector_store %arg13[%swap3A_807, %swap3A_808, %swap3A_809], %swap3A_812 {strides = array<i32>} : memref<2x16x1024xf32, #tpu.memory_space<vmem>>, vector<1x1x16xf32>,
      %get3A_813 = arith.constant 0 : i32
      %get3A_814 = arith.constant 4 : i32
      %get3A_815 = arith.index_cast %get3A_813 : i32 to index
      %get3A_816 = arith.index_cast %get3A_814 : i32 to index
      %get3A_817 = arith.index_cast %mul3A_673 : i32 to index
      %get3A_818 = tpu.vector_load %arg13[%get3A_815, %get3A_816, %get3A_817] {strides = array<i32>} : memref<2x16x1024xf32, #tpu.memory_space<vmem>>, vector<1x1x16xf32>,
      %get3A_819 = vector.shape_cast %get3A_818 : vector<1x1x16xf32> to vector<16xf32>
      %get3A_820 = arith.constant 0 : i32
      %get3A_821 = arith.constant 4 : i32
      %get3A_822 = arith.index_cast %get3A_820 : i32 to index
      %get3A_823 = arith.index_cast %get3A_821 : i32 to index
      %get3A_824 = arith.index_cast %mul3A_673 : i32 to index
      %get3A_825 = tpu.vector_load %arg12[%get3A_822, %get3A_823, %get3A_824] {strides = array<i32>} : memref<2x32x1024xf32, #tpu.memory_space<vmem>>, vector<1x1x16xf32>,
      %get3A_826 = vector.shape_cast %get3A_825 : vector<1x1x16xf32> to vector<16xf32>
      %mul3A_827 = vector.broadcast %squeeze3A_105 : f32 to vector<16xf32>
      %mul3A_828 = arith.mulf %mul3A_827, %get3A_826 : vector<16xf32>
      %add3A_829 = arith.addf %get3A_819, %mul3A_828 : vector<16xf32>
      %get3A_830 = arith.constant 0 : i32
      %get3A_831 = arith.constant 20 : i32
      %get3A_832 = arith.index_cast %get3A_830 : i32 to index
      %get3A_833 = arith.index_cast %get3A_831 : i32 to index
      %get3A_834 = arith.index_cast %mul3A_673 : i32 to index
      %get3A_835 = tpu.vector_load %arg12[%get3A_832, %get3A_833, %get3A_834] {strides = array<i32>} : memref<2x32x1024xf32, #tpu.memory_space<vmem>>, vector<1x1x16xf32>,
      %get3A_836 = vector.shape_cast %get3A_835 : vector<1x1x16xf32> to vector<16xf32>
      %mul3A_837 = vector.broadcast %squeeze3A_137 : f32 to vector<16xf32>
      %mul3A_838 = arith.mulf %mul3A_837, %get3A_836 : vector<16xf32>
      %add3A_839 = arith.addf %add3A_829, %mul3A_838 : vector<16xf32>
      %swap3A_840 = arith.constant 0 : i32
      %swap3A_841 = arith.constant 4 : i32
      %swap3A_842 = arith.index_cast %swap3A_840 : i32 to index
      %swap3A_843 = arith.index_cast %swap3A_841 : i32 to index
      %swap3A_844 = arith.index_cast %mul3A_673 : i32 to index
      %swap3A_845 = tpu.vector_load %arg13[%swap3A_842, %swap3A_843, %swap3A_844] {strides = array<i32>} : memref<2x16x1024xf32, #tpu.memory_space<vmem>>, vector<1x1x16xf32>,
      %swap3A_846 = vector.shape_cast %swap3A_845 : vector<1x1x16xf32> to vector<16xf32>
      %swap3A_847 = vector.shape_cast %add3A_839 : vector<16xf32> to vector<1x1x16xf32>
      tpu.vector_store %arg13[%swap3A_842, %swap3A_843, %swap3A_844], %swap3A_847 {strides = array<i32>} : memref<2x16x1024xf32, #tpu.memory_space<vmem>>, vector<1x1x16xf32>,
      %get3A_848 = arith.constant 0 : i32
      %get3A_849 = arith.constant 5 : i32
      %get3A_850 = arith.index_cast %get3A_848 : i32 to index
      %get3A_851 = arith.index_cast %get3A_849 : i32 to index
      %get3A_852 = arith.index_cast %mul3A_673 : i32 to index
      %get3A_853 = tpu.vector_load %arg13[%get3A_850, %get3A_851, %get3A_852] {strides = array<i32>} : memref<2x16x1024xf32, #tpu.memory_space<vmem>>, vector<1x1x16xf32>,
      %get3A_854 = vector.shape_cast %get3A_853 : vector<1x1x16xf32> to vector<16xf32>
      %get3A_855 = arith.constant 0 : i32
      %get3A_856 = arith.constant 5 : i32
      %get3A_857 = arith.index_cast %get3A_855 : i32 to index
      %get3A_858 = arith.index_cast %get3A_856 : i32 to index
      %get3A_859 = arith.index_cast %mul3A_673 : i32 to index
      %get3A_860 = tpu.vector_load %arg12[%get3A_857, %get3A_858, %get3A_859] {strides = array<i32>} : memref<2x32x1024xf32, #tpu.memory_space<vmem>>, vector<1x1x16xf32>,
      %get3A_861 = vector.shape_cast %get3A_860 : vector<1x1x16xf32> to vector<16xf32>
      %mul3A_862 = vector.broadcast %squeeze3A_107 : f32 to vector<16xf32>
      %mul3A_863 = arith.mulf %mul3A_862, %get3A_861 : vector<16xf32>
      %add3A_864 = arith.addf %get3A_854, %mul3A_863 : vector<16xf32>
      %get3A_865 = arith.constant 0 : i32
      %get3A_866 = arith.constant 21 : i32
      %get3A_867 = arith.index_cast %get3A_865 : i32 to index
      %get3A_868 = arith.index_cast %get3A_866 : i32 to index
      %get3A_869 = arith.index_cast %mul3A_673 : i32 to index
      %get3A_870 = tpu.vector_load %arg12[%get3A_867, %get3A_868, %get3A_869] {strides = array<i32>} : memref<2x32x1024xf32, #tpu.memory_space<vmem>>, vector<1x1x16xf32>,
      %get3A_871 = vector.shape_cast %get3A_870 : vector<1x1x16xf32> to vector<16xf32>
      %mul3A_872 = vector.broadcast %squeeze3A_139 : f32 to vector<16xf32>
      %mul3A_873 = arith.mulf %mul3A_872, %get3A_871 : vector<16xf32>
      %add3A_874 = arith.addf %add3A_864, %mul3A_873 : vector<16xf32>
      %swap3A_875 = arith.constant 0 : i32
      %swap3A_876 = arith.constant 5 : i32
      %swap3A_877 = arith.index_cast %swap3A_875 : i32 to index
      %swap3A_878 = arith.index_cast %swap3A_876 : i32 to index
      %swap3A_879 = arith.index_cast %mul3A_673 : i32 to index
      %swap3A_880 = tpu.vector_load %arg13[%swap3A_877, %swap3A_878, %swap3A_879] {strides = array<i32>} : memref<2x16x1024xf32, #tpu.memory_space<vmem>>, vector<1x1x16xf32>,
      %swap3A_881 = vector.shape_cast %swap3A_880 : vector<1x1x16xf32> to vector<16xf32>
      %swap3A_882 = vector.shape_cast %add3A_874 : vector<16xf32> to vector<1x1x16xf32>
      tpu.vector_store %arg13[%swap3A_877, %swap3A_878, %swap3A_879], %swap3A_882 {strides = array<i32>} : memref<2x16x1024xf32, #tpu.memory_space<vmem>>, vector<1x1x16xf32>,
      %get3A_883 = arith.constant 0 : i32
      %get3A_884 = arith.constant 6 : i32
      %get3A_885 = arith.index_cast %get3A_883 : i32 to index
      %get3A_886 = arith.index_cast %get3A_884 : i32 to index
      %get3A_887 = arith.index_cast %mul3A_673 : i32 to index
      %get3A_888 = tpu.vector_load %arg13[%get3A_885, %get3A_886, %get3A_887] {strides = array<i32>} : memref<2x16x1024xf32, #tpu.memory_space<vmem>>, vector<1x1x16xf32>,
      %get3A_889 = vector.shape_cast %get3A_888 : vector<1x1x16xf32> to vector<16xf32>
      %get3A_890 = arith.constant 0 : i32
      %get3A_891 = arith.constant 6 : i32
      %get3A_892 = arith.index_cast %get3A_890 : i32 to index
      %get3A_893 = arith.index_cast %get3A_891 : i32 to index
      %get3A_894 = arith.index_cast %mul3A_673 : i32 to index
      %get3A_895 = tpu.vector_load %arg12[%get3A_892, %get3A_893, %get3A_894] {strides = array<i32>} : memref<2x32x1024xf32, #tpu.memory_space<vmem>>, vector<1x1x16xf32>,
      %get3A_896 = vector.shape_cast %get3A_895 : vector<1x1x16xf32> to vector<16xf32>
      %mul3A_897 = vector.broadcast %squeeze3A_109 : f32 to vector<16xf32>
      %mul3A_898 = arith.mulf %mul3A_897, %get3A_896 : vector<16xf32>
      %add3A_899 = arith.addf %get3A_889, %mul3A_898 : vector<16xf32>
      %get3A_900 = arith.constant 0 : i32
      %get3A_901 = arith.constant 22 : i32
      %get3A_902 = arith.index_cast %get3A_900 : i32 to index
      %get3A_903 = arith.index_cast %get3A_901 : i32 to index
      %get3A_904 = arith.index_cast %mul3A_673 : i32 to index
      %get3A_905 = tpu.vector_load %arg12[%get3A_902, %get3A_903, %get3A_904] {strides = array<i32>} : memref<2x32x1024xf32, #tpu.memory_space<vmem>>, vector<1x1x16xf32>,
      %get3A_906 = vector.shape_cast %get3A_905 : vector<1x1x16xf32> to vector<16xf32>
      %mul3A_907 = vector.broadcast %squeeze3A_141 : f32 to vector<16xf32>
      %mul3A_908 = arith.mulf %mul3A_907, %get3A_906 : vector<16xf32>
      %add3A_909 = arith.addf %add3A_899, %mul3A_908 : vector<16xf32>
      %swap3A_910 = arith.constant 0 : i32
      %swap3A_911 = arith.constant 6 : i32
      %swap3A_912 = arith.index_cast %swap3A_910 : i32 to index
      %swap3A_913 = arith.index_cast %swap3A_911 : i32 to index
      %swap3A_914 = arith.index_cast %mul3A_673 : i32 to index
      %swap3A_915 = tpu.vector_load %arg13[%swap3A_912, %swap3A_913, %swap3A_914] {strides = array<i32>} : memref<2x16x1024xf32, #tpu.memory_space<vmem>>, vector<1x1x16xf32>,
      %swap3A_916 = vector.shape_cast %swap3A_915 : vector<1x1x16xf32> to vector<16xf32>
      %swap3A_917 = vector.shape_cast %add3A_909 : vector<16xf32> to vector<1x1x16xf32>
      tpu.vector_store %arg13[%swap3A_912, %swap3A_913, %swap3A_914], %swap3A_917 {strides = array<i32>} : memref<2x16x1024xf32, #tpu.memory_space<vmem>>, vector<1x1x16xf32>,
      %get3A_918 = arith.constant 0 : i32
      %get3A_919 = arith.constant 7 : i32
      %get3A_920 = arith.index_cast %get3A_918 : i32 to index
      %get3A_921 = arith.index_cast %get3A_919 : i32 to index
      %get3A_922 = arith.index_cast %mul3A_673 : i32 to index
      %get3A_923 = tpu.vector_load %arg13[%get3A_920, %get3A_921, %get3A_922] {strides = array<i32>} : memref<2x16x1024xf32, #tpu.memory_space<vmem>>, vector<1x1x16xf32>,
      %get3A_924 = vector.shape_cast %get3A_923 : vector<1x1x16xf32> to vector<16xf32>
      %get3A_925 = arith.constant 0 : i32
      %get3A_926 = arith.constant 7 : i32
      %get3A_927 = arith.index_cast %get3A_925 : i32 to index
      %get3A_928 = arith.index_cast %get3A_926 : i32 to index
      %get3A_929 = arith.index_cast %mul3A_673 : i32 to index
      %get3A_930 = tpu.vector_load %arg12[%get3A_927, %get3A_928, %get3A_929] {strides = array<i32>} : memref<2x32x1024xf32, #tpu.memory_space<vmem>>, vector<1x1x16xf32>,
      %get3A_931 = vector.shape_cast %get3A_930 : vector<1x1x16xf32> to vector<16xf32>
      %mul3A_932 = vector.broadcast %squeeze3A_111 : f32 to vector<16xf32>
      %mul3A_933 = arith.mulf %mul3A_932, %get3A_931 : vector<16xf32>
      %add3A_934 = arith.addf %get3A_924, %mul3A_933 : vector<16xf32>
      %get3A_935 = arith.constant 0 : i32
      %get3A_936 = arith.constant 23 : i32
      %get3A_937 = arith.index_cast %get3A_935 : i32 to index
      %get3A_938 = arith.index_cast %get3A_936 : i32 to index
      %get3A_939 = arith.index_cast %mul3A_673 : i32 to index
      %get3A_940 = tpu.vector_load %arg12[%get3A_937, %get3A_938, %get3A_939] {strides = array<i32>} : memref<2x32x1024xf32, #tpu.memory_space<vmem>>, vector<1x1x16xf32>,
      %get3A_941 = vector.shape_cast %get3A_940 : vector<1x1x16xf32> to vector<16xf32>
      %mul3A_942 = vector.broadcast %squeeze3A_143 : f32 to vector<16xf32>
      %mul3A_943 = arith.mulf %mul3A_942, %get3A_941 : vector<16xf32>
      %add3A_944 = arith.addf %add3A_934, %mul3A_943 : vector<16xf32>
      %swap3A_945 = arith.constant 0 : i32
      %swap3A_946 = arith.constant 7 : i32
      %swap3A_947 = arith.index_cast %swap3A_945 : i32 to index
      %swap3A_948 = arith.index_cast %swap3A_946 : i32 to index
      %swap3A_949 = arith.index_cast %mul3A_673 : i32 to index
      %swap3A_950 = tpu.vector_load %arg13[%swap3A_947, %swap3A_948, %swap3A_949] {strides = array<i32>} : memref<2x16x1024xf32, #tpu.memory_space<vmem>>, vector<1x1x16xf32>,
      %swap3A_951 = vector.shape_cast %swap3A_950 : vector<1x1x16xf32> to vector<16xf32>
      %swap3A_952 = vector.shape_cast %add3A_944 : vector<16xf32> to vector<1x1x16xf32>
      tpu.vector_store %arg13[%swap3A_947, %swap3A_948, %swap3A_949], %swap3A_952 {strides = array<i32>} : memref<2x16x1024xf32, #tpu.memory_space<vmem>>, vector<1x1x16xf32>,
      %get3A_953 = arith.constant 0 : i32
      %get3A_954 = arith.constant 8 : i32
      %get3A_955 = arith.index_cast %get3A_953 : i32 to index
      %get3A_956 = arith.index_cast %get3A_954 : i32 to index
      %get3A_957 = arith.index_cast %mul3A_673 : i32 to index
      %get3A_958 = tpu.vector_load %arg13[%get3A_955, %get3A_956, %get3A_957] {strides = array<i32>} : memref<2x16x1024xf32, #tpu.memory_space<vmem>>, vector<1x1x16xf32>,
      %get3A_959 = vector.shape_cast %get3A_958 : vector<1x1x16xf32> to vector<16xf32>
      %get3A_960 = arith.constant 0 : i32
      %get3A_961 = arith.constant 8 : i32
      %get3A_962 = arith.index_cast %get3A_960 : i32 to index
      %get3A_963 = arith.index_cast %get3A_961 : i32 to index
      %get3A_964 = arith.index_cast %mul3A_673 : i32 to index
      %get3A_965 = tpu.vector_load %arg12[%get3A_962, %get3A_963, %get3A_964] {strides = array<i32>} : memref<2x32x1024xf32, #tpu.memory_space<vmem>>, vector<1x1x16xf32>,
      %get3A_966 = vector.shape_cast %get3A_965 : vector<1x1x16xf32> to vector<16xf32>
      %mul3A_967 = vector.broadcast %squeeze3A_113 : f32 to vector<16xf32>
      %mul3A_968 = arith.mulf %mul3A_967, %get3A_966 : vector<16xf32>
      %add3A_969 = arith.addf %get3A_959, %mul3A_968 : vector<16xf32>
      %get3A_970 = arith.constant 0 : i32
      %get3A_971 = arith.constant 24 : i32
      %get3A_972 = arith.index_cast %get3A_970 : i32 to index
      %get3A_973 = arith.index_cast %get3A_971 : i32 to index
      %get3A_974 = arith.index_cast %mul3A_673 : i32 to index
      %get3A_975 = tpu.vector_load %arg12[%get3A_972, %get3A_973, %get3A_974] {strides = array<i32>} : memref<2x32x1024xf32, #tpu.memory_space<vmem>>, vector<1x1x16xf32>,
      %get3A_976 = vector.shape_cast %get3A_975 : vector<1x1x16xf32> to vector<16xf32>
      %mul3A_977 = vector.broadcast %squeeze3A_145 : f32 to vector<16xf32>
      %mul3A_978 = arith.mulf %mul3A_977, %get3A_976 : vector<16xf32>
      %add3A_979 = arith.addf %add3A_969, %mul3A_978 : vector<16xf32>
      %swap3A_980 = arith.constant 0 : i32
      %swap3A_981 = arith.constant 8 : i32
      %swap3A_982 = arith.index_cast %swap3A_980 : i32 to index
      %swap3A_983 = arith.index_cast %swap3A_981 : i32 to index
      %swap3A_984 = arith.index_cast %mul3A_673 : i32 to index
      %swap3A_985 = tpu.vector_load %arg13[%swap3A_982, %swap3A_983, %swap3A_984] {strides = array<i32>} : memref<2x16x1024xf32, #tpu.memory_space<vmem>>, vector<1x1x16xf32>,
      %swap3A_986 = vector.shape_cast %swap3A_985 : vector<1x1x16xf32> to vector<16xf32>
      %swap3A_987 = vector.shape_cast %add3A_979 : vector<16xf32> to vector<1x1x16xf32>
      tpu.vector_store %arg13[%swap3A_982, %swap3A_983, %swap3A_984], %swap3A_987 {strides = array<i32>} : memref<2x16x1024xf32, #tpu.memory_space<vmem>>, vector<1x1x16xf32>,
      %get3A_988 = arith.constant 0 : i32
      %get3A_989 = arith.constant 9 : i32
      %get3A_990 = arith.index_cast %get3A_988 : i32 to index
      %get3A_991 = arith.index_cast %get3A_989 : i32 to index
      %get3A_992 = arith.index_cast %mul3A_673 : i32 to index
      %get3A_993 = tpu.vector_load %arg13[%get3A_990, %get3A_991, %get3A_992] {strides = array<i32>} : memref<2x16x1024xf32, #tpu.memory_space<vmem>>, vector<1x1x16xf32>,
      %get3A_994 = vector.shape_cast %get3A_993 : vector<1x1x16xf32> to vector<16xf32>
      %get3A_995 = arith.constant 0 : i32
      %get3A_996 = arith.constant 9 : i32
      %get3A_997 = arith.index_cast %get3A_995 : i32 to index
      %get3A_998 = arith.index_cast %get3A_996 : i32 to index
      %get3A_999 = arith.index_cast %mul3A_673 : i32 to index
      %get3A_1000 = tpu.vector_load %arg12[%get3A_997, %get3A_998, %get3A_999] {strides = array<i32>} : memref<2x32x1024xf32, #tpu.memory_space<vmem>>, vector<1x1x16xf32>,
      %get3A_1001 = vector.shape_cast %get3A_1000 : vector<1x1x16xf32> to vector<16xf32>
      %mul3A_1002 = vector.broadcast %squeeze3A_115 : f32 to vector<16xf32>
      %mul3A_1003 = arith.mulf %mul3A_1002, %get3A_1001 : vector<16xf32>
      %add3A_1004 = arith.addf %get3A_994, %mul3A_1003 : vector<16xf32>
      %get3A_1005 = arith.constant 0 : i32
      %get3A_1006 = arith.constant 25 : i32
      %get3A_1007 = arith.index_cast %get3A_1005 : i32 to index
      %get3A_1008 = arith.index_cast %get3A_1006 : i32 to index
      %get3A_1009 = arith.index_cast %mul3A_673 : i32 to index
      %get3A_1010 = tpu.vector_load %arg12[%get3A_1007, %get3A_1008, %get3A_1009] {strides = array<i32>} : memref<2x32x1024xf32, #tpu.memory_space<vmem>>, vector<1x1x16xf32>,
      %get3A_1011 = vector.shape_cast %get3A_1010 : vector<1x1x16xf32> to vector<16xf32>
      %mul3A_1012 = vector.broadcast %squeeze3A_147 : f32 to vector<16xf32>
      %mul3A_1013 = arith.mulf %mul3A_1012, %get3A_1011 : vector<16xf32>
      %add3A_1014 = arith.addf %add3A_1004, %mul3A_1013 : vector<16xf32>
      %swap3A_1015 = arith.constant 0 : i32
      %swap3A_1016 = arith.constant 9 : i32
      %swap3A_1017 = arith.index_cast %swap3A_1015 : i32 to index
      %swap3A_1018 = arith.index_cast %swap3A_1016 : i32 to index
      %swap3A_1019 = arith.index_cast %mul3A_673 : i32 to index
      %swap3A_1020 = tpu.vector_load %arg13[%swap3A_1017, %swap3A_1018, %swap3A_1019] {strides = array<i32>} : memref<2x16x1024xf32, #tpu.memory_space<vmem>>, vector<1x1x16xf32>,
      %swap3A_1021 = vector.shape_cast %swap3A_1020 : vector<1x1x16xf32> to vector<16xf32>
      %swap3A_1022 = vector.shape_cast %add3A_1014 : vector<16xf32> to vector<1x1x16xf32>
      tpu.vector_store %arg13[%swap3A_1017, %swap3A_1018, %swap3A_1019], %swap3A_1022 {strides = array<i32>} : memref<2x16x1024xf32, #tpu.memory_space<vmem>>, vector<1x1x16xf32>,
      %get3A_1023 = arith.constant 0 : i32
      %get3A_1024 = arith.constant 10 : i32
      %get3A_1025 = arith.index_cast %get3A_1023 : i32 to index
      %get3A_1026 = arith.index_cast %get3A_1024 : i32 to index
      %get3A_1027 = arith.index_cast %mul3A_673 : i32 to index
      %get3A_1028 = tpu.vector_load %arg13[%get3A_1025, %get3A_1026, %get3A_1027] {strides = array<i32>} : memref<2x16x1024xf32, #tpu.memory_space<vmem>>, vector<1x1x16xf32>,
      %get3A_1029 = vector.shape_cast %get3A_1028 : vector<1x1x16xf32> to vector<16xf32>
      %get3A_1030 = arith.constant 0 : i32
      %get3A_1031 = arith.constant 10 : i32
      %get3A_1032 = arith.index_cast %get3A_1030 : i32 to index
      %get3A_1033 = arith.index_cast %get3A_1031 : i32 to index
      %get3A_1034 = arith.index_cast %mul3A_673 : i32 to index
      %get3A_1035 = tpu.vector_load %arg12[%get3A_1032, %get3A_1033, %get3A_1034] {strides = array<i32>} : memref<2x32x1024xf32, #tpu.memory_space<vmem>>, vector<1x1x16xf32>,
      %get3A_1036 = vector.shape_cast %get3A_1035 : vector<1x1x16xf32> to vector<16xf32>
      %mul3A_1037 = vector.broadcast %squeeze3A_117 : f32 to vector<16xf32>
      %mul3A_1038 = arith.mulf %mul3A_1037, %get3A_1036 : vector<16xf32>
      %add3A_1039 = arith.addf %get3A_1029, %mul3A_1038 : vector<16xf32>
      %get3A_1040 = arith.constant 0 : i32
      %get3A_1041 = arith.constant 26 : i32
      %get3A_1042 = arith.index_cast %get3A_1040 : i32 to index
      %get3A_1043 = arith.index_cast %get3A_1041 : i32 to index
      %get3A_1044 = arith.index_cast %mul3A_673 : i32 to index
      %get3A_1045 = tpu.vector_load %arg12[%get3A_1042, %get3A_1043, %get3A_1044] {strides = array<i32>} : memref<2x32x1024xf32, #tpu.memory_space<vmem>>, vector<1x1x16xf32>,
      %get3A_1046 = vector.shape_cast %get3A_1045 : vector<1x1x16xf32> to vector<16xf32>
      %mul3A_1047 = vector.broadcast %squeeze3A_149 : f32 to vector<16xf32>
      %mul3A_1048 = arith.mulf %mul3A_1047, %get3A_1046 : vector<16xf32>
      %add3A_1049 = arith.addf %add3A_1039, %mul3A_1048 : vector<16xf32>
      %swap3A_1050 = arith.constant 0 : i32
      %swap3A_1051 = arith.constant 10 : i32
      %swap3A_1052 = arith.index_cast %swap3A_1050 : i32 to index
      %swap3A_1053 = arith.index_cast %swap3A_1051 : i32 to index
      %swap3A_1054 = arith.index_cast %mul3A_673 : i32 to index
      %swap3A_1055 = tpu.vector_load %arg13[%swap3A_1052, %swap3A_1053, %swap3A_1054] {strides = array<i32>} : memref<2x16x1024xf32, #tpu.memory_space<vmem>>, vector<1x1x16xf32>,
      %swap3A_1056 = vector.shape_cast %swap3A_1055 : vector<1x1x16xf32> to vector<16xf32>
      %swap3A_1057 = vector.shape_cast %add3A_1049 : vector<16xf32> to vector<1x1x16xf32>
      tpu.vector_store %arg13[%swap3A_1052, %swap3A_1053, %swap3A_1054], %swap3A_1057 {strides = array<i32>} : memref<2x16x1024xf32, #tpu.memory_space<vmem>>, vector<1x1x16xf32>,
      %get3A_1058 = arith.constant 0 : i32
      %get3A_1059 = arith.constant 11 : i32
      %get3A_1060 = arith.index_cast %get3A_1058 : i32 to index
      %get3A_1061 = arith.index_cast %get3A_1059 : i32 to index
      %get3A_1062 = arith.index_cast %mul3A_673 : i32 to index
      %get3A_1063 = tpu.vector_load %arg13[%get3A_1060, %get3A_1061, %get3A_1062] {strides = array<i32>} : memref<2x16x1024xf32, #tpu.memory_space<vmem>>, vector<1x1x16xf32>,
      %get3A_1064 = vector.shape_cast %get3A_1063 : vector<1x1x16xf32> to vector<16xf32>
      %get3A_1065 = arith.constant 0 : i32
      %get3A_1066 = arith.constant 11 : i32
      %get3A_1067 = arith.index_cast %get3A_1065 : i32 to index
      %get3A_1068 = arith.index_cast %get3A_1066 : i32 to index
      %get3A_1069 = arith.index_cast %mul3A_673 : i32 to index
      %get3A_1070 = tpu.vector_load %arg12[%get3A_1067, %get3A_1068, %get3A_1069] {strides = array<i32>} : memref<2x32x1024xf32, #tpu.memory_space<vmem>>, vector<1x1x16xf32>,
      %get3A_1071 = vector.shape_cast %get3A_1070 : vector<1x1x16xf32> to vector<16xf32>
      %mul3A_1072 = vector.broadcast %squeeze3A_119 : f32 to vector<16xf32>
      %mul3A_1073 = arith.mulf %mul3A_1072, %get3A_1071 : vector<16xf32>
      %add3A_1074 = arith.addf %get3A_1064, %mul3A_1073 : vector<16xf32>
      %get3A_1075 = arith.constant 0 : i32
      %get3A_1076 = arith.constant 27 : i32
      %get3A_1077 = arith.index_cast %get3A_1075 : i32 to index
      %get3A_1078 = arith.index_cast %get3A_1076 : i32 to index
      %get3A_1079 = arith.index_cast %mul3A_673 : i32 to index
      %get3A_1080 = tpu.vector_load %arg12[%get3A_1077, %get3A_1078, %get3A_1079] {strides = array<i32>} : memref<2x32x1024xf32, #tpu.memory_space<vmem>>, vector<1x1x16xf32>,
      %get3A_1081 = vector.shape_cast %get3A_1080 : vector<1x1x16xf32> to vector<16xf32>
      %mul3A_1082 = vector.broadcast %squeeze3A_151 : f32 to vector<16xf32>
      %mul3A_1083 = arith.mulf %mul3A_1082, %get3A_1081 : vector<16xf32>
      %add3A_1084 = arith.addf %add3A_1074, %mul3A_1083 : vector<16xf32>
      %swap3A_1085 = arith.constant 0 : i32
      %swap3A_1086 = arith.constant 11 : i32
      %swap3A_1087 = arith.index_cast %swap3A_1085 : i32 to index
      %swap3A_1088 = arith.index_cast %swap3A_1086 : i32 to index
      %swap3A_1089 = arith.index_cast %mul3A_673 : i32 to index
      %swap3A_1090 = tpu.vector_load %arg13[%swap3A_1087, %swap3A_1088, %swap3A_1089] {strides = array<i32>} : memref<2x16x1024xf32, #tpu.memory_space<vmem>>, vector<1x1x16xf32>,
      %swap3A_1091 = vector.shape_cast %swap3A_1090 : vector<1x1x16xf32> to vector<16xf32>
      %swap3A_1092 = vector.shape_cast %add3A_1084 : vector<16xf32> to vector<1x1x16xf32>
      tpu.vector_store %arg13[%swap3A_1087, %swap3A_1088, %swap3A_1089], %swap3A_1092 {strides = array<i32>} : memref<2x16x1024xf32, #tpu.memory_space<vmem>>, vector<1x1x16xf32>,
      %get3A_1093 = arith.constant 0 : i32
      %get3A_1094 = arith.constant 12 : i32
      %get3A_1095 = arith.index_cast %get3A_1093 : i32 to index
      %get3A_1096 = arith.index_cast %get3A_1094 : i32 to index
      %get3A_1097 = arith.index_cast %mul3A_673 : i32 to index
      %get3A_1098 = tpu.vector_load %arg13[%get3A_1095, %get3A_1096, %get3A_1097] {strides = array<i32>} : memref<2x16x1024xf32, #tpu.memory_space<vmem>>, vector<1x1x16xf32>,
      %get3A_1099 = vector.shape_cast %get3A_1098 : vector<1x1x16xf32> to vector<16xf32>
      %get3A_1100 = arith.constant 0 : i32
      %get3A_1101 = arith.constant 12 : i32
      %get3A_1102 = arith.index_cast %get3A_1100 : i32 to index
      %get3A_1103 = arith.index_cast %get3A_1101 : i32 to index
      %get3A_1104 = arith.index_cast %mul3A_673 : i32 to index
      %get3A_1105 = tpu.vector_load %arg12[%get3A_1102, %get3A_1103, %get3A_1104] {strides = array<i32>} : memref<2x32x1024xf32, #tpu.memory_space<vmem>>, vector<1x1x16xf32>,
      %get3A_1106 = vector.shape_cast %get3A_1105 : vector<1x1x16xf32> to vector<16xf32>
      %mul3A_1107 = vector.broadcast %squeeze3A_121 : f32 to vector<16xf32>
      %mul3A_1108 = arith.mulf %mul3A_1107, %get3A_1106 : vector<16xf32>
      %add3A_1109 = arith.addf %get3A_1099, %mul3A_1108 : vector<16xf32>
      %get3A_1110 = arith.constant 0 : i32
      %get3A_1111 = arith.constant 28 : i32
      %get3A_1112 = arith.index_cast %get3A_1110 : i32 to index
      %get3A_1113 = arith.index_cast %get3A_1111 : i32 to index
      %get3A_1114 = arith.index_cast %mul3A_673 : i32 to index
      %get3A_1115 = tpu.vector_load %arg12[%get3A_1112, %get3A_1113, %get3A_1114] {strides = array<i32>} : memref<2x32x1024xf32, #tpu.memory_space<vmem>>, vector<1x1x16xf32>,
      %get3A_1116 = vector.shape_cast %get3A_1115 : vector<1x1x16xf32> to vector<16xf32>
      %mul3A_1117 = vector.broadcast %squeeze3A_153 : f32 to vector<16xf32>
      %mul3A_1118 = arith.mulf %mul3A_1117, %get3A_1116 : vector<16xf32>
      %add3A_1119 = arith.addf %add3A_1109, %mul3A_1118 : vector<16xf32>
      %swap3A_1120 = arith.constant 0 : i32
      %swap3A_1121 = arith.constant 12 : i32
      %swap3A_1122 = arith.index_cast %swap3A_1120 : i32 to index
      %swap3A_1123 = arith.index_cast %swap3A_1121 : i32 to index
      %swap3A_1124 = arith.index_cast %mul3A_673 : i32 to index
      %swap3A_1125 = tpu.vector_load %arg13[%swap3A_1122, %swap3A_1123, %swap3A_1124] {strides = array<i32>} : memref<2x16x1024xf32, #tpu.memory_space<vmem>>, vector<1x1x16xf32>,
      %swap3A_1126 = vector.shape_cast %swap3A_1125 : vector<1x1x16xf32> to vector<16xf32>
      %swap3A_1127 = vector.shape_cast %add3A_1119 : vector<16xf32> to vector<1x1x16xf32>
      tpu.vector_store %arg13[%swap3A_1122, %swap3A_1123, %swap3A_1124], %swap3A_1127 {strides = array<i32>} : memref<2x16x1024xf32, #tpu.memory_space<vmem>>, vector<1x1x16xf32>,
      %get3A_1128 = arith.constant 0 : i32
      %get3A_1129 = arith.constant 13 : i32
      %get3A_1130 = arith.index_cast %get3A_1128 : i32 to index
      %get3A_1131 = arith.index_cast %get3A_1129 : i32 to index
      %get3A_1132 = arith.index_cast %mul3A_673 : i32 to index
      %get3A_1133 = tpu.vector_load %arg13[%get3A_1130, %get3A_1131, %get3A_1132] {strides = array<i32>} : memref<2x16x1024xf32, #tpu.memory_space<vmem>>, vector<1x1x16xf32>,
      %get3A_1134 = vector.shape_cast %get3A_1133 : vector<1x1x16xf32> to vector<16xf32>
      %get3A_1135 = arith.constant 0 : i32
      %get3A_1136 = arith.constant 13 : i32
      %get3A_1137 = arith.index_cast %get3A_1135 : i32 to index
      %get3A_1138 = arith.index_cast %get3A_1136 : i32 to index
      %get3A_1139 = arith.index_cast %mul3A_673 : i32 to index
      %get3A_1140 = tpu.vector_load %arg12[%get3A_1137, %get3A_1138, %get3A_1139] {strides = array<i32>} : memref<2x32x1024xf32, #tpu.memory_space<vmem>>, vector<1x1x16xf32>,
      %get3A_1141 = vector.shape_cast %get3A_1140 : vector<1x1x16xf32> to vector<16xf32>
      %mul3A_1142 = vector.broadcast %squeeze3A_123 : f32 to vector<16xf32>
      %mul3A_1143 = arith.mulf %mul3A_1142, %get3A_1141 : vector<16xf32>
      %add3A_1144 = arith.addf %get3A_1134, %mul3A_1143 : vector<16xf32>
      %get3A_1145 = arith.constant 0 : i32
      %get3A_1146 = arith.constant 29 : i32
      %get3A_1147 = arith.index_cast %get3A_1145 : i32 to index
      %get3A_1148 = arith.index_cast %get3A_1146 : i32 to index
      %get3A_1149 = arith.index_cast %mul3A_673 : i32 to index
      %get3A_1150 = tpu.vector_load %arg12[%get3A_1147, %get3A_1148, %get3A_1149] {strides = array<i32>} : memref<2x32x1024xf32, #tpu.memory_space<vmem>>, vector<1x1x16xf32>,
      %get3A_1151 = vector.shape_cast %get3A_1150 : vector<1x1x16xf32> to vector<16xf32>
      %mul3A_1152 = vector.broadcast %squeeze3A_155 : f32 to vector<16xf32>
      %mul3A_1153 = arith.mulf %mul3A_1152, %get3A_1151 : vector<16xf32>
      %add3A_1154 = arith.addf %add3A_1144, %mul3A_1153 : vector<16xf32>
      %swap3A_1155 = arith.constant 0 : i32
      %swap3A_1156 = arith.constant 13 : i32
      %swap3A_1157 = arith.index_cast %swap3A_1155 : i32 to index
      %swap3A_1158 = arith.index_cast %swap3A_1156 : i32 to index
      %swap3A_1159 = arith.index_cast %mul3A_673 : i32 to index
      %swap3A_1160 = tpu.vector_load %arg13[%swap3A_1157, %swap3A_1158, %swap3A_1159] {strides = array<i32>} : memref<2x16x1024xf32, #tpu.memory_space<vmem>>, vector<1x1x16xf32>,
      %swap3A_1161 = vector.shape_cast %swap3A_1160 : vector<1x1x16xf32> to vector<16xf32>
      %swap3A_1162 = vector.shape_cast %add3A_1154 : vector<16xf32> to vector<1x1x16xf32>
      tpu.vector_store %arg13[%swap3A_1157, %swap3A_1158, %swap3A_1159], %swap3A_1162 {strides = array<i32>} : memref<2x16x1024xf32, #tpu.memory_space<vmem>>, vector<1x1x16xf32>,
      %get3A_1163 = arith.constant 0 : i32
      %get3A_1164 = arith.constant 14 : i32
      %get3A_1165 = arith.index_cast %get3A_1163 : i32 to index
      %get3A_1166 = arith.index_cast %get3A_1164 : i32 to index
      %get3A_1167 = arith.index_cast %mul3A_673 : i32 to index
      %get3A_1168 = tpu.vector_load %arg13[%get3A_1165, %get3A_1166, %get3A_1167] {strides = array<i32>} : memref<2x16x1024xf32, #tpu.memory_space<vmem>>, vector<1x1x16xf32>,
      %get3A_1169 = vector.shape_cast %get3A_1168 : vector<1x1x16xf32> to vector<16xf32>
      %get3A_1170 = arith.constant 0 : i32
      %get3A_1171 = arith.constant 14 : i32
      %get3A_1172 = arith.index_cast %get3A_1170 : i32 to index
      %get3A_1173 = arith.index_cast %get3A_1171 : i32 to index
      %get3A_1174 = arith.index_cast %mul3A_673 : i32 to index
      %get3A_1175 = tpu.vector_load %arg12[%get3A_1172, %get3A_1173, %get3A_1174] {strides = array<i32>} : memref<2x32x1024xf32, #tpu.memory_space<vmem>>, vector<1x1x16xf32>,
      %get3A_1176 = vector.shape_cast %get3A_1175 : vector<1x1x16xf32> to vector<16xf32>
      %mul3A_1177 = vector.broadcast %squeeze3A_125 : f32 to vector<16xf32>
      %mul3A_1178 = arith.mulf %mul3A_1177, %get3A_1176 : vector<16xf32>
      %add3A_1179 = arith.addf %get3A_1169, %mul3A_1178 : vector<16xf32>
      %get3A_1180 = arith.constant 0 : i32
      %get3A_1181 = arith.constant 30 : i32
      %get3A_1182 = arith.index_cast %get3A_1180 : i32 to index
      %get3A_1183 = arith.index_cast %get3A_1181 : i32 to index
      %get3A_1184 = arith.index_cast %mul3A_673 : i32 to index
      %get3A_1185 = tpu.vector_load %arg12[%get3A_1182, %get3A_1183, %get3A_1184] {strides = array<i32>} : memref<2x32x1024xf32, #tpu.memory_space<vmem>>, vector<1x1x16xf32>,
      %get3A_1186 = vector.shape_cast %get3A_1185 : vector<1x1x16xf32> to vector<16xf32>
      %mul3A_1187 = vector.broadcast %squeeze3A_157 : f32 to vector<16xf32>
      %mul3A_1188 = arith.mulf %mul3A_1187, %get3A_1186 : vector<16xf32>
      %add3A_1189 = arith.addf %add3A_1179, %mul3A_1188 : vector<16xf32>
      %swap3A_1190 = arith.constant 0 : i32
      %swap3A_1191 = arith.constant 14 : i32
      %swap3A_1192 = arith.index_cast %swap3A_1190 : i32 to index
      %swap3A_1193 = arith.index_cast %swap3A_1191 : i32 to index
      %swap3A_1194 = arith.index_cast %mul3A_673 : i32 to index
      %swap3A_1195 = tpu.vector_load %arg13[%swap3A_1192, %swap3A_1193, %swap3A_1194] {strides = array<i32>} : memref<2x16x1024xf32, #tpu.memory_space<vmem>>, vector<1x1x16xf32>,
      %swap3A_1196 = vector.shape_cast %swap3A_1195 : vector<1x1x16xf32> to vector<16xf32>
      %swap3A_1197 = vector.shape_cast %add3A_1189 : vector<16xf32> to vector<1x1x16xf32>
      tpu.vector_store %arg13[%swap3A_1192, %swap3A_1193, %swap3A_1194], %swap3A_1197 {strides = array<i32>} : memref<2x16x1024xf32, #tpu.memory_space<vmem>>, vector<1x1x16xf32>,
      %get3A_1198 = arith.constant 0 : i32
      %get3A_1199 = arith.constant 15 : i32
      %get3A_1200 = arith.index_cast %get3A_1198 : i32 to index
      %get3A_1201 = arith.index_cast %get3A_1199 : i32 to index
      %get3A_1202 = arith.index_cast %mul3A_673 : i32 to index
      %get3A_1203 = tpu.vector_load %arg13[%get3A_1200, %get3A_1201, %get3A_1202] {strides = array<i32>} : memref<2x16x1024xf32, #tpu.memory_space<vmem>>, vector<1x1x16xf32>,
      %get3A_1204 = vector.shape_cast %get3A_1203 : vector<1x1x16xf32> to vector<16xf32>
      %get3A_1205 = arith.constant 0 : i32
      %get3A_1206 = arith.constant 15 : i32
      %get3A_1207 = arith.index_cast %get3A_1205 : i32 to index
      %get3A_1208 = arith.index_cast %get3A_1206 : i32 to index
      %get3A_1209 = arith.index_cast %mul3A_673 : i32 to index
      %get3A_1210 = tpu.vector_load %arg12[%get3A_1207, %get3A_1208, %get3A_1209] {strides = array<i32>} : memref<2x32x1024xf32, #tpu.memory_space<vmem>>, vector<1x1x16xf32>,
      %get3A_1211 = vector.shape_cast %get3A_1210 : vector<1x1x16xf32> to vector<16xf32>
      %mul3A_1212 = vector.broadcast %squeeze3A_127 : f32 to vector<16xf32>
      %mul3A_1213 = arith.mulf %mul3A_1212, %get3A_1211 : vector<16xf32>
      %add3A_1214 = arith.addf %get3A_1204, %mul3A_1213 : vector<16xf32>
      %get3A_1215 = arith.constant 0 : i32
      %get3A_1216 = arith.constant 31 : i32
      %get3A_1217 = arith.index_cast %get3A_1215 : i32 to index
      %get3A_1218 = arith.index_cast %get3A_1216 : i32 to index
      %get3A_1219 = arith.index_cast %mul3A_673 : i32 to index
      %get3A_1220 = tpu.vector_load %arg12[%get3A_1217, %get3A_1218, %get3A_1219] {strides = array<i32>} : memref<2x32x1024xf32, #tpu.memory_space<vmem>>, vector<1x1x16xf32>,
      %get3A_1221 = vector.shape_cast %get3A_1220 : vector<1x1x16xf32> to vector<16xf32>
      %mul3A_1222 = vector.broadcast %squeeze3A_159 : f32 to vector<16xf32>
      %mul3A_1223 = arith.mulf %mul3A_1222, %get3A_1221 : vector<16xf32>
      %add3A_1224 = arith.addf %add3A_1214, %mul3A_1223 : vector<16xf32>
      %swap3A_1225 = arith.constant 0 : i32
      %swap3A_1226 = arith.constant 15 : i32
      %swap3A_1227 = arith.index_cast %swap3A_1225 : i32 to index
      %swap3A_1228 = arith.index_cast %swap3A_1226 : i32 to index
      %swap3A_1229 = arith.index_cast %mul3A_673 : i32 to index
      %swap3A_1230 = tpu.vector_load %arg13[%swap3A_1227, %swap3A_1228, %swap3A_1229] {strides = array<i32>} : memref<2x16x1024xf32, #tpu.memory_space<vmem>>, vector<1x1x16xf32>,
      %swap3A_1231 = vector.shape_cast %swap3A_1230 : vector<1x1x16xf32> to vector<16xf32>
      %swap3A_1232 = vector.shape_cast %add3A_1224 : vector<16xf32> to vector<1x1x16xf32>
      tpu.vector_store %arg13[%swap3A_1227, %swap3A_1228, %swap3A_1229], %swap3A_1232 {strides = array<i32>} : memref<2x16x1024xf32, #tpu.memory_space<vmem>>, vector<1x1x16xf32>,
      %scan3A_1233 = arith.constant 0 : i32
      scf.yield %scan3A_1233 : i32
    }
    %scan3A_165 = arith.constant 64 : i32
    %mul3A_166 = arith.constant 64 : i32
    %mul3A_167 = arith.muli %add3A, %mul3A_166 : i32
    %add3A_168 = arith.constant 0 : i32
    %add3A_169 = arith.addi %mul3A_167, %add3A_168 : i32
    %dma_start3A_170 = arith.constant 0 : i32
    %dma_start3A_171 = arith.constant 0 : i32
    %dma_start3A_172 = arith.constant 0 : i32
    %dma_start3A_173 = tpu.memref_slice %arg13[%dma_start3A_170, %dma_start3A_171, %dma_start3A_172] : memref<2x16x1024xf32, #tpu.memory_space<vmem>> -> memref<1x16x1024xf32, #tpu.memory_space<vmem>>
    %dma_start3A_174 = tpu.memref_squeeze %dma_start3A_173 : memref<1x16x1024xf32, #tpu.memory_space<vmem>> -> memref<16x1024xf32, #tpu.memory_space<vmem>>
    %dma_start3A_175 = arith.constant 0 : i32
    %dma_start3A_176 = tpu.memref_slice %arg8[%add3A_169, %dma_start3A_175] : memref<2048x1024xf32, #tpu.memory_space<hbm>> -> memref<16x1024xf32, #tpu.memory_space<hbm>>
    %dma_start3A_177 = arith.constant 0 : i32
    %dma_start3A_178 = tpu.memref_slice %arg8[%add3A_169, %dma_start3A_177] : memref<2048x1024xf32, #tpu.memory_space<hbm>> -> memref<16x1024xf32, #tpu.memory_space<hbm>>
    %dma_start3A_179 = arith.constant 0 : i32
    %dma_start3A_180 = arith.constant 0 : i32
    %dma_start3A_181 = tpu.memref_slice %arg13[%dma_start3A_170, %dma_start3A_179, %dma_start3A_180] : memref<2x16x1024xf32, #tpu.memory_space<vmem>> -> memref<1x16x1024xf32, #tpu.memory_space<vmem>>
    %dma_start3A_182 = tpu.memref_squeeze %dma_start3A_181 : memref<1x16x1024xf32, #tpu.memory_space<vmem>> -> memref<16x1024xf32, #tpu.memory_space<vmem>>
    tpu.enqueue_dma source(%dma_start3A_182 : memref<16x1024xf32, #tpu.memory_space<vmem>>) target(%dma_start3A_178 : memref<16x1024xf32, #tpu.memory_space<hbm>>) target_semaphore(%arg16 : memref<!tpu.dma_semaphore, #tpu.memory_space<semaphore_mem>>)
    %mul3A_183 = arith.constant 64 : i32
    %mul3A_184 = arith.muli %add3A, %mul3A_183 : i32
    %add3A_185 = arith.constant 32 : i32
    %add3A_186 = arith.addi %mul3A_184, %add3A_185 : i32
    %dma_wait3A_187 = arith.constant 0 : i32
    %dma_wait3A_188 = arith.constant 0 : i32
    %dma_wait3A_189 = arith.constant 0 : i32
    %dma_wait3A_190 = tpu.memref_slice %arg13[%dma_wait3A_187, %dma_wait3A_188, %dma_wait3A_189] : memref<2x16x1024xf32, #tpu.memory_space<vmem>> -> memref<1x16x1024xf32, #tpu.memory_space<vmem>>
    %dma_wait3A_191 = tpu.memref_squeeze %dma_wait3A_190 : memref<1x16x1024xf32, #tpu.memory_space<vmem>> -> memref<16x1024xf32, #tpu.memory_space<vmem>>
    %dma_wait3A_192 = arith.constant 0 : i32
    %dma_wait3A_193 = tpu.memref_slice %arg8[%add3A_169, %dma_wait3A_192] : memref<2048x1024xf32, #tpu.memory_space<hbm>> -> memref<16x1024xf32, #tpu.memory_space<hbm>>
    %dma_wait3A_194 = arith.constant 0 : i32
    %dma_wait3A_195 = tpu.memref_slice %arg8[%add3A_169, %dma_wait3A_194] : memref<2048x1024xf32, #tpu.memory_space<hbm>> -> memref<16x1024xf32, #tpu.memory_space<hbm>>
    %dma_wait3A_196 = arith.constant 0 : i32
    %dma_wait3A_197 = arith.constant 0 : i32
    %dma_wait3A_198 = tpu.memref_slice %arg13[%dma_wait3A_187, %dma_wait3A_196, %dma_wait3A_197] : memref<2x16x1024xf32, #tpu.memory_space<vmem>> -> memref<1x16x1024xf32, #tpu.memory_space<vmem>>
    %dma_wait3A_199 = tpu.memref_squeeze %dma_wait3A_198 : memref<1x16x1024xf32, #tpu.memory_space<vmem>> -> memref<16x1024xf32, #tpu.memory_space<vmem>>
    tpu.wait_dma2 semaphore(%arg16 : memref<!tpu.dma_semaphore, #tpu.memory_space<semaphore_mem>>) src(%dma_wait3A_199 : memref<16x1024xf32, #tpu.memory_space<vmem>>) dst(%dma_wait3A_195 : memref<16x1024xf32, #tpu.memory_space<hbm>>)
    %run_scoped3A_200 = arith.constant 0 : i32
    "tpu.region"() ({
      %run_scoped3A_670 = tpu.sem_alloc : memref<!tpu.dma_semaphore, #tpu.memory_space<semaphore_mem>>
      %dma_start3A_671 = arith.constant 0 : i32
      %dma_start3A_672 = tpu.memref_slice %arg9[%run_scoped3A_200, %dma_start3A_671] : memref<2x32xi32, #tpu.memory_space<vmem>> -> memref<1x16xi32, #tpu.memory_space<vmem>>
      %dma_start3A_673 = tpu.memref_squeeze %dma_start3A_672 : memref<1x16xi32, #tpu.memory_space<vmem>> -> memref<16xi32, #tpu.memory_space<vmem>>
      %dma_start3A_674 = tpu.memref_slice %arg4[%add3A_186] : memref<2048xi32, #tpu.memory_space<hbm>> -> memref<16xi32, #tpu.memory_space<hbm>>
      %dma_start3A_675 = arith.constant 0 : i32
      %dma_start3A_676 = tpu.memref_slice %arg9[%run_scoped3A_200, %dma_start3A_675] : memref<2x32xi32, #tpu.memory_space<vmem>> -> memref<1x16xi32, #tpu.memory_space<vmem>>
      %dma_start3A_677 = tpu.memref_squeeze %dma_start3A_676 : memref<1x16xi32, #tpu.memory_space<vmem>> -> memref<16xi32, #tpu.memory_space<vmem>>
      %dma_start3A_678 = tpu.memref_slice %arg4[%add3A_186] : memref<2048xi32, #tpu.memory_space<hbm>> -> memref<16xi32, #tpu.memory_space<hbm>>
      tpu.enqueue_dma source(%dma_start3A_678 : memref<16xi32, #tpu.memory_space<hbm>>) target(%dma_start3A_677 : memref<16xi32, #tpu.memory_space<vmem>>) target_semaphore(%run_scoped3A_670 : memref<!tpu.dma_semaphore, #tpu.memory_space<semaphore_mem>>)
      %dma_wait3A_679 = arith.constant 0 : i32
      %dma_wait3A_680 = tpu.memref_slice %arg9[%run_scoped3A_200, %dma_wait3A_679] : memref<2x32xi32, #tpu.memory_space<vmem>> -> memref<1x16xi32, #tpu.memory_space<vmem>>
      %dma_wait3A_681 = tpu.memref_squeeze %dma_wait3A_680 : memref<1x16xi32, #tpu.memory_space<vmem>> -> memref<16xi32, #tpu.memory_space<vmem>>
      %dma_wait3A_682 = tpu.memref_slice %arg4[%add3A_186] : memref<2048xi32, #tpu.memory_space<hbm>> -> memref<16xi32, #tpu.memory_space<hbm>>
      %dma_wait3A_683 = arith.constant 0 : i32
      %dma_wait3A_684 = tpu.memref_slice %arg9[%run_scoped3A_200, %dma_wait3A_683] : memref<2x32xi32, #tpu.memory_space<vmem>> -> memref<1x16xi32, #tpu.memory_space<vmem>>
      %dma_wait3A_685 = tpu.memref_squeeze %dma_wait3A_684 : memref<1x16xi32, #tpu.memory_space<vmem>> -> memref<16xi32, #tpu.memory_space<vmem>>
      %dma_wait3A_686 = tpu.memref_slice %arg4[%add3A_186] : memref<2048xi32, #tpu.memory_space<hbm>> -> memref<16xi32, #tpu.memory_space<hbm>>
      tpu.wait_dma2 semaphore(%run_scoped3A_670 : memref<!tpu.dma_semaphore, #tpu.memory_space<semaphore_mem>>) src(%dma_wait3A_686 : memref<16xi32, #tpu.memory_space<hbm>>) dst(%dma_wait3A_685 : memref<16xi32, #tpu.memory_space<vmem>>)
      tpu.yield
    }) : () -> ()
    %run_scoped3A_201 = arith.constant 0 : i32
    "tpu.region"() ({
      %run_scoped3A_670 = tpu.sem_alloc : memref<!tpu.dma_semaphore, #tpu.memory_space<semaphore_mem>>
      %dma_start3A_671 = arith.constant 16 : i32
      %dma_start3A_672 = tpu.memref_slice %arg9[%run_scoped3A_201, %dma_start3A_671] : memref<2x32xi32, #tpu.memory_space<vmem>> -> memref<1x16xi32, #tpu.memory_space<vmem>>
      %dma_start3A_673 = tpu.memref_squeeze %dma_start3A_672 : memref<1x16xi32, #tpu.memory_space<vmem>> -> memref<16xi32, #tpu.memory_space<vmem>>
      %dma_start3A_674 = tpu.memref_slice %arg5[%add3A_186] : memref<2048xi32, #tpu.memory_space<hbm>> -> memref<16xi32, #tpu.memory_space<hbm>>
      %dma_start3A_675 = arith.constant 16 : i32
      %dma_start3A_676 = tpu.memref_slice %arg9[%run_scoped3A_201, %dma_start3A_675] : memref<2x32xi32, #tpu.memory_space<vmem>> -> memref<1x16xi32, #tpu.memory_space<vmem>>
      %dma_start3A_677 = tpu.memref_squeeze %dma_start3A_676 : memref<1x16xi32, #tpu.memory_space<vmem>> -> memref<16xi32, #tpu.memory_space<vmem>>
      %dma_start3A_678 = tpu.memref_slice %arg5[%add3A_186] : memref<2048xi32, #tpu.memory_space<hbm>> -> memref<16xi32, #tpu.memory_space<hbm>>
      tpu.enqueue_dma source(%dma_start3A_678 : memref<16xi32, #tpu.memory_space<hbm>>) target(%dma_start3A_677 : memref<16xi32, #tpu.memory_space<vmem>>) target_semaphore(%run_scoped3A_670 : memref<!tpu.dma_semaphore, #tpu.memory_space<semaphore_mem>>)
      %dma_wait3A_679 = arith.constant 16 : i32
      %dma_wait3A_680 = tpu.memref_slice %arg9[%run_scoped3A_201, %dma_wait3A_679] : memref<2x32xi32, #tpu.memory_space<vmem>> -> memref<1x16xi32, #tpu.memory_space<vmem>>
      %dma_wait3A_681 = tpu.memref_squeeze %dma_wait3A_680 : memref<1x16xi32, #tpu.memory_space<vmem>> -> memref<16xi32, #tpu.memory_space<vmem>>
      %dma_wait3A_682 = tpu.memref_slice %arg5[%add3A_186] : memref<2048xi32, #tpu.memory_space<hbm>> -> memref<16xi32, #tpu.memory_space<hbm>>
      %dma_wait3A_683 = arith.constant 16 : i32
      %dma_wait3A_684 = tpu.memref_slice %arg9[%run_scoped3A_201, %dma_wait3A_683] : memref<2x32xi32, #tpu.memory_space<vmem>> -> memref<1x16xi32, #tpu.memory_space<vmem>>
      %dma_wait3A_685 = tpu.memref_squeeze %dma_wait3A_684 : memref<1x16xi32, #tpu.memory_space<vmem>> -> memref<16xi32, #tpu.memory_space<vmem>>
      %dma_wait3A_686 = tpu.memref_slice %arg5[%add3A_186] : memref<2048xi32, #tpu.memory_space<hbm>> -> memref<16xi32, #tpu.memory_space<hbm>>
      tpu.wait_dma2 semaphore(%run_scoped3A_670 : memref<!tpu.dma_semaphore, #tpu.memory_space<semaphore_mem>>) src(%dma_wait3A_686 : memref<16xi32, #tpu.memory_space<hbm>>) dst(%dma_wait3A_685 : memref<16xi32, #tpu.memory_space<vmem>>)
      tpu.yield
    }) : () -> ()
    %dma_start3A_202 = arith.constant 0 : i32
    %dma_start3A_203 = arith.constant 0 : i32
    %dma_start3A_204 = arith.constant 0 : i32
    %dma_start3A_205 = arith.constant 0 : i32
    %dma_start3A_206 = tpu.memref_slice %arg12[%dma_start3A_203, %dma_start3A_204, %dma_start3A_205] : memref<2x32x1024xf32, #tpu.memory_space<vmem>> -> memref<1x32x1024xf32, #tpu.memory_space<vmem>>
    %dma_start3A_207 = tpu.memref_squeeze %dma_start3A_206 : memref<1x32x1024xf32, #tpu.memory_space<vmem>> -> memref<32x1024xf32, #tpu.memory_space<vmem>>
    %dma_start3A_208 = arith.constant 0 : i32
    %dma_start3A_209 = tpu.memref_slice %arg9[%dma_start3A_202, %dma_start3A_208] : memref<2x32xi32, #tpu.memory_space<vmem>> -> memref<1x32xi32, #tpu.memory_space<vmem>>
    %dma_start3A_210 = tpu.memref_squeeze %dma_start3A_209 : memref<1x32xi32, #tpu.memory_space<vmem>> -> memref<32xi32, #tpu.memory_space<vmem>>
    %dma_start3A_211 = arith.constant 0 : i32
    %dma_start3A_212 = arith.constant 0 : i32
    %dma_start3A_213 = tpu.memref_slice %arg2[%dma_start3A_211, %dma_start3A_212] : memref<8192x1024xf32, #tpu.memory_space<hbm>> -> memref<8192x1024xf32, #tpu.memory_space<hbm>>
    tpu.enqueue_indirect_dma source(%dma_start3A_213 : memref<8192x1024xf32, #tpu.memory_space<hbm>>) target(%dma_start3A_207 : memref<32x1024xf32, #tpu.memory_space<vmem>>) offsets(%dma_start3A_210 : memref<32xi32, #tpu.memory_space<vmem>>) semaphore(%arg14 : memref<!tpu.dma_semaphore, #tpu.memory_space<semaphore_mem>>)
    %dma_start3A_214 = arith.constant 0 : i32
    %dma_start3A_215 = arith.constant 0 : i32
    %dma_start3A_216 = arith.constant 0 : i32
    %dma_start3A_217 = tpu.memref_slice %arg13[%dma_start3A_214, %dma_start3A_215, %dma_start3A_216] : memref<2x16x1024xf32, #tpu.memory_space<vmem>> -> memref<1x16x1024xf32, #tpu.memory_space<vmem>>
    %dma_start3A_218 = tpu.memref_squeeze %dma_start3A_217 : memref<1x16x1024xf32, #tpu.memory_space<vmem>> -> memref<16x1024xf32, #tpu.memory_space<vmem>>
    %dma_start3A_219 = arith.constant 0 : i32
    %dma_start3A_220 = tpu.memref_slice %arg3[%add3A_186, %dma_start3A_219] : memref<2048x1024xf32, #tpu.memory_space<hbm>> -> memref<16x1024xf32, #tpu.memory_space<hbm>>
    %dma_start3A_221 = arith.constant 0 : i32
    %dma_start3A_222 = arith.constant 0 : i32
    %dma_start3A_223 = tpu.memref_slice %arg13[%dma_start3A_214, %dma_start3A_221, %dma_start3A_222] : memref<2x16x1024xf32, #tpu.memory_space<vmem>> -> memref<1x16x1024xf32, #tpu.memory_space<vmem>>
    %dma_start3A_224 = tpu.memref_squeeze %dma_start3A_223 : memref<1x16x1024xf32, #tpu.memory_space<vmem>> -> memref<16x1024xf32, #tpu.memory_space<vmem>>
    %dma_start3A_225 = arith.constant 0 : i32
    %dma_start3A_226 = tpu.memref_slice %arg3[%add3A_186, %dma_start3A_225] : memref<2048x1024xf32, #tpu.memory_space<hbm>> -> memref<16x1024xf32, #tpu.memory_space<hbm>>
    tpu.enqueue_dma source(%dma_start3A_226 : memref<16x1024xf32, #tpu.memory_space<hbm>>) target(%dma_start3A_224 : memref<16x1024xf32, #tpu.memory_space<vmem>>) target_semaphore(%arg15 : memref<!tpu.dma_semaphore, #tpu.memory_space<semaphore_mem>>)
    %run_scoped3A_227 = arith.constant 0 : i32
    "tpu.region"() ({
      %run_scoped3A_670 = tpu.sem_alloc : memref<!tpu.dma_semaphore, #tpu.memory_space<semaphore_mem>>
      %dma_start3A_671 = arith.constant 0 : i32
      %dma_start3A_672 = tpu.memref_slice %arg10[%run_scoped3A_227, %dma_start3A_671] : memref<2x16xf32, #tpu.memory_space<vmem>> -> memref<1x16xf32, #tpu.memory_space<vmem>>
      %dma_start3A_673 = tpu.memref_squeeze %dma_start3A_672 : memref<1x16xf32, #tpu.memory_space<vmem>> -> memref<16xf32, #tpu.memory_space<vmem>>
      %dma_start3A_674 = tpu.memref_slice %arg6[%add3A_186] : memref<2048xf32, #tpu.memory_space<hbm>> -> memref<16xf32, #tpu.memory_space<hbm>>
      %dma_start3A_675 = arith.constant 0 : i32
      %dma_start3A_676 = tpu.memref_slice %arg10[%run_scoped3A_227, %dma_start3A_675] : memref<2x16xf32, #tpu.memory_space<vmem>> -> memref<1x16xf32, #tpu.memory_space<vmem>>
      %dma_start3A_677 = tpu.memref_squeeze %dma_start3A_676 : memref<1x16xf32, #tpu.memory_space<vmem>> -> memref<16xf32, #tpu.memory_space<vmem>>
      %dma_start3A_678 = tpu.memref_slice %arg6[%add3A_186] : memref<2048xf32, #tpu.memory_space<hbm>> -> memref<16xf32, #tpu.memory_space<hbm>>
      tpu.enqueue_dma source(%dma_start3A_678 : memref<16xf32, #tpu.memory_space<hbm>>) target(%dma_start3A_677 : memref<16xf32, #tpu.memory_space<vmem>>) target_semaphore(%run_scoped3A_670 : memref<!tpu.dma_semaphore, #tpu.memory_space<semaphore_mem>>)
      %dma_wait3A_679 = arith.constant 0 : i32
      %dma_wait3A_680 = tpu.memref_slice %arg10[%run_scoped3A_227, %dma_wait3A_679] : memref<2x16xf32, #tpu.memory_space<vmem>> -> memref<1x16xf32, #tpu.memory_space<vmem>>
      %dma_wait3A_681 = tpu.memref_squeeze %dma_wait3A_680 : memref<1x16xf32, #tpu.memory_space<vmem>> -> memref<16xf32, #tpu.memory_space<vmem>>
      %dma_wait3A_682 = tpu.memref_slice %arg6[%add3A_186] : memref<2048xf32, #tpu.memory_space<hbm>> -> memref<16xf32, #tpu.memory_space<hbm>>
      %dma_wait3A_683 = arith.constant 0 : i32
      %dma_wait3A_684 = tpu.memref_slice %arg10[%run_scoped3A_227, %dma_wait3A_683] : memref<2x16xf32, #tpu.memory_space<vmem>> -> memref<1x16xf32, #tpu.memory_space<vmem>>
      %dma_wait3A_685 = tpu.memref_squeeze %dma_wait3A_684 : memref<1x16xf32, #tpu.memory_space<vmem>> -> memref<16xf32, #tpu.memory_space<vmem>>
      %dma_wait3A_686 = tpu.memref_slice %arg6[%add3A_186] : memref<2048xf32, #tpu.memory_space<hbm>> -> memref<16xf32, #tpu.memory_space<hbm>>
      tpu.wait_dma2 semaphore(%run_scoped3A_670 : memref<!tpu.dma_semaphore, #tpu.memory_space<semaphore_mem>>) src(%dma_wait3A_686 : memref<16xf32, #tpu.memory_space<hbm>>) dst(%dma_wait3A_685 : memref<16xf32, #tpu.memory_space<vmem>>)
      tpu.yield
    }) : () -> ()
    %run_scoped3A_228 = arith.constant 0 : i32
    "tpu.region"() ({
      %run_scoped3A_670 = tpu.sem_alloc : memref<!tpu.dma_semaphore, #tpu.memory_space<semaphore_mem>>
      %dma_start3A_671 = arith.constant 0 : i32
      %dma_start3A_672 = tpu.memref_slice %arg11[%run_scoped3A_228, %dma_start3A_671] : memref<2x16xf32, #tpu.memory_space<vmem>> -> memref<1x16xf32, #tpu.memory_space<vmem>>
      %dma_start3A_673 = tpu.memref_squeeze %dma_start3A_672 : memref<1x16xf32, #tpu.memory_space<vmem>> -> memref<16xf32, #tpu.memory_space<vmem>>
      %dma_start3A_674 = tpu.memref_slice %arg7[%add3A_186] : memref<2048xf32, #tpu.memory_space<hbm>> -> memref<16xf32, #tpu.memory_space<hbm>>
      %dma_start3A_675 = arith.constant 0 : i32
      %dma_start3A_676 = tpu.memref_slice %arg11[%run_scoped3A_228, %dma_start3A_675] : memref<2x16xf32, #tpu.memory_space<vmem>> -> memref<1x16xf32, #tpu.memory_space<vmem>>
      %dma_start3A_677 = tpu.memref_squeeze %dma_start3A_676 : memref<1x16xf32, #tpu.memory_space<vmem>> -> memref<16xf32, #tpu.memory_space<vmem>>
      %dma_start3A_678 = tpu.memref_slice %arg7[%add3A_186] : memref<2048xf32, #tpu.memory_space<hbm>> -> memref<16xf32, #tpu.memory_space<hbm>>
      tpu.enqueue_dma source(%dma_start3A_678 : memref<16xf32, #tpu.memory_space<hbm>>) target(%dma_start3A_677 : memref<16xf32, #tpu.memory_space<vmem>>) target_semaphore(%run_scoped3A_670 : memref<!tpu.dma_semaphore, #tpu.memory_space<semaphore_mem>>)
      %dma_wait3A_679 = arith.constant 0 : i32
      %dma_wait3A_680 = tpu.memref_slice %arg11[%run_scoped3A_228, %dma_wait3A_679] : memref<2x16xf32, #tpu.memory_space<vmem>> -> memref<1x16xf32, #tpu.memory_space<vmem>>
      %dma_wait3A_681 = tpu.memref_squeeze %dma_wait3A_680 : memref<1x16xf32, #tpu.memory_space<vmem>> -> memref<16xf32, #tpu.memory_space<vmem>>
      %dma_wait3A_682 = tpu.memref_slice %arg7[%add3A_186] : memref<2048xf32, #tpu.memory_space<hbm>> -> memref<16xf32, #tpu.memory_space<hbm>>
      %dma_wait3A_683 = arith.constant 0 : i32
      %dma_wait3A_684 = tpu.memref_slice %arg11[%run_scoped3A_228, %dma_wait3A_683] : memref<2x16xf32, #tpu.memory_space<vmem>> -> memref<1x16xf32, #tpu.memory_space<vmem>>
      %dma_wait3A_685 = tpu.memref_squeeze %dma_wait3A_684 : memref<1x16xf32, #tpu.memory_space<vmem>> -> memref<16xf32, #tpu.memory_space<vmem>>
      %dma_wait3A_686 = tpu.memref_slice %arg7[%add3A_186] : memref<2048xf32, #tpu.memory_space<hbm>> -> memref<16xf32, #tpu.memory_space<hbm>>
      tpu.wait_dma2 semaphore(%run_scoped3A_670 : memref<!tpu.dma_semaphore, #tpu.memory_space<semaphore_mem>>) src(%dma_wait3A_686 : memref<16xf32, #tpu.memory_space<hbm>>) dst(%dma_wait3A_685 : memref<16xf32, #tpu.memory_space<vmem>>)
      tpu.yield
    }) : () -> ()
    %dma_wait3A_229 = arith.constant 1 : i32
    %dma_wait3A_230 = arith.constant 1 : i32
    %dma_wait3A_231 = arith.constant 0 : i32
    %dma_wait3A_232 = arith.constant 0 : i32
    %dma_wait3A_233 = tpu.memref_slice %arg12[%dma_wait3A_230, %dma_wait3A_231, %dma_wait3A_232] : memref<2x32x1024xf32, #tpu.memory_space<vmem>> -> memref<1x32x1024xf32, #tpu.memory_space<vmem>>
    %dma_wait3A_234 = tpu.memref_squeeze %dma_wait3A_233 : memref<1x32x1024xf32, #tpu.memory_space<vmem>> -> memref<32x1024xf32, #tpu.memory_space<vmem>>
    %dma_wait3A_235 = arith.constant 0 : i32
    %dma_wait3A_236 = tpu.memref_slice %arg9[%dma_wait3A_229, %dma_wait3A_235] : memref<2x32xi32, #tpu.memory_space<vmem>> -> memref<1x32xi32, #tpu.memory_space<vmem>>
    %dma_wait3A_237 = tpu.memref_squeeze %dma_wait3A_236 : memref<1x32xi32, #tpu.memory_space<vmem>> -> memref<32xi32, #tpu.memory_space<vmem>>
    %dma_wait3A_238 = arith.constant 0 : i32
    %dma_wait3A_239 = arith.constant 0 : i32
    %dma_wait3A_240 = tpu.memref_slice %arg2[%dma_wait3A_238, %dma_wait3A_239] : memref<8192x1024xf32, #tpu.memory_space<hbm>> -> memref<8192x1024xf32, #tpu.memory_space<hbm>>
    tpu.wait_indirect_dma semaphore(%arg14 : memref<!tpu.dma_semaphore, #tpu.memory_space<semaphore_mem>>) src(%dma_wait3A_240 : memref<8192x1024xf32, #tpu.memory_space<hbm>>) dst(%dma_wait3A_234 : memref<32x1024xf32, #tpu.memory_space<vmem>>)
    %dma_wait3A_241 = arith.constant 1 : i32
    %dma_wait3A_242 = arith.constant 0 : i32
    %dma_wait3A_243 = arith.constant 0 : i32
    %dma_wait3A_244 = tpu.memref_slice %arg13[%dma_wait3A_241, %dma_wait3A_242, %dma_wait3A_243] : memref<2x16x1024xf32, #tpu.memory_space<vmem>> -> memref<1x16x1024xf32, #tpu.memory_space<vmem>>
    %dma_wait3A_245 = tpu.memref_squeeze %dma_wait3A_244 : memref<1x16x1024xf32, #tpu.memory_space<vmem>> -> memref<16x1024xf32, #tpu.memory_space<vmem>>
    %dma_wait3A_246 = arith.constant 0 : i32
    %dma_wait3A_247 = tpu.memref_slice %arg3[%add3A_35, %dma_wait3A_246] : memref<2048x1024xf32, #tpu.memory_space<hbm>> -> memref<16x1024xf32, #tpu.memory_space<hbm>>
    %dma_wait3A_248 = arith.constant 0 : i32
    %dma_wait3A_249 = arith.constant 0 : i32
    %dma_wait3A_250 = tpu.memref_slice %arg13[%dma_wait3A_241, %dma_wait3A_248, %dma_wait3A_249] : memref<2x16x1024xf32, #tpu.memory_space<vmem>> -> memref<1x16x1024xf32, #tpu.memory_space<vmem>>
    %dma_wait3A_251 = tpu.memref_squeeze %dma_wait3A_250 : memref<1x16x1024xf32, #tpu.memory_space<vmem>> -> memref<16x1024xf32, #tpu.memory_space<vmem>>
    %dma_wait3A_252 = arith.constant 0 : i32
    %dma_wait3A_253 = tpu.memref_slice %arg3[%add3A_35, %dma_wait3A_252] : memref<2048x1024xf32, #tpu.memory_space<hbm>> -> memref<16x1024xf32, #tpu.memory_space<hbm>>
    tpu.wait_dma2 semaphore(%arg15 : memref<!tpu.dma_semaphore, #tpu.memory_space<semaphore_mem>>) src(%dma_wait3A_253 : memref<16x1024xf32, #tpu.memory_space<hbm>>) dst(%dma_wait3A_251 : memref<16x1024xf32, #tpu.memory_space<vmem>>)
    %get3A_254 = arith.constant 1 : i32
    %get3A_255 = arith.index_cast %get3A_254 : i32 to index
    %get3A_256 = arith.constant 0 : index
    %get3A_257 = tpu.vector_load %arg10[%get3A_255, %get3A_256] {strides = array<i32>} : memref<2x16xf32, #tpu.memory_space<vmem>>, vector<1x16xf32>,
    %get3A_258 = vector.shape_cast %get3A_257 : vector<1x16xf32> to vector<16xf32>
    %get3A_259 = arith.constant 1 : i32
    %get3A_260 = arith.index_cast %get3A_259 : i32 to index
    %get3A_261 = arith.constant 0 : index
    %get3A_262 = tpu.vector_load %arg11[%get3A_260, %get3A_261] {strides = array<i32>} : memref<2x16xf32, #tpu.memory_space<vmem>>, vector<1x16xf32>,
    %get3A_263 = vector.shape_cast %get3A_262 : vector<1x16xf32> to vector<16xf32>
    %slice3A_264 = vector.extract_strided_slice %get3A_258 {offsets = [0], sizes = [1], strides = [1]} : vector<16xf32> to vector<1xf32>
    %squeeze3A_265 = vector.extract %slice3A_264[0] : f32 from vector<1xf32>
    %slice3A_266 = vector.extract_strided_slice %get3A_258 {offsets = [1], sizes = [1], strides = [1]} : vector<16xf32> to vector<1xf32>
    %squeeze3A_267 = vector.extract %slice3A_266[0] : f32 from vector<1xf32>
    %slice3A_268 = vector.extract_strided_slice %get3A_258 {offsets = [2], sizes = [1], strides = [1]} : vector<16xf32> to vector<1xf32>
    %squeeze3A_269 = vector.extract %slice3A_268[0] : f32 from vector<1xf32>
    %slice3A_270 = vector.extract_strided_slice %get3A_258 {offsets = [3], sizes = [1], strides = [1]} : vector<16xf32> to vector<1xf32>
    %squeeze3A_271 = vector.extract %slice3A_270[0] : f32 from vector<1xf32>
    %slice3A_272 = vector.extract_strided_slice %get3A_258 {offsets = [4], sizes = [1], strides = [1]} : vector<16xf32> to vector<1xf32>
    %squeeze3A_273 = vector.extract %slice3A_272[0] : f32 from vector<1xf32>
    %slice3A_274 = vector.extract_strided_slice %get3A_258 {offsets = [5], sizes = [1], strides = [1]} : vector<16xf32> to vector<1xf32>
    %squeeze3A_275 = vector.extract %slice3A_274[0] : f32 from vector<1xf32>
    %slice3A_276 = vector.extract_strided_slice %get3A_258 {offsets = [6], sizes = [1], strides = [1]} : vector<16xf32> to vector<1xf32>
    %squeeze3A_277 = vector.extract %slice3A_276[0] : f32 from vector<1xf32>
    %slice3A_278 = vector.extract_strided_slice %get3A_258 {offsets = [7], sizes = [1], strides = [1]} : vector<16xf32> to vector<1xf32>
    %squeeze3A_279 = vector.extract %slice3A_278[0] : f32 from vector<1xf32>
    %slice3A_280 = vector.extract_strided_slice %get3A_258 {offsets = [8], sizes = [1], strides = [1]} : vector<16xf32> to vector<1xf32>
    %squeeze3A_281 = vector.extract %slice3A_280[0] : f32 from vector<1xf32>
    %slice3A_282 = vector.extract_strided_slice %get3A_258 {offsets = [9], sizes = [1], strides = [1]} : vector<16xf32> to vector<1xf32>
    %squeeze3A_283 = vector.extract %slice3A_282[0] : f32 from vector<1xf32>
    %slice3A_284 = vector.extract_strided_slice %get3A_258 {offsets = [10], sizes = [1], strides = [1]} : vector<16xf32> to vector<1xf32>
    %squeeze3A_285 = vector.extract %slice3A_284[0] : f32 from vector<1xf32>
    %slice3A_286 = vector.extract_strided_slice %get3A_258 {offsets = [11], sizes = [1], strides = [1]} : vector<16xf32> to vector<1xf32>
    %squeeze3A_287 = vector.extract %slice3A_286[0] : f32 from vector<1xf32>
    %slice3A_288 = vector.extract_strided_slice %get3A_258 {offsets = [12], sizes = [1], strides = [1]} : vector<16xf32> to vector<1xf32>
    %squeeze3A_289 = vector.extract %slice3A_288[0] : f32 from vector<1xf32>
    %slice3A_290 = vector.extract_strided_slice %get3A_258 {offsets = [13], sizes = [1], strides = [1]} : vector<16xf32> to vector<1xf32>
    %squeeze3A_291 = vector.extract %slice3A_290[0] : f32 from vector<1xf32>
    %slice3A_292 = vector.extract_strided_slice %get3A_258 {offsets = [14], sizes = [1], strides = [1]} : vector<16xf32> to vector<1xf32>
    %squeeze3A_293 = vector.extract %slice3A_292[0] : f32 from vector<1xf32>
    %slice3A_294 = vector.extract_strided_slice %get3A_258 {offsets = [15], sizes = [1], strides = [1]} : vector<16xf32> to vector<1xf32>
    %squeeze3A_295 = vector.extract %slice3A_294[0] : f32 from vector<1xf32>
    %slice3A_296 = vector.extract_strided_slice %get3A_263 {offsets = [0], sizes = [1], strides = [1]} : vector<16xf32> to vector<1xf32>
    %squeeze3A_297 = vector.extract %slice3A_296[0] : f32 from vector<1xf32>
    %slice3A_298 = vector.extract_strided_slice %get3A_263 {offsets = [1], sizes = [1], strides = [1]} : vector<16xf32> to vector<1xf32>
    %squeeze3A_299 = vector.extract %slice3A_298[0] : f32 from vector<1xf32>
    %slice3A_300 = vector.extract_strided_slice %get3A_263 {offsets = [2], sizes = [1], strides = [1]} : vector<16xf32> to vector<1xf32>
    %squeeze3A_301 = vector.extract %slice3A_300[0] : f32 from vector<1xf32>
    %slice3A_302 = vector.extract_strided_slice %get3A_263 {offsets = [3], sizes = [1], strides = [1]} : vector<16xf32> to vector<1xf32>
    %squeeze3A_303 = vector.extract %slice3A_302[0] : f32 from vector<1xf32>
    %slice3A_304 = vector.extract_strided_slice %get3A_263 {offsets = [4], sizes = [1], strides = [1]} : vector<16xf32> to vector<1xf32>
    %squeeze3A_305 = vector.extract %slice3A_304[0] : f32 from vector<1xf32>
    %slice3A_306 = vector.extract_strided_slice %get3A_263 {offsets = [5], sizes = [1], strides = [1]} : vector<16xf32> to vector<1xf32>
    %squeeze3A_307 = vector.extract %slice3A_306[0] : f32 from vector<1xf32>
    %slice3A_308 = vector.extract_strided_slice %get3A_263 {offsets = [6], sizes = [1], strides = [1]} : vector<16xf32> to vector<1xf32>
    %squeeze3A_309 = vector.extract %slice3A_308[0] : f32 from vector<1xf32>
    %slice3A_310 = vector.extract_strided_slice %get3A_263 {offsets = [7], sizes = [1], strides = [1]} : vector<16xf32> to vector<1xf32>
    %squeeze3A_311 = vector.extract %slice3A_310[0] : f32 from vector<1xf32>
    %slice3A_312 = vector.extract_strided_slice %get3A_263 {offsets = [8], sizes = [1], strides = [1]} : vector<16xf32> to vector<1xf32>
    %squeeze3A_313 = vector.extract %slice3A_312[0] : f32 from vector<1xf32>
    %slice3A_314 = vector.extract_strided_slice %get3A_263 {offsets = [9], sizes = [1], strides = [1]} : vector<16xf32> to vector<1xf32>
    %squeeze3A_315 = vector.extract %slice3A_314[0] : f32 from vector<1xf32>
    %slice3A_316 = vector.extract_strided_slice %get3A_263 {offsets = [10], sizes = [1], strides = [1]} : vector<16xf32> to vector<1xf32>
    %squeeze3A_317 = vector.extract %slice3A_316[0] : f32 from vector<1xf32>
    %slice3A_318 = vector.extract_strided_slice %get3A_263 {offsets = [11], sizes = [1], strides = [1]} : vector<16xf32> to vector<1xf32>
    %squeeze3A_319 = vector.extract %slice3A_318[0] : f32 from vector<1xf32>
    %slice3A_320 = vector.extract_strided_slice %get3A_263 {offsets = [12], sizes = [1], strides = [1]} : vector<16xf32> to vector<1xf32>
    %squeeze3A_321 = vector.extract %slice3A_320[0] : f32 from vector<1xf32>
    %slice3A_322 = vector.extract_strided_slice %get3A_263 {offsets = [13], sizes = [1], strides = [1]} : vector<16xf32> to vector<1xf32>
    %squeeze3A_323 = vector.extract %slice3A_322[0] : f32 from vector<1xf32>
    %slice3A_324 = vector.extract_strided_slice %get3A_263 {offsets = [14], sizes = [1], strides = [1]} : vector<16xf32> to vector<1xf32>
    %squeeze3A_325 = vector.extract %slice3A_324[0] : f32 from vector<1xf32>
    %slice3A_326 = vector.extract_strided_slice %get3A_263 {offsets = [15], sizes = [1], strides = [1]} : vector<16xf32> to vector<1xf32>
    %squeeze3A_327 = vector.extract %slice3A_326[0] : f32 from vector<1xf32>
    %scan3A_328 = arith.constant 0 : i32
    %scan3A_329 = arith.constant 0 : i32
    %scan3A_330 = arith.constant 64 : i32
    %scan3A_331 = arith.addi %scan3A_329, %scan3A_330 : i32
    %scan3A_332 = arith.constant 1 : i32
    %scan3A_333 = scf.for %scan3A_670 = %scan3A_329 to %scan3A_331 step %scan3A_332 iter_args(%scan3A_671 = %scan3A_328) -> (i32)  : i32 {
      %mul3A_672 = arith.constant 16 : i32
      %mul3A_673 = arith.muli %scan3A_670, %mul3A_672 : i32
      %get3A_674 = arith.constant 1 : i32
      %get3A_675 = arith.constant 0 : i32
      %get3A_676 = arith.index_cast %get3A_674 : i32 to index
      %get3A_677 = arith.index_cast %get3A_675 : i32 to index
      %get3A_678 = arith.index_cast %mul3A_673 : i32 to index
      %get3A_679 = tpu.vector_load %arg13[%get3A_676, %get3A_677, %get3A_678] {strides = array<i32>} : memref<2x16x1024xf32, #tpu.memory_space<vmem>>, vector<1x1x16xf32>,
      %get3A_680 = vector.shape_cast %get3A_679 : vector<1x1x16xf32> to vector<16xf32>
      %get3A_681 = arith.constant 1 : i32
      %get3A_682 = arith.constant 0 : i32
      %get3A_683 = arith.index_cast %get3A_681 : i32 to index
      %get3A_684 = arith.index_cast %get3A_682 : i32 to index
      %get3A_685 = arith.index_cast %mul3A_673 : i32 to index
      %get3A_686 = tpu.vector_load %arg12[%get3A_683, %get3A_684, %get3A_685] {strides = array<i32>} : memref<2x32x1024xf32, #tpu.memory_space<vmem>>, vector<1x1x16xf32>,
      %get3A_687 = vector.shape_cast %get3A_686 : vector<1x1x16xf32> to vector<16xf32>
      %mul3A_688 = vector.broadcast %squeeze3A_265 : f32 to vector<16xf32>
      %mul3A_689 = arith.mulf %mul3A_688, %get3A_687 : vector<16xf32>
      %add3A_690 = arith.addf %get3A_680, %mul3A_689 : vector<16xf32>
      %get3A_691 = arith.constant 1 : i32
      %get3A_692 = arith.constant 16 : i32
      %get3A_693 = arith.index_cast %get3A_691 : i32 to index
      %get3A_694 = arith.index_cast %get3A_692 : i32 to index
      %get3A_695 = arith.index_cast %mul3A_673 : i32 to index
      %get3A_696 = tpu.vector_load %arg12[%get3A_693, %get3A_694, %get3A_695] {strides = array<i32>} : memref<2x32x1024xf32, #tpu.memory_space<vmem>>, vector<1x1x16xf32>,
      %get3A_697 = vector.shape_cast %get3A_696 : vector<1x1x16xf32> to vector<16xf32>
      %mul3A_698 = vector.broadcast %squeeze3A_297 : f32 to vector<16xf32>
      %mul3A_699 = arith.mulf %mul3A_698, %get3A_697 : vector<16xf32>
      %add3A_700 = arith.addf %add3A_690, %mul3A_699 : vector<16xf32>
      %swap3A = arith.constant 1 : i32
      %swap3A_701 = arith.constant 0 : i32
      %swap3A_702 = arith.index_cast %swap3A : i32 to index
      %swap3A_703 = arith.index_cast %swap3A_701 : i32 to index
      %swap3A_704 = arith.index_cast %mul3A_673 : i32 to index
      %swap3A_705 = tpu.vector_load %arg13[%swap3A_702, %swap3A_703, %swap3A_704] {strides = array<i32>} : memref<2x16x1024xf32, #tpu.memory_space<vmem>>, vector<1x1x16xf32>,
      %swap3A_706 = vector.shape_cast %swap3A_705 : vector<1x1x16xf32> to vector<16xf32>
      %swap3A_707 = vector.shape_cast %add3A_700 : vector<16xf32> to vector<1x1x16xf32>
      tpu.vector_store %arg13[%swap3A_702, %swap3A_703, %swap3A_704], %swap3A_707 {strides = array<i32>} : memref<2x16x1024xf32, #tpu.memory_space<vmem>>, vector<1x1x16xf32>,
      %get3A_708 = arith.constant 1 : i32
      %get3A_709 = arith.constant 1 : i32
      %get3A_710 = arith.index_cast %get3A_708 : i32 to index
      %get3A_711 = arith.index_cast %get3A_709 : i32 to index
      %get3A_712 = arith.index_cast %mul3A_673 : i32 to index
      %get3A_713 = tpu.vector_load %arg13[%get3A_710, %get3A_711, %get3A_712] {strides = array<i32>} : memref<2x16x1024xf32, #tpu.memory_space<vmem>>, vector<1x1x16xf32>,
      %get3A_714 = vector.shape_cast %get3A_713 : vector<1x1x16xf32> to vector<16xf32>
      %get3A_715 = arith.constant 1 : i32
      %get3A_716 = arith.constant 1 : i32
      %get3A_717 = arith.index_cast %get3A_715 : i32 to index
      %get3A_718 = arith.index_cast %get3A_716 : i32 to index
      %get3A_719 = arith.index_cast %mul3A_673 : i32 to index
      %get3A_720 = tpu.vector_load %arg12[%get3A_717, %get3A_718, %get3A_719] {strides = array<i32>} : memref<2x32x1024xf32, #tpu.memory_space<vmem>>, vector<1x1x16xf32>,
      %get3A_721 = vector.shape_cast %get3A_720 : vector<1x1x16xf32> to vector<16xf32>
      %mul3A_722 = vector.broadcast %squeeze3A_267 : f32 to vector<16xf32>
      %mul3A_723 = arith.mulf %mul3A_722, %get3A_721 : vector<16xf32>
      %add3A_724 = arith.addf %get3A_714, %mul3A_723 : vector<16xf32>
      %get3A_725 = arith.constant 1 : i32
      %get3A_726 = arith.constant 17 : i32
      %get3A_727 = arith.index_cast %get3A_725 : i32 to index
      %get3A_728 = arith.index_cast %get3A_726 : i32 to index
      %get3A_729 = arith.index_cast %mul3A_673 : i32 to index
      %get3A_730 = tpu.vector_load %arg12[%get3A_727, %get3A_728, %get3A_729] {strides = array<i32>} : memref<2x32x1024xf32, #tpu.memory_space<vmem>>, vector<1x1x16xf32>,
      %get3A_731 = vector.shape_cast %get3A_730 : vector<1x1x16xf32> to vector<16xf32>
      %mul3A_732 = vector.broadcast %squeeze3A_299 : f32 to vector<16xf32>
      %mul3A_733 = arith.mulf %mul3A_732, %get3A_731 : vector<16xf32>
      %add3A_734 = arith.addf %add3A_724, %mul3A_733 : vector<16xf32>
      %swap3A_735 = arith.constant 1 : i32
      %swap3A_736 = arith.constant 1 : i32
      %swap3A_737 = arith.index_cast %swap3A_735 : i32 to index
      %swap3A_738 = arith.index_cast %swap3A_736 : i32 to index
      %swap3A_739 = arith.index_cast %mul3A_673 : i32 to index
      %swap3A_740 = tpu.vector_load %arg13[%swap3A_737, %swap3A_738, %swap3A_739] {strides = array<i32>} : memref<2x16x1024xf32, #tpu.memory_space<vmem>>, vector<1x1x16xf32>,
      %swap3A_741 = vector.shape_cast %swap3A_740 : vector<1x1x16xf32> to vector<16xf32>
      %swap3A_742 = vector.shape_cast %add3A_734 : vector<16xf32> to vector<1x1x16xf32>
      tpu.vector_store %arg13[%swap3A_737, %swap3A_738, %swap3A_739], %swap3A_742 {strides = array<i32>} : memref<2x16x1024xf32, #tpu.memory_space<vmem>>, vector<1x1x16xf32>,
      %get3A_743 = arith.constant 1 : i32
      %get3A_744 = arith.constant 2 : i32
      %get3A_745 = arith.index_cast %get3A_743 : i32 to index
      %get3A_746 = arith.index_cast %get3A_744 : i32 to index
      %get3A_747 = arith.index_cast %mul3A_673 : i32 to index
      %get3A_748 = tpu.vector_load %arg13[%get3A_745, %get3A_746, %get3A_747] {strides = array<i32>} : memref<2x16x1024xf32, #tpu.memory_space<vmem>>, vector<1x1x16xf32>,
      %get3A_749 = vector.shape_cast %get3A_748 : vector<1x1x16xf32> to vector<16xf32>
      %get3A_750 = arith.constant 1 : i32
      %get3A_751 = arith.constant 2 : i32
      %get3A_752 = arith.index_cast %get3A_750 : i32 to index
      %get3A_753 = arith.index_cast %get3A_751 : i32 to index
      %get3A_754 = arith.index_cast %mul3A_673 : i32 to index
      %get3A_755 = tpu.vector_load %arg12[%get3A_752, %get3A_753, %get3A_754] {strides = array<i32>} : memref<2x32x1024xf32, #tpu.memory_space<vmem>>, vector<1x1x16xf32>,
      %get3A_756 = vector.shape_cast %get3A_755 : vector<1x1x16xf32> to vector<16xf32>
      %mul3A_757 = vector.broadcast %squeeze3A_269 : f32 to vector<16xf32>
      %mul3A_758 = arith.mulf %mul3A_757, %get3A_756 : vector<16xf32>
      %add3A_759 = arith.addf %get3A_749, %mul3A_758 : vector<16xf32>
      %get3A_760 = arith.constant 1 : i32
      %get3A_761 = arith.constant 18 : i32
      %get3A_762 = arith.index_cast %get3A_760 : i32 to index
      %get3A_763 = arith.index_cast %get3A_761 : i32 to index
      %get3A_764 = arith.index_cast %mul3A_673 : i32 to index
      %get3A_765 = tpu.vector_load %arg12[%get3A_762, %get3A_763, %get3A_764] {strides = array<i32>} : memref<2x32x1024xf32, #tpu.memory_space<vmem>>, vector<1x1x16xf32>,
      %get3A_766 = vector.shape_cast %get3A_765 : vector<1x1x16xf32> to vector<16xf32>
      %mul3A_767 = vector.broadcast %squeeze3A_301 : f32 to vector<16xf32>
      %mul3A_768 = arith.mulf %mul3A_767, %get3A_766 : vector<16xf32>
      %add3A_769 = arith.addf %add3A_759, %mul3A_768 : vector<16xf32>
      %swap3A_770 = arith.constant 1 : i32
      %swap3A_771 = arith.constant 2 : i32
      %swap3A_772 = arith.index_cast %swap3A_770 : i32 to index
      %swap3A_773 = arith.index_cast %swap3A_771 : i32 to index
      %swap3A_774 = arith.index_cast %mul3A_673 : i32 to index
      %swap3A_775 = tpu.vector_load %arg13[%swap3A_772, %swap3A_773, %swap3A_774] {strides = array<i32>} : memref<2x16x1024xf32, #tpu.memory_space<vmem>>, vector<1x1x16xf32>,
      %swap3A_776 = vector.shape_cast %swap3A_775 : vector<1x1x16xf32> to vector<16xf32>
      %swap3A_777 = vector.shape_cast %add3A_769 : vector<16xf32> to vector<1x1x16xf32>
      tpu.vector_store %arg13[%swap3A_772, %swap3A_773, %swap3A_774], %swap3A_777 {strides = array<i32>} : memref<2x16x1024xf32, #tpu.memory_space<vmem>>, vector<1x1x16xf32>,
      %get3A_778 = arith.constant 1 : i32
      %get3A_779 = arith.constant 3 : i32
      %get3A_780 = arith.index_cast %get3A_778 : i32 to index
      %get3A_781 = arith.index_cast %get3A_779 : i32 to index
      %get3A_782 = arith.index_cast %mul3A_673 : i32 to index
      %get3A_783 = tpu.vector_load %arg13[%get3A_780, %get3A_781, %get3A_782] {strides = array<i32>} : memref<2x16x1024xf32, #tpu.memory_space<vmem>>, vector<1x1x16xf32>,
      %get3A_784 = vector.shape_cast %get3A_783 : vector<1x1x16xf32> to vector<16xf32>
      %get3A_785 = arith.constant 1 : i32
      %get3A_786 = arith.constant 3 : i32
      %get3A_787 = arith.index_cast %get3A_785 : i32 to index
      %get3A_788 = arith.index_cast %get3A_786 : i32 to index
      %get3A_789 = arith.index_cast %mul3A_673 : i32 to index
      %get3A_790 = tpu.vector_load %arg12[%get3A_787, %get3A_788, %get3A_789] {strides = array<i32>} : memref<2x32x1024xf32, #tpu.memory_space<vmem>>, vector<1x1x16xf32>,
      %get3A_791 = vector.shape_cast %get3A_790 : vector<1x1x16xf32> to vector<16xf32>
      %mul3A_792 = vector.broadcast %squeeze3A_271 : f32 to vector<16xf32>
      %mul3A_793 = arith.mulf %mul3A_792, %get3A_791 : vector<16xf32>
      %add3A_794 = arith.addf %get3A_784, %mul3A_793 : vector<16xf32>
      %get3A_795 = arith.constant 1 : i32
      %get3A_796 = arith.constant 19 : i32
      %get3A_797 = arith.index_cast %get3A_795 : i32 to index
      %get3A_798 = arith.index_cast %get3A_796 : i32 to index
      %get3A_799 = arith.index_cast %mul3A_673 : i32 to index
      %get3A_800 = tpu.vector_load %arg12[%get3A_797, %get3A_798, %get3A_799] {strides = array<i32>} : memref<2x32x1024xf32, #tpu.memory_space<vmem>>, vector<1x1x16xf32>,
      %get3A_801 = vector.shape_cast %get3A_800 : vector<1x1x16xf32> to vector<16xf32>
      %mul3A_802 = vector.broadcast %squeeze3A_303 : f32 to vector<16xf32>
      %mul3A_803 = arith.mulf %mul3A_802, %get3A_801 : vector<16xf32>
      %add3A_804 = arith.addf %add3A_794, %mul3A_803 : vector<16xf32>
      %swap3A_805 = arith.constant 1 : i32
      %swap3A_806 = arith.constant 3 : i32
      %swap3A_807 = arith.index_cast %swap3A_805 : i32 to index
      %swap3A_808 = arith.index_cast %swap3A_806 : i32 to index
      %swap3A_809 = arith.index_cast %mul3A_673 : i32 to index
      %swap3A_810 = tpu.vector_load %arg13[%swap3A_807, %swap3A_808, %swap3A_809] {strides = array<i32>} : memref<2x16x1024xf32, #tpu.memory_space<vmem>>, vector<1x1x16xf32>,
      %swap3A_811 = vector.shape_cast %swap3A_810 : vector<1x1x16xf32> to vector<16xf32>
      %swap3A_812 = vector.shape_cast %add3A_804 : vector<16xf32> to vector<1x1x16xf32>
      tpu.vector_store %arg13[%swap3A_807, %swap3A_808, %swap3A_809], %swap3A_812 {strides = array<i32>} : memref<2x16x1024xf32, #tpu.memory_space<vmem>>, vector<1x1x16xf32>,
      %get3A_813 = arith.constant 1 : i32
      %get3A_814 = arith.constant 4 : i32
      %get3A_815 = arith.index_cast %get3A_813 : i32 to index
      %get3A_816 = arith.index_cast %get3A_814 : i32 to index
      %get3A_817 = arith.index_cast %mul3A_673 : i32 to index
      %get3A_818 = tpu.vector_load %arg13[%get3A_815, %get3A_816, %get3A_817] {strides = array<i32>} : memref<2x16x1024xf32, #tpu.memory_space<vmem>>, vector<1x1x16xf32>,
      %get3A_819 = vector.shape_cast %get3A_818 : vector<1x1x16xf32> to vector<16xf32>
      %get3A_820 = arith.constant 1 : i32
      %get3A_821 = arith.constant 4 : i32
      %get3A_822 = arith.index_cast %get3A_820 : i32 to index
      %get3A_823 = arith.index_cast %get3A_821 : i32 to index
      %get3A_824 = arith.index_cast %mul3A_673 : i32 to index
      %get3A_825 = tpu.vector_load %arg12[%get3A_822, %get3A_823, %get3A_824] {strides = array<i32>} : memref<2x32x1024xf32, #tpu.memory_space<vmem>>, vector<1x1x16xf32>,
      %get3A_826 = vector.shape_cast %get3A_825 : vector<1x1x16xf32> to vector<16xf32>
      %mul3A_827 = vector.broadcast %squeeze3A_273 : f32 to vector<16xf32>
      %mul3A_828 = arith.mulf %mul3A_827, %get3A_826 : vector<16xf32>
      %add3A_829 = arith.addf %get3A_819, %mul3A_828 : vector<16xf32>
      %get3A_830 = arith.constant 1 : i32
      %get3A_831 = arith.constant 20 : i32
      %get3A_832 = arith.index_cast %get3A_830 : i32 to index
      %get3A_833 = arith.index_cast %get3A_831 : i32 to index
      %get3A_834 = arith.index_cast %mul3A_673 : i32 to index
      %get3A_835 = tpu.vector_load %arg12[%get3A_832, %get3A_833, %get3A_834] {strides = array<i32>} : memref<2x32x1024xf32, #tpu.memory_space<vmem>>, vector<1x1x16xf32>,
      %get3A_836 = vector.shape_cast %get3A_835 : vector<1x1x16xf32> to vector<16xf32>
      %mul3A_837 = vector.broadcast %squeeze3A_305 : f32 to vector<16xf32>
      %mul3A_838 = arith.mulf %mul3A_837, %get3A_836 : vector<16xf32>
      %add3A_839 = arith.addf %add3A_829, %mul3A_838 : vector<16xf32>
      %swap3A_840 = arith.constant 1 : i32
      %swap3A_841 = arith.constant 4 : i32
      %swap3A_842 = arith.index_cast %swap3A_840 : i32 to index
      %swap3A_843 = arith.index_cast %swap3A_841 : i32 to index
      %swap3A_844 = arith.index_cast %mul3A_673 : i32 to index
      %swap3A_845 = tpu.vector_load %arg13[%swap3A_842, %swap3A_843, %swap3A_844] {strides = array<i32>} : memref<2x16x1024xf32, #tpu.memory_space<vmem>>, vector<1x1x16xf32>,
      %swap3A_846 = vector.shape_cast %swap3A_845 : vector<1x1x16xf32> to vector<16xf32>
      %swap3A_847 = vector.shape_cast %add3A_839 : vector<16xf32> to vector<1x1x16xf32>
      tpu.vector_store %arg13[%swap3A_842, %swap3A_843, %swap3A_844], %swap3A_847 {strides = array<i32>} : memref<2x16x1024xf32, #tpu.memory_space<vmem>>, vector<1x1x16xf32>,
      %get3A_848 = arith.constant 1 : i32
      %get3A_849 = arith.constant 5 : i32
      %get3A_850 = arith.index_cast %get3A_848 : i32 to index
      %get3A_851 = arith.index_cast %get3A_849 : i32 to index
      %get3A_852 = arith.index_cast %mul3A_673 : i32 to index
      %get3A_853 = tpu.vector_load %arg13[%get3A_850, %get3A_851, %get3A_852] {strides = array<i32>} : memref<2x16x1024xf32, #tpu.memory_space<vmem>>, vector<1x1x16xf32>,
      %get3A_854 = vector.shape_cast %get3A_853 : vector<1x1x16xf32> to vector<16xf32>
      %get3A_855 = arith.constant 1 : i32
      %get3A_856 = arith.constant 5 : i32
      %get3A_857 = arith.index_cast %get3A_855 : i32 to index
      %get3A_858 = arith.index_cast %get3A_856 : i32 to index
      %get3A_859 = arith.index_cast %mul3A_673 : i32 to index
      %get3A_860 = tpu.vector_load %arg12[%get3A_857, %get3A_858, %get3A_859] {strides = array<i32>} : memref<2x32x1024xf32, #tpu.memory_space<vmem>>, vector<1x1x16xf32>,
      %get3A_861 = vector.shape_cast %get3A_860 : vector<1x1x16xf32> to vector<16xf32>
      %mul3A_862 = vector.broadcast %squeeze3A_275 : f32 to vector<16xf32>
      %mul3A_863 = arith.mulf %mul3A_862, %get3A_861 : vector<16xf32>
      %add3A_864 = arith.addf %get3A_854, %mul3A_863 : vector<16xf32>
      %get3A_865 = arith.constant 1 : i32
      %get3A_866 = arith.constant 21 : i32
      %get3A_867 = arith.index_cast %get3A_865 : i32 to index
      %get3A_868 = arith.index_cast %get3A_866 : i32 to index
      %get3A_869 = arith.index_cast %mul3A_673 : i32 to index
      %get3A_870 = tpu.vector_load %arg12[%get3A_867, %get3A_868, %get3A_869] {strides = array<i32>} : memref<2x32x1024xf32, #tpu.memory_space<vmem>>, vector<1x1x16xf32>,
      %get3A_871 = vector.shape_cast %get3A_870 : vector<1x1x16xf32> to vector<16xf32>
      %mul3A_872 = vector.broadcast %squeeze3A_307 : f32 to vector<16xf32>
      %mul3A_873 = arith.mulf %mul3A_872, %get3A_871 : vector<16xf32>
      %add3A_874 = arith.addf %add3A_864, %mul3A_873 : vector<16xf32>
      %swap3A_875 = arith.constant 1 : i32
      %swap3A_876 = arith.constant 5 : i32
      %swap3A_877 = arith.index_cast %swap3A_875 : i32 to index
      %swap3A_878 = arith.index_cast %swap3A_876 : i32 to index
      %swap3A_879 = arith.index_cast %mul3A_673 : i32 to index
      %swap3A_880 = tpu.vector_load %arg13[%swap3A_877, %swap3A_878, %swap3A_879] {strides = array<i32>} : memref<2x16x1024xf32, #tpu.memory_space<vmem>>, vector<1x1x16xf32>,
      %swap3A_881 = vector.shape_cast %swap3A_880 : vector<1x1x16xf32> to vector<16xf32>
      %swap3A_882 = vector.shape_cast %add3A_874 : vector<16xf32> to vector<1x1x16xf32>
      tpu.vector_store %arg13[%swap3A_877, %swap3A_878, %swap3A_879], %swap3A_882 {strides = array<i32>} : memref<2x16x1024xf32, #tpu.memory_space<vmem>>, vector<1x1x16xf32>,
      %get3A_883 = arith.constant 1 : i32
      %get3A_884 = arith.constant 6 : i32
      %get3A_885 = arith.index_cast %get3A_883 : i32 to index
      %get3A_886 = arith.index_cast %get3A_884 : i32 to index
      %get3A_887 = arith.index_cast %mul3A_673 : i32 to index
      %get3A_888 = tpu.vector_load %arg13[%get3A_885, %get3A_886, %get3A_887] {strides = array<i32>} : memref<2x16x1024xf32, #tpu.memory_space<vmem>>, vector<1x1x16xf32>,
      %get3A_889 = vector.shape_cast %get3A_888 : vector<1x1x16xf32> to vector<16xf32>
      %get3A_890 = arith.constant 1 : i32
      %get3A_891 = arith.constant 6 : i32
      %get3A_892 = arith.index_cast %get3A_890 : i32 to index
      %get3A_893 = arith.index_cast %get3A_891 : i32 to index
      %get3A_894 = arith.index_cast %mul3A_673 : i32 to index
      %get3A_895 = tpu.vector_load %arg12[%get3A_892, %get3A_893, %get3A_894] {strides = array<i32>} : memref<2x32x1024xf32, #tpu.memory_space<vmem>>, vector<1x1x16xf32>,
      %get3A_896 = vector.shape_cast %get3A_895 : vector<1x1x16xf32> to vector<16xf32>
      %mul3A_897 = vector.broadcast %squeeze3A_277 : f32 to vector<16xf32>
      %mul3A_898 = arith.mulf %mul3A_897, %get3A_896 : vector<16xf32>
      %add3A_899 = arith.addf %get3A_889, %mul3A_898 : vector<16xf32>
      %get3A_900 = arith.constant 1 : i32
      %get3A_901 = arith.constant 22 : i32
      %get3A_902 = arith.index_cast %get3A_900 : i32 to index
      %get3A_903 = arith.index_cast %get3A_901 : i32 to index
      %get3A_904 = arith.index_cast %mul3A_673 : i32 to index
      %get3A_905 = tpu.vector_load %arg12[%get3A_902, %get3A_903, %get3A_904] {strides = array<i32>} : memref<2x32x1024xf32, #tpu.memory_space<vmem>>, vector<1x1x16xf32>,
      %get3A_906 = vector.shape_cast %get3A_905 : vector<1x1x16xf32> to vector<16xf32>
      %mul3A_907 = vector.broadcast %squeeze3A_309 : f32 to vector<16xf32>
      %mul3A_908 = arith.mulf %mul3A_907, %get3A_906 : vector<16xf32>
      %add3A_909 = arith.addf %add3A_899, %mul3A_908 : vector<16xf32>
      %swap3A_910 = arith.constant 1 : i32
      %swap3A_911 = arith.constant 6 : i32
      %swap3A_912 = arith.index_cast %swap3A_910 : i32 to index
      %swap3A_913 = arith.index_cast %swap3A_911 : i32 to index
      %swap3A_914 = arith.index_cast %mul3A_673 : i32 to index
      %swap3A_915 = tpu.vector_load %arg13[%swap3A_912, %swap3A_913, %swap3A_914] {strides = array<i32>} : memref<2x16x1024xf32, #tpu.memory_space<vmem>>, vector<1x1x16xf32>,
      %swap3A_916 = vector.shape_cast %swap3A_915 : vector<1x1x16xf32> to vector<16xf32>
      %swap3A_917 = vector.shape_cast %add3A_909 : vector<16xf32> to vector<1x1x16xf32>
      tpu.vector_store %arg13[%swap3A_912, %swap3A_913, %swap3A_914], %swap3A_917 {strides = array<i32>} : memref<2x16x1024xf32, #tpu.memory_space<vmem>>, vector<1x1x16xf32>,
      %get3A_918 = arith.constant 1 : i32
      %get3A_919 = arith.constant 7 : i32
      %get3A_920 = arith.index_cast %get3A_918 : i32 to index
      %get3A_921 = arith.index_cast %get3A_919 : i32 to index
      %get3A_922 = arith.index_cast %mul3A_673 : i32 to index
      %get3A_923 = tpu.vector_load %arg13[%get3A_920, %get3A_921, %get3A_922] {strides = array<i32>} : memref<2x16x1024xf32, #tpu.memory_space<vmem>>, vector<1x1x16xf32>,
      %get3A_924 = vector.shape_cast %get3A_923 : vector<1x1x16xf32> to vector<16xf32>
      %get3A_925 = arith.constant 1 : i32
      %get3A_926 = arith.constant 7 : i32
      %get3A_927 = arith.index_cast %get3A_925 : i32 to index
      %get3A_928 = arith.index_cast %get3A_926 : i32 to index
      %get3A_929 = arith.index_cast %mul3A_673 : i32 to index
      %get3A_930 = tpu.vector_load %arg12[%get3A_927, %get3A_928, %get3A_929] {strides = array<i32>} : memref<2x32x1024xf32, #tpu.memory_space<vmem>>, vector<1x1x16xf32>,
      %get3A_931 = vector.shape_cast %get3A_930 : vector<1x1x16xf32> to vector<16xf32>
      %mul3A_932 = vector.broadcast %squeeze3A_279 : f32 to vector<16xf32>
      %mul3A_933 = arith.mulf %mul3A_932, %get3A_931 : vector<16xf32>
      %add3A_934 = arith.addf %get3A_924, %mul3A_933 : vector<16xf32>
      %get3A_935 = arith.constant 1 : i32
      %get3A_936 = arith.constant 23 : i32
      %get3A_937 = arith.index_cast %get3A_935 : i32 to index
      %get3A_938 = arith.index_cast %get3A_936 : i32 to index
      %get3A_939 = arith.index_cast %mul3A_673 : i32 to index
      %get3A_940 = tpu.vector_load %arg12[%get3A_937, %get3A_938, %get3A_939] {strides = array<i32>} : memref<2x32x1024xf32, #tpu.memory_space<vmem>>, vector<1x1x16xf32>,
      %get3A_941 = vector.shape_cast %get3A_940 : vector<1x1x16xf32> to vector<16xf32>
      %mul3A_942 = vector.broadcast %squeeze3A_311 : f32 to vector<16xf32>
      %mul3A_943 = arith.mulf %mul3A_942, %get3A_941 : vector<16xf32>
      %add3A_944 = arith.addf %add3A_934, %mul3A_943 : vector<16xf32>
      %swap3A_945 = arith.constant 1 : i32
      %swap3A_946 = arith.constant 7 : i32
      %swap3A_947 = arith.index_cast %swap3A_945 : i32 to index
      %swap3A_948 = arith.index_cast %swap3A_946 : i32 to index
      %swap3A_949 = arith.index_cast %mul3A_673 : i32 to index
      %swap3A_950 = tpu.vector_load %arg13[%swap3A_947, %swap3A_948, %swap3A_949] {strides = array<i32>} : memref<2x16x1024xf32, #tpu.memory_space<vmem>>, vector<1x1x16xf32>,
      %swap3A_951 = vector.shape_cast %swap3A_950 : vector<1x1x16xf32> to vector<16xf32>
      %swap3A_952 = vector.shape_cast %add3A_944 : vector<16xf32> to vector<1x1x16xf32>
      tpu.vector_store %arg13[%swap3A_947, %swap3A_948, %swap3A_949], %swap3A_952 {strides = array<i32>} : memref<2x16x1024xf32, #tpu.memory_space<vmem>>, vector<1x1x16xf32>,
      %get3A_953 = arith.constant 1 : i32
      %get3A_954 = arith.constant 8 : i32
      %get3A_955 = arith.index_cast %get3A_953 : i32 to index
      %get3A_956 = arith.index_cast %get3A_954 : i32 to index
      %get3A_957 = arith.index_cast %mul3A_673 : i32 to index
      %get3A_958 = tpu.vector_load %arg13[%get3A_955, %get3A_956, %get3A_957] {strides = array<i32>} : memref<2x16x1024xf32, #tpu.memory_space<vmem>>, vector<1x1x16xf32>,
      %get3A_959 = vector.shape_cast %get3A_958 : vector<1x1x16xf32> to vector<16xf32>
      %get3A_960 = arith.constant 1 : i32
      %get3A_961 = arith.constant 8 : i32
      %get3A_962 = arith.index_cast %get3A_960 : i32 to index
      %get3A_963 = arith.index_cast %get3A_961 : i32 to index
      %get3A_964 = arith.index_cast %mul3A_673 : i32 to index
      %get3A_965 = tpu.vector_load %arg12[%get3A_962, %get3A_963, %get3A_964] {strides = array<i32>} : memref<2x32x1024xf32, #tpu.memory_space<vmem>>, vector<1x1x16xf32>,
      %get3A_966 = vector.shape_cast %get3A_965 : vector<1x1x16xf32> to vector<16xf32>
      %mul3A_967 = vector.broadcast %squeeze3A_281 : f32 to vector<16xf32>
      %mul3A_968 = arith.mulf %mul3A_967, %get3A_966 : vector<16xf32>
      %add3A_969 = arith.addf %get3A_959, %mul3A_968 : vector<16xf32>
      %get3A_970 = arith.constant 1 : i32
      %get3A_971 = arith.constant 24 : i32
      %get3A_972 = arith.index_cast %get3A_970 : i32 to index
      %get3A_973 = arith.index_cast %get3A_971 : i32 to index
      %get3A_974 = arith.index_cast %mul3A_673 : i32 to index
      %get3A_975 = tpu.vector_load %arg12[%get3A_972, %get3A_973, %get3A_974] {strides = array<i32>} : memref<2x32x1024xf32, #tpu.memory_space<vmem>>, vector<1x1x16xf32>,
      %get3A_976 = vector.shape_cast %get3A_975 : vector<1x1x16xf32> to vector<16xf32>
      %mul3A_977 = vector.broadcast %squeeze3A_313 : f32 to vector<16xf32>
      %mul3A_978 = arith.mulf %mul3A_977, %get3A_976 : vector<16xf32>
      %add3A_979 = arith.addf %add3A_969, %mul3A_978 : vector<16xf32>
      %swap3A_980 = arith.constant 1 : i32
      %swap3A_981 = arith.constant 8 : i32
      %swap3A_982 = arith.index_cast %swap3A_980 : i32 to index
      %swap3A_983 = arith.index_cast %swap3A_981 : i32 to index
      %swap3A_984 = arith.index_cast %mul3A_673 : i32 to index
      %swap3A_985 = tpu.vector_load %arg13[%swap3A_982, %swap3A_983, %swap3A_984] {strides = array<i32>} : memref<2x16x1024xf32, #tpu.memory_space<vmem>>, vector<1x1x16xf32>,
      %swap3A_986 = vector.shape_cast %swap3A_985 : vector<1x1x16xf32> to vector<16xf32>
      %swap3A_987 = vector.shape_cast %add3A_979 : vector<16xf32> to vector<1x1x16xf32>
      tpu.vector_store %arg13[%swap3A_982, %swap3A_983, %swap3A_984], %swap3A_987 {strides = array<i32>} : memref<2x16x1024xf32, #tpu.memory_space<vmem>>, vector<1x1x16xf32>,
      %get3A_988 = arith.constant 1 : i32
      %get3A_989 = arith.constant 9 : i32
      %get3A_990 = arith.index_cast %get3A_988 : i32 to index
      %get3A_991 = arith.index_cast %get3A_989 : i32 to index
      %get3A_992 = arith.index_cast %mul3A_673 : i32 to index
      %get3A_993 = tpu.vector_load %arg13[%get3A_990, %get3A_991, %get3A_992] {strides = array<i32>} : memref<2x16x1024xf32, #tpu.memory_space<vmem>>, vector<1x1x16xf32>,
      %get3A_994 = vector.shape_cast %get3A_993 : vector<1x1x16xf32> to vector<16xf32>
      %get3A_995 = arith.constant 1 : i32
      %get3A_996 = arith.constant 9 : i32
      %get3A_997 = arith.index_cast %get3A_995 : i32 to index
      %get3A_998 = arith.index_cast %get3A_996 : i32 to index
      %get3A_999 = arith.index_cast %mul3A_673 : i32 to index
      %get3A_1000 = tpu.vector_load %arg12[%get3A_997, %get3A_998, %get3A_999] {strides = array<i32>} : memref<2x32x1024xf32, #tpu.memory_space<vmem>>, vector<1x1x16xf32>,
      %get3A_1001 = vector.shape_cast %get3A_1000 : vector<1x1x16xf32> to vector<16xf32>
      %mul3A_1002 = vector.broadcast %squeeze3A_283 : f32 to vector<16xf32>
      %mul3A_1003 = arith.mulf %mul3A_1002, %get3A_1001 : vector<16xf32>
      %add3A_1004 = arith.addf %get3A_994, %mul3A_1003 : vector<16xf32>
      %get3A_1005 = arith.constant 1 : i32
      %get3A_1006 = arith.constant 25 : i32
      %get3A_1007 = arith.index_cast %get3A_1005 : i32 to index
      %get3A_1008 = arith.index_cast %get3A_1006 : i32 to index
      %get3A_1009 = arith.index_cast %mul3A_673 : i32 to index
      %get3A_1010 = tpu.vector_load %arg12[%get3A_1007, %get3A_1008, %get3A_1009] {strides = array<i32>} : memref<2x32x1024xf32, #tpu.memory_space<vmem>>, vector<1x1x16xf32>,
      %get3A_1011 = vector.shape_cast %get3A_1010 : vector<1x1x16xf32> to vector<16xf32>
      %mul3A_1012 = vector.broadcast %squeeze3A_315 : f32 to vector<16xf32>
      %mul3A_1013 = arith.mulf %mul3A_1012, %get3A_1011 : vector<16xf32>
      %add3A_1014 = arith.addf %add3A_1004, %mul3A_1013 : vector<16xf32>
      %swap3A_1015 = arith.constant 1 : i32
      %swap3A_1016 = arith.constant 9 : i32
      %swap3A_1017 = arith.index_cast %swap3A_1015 : i32 to index
      %swap3A_1018 = arith.index_cast %swap3A_1016 : i32 to index
      %swap3A_1019 = arith.index_cast %mul3A_673 : i32 to index
      %swap3A_1020 = tpu.vector_load %arg13[%swap3A_1017, %swap3A_1018, %swap3A_1019] {strides = array<i32>} : memref<2x16x1024xf32, #tpu.memory_space<vmem>>, vector<1x1x16xf32>,
      %swap3A_1021 = vector.shape_cast %swap3A_1020 : vector<1x1x16xf32> to vector<16xf32>
      %swap3A_1022 = vector.shape_cast %add3A_1014 : vector<16xf32> to vector<1x1x16xf32>
      tpu.vector_store %arg13[%swap3A_1017, %swap3A_1018, %swap3A_1019], %swap3A_1022 {strides = array<i32>} : memref<2x16x1024xf32, #tpu.memory_space<vmem>>, vector<1x1x16xf32>,
      %get3A_1023 = arith.constant 1 : i32
      %get3A_1024 = arith.constant 10 : i32
      %get3A_1025 = arith.index_cast %get3A_1023 : i32 to index
      %get3A_1026 = arith.index_cast %get3A_1024 : i32 to index
      %get3A_1027 = arith.index_cast %mul3A_673 : i32 to index
      %get3A_1028 = tpu.vector_load %arg13[%get3A_1025, %get3A_1026, %get3A_1027] {strides = array<i32>} : memref<2x16x1024xf32, #tpu.memory_space<vmem>>, vector<1x1x16xf32>,
      %get3A_1029 = vector.shape_cast %get3A_1028 : vector<1x1x16xf32> to vector<16xf32>
      %get3A_1030 = arith.constant 1 : i32
      %get3A_1031 = arith.constant 10 : i32
      %get3A_1032 = arith.index_cast %get3A_1030 : i32 to index
      %get3A_1033 = arith.index_cast %get3A_1031 : i32 to index
      %get3A_1034 = arith.index_cast %mul3A_673 : i32 to index
      %get3A_1035 = tpu.vector_load %arg12[%get3A_1032, %get3A_1033, %get3A_1034] {strides = array<i32>} : memref<2x32x1024xf32, #tpu.memory_space<vmem>>, vector<1x1x16xf32>,
      %get3A_1036 = vector.shape_cast %get3A_1035 : vector<1x1x16xf32> to vector<16xf32>
      %mul3A_1037 = vector.broadcast %squeeze3A_285 : f32 to vector<16xf32>
      %mul3A_1038 = arith.mulf %mul3A_1037, %get3A_1036 : vector<16xf32>
      %add3A_1039 = arith.addf %get3A_1029, %mul3A_1038 : vector<16xf32>
      %get3A_1040 = arith.constant 1 : i32
      %get3A_1041 = arith.constant 26 : i32
      %get3A_1042 = arith.index_cast %get3A_1040 : i32 to index
      %get3A_1043 = arith.index_cast %get3A_1041 : i32 to index
      %get3A_1044 = arith.index_cast %mul3A_673 : i32 to index
      %get3A_1045 = tpu.vector_load %arg12[%get3A_1042, %get3A_1043, %get3A_1044] {strides = array<i32>} : memref<2x32x1024xf32, #tpu.memory_space<vmem>>, vector<1x1x16xf32>,
      %get3A_1046 = vector.shape_cast %get3A_1045 : vector<1x1x16xf32> to vector<16xf32>
      %mul3A_1047 = vector.broadcast %squeeze3A_317 : f32 to vector<16xf32>
      %mul3A_1048 = arith.mulf %mul3A_1047, %get3A_1046 : vector<16xf32>
      %add3A_1049 = arith.addf %add3A_1039, %mul3A_1048 : vector<16xf32>
      %swap3A_1050 = arith.constant 1 : i32
      %swap3A_1051 = arith.constant 10 : i32
      %swap3A_1052 = arith.index_cast %swap3A_1050 : i32 to index
      %swap3A_1053 = arith.index_cast %swap3A_1051 : i32 to index
      %swap3A_1054 = arith.index_cast %mul3A_673 : i32 to index
      %swap3A_1055 = tpu.vector_load %arg13[%swap3A_1052, %swap3A_1053, %swap3A_1054] {strides = array<i32>} : memref<2x16x1024xf32, #tpu.memory_space<vmem>>, vector<1x1x16xf32>,
      %swap3A_1056 = vector.shape_cast %swap3A_1055 : vector<1x1x16xf32> to vector<16xf32>
      %swap3A_1057 = vector.shape_cast %add3A_1049 : vector<16xf32> to vector<1x1x16xf32>
      tpu.vector_store %arg13[%swap3A_1052, %swap3A_1053, %swap3A_1054], %swap3A_1057 {strides = array<i32>} : memref<2x16x1024xf32, #tpu.memory_space<vmem>>, vector<1x1x16xf32>,
      %get3A_1058 = arith.constant 1 : i32
      %get3A_1059 = arith.constant 11 : i32
      %get3A_1060 = arith.index_cast %get3A_1058 : i32 to index
      %get3A_1061 = arith.index_cast %get3A_1059 : i32 to index
      %get3A_1062 = arith.index_cast %mul3A_673 : i32 to index
      %get3A_1063 = tpu.vector_load %arg13[%get3A_1060, %get3A_1061, %get3A_1062] {strides = array<i32>} : memref<2x16x1024xf32, #tpu.memory_space<vmem>>, vector<1x1x16xf32>,
      %get3A_1064 = vector.shape_cast %get3A_1063 : vector<1x1x16xf32> to vector<16xf32>
      %get3A_1065 = arith.constant 1 : i32
      %get3A_1066 = arith.constant 11 : i32
      %get3A_1067 = arith.index_cast %get3A_1065 : i32 to index
      %get3A_1068 = arith.index_cast %get3A_1066 : i32 to index
      %get3A_1069 = arith.index_cast %mul3A_673 : i32 to index
      %get3A_1070 = tpu.vector_load %arg12[%get3A_1067, %get3A_1068, %get3A_1069] {strides = array<i32>} : memref<2x32x1024xf32, #tpu.memory_space<vmem>>, vector<1x1x16xf32>,
      %get3A_1071 = vector.shape_cast %get3A_1070 : vector<1x1x16xf32> to vector<16xf32>
      %mul3A_1072 = vector.broadcast %squeeze3A_287 : f32 to vector<16xf32>
      %mul3A_1073 = arith.mulf %mul3A_1072, %get3A_1071 : vector<16xf32>
      %add3A_1074 = arith.addf %get3A_1064, %mul3A_1073 : vector<16xf32>
      %get3A_1075 = arith.constant 1 : i32
      %get3A_1076 = arith.constant 27 : i32
      %get3A_1077 = arith.index_cast %get3A_1075 : i32 to index
      %get3A_1078 = arith.index_cast %get3A_1076 : i32 to index
      %get3A_1079 = arith.index_cast %mul3A_673 : i32 to index
      %get3A_1080 = tpu.vector_load %arg12[%get3A_1077, %get3A_1078, %get3A_1079] {strides = array<i32>} : memref<2x32x1024xf32, #tpu.memory_space<vmem>>, vector<1x1x16xf32>,
      %get3A_1081 = vector.shape_cast %get3A_1080 : vector<1x1x16xf32> to vector<16xf32>
      %mul3A_1082 = vector.broadcast %squeeze3A_319 : f32 to vector<16xf32>
      %mul3A_1083 = arith.mulf %mul3A_1082, %get3A_1081 : vector<16xf32>
      %add3A_1084 = arith.addf %add3A_1074, %mul3A_1083 : vector<16xf32>
      %swap3A_1085 = arith.constant 1 : i32
      %swap3A_1086 = arith.constant 11 : i32
      %swap3A_1087 = arith.index_cast %swap3A_1085 : i32 to index
      %swap3A_1088 = arith.index_cast %swap3A_1086 : i32 to index
      %swap3A_1089 = arith.index_cast %mul3A_673 : i32 to index
      %swap3A_1090 = tpu.vector_load %arg13[%swap3A_1087, %swap3A_1088, %swap3A_1089] {strides = array<i32>} : memref<2x16x1024xf32, #tpu.memory_space<vmem>>, vector<1x1x16xf32>,
      %swap3A_1091 = vector.shape_cast %swap3A_1090 : vector<1x1x16xf32> to vector<16xf32>
      %swap3A_1092 = vector.shape_cast %add3A_1084 : vector<16xf32> to vector<1x1x16xf32>
      tpu.vector_store %arg13[%swap3A_1087, %swap3A_1088, %swap3A_1089], %swap3A_1092 {strides = array<i32>} : memref<2x16x1024xf32, #tpu.memory_space<vmem>>, vector<1x1x16xf32>,
      %get3A_1093 = arith.constant 1 : i32
      %get3A_1094 = arith.constant 12 : i32
      %get3A_1095 = arith.index_cast %get3A_1093 : i32 to index
      %get3A_1096 = arith.index_cast %get3A_1094 : i32 to index
      %get3A_1097 = arith.index_cast %mul3A_673 : i32 to index
      %get3A_1098 = tpu.vector_load %arg13[%get3A_1095, %get3A_1096, %get3A_1097] {strides = array<i32>} : memref<2x16x1024xf32, #tpu.memory_space<vmem>>, vector<1x1x16xf32>,
      %get3A_1099 = vector.shape_cast %get3A_1098 : vector<1x1x16xf32> to vector<16xf32>
      %get3A_1100 = arith.constant 1 : i32
      %get3A_1101 = arith.constant 12 : i32
      %get3A_1102 = arith.index_cast %get3A_1100 : i32 to index
      %get3A_1103 = arith.index_cast %get3A_1101 : i32 to index
      %get3A_1104 = arith.index_cast %mul3A_673 : i32 to index
      %get3A_1105 = tpu.vector_load %arg12[%get3A_1102, %get3A_1103, %get3A_1104] {strides = array<i32>} : memref<2x32x1024xf32, #tpu.memory_space<vmem>>, vector<1x1x16xf32>,
      %get3A_1106 = vector.shape_cast %get3A_1105 : vector<1x1x16xf32> to vector<16xf32>
      %mul3A_1107 = vector.broadcast %squeeze3A_289 : f32 to vector<16xf32>
      %mul3A_1108 = arith.mulf %mul3A_1107, %get3A_1106 : vector<16xf32>
      %add3A_1109 = arith.addf %get3A_1099, %mul3A_1108 : vector<16xf32>
      %get3A_1110 = arith.constant 1 : i32
      %get3A_1111 = arith.constant 28 : i32
      %get3A_1112 = arith.index_cast %get3A_1110 : i32 to index
      %get3A_1113 = arith.index_cast %get3A_1111 : i32 to index
      %get3A_1114 = arith.index_cast %mul3A_673 : i32 to index
      %get3A_1115 = tpu.vector_load %arg12[%get3A_1112, %get3A_1113, %get3A_1114] {strides = array<i32>} : memref<2x32x1024xf32, #tpu.memory_space<vmem>>, vector<1x1x16xf32>,
      %get3A_1116 = vector.shape_cast %get3A_1115 : vector<1x1x16xf32> to vector<16xf32>
      %mul3A_1117 = vector.broadcast %squeeze3A_321 : f32 to vector<16xf32>
      %mul3A_1118 = arith.mulf %mul3A_1117, %get3A_1116 : vector<16xf32>
      %add3A_1119 = arith.addf %add3A_1109, %mul3A_1118 : vector<16xf32>
      %swap3A_1120 = arith.constant 1 : i32
      %swap3A_1121 = arith.constant 12 : i32
      %swap3A_1122 = arith.index_cast %swap3A_1120 : i32 to index
      %swap3A_1123 = arith.index_cast %swap3A_1121 : i32 to index
      %swap3A_1124 = arith.index_cast %mul3A_673 : i32 to index
      %swap3A_1125 = tpu.vector_load %arg13[%swap3A_1122, %swap3A_1123, %swap3A_1124] {strides = array<i32>} : memref<2x16x1024xf32, #tpu.memory_space<vmem>>, vector<1x1x16xf32>,
      %swap3A_1126 = vector.shape_cast %swap3A_1125 : vector<1x1x16xf32> to vector<16xf32>
      %swap3A_1127 = vector.shape_cast %add3A_1119 : vector<16xf32> to vector<1x1x16xf32>
      tpu.vector_store %arg13[%swap3A_1122, %swap3A_1123, %swap3A_1124], %swap3A_1127 {strides = array<i32>} : memref<2x16x1024xf32, #tpu.memory_space<vmem>>, vector<1x1x16xf32>,
      %get3A_1128 = arith.constant 1 : i32
      %get3A_1129 = arith.constant 13 : i32
      %get3A_1130 = arith.index_cast %get3A_1128 : i32 to index
      %get3A_1131 = arith.index_cast %get3A_1129 : i32 to index
      %get3A_1132 = arith.index_cast %mul3A_673 : i32 to index
      %get3A_1133 = tpu.vector_load %arg13[%get3A_1130, %get3A_1131, %get3A_1132] {strides = array<i32>} : memref<2x16x1024xf32, #tpu.memory_space<vmem>>, vector<1x1x16xf32>,
      %get3A_1134 = vector.shape_cast %get3A_1133 : vector<1x1x16xf32> to vector<16xf32>
      %get3A_1135 = arith.constant 1 : i32
      %get3A_1136 = arith.constant 13 : i32
      %get3A_1137 = arith.index_cast %get3A_1135 : i32 to index
      %get3A_1138 = arith.index_cast %get3A_1136 : i32 to index
      %get3A_1139 = arith.index_cast %mul3A_673 : i32 to index
      %get3A_1140 = tpu.vector_load %arg12[%get3A_1137, %get3A_1138, %get3A_1139] {strides = array<i32>} : memref<2x32x1024xf32, #tpu.memory_space<vmem>>, vector<1x1x16xf32>,
      %get3A_1141 = vector.shape_cast %get3A_1140 : vector<1x1x16xf32> to vector<16xf32>
      %mul3A_1142 = vector.broadcast %squeeze3A_291 : f32 to vector<16xf32>
      %mul3A_1143 = arith.mulf %mul3A_1142, %get3A_1141 : vector<16xf32>
      %add3A_1144 = arith.addf %get3A_1134, %mul3A_1143 : vector<16xf32>
      %get3A_1145 = arith.constant 1 : i32
      %get3A_1146 = arith.constant 29 : i32
      %get3A_1147 = arith.index_cast %get3A_1145 : i32 to index
      %get3A_1148 = arith.index_cast %get3A_1146 : i32 to index
      %get3A_1149 = arith.index_cast %mul3A_673 : i32 to index
      %get3A_1150 = tpu.vector_load %arg12[%get3A_1147, %get3A_1148, %get3A_1149] {strides = array<i32>} : memref<2x32x1024xf32, #tpu.memory_space<vmem>>, vector<1x1x16xf32>,
      %get3A_1151 = vector.shape_cast %get3A_1150 : vector<1x1x16xf32> to vector<16xf32>
      %mul3A_1152 = vector.broadcast %squeeze3A_323 : f32 to vector<16xf32>
      %mul3A_1153 = arith.mulf %mul3A_1152, %get3A_1151 : vector<16xf32>
      %add3A_1154 = arith.addf %add3A_1144, %mul3A_1153 : vector<16xf32>
      %swap3A_1155 = arith.constant 1 : i32
      %swap3A_1156 = arith.constant 13 : i32
      %swap3A_1157 = arith.index_cast %swap3A_1155 : i32 to index
      %swap3A_1158 = arith.index_cast %swap3A_1156 : i32 to index
      %swap3A_1159 = arith.index_cast %mul3A_673 : i32 to index
      %swap3A_1160 = tpu.vector_load %arg13[%swap3A_1157, %swap3A_1158, %swap3A_1159] {strides = array<i32>} : memref<2x16x1024xf32, #tpu.memory_space<vmem>>, vector<1x1x16xf32>,
      %swap3A_1161 = vector.shape_cast %swap3A_1160 : vector<1x1x16xf32> to vector<16xf32>
      %swap3A_1162 = vector.shape_cast %add3A_1154 : vector<16xf32> to vector<1x1x16xf32>
      tpu.vector_store %arg13[%swap3A_1157, %swap3A_1158, %swap3A_1159], %swap3A_1162 {strides = array<i32>} : memref<2x16x1024xf32, #tpu.memory_space<vmem>>, vector<1x1x16xf32>,
      %get3A_1163 = arith.constant 1 : i32
      %get3A_1164 = arith.constant 14 : i32
      %get3A_1165 = arith.index_cast %get3A_1163 : i32 to index
      %get3A_1166 = arith.index_cast %get3A_1164 : i32 to index
      %get3A_1167 = arith.index_cast %mul3A_673 : i32 to index
      %get3A_1168 = tpu.vector_load %arg13[%get3A_1165, %get3A_1166, %get3A_1167] {strides = array<i32>} : memref<2x16x1024xf32, #tpu.memory_space<vmem>>, vector<1x1x16xf32>,
      %get3A_1169 = vector.shape_cast %get3A_1168 : vector<1x1x16xf32> to vector<16xf32>
      %get3A_1170 = arith.constant 1 : i32
      %get3A_1171 = arith.constant 14 : i32
      %get3A_1172 = arith.index_cast %get3A_1170 : i32 to index
      %get3A_1173 = arith.index_cast %get3A_1171 : i32 to index
      %get3A_1174 = arith.index_cast %mul3A_673 : i32 to index
      %get3A_1175 = tpu.vector_load %arg12[%get3A_1172, %get3A_1173, %get3A_1174] {strides = array<i32>} : memref<2x32x1024xf32, #tpu.memory_space<vmem>>, vector<1x1x16xf32>,
      %get3A_1176 = vector.shape_cast %get3A_1175 : vector<1x1x16xf32> to vector<16xf32>
      %mul3A_1177 = vector.broadcast %squeeze3A_293 : f32 to vector<16xf32>
      %mul3A_1178 = arith.mulf %mul3A_1177, %get3A_1176 : vector<16xf32>
      %add3A_1179 = arith.addf %get3A_1169, %mul3A_1178 : vector<16xf32>
      %get3A_1180 = arith.constant 1 : i32
      %get3A_1181 = arith.constant 30 : i32
      %get3A_1182 = arith.index_cast %get3A_1180 : i32 to index
      %get3A_1183 = arith.index_cast %get3A_1181 : i32 to index
      %get3A_1184 = arith.index_cast %mul3A_673 : i32 to index
      %get3A_1185 = tpu.vector_load %arg12[%get3A_1182, %get3A_1183, %get3A_1184] {strides = array<i32>} : memref<2x32x1024xf32, #tpu.memory_space<vmem>>, vector<1x1x16xf32>,
      %get3A_1186 = vector.shape_cast %get3A_1185 : vector<1x1x16xf32> to vector<16xf32>
      %mul3A_1187 = vector.broadcast %squeeze3A_325 : f32 to vector<16xf32>
      %mul3A_1188 = arith.mulf %mul3A_1187, %get3A_1186 : vector<16xf32>
      %add3A_1189 = arith.addf %add3A_1179, %mul3A_1188 : vector<16xf32>
      %swap3A_1190 = arith.constant 1 : i32
      %swap3A_1191 = arith.constant 14 : i32
      %swap3A_1192 = arith.index_cast %swap3A_1190 : i32 to index
      %swap3A_1193 = arith.index_cast %swap3A_1191 : i32 to index
      %swap3A_1194 = arith.index_cast %mul3A_673 : i32 to index
      %swap3A_1195 = tpu.vector_load %arg13[%swap3A_1192, %swap3A_1193, %swap3A_1194] {strides = array<i32>} : memref<2x16x1024xf32, #tpu.memory_space<vmem>>, vector<1x1x16xf32>,
      %swap3A_1196 = vector.shape_cast %swap3A_1195 : vector<1x1x16xf32> to vector<16xf32>
      %swap3A_1197 = vector.shape_cast %add3A_1189 : vector<16xf32> to vector<1x1x16xf32>
      tpu.vector_store %arg13[%swap3A_1192, %swap3A_1193, %swap3A_1194], %swap3A_1197 {strides = array<i32>} : memref<2x16x1024xf32, #tpu.memory_space<vmem>>, vector<1x1x16xf32>,
      %get3A_1198 = arith.constant 1 : i32
      %get3A_1199 = arith.constant 15 : i32
      %get3A_1200 = arith.index_cast %get3A_1198 : i32 to index
      %get3A_1201 = arith.index_cast %get3A_1199 : i32 to index
      %get3A_1202 = arith.index_cast %mul3A_673 : i32 to index
      %get3A_1203 = tpu.vector_load %arg13[%get3A_1200, %get3A_1201, %get3A_1202] {strides = array<i32>} : memref<2x16x1024xf32, #tpu.memory_space<vmem>>, vector<1x1x16xf32>,
      %get3A_1204 = vector.shape_cast %get3A_1203 : vector<1x1x16xf32> to vector<16xf32>
      %get3A_1205 = arith.constant 1 : i32
      %get3A_1206 = arith.constant 15 : i32
      %get3A_1207 = arith.index_cast %get3A_1205 : i32 to index
      %get3A_1208 = arith.index_cast %get3A_1206 : i32 to index
      %get3A_1209 = arith.index_cast %mul3A_673 : i32 to index
      %get3A_1210 = tpu.vector_load %arg12[%get3A_1207, %get3A_1208, %get3A_1209] {strides = array<i32>} : memref<2x32x1024xf32, #tpu.memory_space<vmem>>, vector<1x1x16xf32>,
      %get3A_1211 = vector.shape_cast %get3A_1210 : vector<1x1x16xf32> to vector<16xf32>
      %mul3A_1212 = vector.broadcast %squeeze3A_295 : f32 to vector<16xf32>
      %mul3A_1213 = arith.mulf %mul3A_1212, %get3A_1211 : vector<16xf32>
      %add3A_1214 = arith.addf %get3A_1204, %mul3A_1213 : vector<16xf32>
      %get3A_1215 = arith.constant 1 : i32
      %get3A_1216 = arith.constant 31 : i32
      %get3A_1217 = arith.index_cast %get3A_1215 : i32 to index
      %get3A_1218 = arith.index_cast %get3A_1216 : i32 to index
      %get3A_1219 = arith.index_cast %mul3A_673 : i32 to index
      %get3A_1220 = tpu.vector_load %arg12[%get3A_1217, %get3A_1218, %get3A_1219] {strides = array<i32>} : memref<2x32x1024xf32, #tpu.memory_space<vmem>>, vector<1x1x16xf32>,
      %get3A_1221 = vector.shape_cast %get3A_1220 : vector<1x1x16xf32> to vector<16xf32>
      %mul3A_1222 = vector.broadcast %squeeze3A_327 : f32 to vector<16xf32>
      %mul3A_1223 = arith.mulf %mul3A_1222, %get3A_1221 : vector<16xf32>
      %add3A_1224 = arith.addf %add3A_1214, %mul3A_1223 : vector<16xf32>
      %swap3A_1225 = arith.constant 1 : i32
      %swap3A_1226 = arith.constant 15 : i32
      %swap3A_1227 = arith.index_cast %swap3A_1225 : i32 to index
      %swap3A_1228 = arith.index_cast %swap3A_1226 : i32 to index
      %swap3A_1229 = arith.index_cast %mul3A_673 : i32 to index
      %swap3A_1230 = tpu.vector_load %arg13[%swap3A_1227, %swap3A_1228, %swap3A_1229] {strides = array<i32>} : memref<2x16x1024xf32, #tpu.memory_space<vmem>>, vector<1x1x16xf32>,
      %swap3A_1231 = vector.shape_cast %swap3A_1230 : vector<1x1x16xf32> to vector<16xf32>
      %swap3A_1232 = vector.shape_cast %add3A_1224 : vector<16xf32> to vector<1x1x16xf32>
      tpu.vector_store %arg13[%swap3A_1227, %swap3A_1228, %swap3A_1229], %swap3A_1232 {strides = array<i32>} : memref<2x16x1024xf32, #tpu.memory_space<vmem>>, vector<1x1x16xf32>,
      %scan3A_1233 = arith.constant 0 : i32
      scf.yield %scan3A_1233 : i32
    }
    %scan3A_334 = arith.constant 64 : i32
    %mul3A_335 = arith.constant 64 : i32
    %mul3A_336 = arith.muli %add3A, %mul3A_335 : i32
    %add3A_337 = arith.constant 16 : i32
    %add3A_338 = arith.addi %mul3A_336, %add3A_337 : i32
    %dma_start3A_339 = arith.constant 1 : i32
    %dma_start3A_340 = arith.constant 0 : i32
    %dma_start3A_341 = arith.constant 0 : i32
    %dma_start3A_342 = tpu.memref_slice %arg13[%dma_start3A_339, %dma_start3A_340, %dma_start3A_341] : memref<2x16x1024xf32, #tpu.memory_space<vmem>> -> memref<1x16x1024xf32, #tpu.memory_space<vmem>>
    %dma_start3A_343 = tpu.memref_squeeze %dma_start3A_342 : memref<1x16x1024xf32, #tpu.memory_space<vmem>> -> memref<16x1024xf32, #tpu.memory_space<vmem>>
    %dma_start3A_344 = arith.constant 0 : i32
    %dma_start3A_345 = tpu.memref_slice %arg8[%add3A_338, %dma_start3A_344] : memref<2048x1024xf32, #tpu.memory_space<hbm>> -> memref<16x1024xf32, #tpu.memory_space<hbm>>
    %dma_start3A_346 = arith.constant 0 : i32
    %dma_start3A_347 = tpu.memref_slice %arg8[%add3A_338, %dma_start3A_346] : memref<2048x1024xf32, #tpu.memory_space<hbm>> -> memref<16x1024xf32, #tpu.memory_space<hbm>>
    %dma_start3A_348 = arith.constant 0 : i32
    %dma_start3A_349 = arith.constant 0 : i32
    %dma_start3A_350 = tpu.memref_slice %arg13[%dma_start3A_339, %dma_start3A_348, %dma_start3A_349] : memref<2x16x1024xf32, #tpu.memory_space<vmem>> -> memref<1x16x1024xf32, #tpu.memory_space<vmem>>
    %dma_start3A_351 = tpu.memref_squeeze %dma_start3A_350 : memref<1x16x1024xf32, #tpu.memory_space<vmem>> -> memref<16x1024xf32, #tpu.memory_space<vmem>>
    tpu.enqueue_dma source(%dma_start3A_351 : memref<16x1024xf32, #tpu.memory_space<vmem>>) target(%dma_start3A_347 : memref<16x1024xf32, #tpu.memory_space<hbm>>) target_semaphore(%arg16 : memref<!tpu.dma_semaphore, #tpu.memory_space<semaphore_mem>>)
    %mul3A_352 = arith.constant 64 : i32
    %mul3A_353 = arith.muli %add3A, %mul3A_352 : i32
    %add3A_354 = arith.constant 48 : i32
    %add3A_355 = arith.addi %mul3A_353, %add3A_354 : i32
    %dma_wait3A_356 = arith.constant 1 : i32
    %dma_wait3A_357 = arith.constant 0 : i32
    %dma_wait3A_358 = arith.constant 0 : i32
    %dma_wait3A_359 = tpu.memref_slice %arg13[%dma_wait3A_356, %dma_wait3A_357, %dma_wait3A_358] : memref<2x16x1024xf32, #tpu.memory_space<vmem>> -> memref<1x16x1024xf32, #tpu.memory_space<vmem>>
    %dma_wait3A_360 = tpu.memref_squeeze %dma_wait3A_359 : memref<1x16x1024xf32, #tpu.memory_space<vmem>> -> memref<16x1024xf32, #tpu.memory_space<vmem>>
    %dma_wait3A_361 = arith.constant 0 : i32
    %dma_wait3A_362 = tpu.memref_slice %arg8[%add3A_338, %dma_wait3A_361] : memref<2048x1024xf32, #tpu.memory_space<hbm>> -> memref<16x1024xf32, #tpu.memory_space<hbm>>
    %dma_wait3A_363 = arith.constant 0 : i32
    %dma_wait3A_364 = tpu.memref_slice %arg8[%add3A_338, %dma_wait3A_363] : memref<2048x1024xf32, #tpu.memory_space<hbm>> -> memref<16x1024xf32, #tpu.memory_space<hbm>>
    %dma_wait3A_365 = arith.constant 0 : i32
    %dma_wait3A_366 = arith.constant 0 : i32
    %dma_wait3A_367 = tpu.memref_slice %arg13[%dma_wait3A_356, %dma_wait3A_365, %dma_wait3A_366] : memref<2x16x1024xf32, #tpu.memory_space<vmem>> -> memref<1x16x1024xf32, #tpu.memory_space<vmem>>
    %dma_wait3A_368 = tpu.memref_squeeze %dma_wait3A_367 : memref<1x16x1024xf32, #tpu.memory_space<vmem>> -> memref<16x1024xf32, #tpu.memory_space<vmem>>
    tpu.wait_dma2 semaphore(%arg16 : memref<!tpu.dma_semaphore, #tpu.memory_space<semaphore_mem>>) src(%dma_wait3A_368 : memref<16x1024xf32, #tpu.memory_space<vmem>>) dst(%dma_wait3A_364 : memref<16x1024xf32, #tpu.memory_space<hbm>>)
    %run_scoped3A_369 = arith.constant 1 : i32
    "tpu.region"() ({
      %run_scoped3A_670 = tpu.sem_alloc : memref<!tpu.dma_semaphore, #tpu.memory_space<semaphore_mem>>
      %dma_start3A_671 = arith.constant 0 : i32
      %dma_start3A_672 = tpu.memref_slice %arg9[%run_scoped3A_369, %dma_start3A_671] : memref<2x32xi32, #tpu.memory_space<vmem>> -> memref<1x16xi32, #tpu.memory_space<vmem>>
      %dma_start3A_673 = tpu.memref_squeeze %dma_start3A_672 : memref<1x16xi32, #tpu.memory_space<vmem>> -> memref<16xi32, #tpu.memory_space<vmem>>
      %dma_start3A_674 = tpu.memref_slice %arg4[%add3A_355] : memref<2048xi32, #tpu.memory_space<hbm>> -> memref<16xi32, #tpu.memory_space<hbm>>
      %dma_start3A_675 = arith.constant 0 : i32
      %dma_start3A_676 = tpu.memref_slice %arg9[%run_scoped3A_369, %dma_start3A_675] : memref<2x32xi32, #tpu.memory_space<vmem>> -> memref<1x16xi32, #tpu.memory_space<vmem>>
      %dma_start3A_677 = tpu.memref_squeeze %dma_start3A_676 : memref<1x16xi32, #tpu.memory_space<vmem>> -> memref<16xi32, #tpu.memory_space<vmem>>
      %dma_start3A_678 = tpu.memref_slice %arg4[%add3A_355] : memref<2048xi32, #tpu.memory_space<hbm>> -> memref<16xi32, #tpu.memory_space<hbm>>
      tpu.enqueue_dma source(%dma_start3A_678 : memref<16xi32, #tpu.memory_space<hbm>>) target(%dma_start3A_677 : memref<16xi32, #tpu.memory_space<vmem>>) target_semaphore(%run_scoped3A_670 : memref<!tpu.dma_semaphore, #tpu.memory_space<semaphore_mem>>)
      %dma_wait3A_679 = arith.constant 0 : i32
      %dma_wait3A_680 = tpu.memref_slice %arg9[%run_scoped3A_369, %dma_wait3A_679] : memref<2x32xi32, #tpu.memory_space<vmem>> -> memref<1x16xi32, #tpu.memory_space<vmem>>
      %dma_wait3A_681 = tpu.memref_squeeze %dma_wait3A_680 : memref<1x16xi32, #tpu.memory_space<vmem>> -> memref<16xi32, #tpu.memory_space<vmem>>
      %dma_wait3A_682 = tpu.memref_slice %arg4[%add3A_355] : memref<2048xi32, #tpu.memory_space<hbm>> -> memref<16xi32, #tpu.memory_space<hbm>>
      %dma_wait3A_683 = arith.constant 0 : i32
      %dma_wait3A_684 = tpu.memref_slice %arg9[%run_scoped3A_369, %dma_wait3A_683] : memref<2x32xi32, #tpu.memory_space<vmem>> -> memref<1x16xi32, #tpu.memory_space<vmem>>
      %dma_wait3A_685 = tpu.memref_squeeze %dma_wait3A_684 : memref<1x16xi32, #tpu.memory_space<vmem>> -> memref<16xi32, #tpu.memory_space<vmem>>
      %dma_wait3A_686 = tpu.memref_slice %arg4[%add3A_355] : memref<2048xi32, #tpu.memory_space<hbm>> -> memref<16xi32, #tpu.memory_space<hbm>>
      tpu.wait_dma2 semaphore(%run_scoped3A_670 : memref<!tpu.dma_semaphore, #tpu.memory_space<semaphore_mem>>) src(%dma_wait3A_686 : memref<16xi32, #tpu.memory_space<hbm>>) dst(%dma_wait3A_685 : memref<16xi32, #tpu.memory_space<vmem>>)
      tpu.yield
    }) : () -> ()
    %run_scoped3A_370 = arith.constant 1 : i32
    "tpu.region"() ({
      %run_scoped3A_670 = tpu.sem_alloc : memref<!tpu.dma_semaphore, #tpu.memory_space<semaphore_mem>>
      %dma_start3A_671 = arith.constant 16 : i32
      %dma_start3A_672 = tpu.memref_slice %arg9[%run_scoped3A_370, %dma_start3A_671] : memref<2x32xi32, #tpu.memory_space<vmem>> -> memref<1x16xi32, #tpu.memory_space<vmem>>
      %dma_start3A_673 = tpu.memref_squeeze %dma_start3A_672 : memref<1x16xi32, #tpu.memory_space<vmem>> -> memref<16xi32, #tpu.memory_space<vmem>>
      %dma_start3A_674 = tpu.memref_slice %arg5[%add3A_355] : memref<2048xi32, #tpu.memory_space<hbm>> -> memref<16xi32, #tpu.memory_space<hbm>>
      %dma_start3A_675 = arith.constant 16 : i32
      %dma_start3A_676 = tpu.memref_slice %arg9[%run_scoped3A_370, %dma_start3A_675] : memref<2x32xi32, #tpu.memory_space<vmem>> -> memref<1x16xi32, #tpu.memory_space<vmem>>
      %dma_start3A_677 = tpu.memref_squeeze %dma_start3A_676 : memref<1x16xi32, #tpu.memory_space<vmem>> -> memref<16xi32, #tpu.memory_space<vmem>>
      %dma_start3A_678 = tpu.memref_slice %arg5[%add3A_355] : memref<2048xi32, #tpu.memory_space<hbm>> -> memref<16xi32, #tpu.memory_space<hbm>>
      tpu.enqueue_dma source(%dma_start3A_678 : memref<16xi32, #tpu.memory_space<hbm>>) target(%dma_start3A_677 : memref<16xi32, #tpu.memory_space<vmem>>) target_semaphore(%run_scoped3A_670 : memref<!tpu.dma_semaphore, #tpu.memory_space<semaphore_mem>>)
      %dma_wait3A_679 = arith.constant 16 : i32
      %dma_wait3A_680 = tpu.memref_slice %arg9[%run_scoped3A_370, %dma_wait3A_679] : memref<2x32xi32, #tpu.memory_space<vmem>> -> memref<1x16xi32, #tpu.memory_space<vmem>>
      %dma_wait3A_681 = tpu.memref_squeeze %dma_wait3A_680 : memref<1x16xi32, #tpu.memory_space<vmem>> -> memref<16xi32, #tpu.memory_space<vmem>>
      %dma_wait3A_682 = tpu.memref_slice %arg5[%add3A_355] : memref<2048xi32, #tpu.memory_space<hbm>> -> memref<16xi32, #tpu.memory_space<hbm>>
      %dma_wait3A_683 = arith.constant 16 : i32
      %dma_wait3A_684 = tpu.memref_slice %arg9[%run_scoped3A_370, %dma_wait3A_683] : memref<2x32xi32, #tpu.memory_space<vmem>> -> memref<1x16xi32, #tpu.memory_space<vmem>>
      %dma_wait3A_685 = tpu.memref_squeeze %dma_wait3A_684 : memref<1x16xi32, #tpu.memory_space<vmem>> -> memref<16xi32, #tpu.memory_space<vmem>>
      %dma_wait3A_686 = tpu.memref_slice %arg5[%add3A_355] : memref<2048xi32, #tpu.memory_space<hbm>> -> memref<16xi32, #tpu.memory_space<hbm>>
      tpu.wait_dma2 semaphore(%run_scoped3A_670 : memref<!tpu.dma_semaphore, #tpu.memory_space<semaphore_mem>>) src(%dma_wait3A_686 : memref<16xi32, #tpu.memory_space<hbm>>) dst(%dma_wait3A_685 : memref<16xi32, #tpu.memory_space<vmem>>)
      tpu.yield
    }) : () -> ()
    %dma_start3A_371 = arith.constant 1 : i32
    %dma_start3A_372 = arith.constant 1 : i32
    %dma_start3A_373 = arith.constant 0 : i32
    %dma_start3A_374 = arith.constant 0 : i32
    %dma_start3A_375 = tpu.memref_slice %arg12[%dma_start3A_372, %dma_start3A_373, %dma_start3A_374] : memref<2x32x1024xf32, #tpu.memory_space<vmem>> -> memref<1x32x1024xf32, #tpu.memory_space<vmem>>
    %dma_start3A_376 = tpu.memref_squeeze %dma_start3A_375 : memref<1x32x1024xf32, #tpu.memory_space<vmem>> -> memref<32x1024xf32, #tpu.memory_space<vmem>>
    %dma_start3A_377 = arith.constant 0 : i32
    %dma_start3A_378 = tpu.memref_slice %arg9[%dma_start3A_371, %dma_start3A_377] : memref<2x32xi32, #tpu.memory_space<vmem>> -> memref<1x32xi32, #tpu.memory_space<vmem>>
    %dma_start3A_379 = tpu.memref_squeeze %dma_start3A_378 : memref<1x32xi32, #tpu.memory_space<vmem>> -> memref<32xi32, #tpu.memory_space<vmem>>
    %dma_start3A_380 = arith.constant 0 : i32
    %dma_start3A_381 = arith.constant 0 : i32
    %dma_start3A_382 = tpu.memref_slice %arg2[%dma_start3A_380, %dma_start3A_381] : memref<8192x1024xf32, #tpu.memory_space<hbm>> -> memref<8192x1024xf32, #tpu.memory_space<hbm>>
    tpu.enqueue_indirect_dma source(%dma_start3A_382 : memref<8192x1024xf32, #tpu.memory_space<hbm>>) target(%dma_start3A_376 : memref<32x1024xf32, #tpu.memory_space<vmem>>) offsets(%dma_start3A_379 : memref<32xi32, #tpu.memory_space<vmem>>) semaphore(%arg14 : memref<!tpu.dma_semaphore, #tpu.memory_space<semaphore_mem>>)
    %dma_start3A_383 = arith.constant 1 : i32
    %dma_start3A_384 = arith.constant 0 : i32
    %dma_start3A_385 = arith.constant 0 : i32
    %dma_start3A_386 = tpu.memref_slice %arg13[%dma_start3A_383, %dma_start3A_384, %dma_start3A_385] : memref<2x16x1024xf32, #tpu.memory_space<vmem>> -> memref<1x16x1024xf32, #tpu.memory_space<vmem>>
    %dma_start3A_387 = tpu.memref_squeeze %dma_start3A_386 : memref<1x16x1024xf32, #tpu.memory_space<vmem>> -> memref<16x1024xf32, #tpu.memory_space<vmem>>
    %dma_start3A_388 = arith.constant 0 : i32
    %dma_start3A_389 = tpu.memref_slice %arg3[%add3A_355, %dma_start3A_388] : memref<2048x1024xf32, #tpu.memory_space<hbm>> -> memref<16x1024xf32, #tpu.memory_space<hbm>>
    %dma_start3A_390 = arith.constant 0 : i32
    %dma_start3A_391 = arith.constant 0 : i32
    %dma_start3A_392 = tpu.memref_slice %arg13[%dma_start3A_383, %dma_start3A_390, %dma_start3A_391] : memref<2x16x1024xf32, #tpu.memory_space<vmem>> -> memref<1x16x1024xf32, #tpu.memory_space<vmem>>
    %dma_start3A_393 = tpu.memref_squeeze %dma_start3A_392 : memref<1x16x1024xf32, #tpu.memory_space<vmem>> -> memref<16x1024xf32, #tpu.memory_space<vmem>>
    %dma_start3A_394 = arith.constant 0 : i32
    %dma_start3A_395 = tpu.memref_slice %arg3[%add3A_355, %dma_start3A_394] : memref<2048x1024xf32, #tpu.memory_space<hbm>> -> memref<16x1024xf32, #tpu.memory_space<hbm>>
    tpu.enqueue_dma source(%dma_start3A_395 : memref<16x1024xf32, #tpu.memory_space<hbm>>) target(%dma_start3A_393 : memref<16x1024xf32, #tpu.memory_space<vmem>>) target_semaphore(%arg15 : memref<!tpu.dma_semaphore, #tpu.memory_space<semaphore_mem>>)
    %run_scoped3A_396 = arith.constant 1 : i32
    "tpu.region"() ({
      %run_scoped3A_670 = tpu.sem_alloc : memref<!tpu.dma_semaphore, #tpu.memory_space<semaphore_mem>>
      %dma_start3A_671 = arith.constant 0 : i32
      %dma_start3A_672 = tpu.memref_slice %arg10[%run_scoped3A_396, %dma_start3A_671] : memref<2x16xf32, #tpu.memory_space<vmem>> -> memref<1x16xf32, #tpu.memory_space<vmem>>
      %dma_start3A_673 = tpu.memref_squeeze %dma_start3A_672 : memref<1x16xf32, #tpu.memory_space<vmem>> -> memref<16xf32, #tpu.memory_space<vmem>>
      %dma_start3A_674 = tpu.memref_slice %arg6[%add3A_355] : memref<2048xf32, #tpu.memory_space<hbm>> -> memref<16xf32, #tpu.memory_space<hbm>>
      %dma_start3A_675 = arith.constant 0 : i32
      %dma_start3A_676 = tpu.memref_slice %arg10[%run_scoped3A_396, %dma_start3A_675] : memref<2x16xf32, #tpu.memory_space<vmem>> -> memref<1x16xf32, #tpu.memory_space<vmem>>
      %dma_start3A_677 = tpu.memref_squeeze %dma_start3A_676 : memref<1x16xf32, #tpu.memory_space<vmem>> -> memref<16xf32, #tpu.memory_space<vmem>>
      %dma_start3A_678 = tpu.memref_slice %arg6[%add3A_355] : memref<2048xf32, #tpu.memory_space<hbm>> -> memref<16xf32, #tpu.memory_space<hbm>>
      tpu.enqueue_dma source(%dma_start3A_678 : memref<16xf32, #tpu.memory_space<hbm>>) target(%dma_start3A_677 : memref<16xf32, #tpu.memory_space<vmem>>) target_semaphore(%run_scoped3A_670 : memref<!tpu.dma_semaphore, #tpu.memory_space<semaphore_mem>>)
      %dma_wait3A_679 = arith.constant 0 : i32
      %dma_wait3A_680 = tpu.memref_slice %arg10[%run_scoped3A_396, %dma_wait3A_679] : memref<2x16xf32, #tpu.memory_space<vmem>> -> memref<1x16xf32, #tpu.memory_space<vmem>>
      %dma_wait3A_681 = tpu.memref_squeeze %dma_wait3A_680 : memref<1x16xf32, #tpu.memory_space<vmem>> -> memref<16xf32, #tpu.memory_space<vmem>>
      %dma_wait3A_682 = tpu.memref_slice %arg6[%add3A_355] : memref<2048xf32, #tpu.memory_space<hbm>> -> memref<16xf32, #tpu.memory_space<hbm>>
      %dma_wait3A_683 = arith.constant 0 : i32
      %dma_wait3A_684 = tpu.memref_slice %arg10[%run_scoped3A_396, %dma_wait3A_683] : memref<2x16xf32, #tpu.memory_space<vmem>> -> memref<1x16xf32, #tpu.memory_space<vmem>>
      %dma_wait3A_685 = tpu.memref_squeeze %dma_wait3A_684 : memref<1x16xf32, #tpu.memory_space<vmem>> -> memref<16xf32, #tpu.memory_space<vmem>>
      %dma_wait3A_686 = tpu.memref_slice %arg6[%add3A_355] : memref<2048xf32, #tpu.memory_space<hbm>> -> memref<16xf32, #tpu.memory_space<hbm>>
      tpu.wait_dma2 semaphore(%run_scoped3A_670 : memref<!tpu.dma_semaphore, #tpu.memory_space<semaphore_mem>>) src(%dma_wait3A_686 : memref<16xf32, #tpu.memory_space<hbm>>) dst(%dma_wait3A_685 : memref<16xf32, #tpu.memory_space<vmem>>)
      tpu.yield
    }) : () -> ()
    %run_scoped3A_397 = arith.constant 1 : i32
    "tpu.region"() ({
      %run_scoped3A_670 = tpu.sem_alloc : memref<!tpu.dma_semaphore, #tpu.memory_space<semaphore_mem>>
      %dma_start3A_671 = arith.constant 0 : i32
      %dma_start3A_672 = tpu.memref_slice %arg11[%run_scoped3A_397, %dma_start3A_671] : memref<2x16xf32, #tpu.memory_space<vmem>> -> memref<1x16xf32, #tpu.memory_space<vmem>>
      %dma_start3A_673 = tpu.memref_squeeze %dma_start3A_672 : memref<1x16xf32, #tpu.memory_space<vmem>> -> memref<16xf32, #tpu.memory_space<vmem>>
      %dma_start3A_674 = tpu.memref_slice %arg7[%add3A_355] : memref<2048xf32, #tpu.memory_space<hbm>> -> memref<16xf32, #tpu.memory_space<hbm>>
      %dma_start3A_675 = arith.constant 0 : i32
      %dma_start3A_676 = tpu.memref_slice %arg11[%run_scoped3A_397, %dma_start3A_675] : memref<2x16xf32, #tpu.memory_space<vmem>> -> memref<1x16xf32, #tpu.memory_space<vmem>>
      %dma_start3A_677 = tpu.memref_squeeze %dma_start3A_676 : memref<1x16xf32, #tpu.memory_space<vmem>> -> memref<16xf32, #tpu.memory_space<vmem>>
      %dma_start3A_678 = tpu.memref_slice %arg7[%add3A_355] : memref<2048xf32, #tpu.memory_space<hbm>> -> memref<16xf32, #tpu.memory_space<hbm>>
      tpu.enqueue_dma source(%dma_start3A_678 : memref<16xf32, #tpu.memory_space<hbm>>) target(%dma_start3A_677 : memref<16xf32, #tpu.memory_space<vmem>>) target_semaphore(%run_scoped3A_670 : memref<!tpu.dma_semaphore, #tpu.memory_space<semaphore_mem>>)
      %dma_wait3A_679 = arith.constant 0 : i32
      %dma_wait3A_680 = tpu.memref_slice %arg11[%run_scoped3A_397, %dma_wait3A_679] : memref<2x16xf32, #tpu.memory_space<vmem>> -> memref<1x16xf32, #tpu.memory_space<vmem>>
      %dma_wait3A_681 = tpu.memref_squeeze %dma_wait3A_680 : memref<1x16xf32, #tpu.memory_space<vmem>> -> memref<16xf32, #tpu.memory_space<vmem>>
      %dma_wait3A_682 = tpu.memref_slice %arg7[%add3A_355] : memref<2048xf32, #tpu.memory_space<hbm>> -> memref<16xf32, #tpu.memory_space<hbm>>
      %dma_wait3A_683 = arith.constant 0 : i32
      %dma_wait3A_684 = tpu.memref_slice %arg11[%run_scoped3A_397, %dma_wait3A_683] : memref<2x16xf32, #tpu.memory_space<vmem>> -> memref<1x16xf32, #tpu.memory_space<vmem>>
      %dma_wait3A_685 = tpu.memref_squeeze %dma_wait3A_684 : memref<1x16xf32, #tpu.memory_space<vmem>> -> memref<16xf32, #tpu.memory_space<vmem>>
      %dma_wait3A_686 = tpu.memref_slice %arg7[%add3A_355] : memref<2048xf32, #tpu.memory_space<hbm>> -> memref<16xf32, #tpu.memory_space<hbm>>
      tpu.wait_dma2 semaphore(%run_scoped3A_670 : memref<!tpu.dma_semaphore, #tpu.memory_space<semaphore_mem>>) src(%dma_wait3A_686 : memref<16xf32, #tpu.memory_space<hbm>>) dst(%dma_wait3A_685 : memref<16xf32, #tpu.memory_space<vmem>>)
      tpu.yield
    }) : () -> ()
    %dma_wait3A_398 = arith.constant 0 : i32
    %dma_wait3A_399 = arith.constant 0 : i32
    %dma_wait3A_400 = arith.constant 0 : i32
    %dma_wait3A_401 = arith.constant 0 : i32
    %dma_wait3A_402 = tpu.memref_slice %arg12[%dma_wait3A_399, %dma_wait3A_400, %dma_wait3A_401] : memref<2x32x1024xf32, #tpu.memory_space<vmem>> -> memref<1x32x1024xf32, #tpu.memory_space<vmem>>
    %dma_wait3A_403 = tpu.memref_squeeze %dma_wait3A_402 : memref<1x32x1024xf32, #tpu.memory_space<vmem>> -> memref<32x1024xf32, #tpu.memory_space<vmem>>
    %dma_wait3A_404 = arith.constant 0 : i32
    %dma_wait3A_405 = tpu.memref_slice %arg9[%dma_wait3A_398, %dma_wait3A_404] : memref<2x32xi32, #tpu.memory_space<vmem>> -> memref<1x32xi32, #tpu.memory_space<vmem>>
    %dma_wait3A_406 = tpu.memref_squeeze %dma_wait3A_405 : memref<1x32xi32, #tpu.memory_space<vmem>> -> memref<32xi32, #tpu.memory_space<vmem>>
    %dma_wait3A_407 = arith.constant 0 : i32
    %dma_wait3A_408 = arith.constant 0 : i32
    %dma_wait3A_409 = tpu.memref_slice %arg2[%dma_wait3A_407, %dma_wait3A_408] : memref<8192x1024xf32, #tpu.memory_space<hbm>> -> memref<8192x1024xf32, #tpu.memory_space<hbm>>
    tpu.wait_indirect_dma semaphore(%arg14 : memref<!tpu.dma_semaphore, #tpu.memory_space<semaphore_mem>>) src(%dma_wait3A_409 : memref<8192x1024xf32, #tpu.memory_space<hbm>>) dst(%dma_wait3A_403 : memref<32x1024xf32, #tpu.memory_space<vmem>>)
    %dma_wait3A_410 = arith.constant 0 : i32
    %dma_wait3A_411 = arith.constant 0 : i32
    %dma_wait3A_412 = arith.constant 0 : i32
    %dma_wait3A_413 = tpu.memref_slice %arg13[%dma_wait3A_410, %dma_wait3A_411, %dma_wait3A_412] : memref<2x16x1024xf32, #tpu.memory_space<vmem>> -> memref<1x16x1024xf32, #tpu.memory_space<vmem>>
    %dma_wait3A_414 = tpu.memref_squeeze %dma_wait3A_413 : memref<1x16x1024xf32, #tpu.memory_space<vmem>> -> memref<16x1024xf32, #tpu.memory_space<vmem>>
    %dma_wait3A_415 = arith.constant 0 : i32
    %dma_wait3A_416 = tpu.memref_slice %arg3[%add3A_186, %dma_wait3A_415] : memref<2048x1024xf32, #tpu.memory_space<hbm>> -> memref<16x1024xf32, #tpu.memory_space<hbm>>
    %dma_wait3A_417 = arith.constant 0 : i32
    %dma_wait3A_418 = arith.constant 0 : i32
    %dma_wait3A_419 = tpu.memref_slice %arg13[%dma_wait3A_410, %dma_wait3A_417, %dma_wait3A_418] : memref<2x16x1024xf32, #tpu.memory_space<vmem>> -> memref<1x16x1024xf32, #tpu.memory_space<vmem>>
    %dma_wait3A_420 = tpu.memref_squeeze %dma_wait3A_419 : memref<1x16x1024xf32, #tpu.memory_space<vmem>> -> memref<16x1024xf32, #tpu.memory_space<vmem>>
    %dma_wait3A_421 = arith.constant 0 : i32
    %dma_wait3A_422 = tpu.memref_slice %arg3[%add3A_186, %dma_wait3A_421] : memref<2048x1024xf32, #tpu.memory_space<hbm>> -> memref<16x1024xf32, #tpu.memory_space<hbm>>
    tpu.wait_dma2 semaphore(%arg15 : memref<!tpu.dma_semaphore, #tpu.memory_space<semaphore_mem>>) src(%dma_wait3A_422 : memref<16x1024xf32, #tpu.memory_space<hbm>>) dst(%dma_wait3A_420 : memref<16x1024xf32, #tpu.memory_space<vmem>>)
    %get3A_423 = arith.constant 0 : i32
    %get3A_424 = arith.index_cast %get3A_423 : i32 to index
    %get3A_425 = arith.constant 0 : index
    %get3A_426 = tpu.vector_load %arg10[%get3A_424, %get3A_425] {strides = array<i32>} : memref<2x16xf32, #tpu.memory_space<vmem>>, vector<1x16xf32>,
    %get3A_427 = vector.shape_cast %get3A_426 : vector<1x16xf32> to vector<16xf32>
    %get3A_428 = arith.constant 0 : i32
    %get3A_429 = arith.index_cast %get3A_428 : i32 to index
    %get3A_430 = arith.constant 0 : index
    %get3A_431 = tpu.vector_load %arg11[%get3A_429, %get3A_430] {strides = array<i32>} : memref<2x16xf32, #tpu.memory_space<vmem>>, vector<1x16xf32>,
    %get3A_432 = vector.shape_cast %get3A_431 : vector<1x16xf32> to vector<16xf32>
    %slice3A_433 = vector.extract_strided_slice %get3A_427 {offsets = [0], sizes = [1], strides = [1]} : vector<16xf32> to vector<1xf32>
    %squeeze3A_434 = vector.extract %slice3A_433[0] : f32 from vector<1xf32>
    %slice3A_435 = vector.extract_strided_slice %get3A_427 {offsets = [1], sizes = [1], strides = [1]} : vector<16xf32> to vector<1xf32>
    %squeeze3A_436 = vector.extract %slice3A_435[0] : f32 from vector<1xf32>
    %slice3A_437 = vector.extract_strided_slice %get3A_427 {offsets = [2], sizes = [1], strides = [1]} : vector<16xf32> to vector<1xf32>
    %squeeze3A_438 = vector.extract %slice3A_437[0] : f32 from vector<1xf32>
    %slice3A_439 = vector.extract_strided_slice %get3A_427 {offsets = [3], sizes = [1], strides = [1]} : vector<16xf32> to vector<1xf32>
    %squeeze3A_440 = vector.extract %slice3A_439[0] : f32 from vector<1xf32>
    %slice3A_441 = vector.extract_strided_slice %get3A_427 {offsets = [4], sizes = [1], strides = [1]} : vector<16xf32> to vector<1xf32>
    %squeeze3A_442 = vector.extract %slice3A_441[0] : f32 from vector<1xf32>
    %slice3A_443 = vector.extract_strided_slice %get3A_427 {offsets = [5], sizes = [1], strides = [1]} : vector<16xf32> to vector<1xf32>
    %squeeze3A_444 = vector.extract %slice3A_443[0] : f32 from vector<1xf32>
    %slice3A_445 = vector.extract_strided_slice %get3A_427 {offsets = [6], sizes = [1], strides = [1]} : vector<16xf32> to vector<1xf32>
    %squeeze3A_446 = vector.extract %slice3A_445[0] : f32 from vector<1xf32>
    %slice3A_447 = vector.extract_strided_slice %get3A_427 {offsets = [7], sizes = [1], strides = [1]} : vector<16xf32> to vector<1xf32>
    %squeeze3A_448 = vector.extract %slice3A_447[0] : f32 from vector<1xf32>
    %slice3A_449 = vector.extract_strided_slice %get3A_427 {offsets = [8], sizes = [1], strides = [1]} : vector<16xf32> to vector<1xf32>
    %squeeze3A_450 = vector.extract %slice3A_449[0] : f32 from vector<1xf32>
    %slice3A_451 = vector.extract_strided_slice %get3A_427 {offsets = [9], sizes = [1], strides = [1]} : vector<16xf32> to vector<1xf32>
    %squeeze3A_452 = vector.extract %slice3A_451[0] : f32 from vector<1xf32>
    %slice3A_453 = vector.extract_strided_slice %get3A_427 {offsets = [10], sizes = [1], strides = [1]} : vector<16xf32> to vector<1xf32>
    %squeeze3A_454 = vector.extract %slice3A_453[0] : f32 from vector<1xf32>
    %slice3A_455 = vector.extract_strided_slice %get3A_427 {offsets = [11], sizes = [1], strides = [1]} : vector<16xf32> to vector<1xf32>
    %squeeze3A_456 = vector.extract %slice3A_455[0] : f32 from vector<1xf32>
    %slice3A_457 = vector.extract_strided_slice %get3A_427 {offsets = [12], sizes = [1], strides = [1]} : vector<16xf32> to vector<1xf32>
    %squeeze3A_458 = vector.extract %slice3A_457[0] : f32 from vector<1xf32>
    %slice3A_459 = vector.extract_strided_slice %get3A_427 {offsets = [13], sizes = [1], strides = [1]} : vector<16xf32> to vector<1xf32>
    %squeeze3A_460 = vector.extract %slice3A_459[0] : f32 from vector<1xf32>
    %slice3A_461 = vector.extract_strided_slice %get3A_427 {offsets = [14], sizes = [1], strides = [1]} : vector<16xf32> to vector<1xf32>
    %squeeze3A_462 = vector.extract %slice3A_461[0] : f32 from vector<1xf32>
    %slice3A_463 = vector.extract_strided_slice %get3A_427 {offsets = [15], sizes = [1], strides = [1]} : vector<16xf32> to vector<1xf32>
    %squeeze3A_464 = vector.extract %slice3A_463[0] : f32 from vector<1xf32>
    %slice3A_465 = vector.extract_strided_slice %get3A_432 {offsets = [0], sizes = [1], strides = [1]} : vector<16xf32> to vector<1xf32>
    %squeeze3A_466 = vector.extract %slice3A_465[0] : f32 from vector<1xf32>
    %slice3A_467 = vector.extract_strided_slice %get3A_432 {offsets = [1], sizes = [1], strides = [1]} : vector<16xf32> to vector<1xf32>
    %squeeze3A_468 = vector.extract %slice3A_467[0] : f32 from vector<1xf32>
    %slice3A_469 = vector.extract_strided_slice %get3A_432 {offsets = [2], sizes = [1], strides = [1]} : vector<16xf32> to vector<1xf32>
    %squeeze3A_470 = vector.extract %slice3A_469[0] : f32 from vector<1xf32>
    %slice3A_471 = vector.extract_strided_slice %get3A_432 {offsets = [3], sizes = [1], strides = [1]} : vector<16xf32> to vector<1xf32>
    %squeeze3A_472 = vector.extract %slice3A_471[0] : f32 from vector<1xf32>
    %slice3A_473 = vector.extract_strided_slice %get3A_432 {offsets = [4], sizes = [1], strides = [1]} : vector<16xf32> to vector<1xf32>
    %squeeze3A_474 = vector.extract %slice3A_473[0] : f32 from vector<1xf32>
    %slice3A_475 = vector.extract_strided_slice %get3A_432 {offsets = [5], sizes = [1], strides = [1]} : vector<16xf32> to vector<1xf32>
    %squeeze3A_476 = vector.extract %slice3A_475[0] : f32 from vector<1xf32>
    %slice3A_477 = vector.extract_strided_slice %get3A_432 {offsets = [6], sizes = [1], strides = [1]} : vector<16xf32> to vector<1xf32>
    %squeeze3A_478 = vector.extract %slice3A_477[0] : f32 from vector<1xf32>
    %slice3A_479 = vector.extract_strided_slice %get3A_432 {offsets = [7], sizes = [1], strides = [1]} : vector<16xf32> to vector<1xf32>
    %squeeze3A_480 = vector.extract %slice3A_479[0] : f32 from vector<1xf32>
    %slice3A_481 = vector.extract_strided_slice %get3A_432 {offsets = [8], sizes = [1], strides = [1]} : vector<16xf32> to vector<1xf32>
    %squeeze3A_482 = vector.extract %slice3A_481[0] : f32 from vector<1xf32>
    %slice3A_483 = vector.extract_strided_slice %get3A_432 {offsets = [9], sizes = [1], strides = [1]} : vector<16xf32> to vector<1xf32>
    %squeeze3A_484 = vector.extract %slice3A_483[0] : f32 from vector<1xf32>
    %slice3A_485 = vector.extract_strided_slice %get3A_432 {offsets = [10], sizes = [1], strides = [1]} : vector<16xf32> to vector<1xf32>
    %squeeze3A_486 = vector.extract %slice3A_485[0] : f32 from vector<1xf32>
    %slice3A_487 = vector.extract_strided_slice %get3A_432 {offsets = [11], sizes = [1], strides = [1]} : vector<16xf32> to vector<1xf32>
    %squeeze3A_488 = vector.extract %slice3A_487[0] : f32 from vector<1xf32>
    %slice3A_489 = vector.extract_strided_slice %get3A_432 {offsets = [12], sizes = [1], strides = [1]} : vector<16xf32> to vector<1xf32>
    %squeeze3A_490 = vector.extract %slice3A_489[0] : f32 from vector<1xf32>
    %slice3A_491 = vector.extract_strided_slice %get3A_432 {offsets = [13], sizes = [1], strides = [1]} : vector<16xf32> to vector<1xf32>
    %squeeze3A_492 = vector.extract %slice3A_491[0] : f32 from vector<1xf32>
    %slice3A_493 = vector.extract_strided_slice %get3A_432 {offsets = [14], sizes = [1], strides = [1]} : vector<16xf32> to vector<1xf32>
    %squeeze3A_494 = vector.extract %slice3A_493[0] : f32 from vector<1xf32>
    %slice3A_495 = vector.extract_strided_slice %get3A_432 {offsets = [15], sizes = [1], strides = [1]} : vector<16xf32> to vector<1xf32>
    %squeeze3A_496 = vector.extract %slice3A_495[0] : f32 from vector<1xf32>
    %scan3A_497 = arith.constant 0 : i32
    %scan3A_498 = arith.constant 0 : i32
    %scan3A_499 = arith.constant 64 : i32
    %scan3A_500 = arith.addi %scan3A_498, %scan3A_499 : i32
    %scan3A_501 = arith.constant 1 : i32
    %scan3A_502 = scf.for %scan3A_670 = %scan3A_498 to %scan3A_500 step %scan3A_501 iter_args(%scan3A_671 = %scan3A_497) -> (i32)  : i32 {
      %mul3A_672 = arith.constant 16 : i32
      %mul3A_673 = arith.muli %scan3A_670, %mul3A_672 : i32
      %get3A_674 = arith.constant 0 : i32
      %get3A_675 = arith.constant 0 : i32
      %get3A_676 = arith.index_cast %get3A_674 : i32 to index
      %get3A_677 = arith.index_cast %get3A_675 : i32 to index
      %get3A_678 = arith.index_cast %mul3A_673 : i32 to index
      %get3A_679 = tpu.vector_load %arg13[%get3A_676, %get3A_677, %get3A_678] {strides = array<i32>} : memref<2x16x1024xf32, #tpu.memory_space<vmem>>, vector<1x1x16xf32>,
      %get3A_680 = vector.shape_cast %get3A_679 : vector<1x1x16xf32> to vector<16xf32>
      %get3A_681 = arith.constant 0 : i32
      %get3A_682 = arith.constant 0 : i32
      %get3A_683 = arith.index_cast %get3A_681 : i32 to index
      %get3A_684 = arith.index_cast %get3A_682 : i32 to index
      %get3A_685 = arith.index_cast %mul3A_673 : i32 to index
      %get3A_686 = tpu.vector_load %arg12[%get3A_683, %get3A_684, %get3A_685] {strides = array<i32>} : memref<2x32x1024xf32, #tpu.memory_space<vmem>>, vector<1x1x16xf32>,
      %get3A_687 = vector.shape_cast %get3A_686 : vector<1x1x16xf32> to vector<16xf32>
      %mul3A_688 = vector.broadcast %squeeze3A_434 : f32 to vector<16xf32>
      %mul3A_689 = arith.mulf %mul3A_688, %get3A_687 : vector<16xf32>
      %add3A_690 = arith.addf %get3A_680, %mul3A_689 : vector<16xf32>
      %get3A_691 = arith.constant 0 : i32
      %get3A_692 = arith.constant 16 : i32
      %get3A_693 = arith.index_cast %get3A_691 : i32 to index
      %get3A_694 = arith.index_cast %get3A_692 : i32 to index
      %get3A_695 = arith.index_cast %mul3A_673 : i32 to index
      %get3A_696 = tpu.vector_load %arg12[%get3A_693, %get3A_694, %get3A_695] {strides = array<i32>} : memref<2x32x1024xf32, #tpu.memory_space<vmem>>, vector<1x1x16xf32>,
      %get3A_697 = vector.shape_cast %get3A_696 : vector<1x1x16xf32> to vector<16xf32>
      %mul3A_698 = vector.broadcast %squeeze3A_466 : f32 to vector<16xf32>
      %mul3A_699 = arith.mulf %mul3A_698, %get3A_697 : vector<16xf32>
      %add3A_700 = arith.addf %add3A_690, %mul3A_699 : vector<16xf32>
      %swap3A = arith.constant 0 : i32
      %swap3A_701 = arith.constant 0 : i32
      %swap3A_702 = arith.index_cast %swap3A : i32 to index
      %swap3A_703 = arith.index_cast %swap3A_701 : i32 to index
      %swap3A_704 = arith.index_cast %mul3A_673 : i32 to index
      %swap3A_705 = tpu.vector_load %arg13[%swap3A_702, %swap3A_703, %swap3A_704] {strides = array<i32>} : memref<2x16x1024xf32, #tpu.memory_space<vmem>>, vector<1x1x16xf32>,
      %swap3A_706 = vector.shape_cast %swap3A_705 : vector<1x1x16xf32> to vector<16xf32>
      %swap3A_707 = vector.shape_cast %add3A_700 : vector<16xf32> to vector<1x1x16xf32>
      tpu.vector_store %arg13[%swap3A_702, %swap3A_703, %swap3A_704], %swap3A_707 {strides = array<i32>} : memref<2x16x1024xf32, #tpu.memory_space<vmem>>, vector<1x1x16xf32>,
      %get3A_708 = arith.constant 0 : i32
      %get3A_709 = arith.constant 1 : i32
      %get3A_710 = arith.index_cast %get3A_708 : i32 to index
      %get3A_711 = arith.index_cast %get3A_709 : i32 to index
      %get3A_712 = arith.index_cast %mul3A_673 : i32 to index
      %get3A_713 = tpu.vector_load %arg13[%get3A_710, %get3A_711, %get3A_712] {strides = array<i32>} : memref<2x16x1024xf32, #tpu.memory_space<vmem>>, vector<1x1x16xf32>,
      %get3A_714 = vector.shape_cast %get3A_713 : vector<1x1x16xf32> to vector<16xf32>
      %get3A_715 = arith.constant 0 : i32
      %get3A_716 = arith.constant 1 : i32
      %get3A_717 = arith.index_cast %get3A_715 : i32 to index
      %get3A_718 = arith.index_cast %get3A_716 : i32 to index
      %get3A_719 = arith.index_cast %mul3A_673 : i32 to index
      %get3A_720 = tpu.vector_load %arg12[%get3A_717, %get3A_718, %get3A_719] {strides = array<i32>} : memref<2x32x1024xf32, #tpu.memory_space<vmem>>, vector<1x1x16xf32>,
      %get3A_721 = vector.shape_cast %get3A_720 : vector<1x1x16xf32> to vector<16xf32>
      %mul3A_722 = vector.broadcast %squeeze3A_436 : f32 to vector<16xf32>
      %mul3A_723 = arith.mulf %mul3A_722, %get3A_721 : vector<16xf32>
      %add3A_724 = arith.addf %get3A_714, %mul3A_723 : vector<16xf32>
      %get3A_725 = arith.constant 0 : i32
      %get3A_726 = arith.constant 17 : i32
      %get3A_727 = arith.index_cast %get3A_725 : i32 to index
      %get3A_728 = arith.index_cast %get3A_726 : i32 to index
      %get3A_729 = arith.index_cast %mul3A_673 : i32 to index
      %get3A_730 = tpu.vector_load %arg12[%get3A_727, %get3A_728, %get3A_729] {strides = array<i32>} : memref<2x32x1024xf32, #tpu.memory_space<vmem>>, vector<1x1x16xf32>,
      %get3A_731 = vector.shape_cast %get3A_730 : vector<1x1x16xf32> to vector<16xf32>
      %mul3A_732 = vector.broadcast %squeeze3A_468 : f32 to vector<16xf32>
      %mul3A_733 = arith.mulf %mul3A_732, %get3A_731 : vector<16xf32>
      %add3A_734 = arith.addf %add3A_724, %mul3A_733 : vector<16xf32>
      %swap3A_735 = arith.constant 0 : i32
      %swap3A_736 = arith.constant 1 : i32
      %swap3A_737 = arith.index_cast %swap3A_735 : i32 to index
      %swap3A_738 = arith.index_cast %swap3A_736 : i32 to index
      %swap3A_739 = arith.index_cast %mul3A_673 : i32 to index
      %swap3A_740 = tpu.vector_load %arg13[%swap3A_737, %swap3A_738, %swap3A_739] {strides = array<i32>} : memref<2x16x1024xf32, #tpu.memory_space<vmem>>, vector<1x1x16xf32>,
      %swap3A_741 = vector.shape_cast %swap3A_740 : vector<1x1x16xf32> to vector<16xf32>
      %swap3A_742 = vector.shape_cast %add3A_734 : vector<16xf32> to vector<1x1x16xf32>
      tpu.vector_store %arg13[%swap3A_737, %swap3A_738, %swap3A_739], %swap3A_742 {strides = array<i32>} : memref<2x16x1024xf32, #tpu.memory_space<vmem>>, vector<1x1x16xf32>,
      %get3A_743 = arith.constant 0 : i32
      %get3A_744 = arith.constant 2 : i32
      %get3A_745 = arith.index_cast %get3A_743 : i32 to index
      %get3A_746 = arith.index_cast %get3A_744 : i32 to index
      %get3A_747 = arith.index_cast %mul3A_673 : i32 to index
      %get3A_748 = tpu.vector_load %arg13[%get3A_745, %get3A_746, %get3A_747] {strides = array<i32>} : memref<2x16x1024xf32, #tpu.memory_space<vmem>>, vector<1x1x16xf32>,
      %get3A_749 = vector.shape_cast %get3A_748 : vector<1x1x16xf32> to vector<16xf32>
      %get3A_750 = arith.constant 0 : i32
      %get3A_751 = arith.constant 2 : i32
      %get3A_752 = arith.index_cast %get3A_750 : i32 to index
      %get3A_753 = arith.index_cast %get3A_751 : i32 to index
      %get3A_754 = arith.index_cast %mul3A_673 : i32 to index
      %get3A_755 = tpu.vector_load %arg12[%get3A_752, %get3A_753, %get3A_754] {strides = array<i32>} : memref<2x32x1024xf32, #tpu.memory_space<vmem>>, vector<1x1x16xf32>,
      %get3A_756 = vector.shape_cast %get3A_755 : vector<1x1x16xf32> to vector<16xf32>
      %mul3A_757 = vector.broadcast %squeeze3A_438 : f32 to vector<16xf32>
      %mul3A_758 = arith.mulf %mul3A_757, %get3A_756 : vector<16xf32>
      %add3A_759 = arith.addf %get3A_749, %mul3A_758 : vector<16xf32>
      %get3A_760 = arith.constant 0 : i32
      %get3A_761 = arith.constant 18 : i32
      %get3A_762 = arith.index_cast %get3A_760 : i32 to index
      %get3A_763 = arith.index_cast %get3A_761 : i32 to index
      %get3A_764 = arith.index_cast %mul3A_673 : i32 to index
      %get3A_765 = tpu.vector_load %arg12[%get3A_762, %get3A_763, %get3A_764] {strides = array<i32>} : memref<2x32x1024xf32, #tpu.memory_space<vmem>>, vector<1x1x16xf32>,
      %get3A_766 = vector.shape_cast %get3A_765 : vector<1x1x16xf32> to vector<16xf32>
      %mul3A_767 = vector.broadcast %squeeze3A_470 : f32 to vector<16xf32>
      %mul3A_768 = arith.mulf %mul3A_767, %get3A_766 : vector<16xf32>
      %add3A_769 = arith.addf %add3A_759, %mul3A_768 : vector<16xf32>
      %swap3A_770 = arith.constant 0 : i32
      %swap3A_771 = arith.constant 2 : i32
      %swap3A_772 = arith.index_cast %swap3A_770 : i32 to index
      %swap3A_773 = arith.index_cast %swap3A_771 : i32 to index
      %swap3A_774 = arith.index_cast %mul3A_673 : i32 to index
      %swap3A_775 = tpu.vector_load %arg13[%swap3A_772, %swap3A_773, %swap3A_774] {strides = array<i32>} : memref<2x16x1024xf32, #tpu.memory_space<vmem>>, vector<1x1x16xf32>,
      %swap3A_776 = vector.shape_cast %swap3A_775 : vector<1x1x16xf32> to vector<16xf32>
      %swap3A_777 = vector.shape_cast %add3A_769 : vector<16xf32> to vector<1x1x16xf32>
      tpu.vector_store %arg13[%swap3A_772, %swap3A_773, %swap3A_774], %swap3A_777 {strides = array<i32>} : memref<2x16x1024xf32, #tpu.memory_space<vmem>>, vector<1x1x16xf32>,
      %get3A_778 = arith.constant 0 : i32
      %get3A_779 = arith.constant 3 : i32
      %get3A_780 = arith.index_cast %get3A_778 : i32 to index
      %get3A_781 = arith.index_cast %get3A_779 : i32 to index
      %get3A_782 = arith.index_cast %mul3A_673 : i32 to index
      %get3A_783 = tpu.vector_load %arg13[%get3A_780, %get3A_781, %get3A_782] {strides = array<i32>} : memref<2x16x1024xf32, #tpu.memory_space<vmem>>, vector<1x1x16xf32>,
      %get3A_784 = vector.shape_cast %get3A_783 : vector<1x1x16xf32> to vector<16xf32>
      %get3A_785 = arith.constant 0 : i32
      %get3A_786 = arith.constant 3 : i32
      %get3A_787 = arith.index_cast %get3A_785 : i32 to index
      %get3A_788 = arith.index_cast %get3A_786 : i32 to index
      %get3A_789 = arith.index_cast %mul3A_673 : i32 to index
      %get3A_790 = tpu.vector_load %arg12[%get3A_787, %get3A_788, %get3A_789] {strides = array<i32>} : memref<2x32x1024xf32, #tpu.memory_space<vmem>>, vector<1x1x16xf32>,
      %get3A_791 = vector.shape_cast %get3A_790 : vector<1x1x16xf32> to vector<16xf32>
      %mul3A_792 = vector.broadcast %squeeze3A_440 : f32 to vector<16xf32>
      %mul3A_793 = arith.mulf %mul3A_792, %get3A_791 : vector<16xf32>
      %add3A_794 = arith.addf %get3A_784, %mul3A_793 : vector<16xf32>
      %get3A_795 = arith.constant 0 : i32
      %get3A_796 = arith.constant 19 : i32
      %get3A_797 = arith.index_cast %get3A_795 : i32 to index
      %get3A_798 = arith.index_cast %get3A_796 : i32 to index
      %get3A_799 = arith.index_cast %mul3A_673 : i32 to index
      %get3A_800 = tpu.vector_load %arg12[%get3A_797, %get3A_798, %get3A_799] {strides = array<i32>} : memref<2x32x1024xf32, #tpu.memory_space<vmem>>, vector<1x1x16xf32>,
      %get3A_801 = vector.shape_cast %get3A_800 : vector<1x1x16xf32> to vector<16xf32>
      %mul3A_802 = vector.broadcast %squeeze3A_472 : f32 to vector<16xf32>
      %mul3A_803 = arith.mulf %mul3A_802, %get3A_801 : vector<16xf32>
      %add3A_804 = arith.addf %add3A_794, %mul3A_803 : vector<16xf32>
      %swap3A_805 = arith.constant 0 : i32
      %swap3A_806 = arith.constant 3 : i32
      %swap3A_807 = arith.index_cast %swap3A_805 : i32 to index
      %swap3A_808 = arith.index_cast %swap3A_806 : i32 to index
      %swap3A_809 = arith.index_cast %mul3A_673 : i32 to index
      %swap3A_810 = tpu.vector_load %arg13[%swap3A_807, %swap3A_808, %swap3A_809] {strides = array<i32>} : memref<2x16x1024xf32, #tpu.memory_space<vmem>>, vector<1x1x16xf32>,
      %swap3A_811 = vector.shape_cast %swap3A_810 : vector<1x1x16xf32> to vector<16xf32>
      %swap3A_812 = vector.shape_cast %add3A_804 : vector<16xf32> to vector<1x1x16xf32>
      tpu.vector_store %arg13[%swap3A_807, %swap3A_808, %swap3A_809], %swap3A_812 {strides = array<i32>} : memref<2x16x1024xf32, #tpu.memory_space<vmem>>, vector<1x1x16xf32>,
      %get3A_813 = arith.constant 0 : i32
      %get3A_814 = arith.constant 4 : i32
      %get3A_815 = arith.index_cast %get3A_813 : i32 to index
      %get3A_816 = arith.index_cast %get3A_814 : i32 to index
      %get3A_817 = arith.index_cast %mul3A_673 : i32 to index
      %get3A_818 = tpu.vector_load %arg13[%get3A_815, %get3A_816, %get3A_817] {strides = array<i32>} : memref<2x16x1024xf32, #tpu.memory_space<vmem>>, vector<1x1x16xf32>,
      %get3A_819 = vector.shape_cast %get3A_818 : vector<1x1x16xf32> to vector<16xf32>
      %get3A_820 = arith.constant 0 : i32
      %get3A_821 = arith.constant 4 : i32
      %get3A_822 = arith.index_cast %get3A_820 : i32 to index
      %get3A_823 = arith.index_cast %get3A_821 : i32 to index
      %get3A_824 = arith.index_cast %mul3A_673 : i32 to index
      %get3A_825 = tpu.vector_load %arg12[%get3A_822, %get3A_823, %get3A_824] {strides = array<i32>} : memref<2x32x1024xf32, #tpu.memory_space<vmem>>, vector<1x1x16xf32>,
      %get3A_826 = vector.shape_cast %get3A_825 : vector<1x1x16xf32> to vector<16xf32>
      %mul3A_827 = vector.broadcast %squeeze3A_442 : f32 to vector<16xf32>
      %mul3A_828 = arith.mulf %mul3A_827, %get3A_826 : vector<16xf32>
      %add3A_829 = arith.addf %get3A_819, %mul3A_828 : vector<16xf32>
      %get3A_830 = arith.constant 0 : i32
      %get3A_831 = arith.constant 20 : i32
      %get3A_832 = arith.index_cast %get3A_830 : i32 to index
      %get3A_833 = arith.index_cast %get3A_831 : i32 to index
      %get3A_834 = arith.index_cast %mul3A_673 : i32 to index
      %get3A_835 = tpu.vector_load %arg12[%get3A_832, %get3A_833, %get3A_834] {strides = array<i32>} : memref<2x32x1024xf32, #tpu.memory_space<vmem>>, vector<1x1x16xf32>,
      %get3A_836 = vector.shape_cast %get3A_835 : vector<1x1x16xf32> to vector<16xf32>
      %mul3A_837 = vector.broadcast %squeeze3A_474 : f32 to vector<16xf32>
      %mul3A_838 = arith.mulf %mul3A_837, %get3A_836 : vector<16xf32>
      %add3A_839 = arith.addf %add3A_829, %mul3A_838 : vector<16xf32>
      %swap3A_840 = arith.constant 0 : i32
      %swap3A_841 = arith.constant 4 : i32
      %swap3A_842 = arith.index_cast %swap3A_840 : i32 to index
      %swap3A_843 = arith.index_cast %swap3A_841 : i32 to index
      %swap3A_844 = arith.index_cast %mul3A_673 : i32 to index
      %swap3A_845 = tpu.vector_load %arg13[%swap3A_842, %swap3A_843, %swap3A_844] {strides = array<i32>} : memref<2x16x1024xf32, #tpu.memory_space<vmem>>, vector<1x1x16xf32>,
      %swap3A_846 = vector.shape_cast %swap3A_845 : vector<1x1x16xf32> to vector<16xf32>
      %swap3A_847 = vector.shape_cast %add3A_839 : vector<16xf32> to vector<1x1x16xf32>
      tpu.vector_store %arg13[%swap3A_842, %swap3A_843, %swap3A_844], %swap3A_847 {strides = array<i32>} : memref<2x16x1024xf32, #tpu.memory_space<vmem>>, vector<1x1x16xf32>,
      %get3A_848 = arith.constant 0 : i32
      %get3A_849 = arith.constant 5 : i32
      %get3A_850 = arith.index_cast %get3A_848 : i32 to index
      %get3A_851 = arith.index_cast %get3A_849 : i32 to index
      %get3A_852 = arith.index_cast %mul3A_673 : i32 to index
      %get3A_853 = tpu.vector_load %arg13[%get3A_850, %get3A_851, %get3A_852] {strides = array<i32>} : memref<2x16x1024xf32, #tpu.memory_space<vmem>>, vector<1x1x16xf32>,
      %get3A_854 = vector.shape_cast %get3A_853 : vector<1x1x16xf32> to vector<16xf32>
      %get3A_855 = arith.constant 0 : i32
      %get3A_856 = arith.constant 5 : i32
      %get3A_857 = arith.index_cast %get3A_855 : i32 to index
      %get3A_858 = arith.index_cast %get3A_856 : i32 to index
      %get3A_859 = arith.index_cast %mul3A_673 : i32 to index
      %get3A_860 = tpu.vector_load %arg12[%get3A_857, %get3A_858, %get3A_859] {strides = array<i32>} : memref<2x32x1024xf32, #tpu.memory_space<vmem>>, vector<1x1x16xf32>,
      %get3A_861 = vector.shape_cast %get3A_860 : vector<1x1x16xf32> to vector<16xf32>
      %mul3A_862 = vector.broadcast %squeeze3A_444 : f32 to vector<16xf32>
      %mul3A_863 = arith.mulf %mul3A_862, %get3A_861 : vector<16xf32>
      %add3A_864 = arith.addf %get3A_854, %mul3A_863 : vector<16xf32>
      %get3A_865 = arith.constant 0 : i32
      %get3A_866 = arith.constant 21 : i32
      %get3A_867 = arith.index_cast %get3A_865 : i32 to index
      %get3A_868 = arith.index_cast %get3A_866 : i32 to index
      %get3A_869 = arith.index_cast %mul3A_673 : i32 to index
      %get3A_870 = tpu.vector_load %arg12[%get3A_867, %get3A_868, %get3A_869] {strides = array<i32>} : memref<2x32x1024xf32, #tpu.memory_space<vmem>>, vector<1x1x16xf32>,
      %get3A_871 = vector.shape_cast %get3A_870 : vector<1x1x16xf32> to vector<16xf32>
      %mul3A_872 = vector.broadcast %squeeze3A_476 : f32 to vector<16xf32>
      %mul3A_873 = arith.mulf %mul3A_872, %get3A_871 : vector<16xf32>
      %add3A_874 = arith.addf %add3A_864, %mul3A_873 : vector<16xf32>
      %swap3A_875 = arith.constant 0 : i32
      %swap3A_876 = arith.constant 5 : i32
      %swap3A_877 = arith.index_cast %swap3A_875 : i32 to index
      %swap3A_878 = arith.index_cast %swap3A_876 : i32 to index
      %swap3A_879 = arith.index_cast %mul3A_673 : i32 to index
      %swap3A_880 = tpu.vector_load %arg13[%swap3A_877, %swap3A_878, %swap3A_879] {strides = array<i32>} : memref<2x16x1024xf32, #tpu.memory_space<vmem>>, vector<1x1x16xf32>,
      %swap3A_881 = vector.shape_cast %swap3A_880 : vector<1x1x16xf32> to vector<16xf32>
      %swap3A_882 = vector.shape_cast %add3A_874 : vector<16xf32> to vector<1x1x16xf32>
      tpu.vector_store %arg13[%swap3A_877, %swap3A_878, %swap3A_879], %swap3A_882 {strides = array<i32>} : memref<2x16x1024xf32, #tpu.memory_space<vmem>>, vector<1x1x16xf32>,
      %get3A_883 = arith.constant 0 : i32
      %get3A_884 = arith.constant 6 : i32
      %get3A_885 = arith.index_cast %get3A_883 : i32 to index
      %get3A_886 = arith.index_cast %get3A_884 : i32 to index
      %get3A_887 = arith.index_cast %mul3A_673 : i32 to index
      %get3A_888 = tpu.vector_load %arg13[%get3A_885, %get3A_886, %get3A_887] {strides = array<i32>} : memref<2x16x1024xf32, #tpu.memory_space<vmem>>, vector<1x1x16xf32>,
      %get3A_889 = vector.shape_cast %get3A_888 : vector<1x1x16xf32> to vector<16xf32>
      %get3A_890 = arith.constant 0 : i32
      %get3A_891 = arith.constant 6 : i32
      %get3A_892 = arith.index_cast %get3A_890 : i32 to index
      %get3A_893 = arith.index_cast %get3A_891 : i32 to index
      %get3A_894 = arith.index_cast %mul3A_673 : i32 to index
      %get3A_895 = tpu.vector_load %arg12[%get3A_892, %get3A_893, %get3A_894] {strides = array<i32>} : memref<2x32x1024xf32, #tpu.memory_space<vmem>>, vector<1x1x16xf32>,
      %get3A_896 = vector.shape_cast %get3A_895 : vector<1x1x16xf32> to vector<16xf32>
      %mul3A_897 = vector.broadcast %squeeze3A_446 : f32 to vector<16xf32>
      %mul3A_898 = arith.mulf %mul3A_897, %get3A_896 : vector<16xf32>
      %add3A_899 = arith.addf %get3A_889, %mul3A_898 : vector<16xf32>
      %get3A_900 = arith.constant 0 : i32
      %get3A_901 = arith.constant 22 : i32
      %get3A_902 = arith.index_cast %get3A_900 : i32 to index
      %get3A_903 = arith.index_cast %get3A_901 : i32 to index
      %get3A_904 = arith.index_cast %mul3A_673 : i32 to index
      %get3A_905 = tpu.vector_load %arg12[%get3A_902, %get3A_903, %get3A_904] {strides = array<i32>} : memref<2x32x1024xf32, #tpu.memory_space<vmem>>, vector<1x1x16xf32>,
      %get3A_906 = vector.shape_cast %get3A_905 : vector<1x1x16xf32> to vector<16xf32>
      %mul3A_907 = vector.broadcast %squeeze3A_478 : f32 to vector<16xf32>
      %mul3A_908 = arith.mulf %mul3A_907, %get3A_906 : vector<16xf32>
      %add3A_909 = arith.addf %add3A_899, %mul3A_908 : vector<16xf32>
      %swap3A_910 = arith.constant 0 : i32
      %swap3A_911 = arith.constant 6 : i32
      %swap3A_912 = arith.index_cast %swap3A_910 : i32 to index
      %swap3A_913 = arith.index_cast %swap3A_911 : i32 to index
      %swap3A_914 = arith.index_cast %mul3A_673 : i32 to index
      %swap3A_915 = tpu.vector_load %arg13[%swap3A_912, %swap3A_913, %swap3A_914] {strides = array<i32>} : memref<2x16x1024xf32, #tpu.memory_space<vmem>>, vector<1x1x16xf32>,
      %swap3A_916 = vector.shape_cast %swap3A_915 : vector<1x1x16xf32> to vector<16xf32>
      %swap3A_917 = vector.shape_cast %add3A_909 : vector<16xf32> to vector<1x1x16xf32>
      tpu.vector_store %arg13[%swap3A_912, %swap3A_913, %swap3A_914], %swap3A_917 {strides = array<i32>} : memref<2x16x1024xf32, #tpu.memory_space<vmem>>, vector<1x1x16xf32>,
      %get3A_918 = arith.constant 0 : i32
      %get3A_919 = arith.constant 7 : i32
      %get3A_920 = arith.index_cast %get3A_918 : i32 to index
      %get3A_921 = arith.index_cast %get3A_919 : i32 to index
      %get3A_922 = arith.index_cast %mul3A_673 : i32 to index
      %get3A_923 = tpu.vector_load %arg13[%get3A_920, %get3A_921, %get3A_922] {strides = array<i32>} : memref<2x16x1024xf32, #tpu.memory_space<vmem>>, vector<1x1x16xf32>,
      %get3A_924 = vector.shape_cast %get3A_923 : vector<1x1x16xf32> to vector<16xf32>
      %get3A_925 = arith.constant 0 : i32
      %get3A_926 = arith.constant 7 : i32
      %get3A_927 = arith.index_cast %get3A_925 : i32 to index
      %get3A_928 = arith.index_cast %get3A_926 : i32 to index
      %get3A_929 = arith.index_cast %mul3A_673 : i32 to index
      %get3A_930 = tpu.vector_load %arg12[%get3A_927, %get3A_928, %get3A_929] {strides = array<i32>} : memref<2x32x1024xf32, #tpu.memory_space<vmem>>, vector<1x1x16xf32>,
      %get3A_931 = vector.shape_cast %get3A_930 : vector<1x1x16xf32> to vector<16xf32>
      %mul3A_932 = vector.broadcast %squeeze3A_448 : f32 to vector<16xf32>
      %mul3A_933 = arith.mulf %mul3A_932, %get3A_931 : vector<16xf32>
      %add3A_934 = arith.addf %get3A_924, %mul3A_933 : vector<16xf32>
      %get3A_935 = arith.constant 0 : i32
      %get3A_936 = arith.constant 23 : i32
      %get3A_937 = arith.index_cast %get3A_935 : i32 to index
      %get3A_938 = arith.index_cast %get3A_936 : i32 to index
      %get3A_939 = arith.index_cast %mul3A_673 : i32 to index
      %get3A_940 = tpu.vector_load %arg12[%get3A_937, %get3A_938, %get3A_939] {strides = array<i32>} : memref<2x32x1024xf32, #tpu.memory_space<vmem>>, vector<1x1x16xf32>,
      %get3A_941 = vector.shape_cast %get3A_940 : vector<1x1x16xf32> to vector<16xf32>
      %mul3A_942 = vector.broadcast %squeeze3A_480 : f32 to vector<16xf32>
      %mul3A_943 = arith.mulf %mul3A_942, %get3A_941 : vector<16xf32>
      %add3A_944 = arith.addf %add3A_934, %mul3A_943 : vector<16xf32>
      %swap3A_945 = arith.constant 0 : i32
      %swap3A_946 = arith.constant 7 : i32
      %swap3A_947 = arith.index_cast %swap3A_945 : i32 to index
      %swap3A_948 = arith.index_cast %swap3A_946 : i32 to index
      %swap3A_949 = arith.index_cast %mul3A_673 : i32 to index
      %swap3A_950 = tpu.vector_load %arg13[%swap3A_947, %swap3A_948, %swap3A_949] {strides = array<i32>} : memref<2x16x1024xf32, #tpu.memory_space<vmem>>, vector<1x1x16xf32>,
      %swap3A_951 = vector.shape_cast %swap3A_950 : vector<1x1x16xf32> to vector<16xf32>
      %swap3A_952 = vector.shape_cast %add3A_944 : vector<16xf32> to vector<1x1x16xf32>
      tpu.vector_store %arg13[%swap3A_947, %swap3A_948, %swap3A_949], %swap3A_952 {strides = array<i32>} : memref<2x16x1024xf32, #tpu.memory_space<vmem>>, vector<1x1x16xf32>,
      %get3A_953 = arith.constant 0 : i32
      %get3A_954 = arith.constant 8 : i32
      %get3A_955 = arith.index_cast %get3A_953 : i32 to index
      %get3A_956 = arith.index_cast %get3A_954 : i32 to index
      %get3A_957 = arith.index_cast %mul3A_673 : i32 to index
      %get3A_958 = tpu.vector_load %arg13[%get3A_955, %get3A_956, %get3A_957] {strides = array<i32>} : memref<2x16x1024xf32, #tpu.memory_space<vmem>>, vector<1x1x16xf32>,
      %get3A_959 = vector.shape_cast %get3A_958 : vector<1x1x16xf32> to vector<16xf32>
      %get3A_960 = arith.constant 0 : i32
      %get3A_961 = arith.constant 8 : i32
      %get3A_962 = arith.index_cast %get3A_960 : i32 to index
      %get3A_963 = arith.index_cast %get3A_961 : i32 to index
      %get3A_964 = arith.index_cast %mul3A_673 : i32 to index
      %get3A_965 = tpu.vector_load %arg12[%get3A_962, %get3A_963, %get3A_964] {strides = array<i32>} : memref<2x32x1024xf32, #tpu.memory_space<vmem>>, vector<1x1x16xf32>,
      %get3A_966 = vector.shape_cast %get3A_965 : vector<1x1x16xf32> to vector<16xf32>
      %mul3A_967 = vector.broadcast %squeeze3A_450 : f32 to vector<16xf32>
      %mul3A_968 = arith.mulf %mul3A_967, %get3A_966 : vector<16xf32>
      %add3A_969 = arith.addf %get3A_959, %mul3A_968 : vector<16xf32>
      %get3A_970 = arith.constant 0 : i32
      %get3A_971 = arith.constant 24 : i32
      %get3A_972 = arith.index_cast %get3A_970 : i32 to index
      %get3A_973 = arith.index_cast %get3A_971 : i32 to index
      %get3A_974 = arith.index_cast %mul3A_673 : i32 to index
      %get3A_975 = tpu.vector_load %arg12[%get3A_972, %get3A_973, %get3A_974] {strides = array<i32>} : memref<2x32x1024xf32, #tpu.memory_space<vmem>>, vector<1x1x16xf32>,
      %get3A_976 = vector.shape_cast %get3A_975 : vector<1x1x16xf32> to vector<16xf32>
      %mul3A_977 = vector.broadcast %squeeze3A_482 : f32 to vector<16xf32>
      %mul3A_978 = arith.mulf %mul3A_977, %get3A_976 : vector<16xf32>
      %add3A_979 = arith.addf %add3A_969, %mul3A_978 : vector<16xf32>
      %swap3A_980 = arith.constant 0 : i32
      %swap3A_981 = arith.constant 8 : i32
      %swap3A_982 = arith.index_cast %swap3A_980 : i32 to index
      %swap3A_983 = arith.index_cast %swap3A_981 : i32 to index
      %swap3A_984 = arith.index_cast %mul3A_673 : i32 to index
      %swap3A_985 = tpu.vector_load %arg13[%swap3A_982, %swap3A_983, %swap3A_984] {strides = array<i32>} : memref<2x16x1024xf32, #tpu.memory_space<vmem>>, vector<1x1x16xf32>,
      %swap3A_986 = vector.shape_cast %swap3A_985 : vector<1x1x16xf32> to vector<16xf32>
      %swap3A_987 = vector.shape_cast %add3A_979 : vector<16xf32> to vector<1x1x16xf32>
      tpu.vector_store %arg13[%swap3A_982, %swap3A_983, %swap3A_984], %swap3A_987 {strides = array<i32>} : memref<2x16x1024xf32, #tpu.memory_space<vmem>>, vector<1x1x16xf32>,
      %get3A_988 = arith.constant 0 : i32
      %get3A_989 = arith.constant 9 : i32
      %get3A_990 = arith.index_cast %get3A_988 : i32 to index
      %get3A_991 = arith.index_cast %get3A_989 : i32 to index
      %get3A_992 = arith.index_cast %mul3A_673 : i32 to index
      %get3A_993 = tpu.vector_load %arg13[%get3A_990, %get3A_991, %get3A_992] {strides = array<i32>} : memref<2x16x1024xf32, #tpu.memory_space<vmem>>, vector<1x1x16xf32>,
      %get3A_994 = vector.shape_cast %get3A_993 : vector<1x1x16xf32> to vector<16xf32>
      %get3A_995 = arith.constant 0 : i32
      %get3A_996 = arith.constant 9 : i32
      %get3A_997 = arith.index_cast %get3A_995 : i32 to index
      %get3A_998 = arith.index_cast %get3A_996 : i32 to index
      %get3A_999 = arith.index_cast %mul3A_673 : i32 to index
      %get3A_1000 = tpu.vector_load %arg12[%get3A_997, %get3A_998, %get3A_999] {strides = array<i32>} : memref<2x32x1024xf32, #tpu.memory_space<vmem>>, vector<1x1x16xf32>,
      %get3A_1001 = vector.shape_cast %get3A_1000 : vector<1x1x16xf32> to vector<16xf32>
      %mul3A_1002 = vector.broadcast %squeeze3A_452 : f32 to vector<16xf32>
      %mul3A_1003 = arith.mulf %mul3A_1002, %get3A_1001 : vector<16xf32>
      %add3A_1004 = arith.addf %get3A_994, %mul3A_1003 : vector<16xf32>
      %get3A_1005 = arith.constant 0 : i32
      %get3A_1006 = arith.constant 25 : i32
      %get3A_1007 = arith.index_cast %get3A_1005 : i32 to index
      %get3A_1008 = arith.index_cast %get3A_1006 : i32 to index
      %get3A_1009 = arith.index_cast %mul3A_673 : i32 to index
      %get3A_1010 = tpu.vector_load %arg12[%get3A_1007, %get3A_1008, %get3A_1009] {strides = array<i32>} : memref<2x32x1024xf32, #tpu.memory_space<vmem>>, vector<1x1x16xf32>,
      %get3A_1011 = vector.shape_cast %get3A_1010 : vector<1x1x16xf32> to vector<16xf32>
      %mul3A_1012 = vector.broadcast %squeeze3A_484 : f32 to vector<16xf32>
      %mul3A_1013 = arith.mulf %mul3A_1012, %get3A_1011 : vector<16xf32>
      %add3A_1014 = arith.addf %add3A_1004, %mul3A_1013 : vector<16xf32>
      %swap3A_1015 = arith.constant 0 : i32
      %swap3A_1016 = arith.constant 9 : i32
      %swap3A_1017 = arith.index_cast %swap3A_1015 : i32 to index
      %swap3A_1018 = arith.index_cast %swap3A_1016 : i32 to index
      %swap3A_1019 = arith.index_cast %mul3A_673 : i32 to index
      %swap3A_1020 = tpu.vector_load %arg13[%swap3A_1017, %swap3A_1018, %swap3A_1019] {strides = array<i32>} : memref<2x16x1024xf32, #tpu.memory_space<vmem>>, vector<1x1x16xf32>,
      %swap3A_1021 = vector.shape_cast %swap3A_1020 : vector<1x1x16xf32> to vector<16xf32>
      %swap3A_1022 = vector.shape_cast %add3A_1014 : vector<16xf32> to vector<1x1x16xf32>
      tpu.vector_store %arg13[%swap3A_1017, %swap3A_1018, %swap3A_1019], %swap3A_1022 {strides = array<i32>} : memref<2x16x1024xf32, #tpu.memory_space<vmem>>, vector<1x1x16xf32>,
      %get3A_1023 = arith.constant 0 : i32
      %get3A_1024 = arith.constant 10 : i32
      %get3A_1025 = arith.index_cast %get3A_1023 : i32 to index
      %get3A_1026 = arith.index_cast %get3A_1024 : i32 to index
      %get3A_1027 = arith.index_cast %mul3A_673 : i32 to index
      %get3A_1028 = tpu.vector_load %arg13[%get3A_1025, %get3A_1026, %get3A_1027] {strides = array<i32>} : memref<2x16x1024xf32, #tpu.memory_space<vmem>>, vector<1x1x16xf32>,
      %get3A_1029 = vector.shape_cast %get3A_1028 : vector<1x1x16xf32> to vector<16xf32>
      %get3A_1030 = arith.constant 0 : i32
      %get3A_1031 = arith.constant 10 : i32
      %get3A_1032 = arith.index_cast %get3A_1030 : i32 to index
      %get3A_1033 = arith.index_cast %get3A_1031 : i32 to index
      %get3A_1034 = arith.index_cast %mul3A_673 : i32 to index
      %get3A_1035 = tpu.vector_load %arg12[%get3A_1032, %get3A_1033, %get3A_1034] {strides = array<i32>} : memref<2x32x1024xf32, #tpu.memory_space<vmem>>, vector<1x1x16xf32>,
      %get3A_1036 = vector.shape_cast %get3A_1035 : vector<1x1x16xf32> to vector<16xf32>
      %mul3A_1037 = vector.broadcast %squeeze3A_454 : f32 to vector<16xf32>
      %mul3A_1038 = arith.mulf %mul3A_1037, %get3A_1036 : vector<16xf32>
      %add3A_1039 = arith.addf %get3A_1029, %mul3A_1038 : vector<16xf32>
      %get3A_1040 = arith.constant 0 : i32
      %get3A_1041 = arith.constant 26 : i32
      %get3A_1042 = arith.index_cast %get3A_1040 : i32 to index
      %get3A_1043 = arith.index_cast %get3A_1041 : i32 to index
      %get3A_1044 = arith.index_cast %mul3A_673 : i32 to index
      %get3A_1045 = tpu.vector_load %arg12[%get3A_1042, %get3A_1043, %get3A_1044] {strides = array<i32>} : memref<2x32x1024xf32, #tpu.memory_space<vmem>>, vector<1x1x16xf32>,
      %get3A_1046 = vector.shape_cast %get3A_1045 : vector<1x1x16xf32> to vector<16xf32>
      %mul3A_1047 = vector.broadcast %squeeze3A_486 : f32 to vector<16xf32>
      %mul3A_1048 = arith.mulf %mul3A_1047, %get3A_1046 : vector<16xf32>
      %add3A_1049 = arith.addf %add3A_1039, %mul3A_1048 : vector<16xf32>
      %swap3A_1050 = arith.constant 0 : i32
      %swap3A_1051 = arith.constant 10 : i32
      %swap3A_1052 = arith.index_cast %swap3A_1050 : i32 to index
      %swap3A_1053 = arith.index_cast %swap3A_1051 : i32 to index
      %swap3A_1054 = arith.index_cast %mul3A_673 : i32 to index
      %swap3A_1055 = tpu.vector_load %arg13[%swap3A_1052, %swap3A_1053, %swap3A_1054] {strides = array<i32>} : memref<2x16x1024xf32, #tpu.memory_space<vmem>>, vector<1x1x16xf32>,
      %swap3A_1056 = vector.shape_cast %swap3A_1055 : vector<1x1x16xf32> to vector<16xf32>
      %swap3A_1057 = vector.shape_cast %add3A_1049 : vector<16xf32> to vector<1x1x16xf32>
      tpu.vector_store %arg13[%swap3A_1052, %swap3A_1053, %swap3A_1054], %swap3A_1057 {strides = array<i32>} : memref<2x16x1024xf32, #tpu.memory_space<vmem>>, vector<1x1x16xf32>,
      %get3A_1058 = arith.constant 0 : i32
      %get3A_1059 = arith.constant 11 : i32
      %get3A_1060 = arith.index_cast %get3A_1058 : i32 to index
      %get3A_1061 = arith.index_cast %get3A_1059 : i32 to index
      %get3A_1062 = arith.index_cast %mul3A_673 : i32 to index
      %get3A_1063 = tpu.vector_load %arg13[%get3A_1060, %get3A_1061, %get3A_1062] {strides = array<i32>} : memref<2x16x1024xf32, #tpu.memory_space<vmem>>, vector<1x1x16xf32>,
      %get3A_1064 = vector.shape_cast %get3A_1063 : vector<1x1x16xf32> to vector<16xf32>
      %get3A_1065 = arith.constant 0 : i32
      %get3A_1066 = arith.constant 11 : i32
      %get3A_1067 = arith.index_cast %get3A_1065 : i32 to index
      %get3A_1068 = arith.index_cast %get3A_1066 : i32 to index
      %get3A_1069 = arith.index_cast %mul3A_673 : i32 to index
      %get3A_1070 = tpu.vector_load %arg12[%get3A_1067, %get3A_1068, %get3A_1069] {strides = array<i32>} : memref<2x32x1024xf32, #tpu.memory_space<vmem>>, vector<1x1x16xf32>,
      %get3A_1071 = vector.shape_cast %get3A_1070 : vector<1x1x16xf32> to vector<16xf32>
      %mul3A_1072 = vector.broadcast %squeeze3A_456 : f32 to vector<16xf32>
      %mul3A_1073 = arith.mulf %mul3A_1072, %get3A_1071 : vector<16xf32>
      %add3A_1074 = arith.addf %get3A_1064, %mul3A_1073 : vector<16xf32>
      %get3A_1075 = arith.constant 0 : i32
      %get3A_1076 = arith.constant 27 : i32
      %get3A_1077 = arith.index_cast %get3A_1075 : i32 to index
      %get3A_1078 = arith.index_cast %get3A_1076 : i32 to index
      %get3A_1079 = arith.index_cast %mul3A_673 : i32 to index
      %get3A_1080 = tpu.vector_load %arg12[%get3A_1077, %get3A_1078, %get3A_1079] {strides = array<i32>} : memref<2x32x1024xf32, #tpu.memory_space<vmem>>, vector<1x1x16xf32>,
      %get3A_1081 = vector.shape_cast %get3A_1080 : vector<1x1x16xf32> to vector<16xf32>
      %mul3A_1082 = vector.broadcast %squeeze3A_488 : f32 to vector<16xf32>
      %mul3A_1083 = arith.mulf %mul3A_1082, %get3A_1081 : vector<16xf32>
      %add3A_1084 = arith.addf %add3A_1074, %mul3A_1083 : vector<16xf32>
      %swap3A_1085 = arith.constant 0 : i32
      %swap3A_1086 = arith.constant 11 : i32
      %swap3A_1087 = arith.index_cast %swap3A_1085 : i32 to index
      %swap3A_1088 = arith.index_cast %swap3A_1086 : i32 to index
      %swap3A_1089 = arith.index_cast %mul3A_673 : i32 to index
      %swap3A_1090 = tpu.vector_load %arg13[%swap3A_1087, %swap3A_1088, %swap3A_1089] {strides = array<i32>} : memref<2x16x1024xf32, #tpu.memory_space<vmem>>, vector<1x1x16xf32>,
      %swap3A_1091 = vector.shape_cast %swap3A_1090 : vector<1x1x16xf32> to vector<16xf32>
      %swap3A_1092 = vector.shape_cast %add3A_1084 : vector<16xf32> to vector<1x1x16xf32>
      tpu.vector_store %arg13[%swap3A_1087, %swap3A_1088, %swap3A_1089], %swap3A_1092 {strides = array<i32>} : memref<2x16x1024xf32, #tpu.memory_space<vmem>>, vector<1x1x16xf32>,
      %get3A_1093 = arith.constant 0 : i32
      %get3A_1094 = arith.constant 12 : i32
      %get3A_1095 = arith.index_cast %get3A_1093 : i32 to index
      %get3A_1096 = arith.index_cast %get3A_1094 : i32 to index
      %get3A_1097 = arith.index_cast %mul3A_673 : i32 to index
      %get3A_1098 = tpu.vector_load %arg13[%get3A_1095, %get3A_1096, %get3A_1097] {strides = array<i32>} : memref<2x16x1024xf32, #tpu.memory_space<vmem>>, vector<1x1x16xf32>,
      %get3A_1099 = vector.shape_cast %get3A_1098 : vector<1x1x16xf32> to vector<16xf32>
      %get3A_1100 = arith.constant 0 : i32
      %get3A_1101 = arith.constant 12 : i32
      %get3A_1102 = arith.index_cast %get3A_1100 : i32 to index
      %get3A_1103 = arith.index_cast %get3A_1101 : i32 to index
      %get3A_1104 = arith.index_cast %mul3A_673 : i32 to index
      %get3A_1105 = tpu.vector_load %arg12[%get3A_1102, %get3A_1103, %get3A_1104] {strides = array<i32>} : memref<2x32x1024xf32, #tpu.memory_space<vmem>>, vector<1x1x16xf32>,
      %get3A_1106 = vector.shape_cast %get3A_1105 : vector<1x1x16xf32> to vector<16xf32>
      %mul3A_1107 = vector.broadcast %squeeze3A_458 : f32 to vector<16xf32>
      %mul3A_1108 = arith.mulf %mul3A_1107, %get3A_1106 : vector<16xf32>
      %add3A_1109 = arith.addf %get3A_1099, %mul3A_1108 : vector<16xf32>
      %get3A_1110 = arith.constant 0 : i32
      %get3A_1111 = arith.constant 28 : i32
      %get3A_1112 = arith.index_cast %get3A_1110 : i32 to index
      %get3A_1113 = arith.index_cast %get3A_1111 : i32 to index
      %get3A_1114 = arith.index_cast %mul3A_673 : i32 to index
      %get3A_1115 = tpu.vector_load %arg12[%get3A_1112, %get3A_1113, %get3A_1114] {strides = array<i32>} : memref<2x32x1024xf32, #tpu.memory_space<vmem>>, vector<1x1x16xf32>,
      %get3A_1116 = vector.shape_cast %get3A_1115 : vector<1x1x16xf32> to vector<16xf32>
      %mul3A_1117 = vector.broadcast %squeeze3A_490 : f32 to vector<16xf32>
      %mul3A_1118 = arith.mulf %mul3A_1117, %get3A_1116 : vector<16xf32>
      %add3A_1119 = arith.addf %add3A_1109, %mul3A_1118 : vector<16xf32>
      %swap3A_1120 = arith.constant 0 : i32
      %swap3A_1121 = arith.constant 12 : i32
      %swap3A_1122 = arith.index_cast %swap3A_1120 : i32 to index
      %swap3A_1123 = arith.index_cast %swap3A_1121 : i32 to index
      %swap3A_1124 = arith.index_cast %mul3A_673 : i32 to index
      %swap3A_1125 = tpu.vector_load %arg13[%swap3A_1122, %swap3A_1123, %swap3A_1124] {strides = array<i32>} : memref<2x16x1024xf32, #tpu.memory_space<vmem>>, vector<1x1x16xf32>,
      %swap3A_1126 = vector.shape_cast %swap3A_1125 : vector<1x1x16xf32> to vector<16xf32>
      %swap3A_1127 = vector.shape_cast %add3A_1119 : vector<16xf32> to vector<1x1x16xf32>
      tpu.vector_store %arg13[%swap3A_1122, %swap3A_1123, %swap3A_1124], %swap3A_1127 {strides = array<i32>} : memref<2x16x1024xf32, #tpu.memory_space<vmem>>, vector<1x1x16xf32>,
      %get3A_1128 = arith.constant 0 : i32
      %get3A_1129 = arith.constant 13 : i32
      %get3A_1130 = arith.index_cast %get3A_1128 : i32 to index
      %get3A_1131 = arith.index_cast %get3A_1129 : i32 to index
      %get3A_1132 = arith.index_cast %mul3A_673 : i32 to index
      %get3A_1133 = tpu.vector_load %arg13[%get3A_1130, %get3A_1131, %get3A_1132] {strides = array<i32>} : memref<2x16x1024xf32, #tpu.memory_space<vmem>>, vector<1x1x16xf32>,
      %get3A_1134 = vector.shape_cast %get3A_1133 : vector<1x1x16xf32> to vector<16xf32>
      %get3A_1135 = arith.constant 0 : i32
      %get3A_1136 = arith.constant 13 : i32
      %get3A_1137 = arith.index_cast %get3A_1135 : i32 to index
      %get3A_1138 = arith.index_cast %get3A_1136 : i32 to index
      %get3A_1139 = arith.index_cast %mul3A_673 : i32 to index
      %get3A_1140 = tpu.vector_load %arg12[%get3A_1137, %get3A_1138, %get3A_1139] {strides = array<i32>} : memref<2x32x1024xf32, #tpu.memory_space<vmem>>, vector<1x1x16xf32>,
      %get3A_1141 = vector.shape_cast %get3A_1140 : vector<1x1x16xf32> to vector<16xf32>
      %mul3A_1142 = vector.broadcast %squeeze3A_460 : f32 to vector<16xf32>
      %mul3A_1143 = arith.mulf %mul3A_1142, %get3A_1141 : vector<16xf32>
      %add3A_1144 = arith.addf %get3A_1134, %mul3A_1143 : vector<16xf32>
      %get3A_1145 = arith.constant 0 : i32
      %get3A_1146 = arith.constant 29 : i32
      %get3A_1147 = arith.index_cast %get3A_1145 : i32 to index
      %get3A_1148 = arith.index_cast %get3A_1146 : i32 to index
      %get3A_1149 = arith.index_cast %mul3A_673 : i32 to index
      %get3A_1150 = tpu.vector_load %arg12[%get3A_1147, %get3A_1148, %get3A_1149] {strides = array<i32>} : memref<2x32x1024xf32, #tpu.memory_space<vmem>>, vector<1x1x16xf32>,
      %get3A_1151 = vector.shape_cast %get3A_1150 : vector<1x1x16xf32> to vector<16xf32>
      %mul3A_1152 = vector.broadcast %squeeze3A_492 : f32 to vector<16xf32>
      %mul3A_1153 = arith.mulf %mul3A_1152, %get3A_1151 : vector<16xf32>
      %add3A_1154 = arith.addf %add3A_1144, %mul3A_1153 : vector<16xf32>
      %swap3A_1155 = arith.constant 0 : i32
      %swap3A_1156 = arith.constant 13 : i32
      %swap3A_1157 = arith.index_cast %swap3A_1155 : i32 to index
      %swap3A_1158 = arith.index_cast %swap3A_1156 : i32 to index
      %swap3A_1159 = arith.index_cast %mul3A_673 : i32 to index
      %swap3A_1160 = tpu.vector_load %arg13[%swap3A_1157, %swap3A_1158, %swap3A_1159] {strides = array<i32>} : memref<2x16x1024xf32, #tpu.memory_space<vmem>>, vector<1x1x16xf32>,
      %swap3A_1161 = vector.shape_cast %swap3A_1160 : vector<1x1x16xf32> to vector<16xf32>
      %swap3A_1162 = vector.shape_cast %add3A_1154 : vector<16xf32> to vector<1x1x16xf32>
      tpu.vector_store %arg13[%swap3A_1157, %swap3A_1158, %swap3A_1159], %swap3A_1162 {strides = array<i32>} : memref<2x16x1024xf32, #tpu.memory_space<vmem>>, vector<1x1x16xf32>,
      %get3A_1163 = arith.constant 0 : i32
      %get3A_1164 = arith.constant 14 : i32
      %get3A_1165 = arith.index_cast %get3A_1163 : i32 to index
      %get3A_1166 = arith.index_cast %get3A_1164 : i32 to index
      %get3A_1167 = arith.index_cast %mul3A_673 : i32 to index
      %get3A_1168 = tpu.vector_load %arg13[%get3A_1165, %get3A_1166, %get3A_1167] {strides = array<i32>} : memref<2x16x1024xf32, #tpu.memory_space<vmem>>, vector<1x1x16xf32>,
      %get3A_1169 = vector.shape_cast %get3A_1168 : vector<1x1x16xf32> to vector<16xf32>
      %get3A_1170 = arith.constant 0 : i32
      %get3A_1171 = arith.constant 14 : i32
      %get3A_1172 = arith.index_cast %get3A_1170 : i32 to index
      %get3A_1173 = arith.index_cast %get3A_1171 : i32 to index
      %get3A_1174 = arith.index_cast %mul3A_673 : i32 to index
      %get3A_1175 = tpu.vector_load %arg12[%get3A_1172, %get3A_1173, %get3A_1174] {strides = array<i32>} : memref<2x32x1024xf32, #tpu.memory_space<vmem>>, vector<1x1x16xf32>,
      %get3A_1176 = vector.shape_cast %get3A_1175 : vector<1x1x16xf32> to vector<16xf32>
      %mul3A_1177 = vector.broadcast %squeeze3A_462 : f32 to vector<16xf32>
      %mul3A_1178 = arith.mulf %mul3A_1177, %get3A_1176 : vector<16xf32>
      %add3A_1179 = arith.addf %get3A_1169, %mul3A_1178 : vector<16xf32>
      %get3A_1180 = arith.constant 0 : i32
      %get3A_1181 = arith.constant 30 : i32
      %get3A_1182 = arith.index_cast %get3A_1180 : i32 to index
      %get3A_1183 = arith.index_cast %get3A_1181 : i32 to index
      %get3A_1184 = arith.index_cast %mul3A_673 : i32 to index
      %get3A_1185 = tpu.vector_load %arg12[%get3A_1182, %get3A_1183, %get3A_1184] {strides = array<i32>} : memref<2x32x1024xf32, #tpu.memory_space<vmem>>, vector<1x1x16xf32>,
      %get3A_1186 = vector.shape_cast %get3A_1185 : vector<1x1x16xf32> to vector<16xf32>
      %mul3A_1187 = vector.broadcast %squeeze3A_494 : f32 to vector<16xf32>
      %mul3A_1188 = arith.mulf %mul3A_1187, %get3A_1186 : vector<16xf32>
      %add3A_1189 = arith.addf %add3A_1179, %mul3A_1188 : vector<16xf32>
      %swap3A_1190 = arith.constant 0 : i32
      %swap3A_1191 = arith.constant 14 : i32
      %swap3A_1192 = arith.index_cast %swap3A_1190 : i32 to index
      %swap3A_1193 = arith.index_cast %swap3A_1191 : i32 to index
      %swap3A_1194 = arith.index_cast %mul3A_673 : i32 to index
      %swap3A_1195 = tpu.vector_load %arg13[%swap3A_1192, %swap3A_1193, %swap3A_1194] {strides = array<i32>} : memref<2x16x1024xf32, #tpu.memory_space<vmem>>, vector<1x1x16xf32>,
      %swap3A_1196 = vector.shape_cast %swap3A_1195 : vector<1x1x16xf32> to vector<16xf32>
      %swap3A_1197 = vector.shape_cast %add3A_1189 : vector<16xf32> to vector<1x1x16xf32>
      tpu.vector_store %arg13[%swap3A_1192, %swap3A_1193, %swap3A_1194], %swap3A_1197 {strides = array<i32>} : memref<2x16x1024xf32, #tpu.memory_space<vmem>>, vector<1x1x16xf32>,
      %get3A_1198 = arith.constant 0 : i32
      %get3A_1199 = arith.constant 15 : i32
      %get3A_1200 = arith.index_cast %get3A_1198 : i32 to index
      %get3A_1201 = arith.index_cast %get3A_1199 : i32 to index
      %get3A_1202 = arith.index_cast %mul3A_673 : i32 to index
      %get3A_1203 = tpu.vector_load %arg13[%get3A_1200, %get3A_1201, %get3A_1202] {strides = array<i32>} : memref<2x16x1024xf32, #tpu.memory_space<vmem>>, vector<1x1x16xf32>,
      %get3A_1204 = vector.shape_cast %get3A_1203 : vector<1x1x16xf32> to vector<16xf32>
      %get3A_1205 = arith.constant 0 : i32
      %get3A_1206 = arith.constant 15 : i32
      %get3A_1207 = arith.index_cast %get3A_1205 : i32 to index
      %get3A_1208 = arith.index_cast %get3A_1206 : i32 to index
      %get3A_1209 = arith.index_cast %mul3A_673 : i32 to index
      %get3A_1210 = tpu.vector_load %arg12[%get3A_1207, %get3A_1208, %get3A_1209] {strides = array<i32>} : memref<2x32x1024xf32, #tpu.memory_space<vmem>>, vector<1x1x16xf32>,
      %get3A_1211 = vector.shape_cast %get3A_1210 : vector<1x1x16xf32> to vector<16xf32>
      %mul3A_1212 = vector.broadcast %squeeze3A_464 : f32 to vector<16xf32>
      %mul3A_1213 = arith.mulf %mul3A_1212, %get3A_1211 : vector<16xf32>
      %add3A_1214 = arith.addf %get3A_1204, %mul3A_1213 : vector<16xf32>
      %get3A_1215 = arith.constant 0 : i32
      %get3A_1216 = arith.constant 31 : i32
      %get3A_1217 = arith.index_cast %get3A_1215 : i32 to index
      %get3A_1218 = arith.index_cast %get3A_1216 : i32 to index
      %get3A_1219 = arith.index_cast %mul3A_673 : i32 to index
      %get3A_1220 = tpu.vector_load %arg12[%get3A_1217, %get3A_1218, %get3A_1219] {strides = array<i32>} : memref<2x32x1024xf32, #tpu.memory_space<vmem>>, vector<1x1x16xf32>,
      %get3A_1221 = vector.shape_cast %get3A_1220 : vector<1x1x16xf32> to vector<16xf32>
      %mul3A_1222 = vector.broadcast %squeeze3A_496 : f32 to vector<16xf32>
      %mul3A_1223 = arith.mulf %mul3A_1222, %get3A_1221 : vector<16xf32>
      %add3A_1224 = arith.addf %add3A_1214, %mul3A_1223 : vector<16xf32>
      %swap3A_1225 = arith.constant 0 : i32
      %swap3A_1226 = arith.constant 15 : i32
      %swap3A_1227 = arith.index_cast %swap3A_1225 : i32 to index
      %swap3A_1228 = arith.index_cast %swap3A_1226 : i32 to index
      %swap3A_1229 = arith.index_cast %mul3A_673 : i32 to index
      %swap3A_1230 = tpu.vector_load %arg13[%swap3A_1227, %swap3A_1228, %swap3A_1229] {strides = array<i32>} : memref<2x16x1024xf32, #tpu.memory_space<vmem>>, vector<1x1x16xf32>,
      %swap3A_1231 = vector.shape_cast %swap3A_1230 : vector<1x1x16xf32> to vector<16xf32>
      %swap3A_1232 = vector.shape_cast %add3A_1224 : vector<16xf32> to vector<1x1x16xf32>
      tpu.vector_store %arg13[%swap3A_1227, %swap3A_1228, %swap3A_1229], %swap3A_1232 {strides = array<i32>} : memref<2x16x1024xf32, #tpu.memory_space<vmem>>, vector<1x1x16xf32>,
      %scan3A_1233 = arith.constant 0 : i32
      scf.yield %scan3A_1233 : i32
    }
    %scan3A_503 = arith.constant 64 : i32
    %mul3A_504 = arith.constant 64 : i32
    %mul3A_505 = arith.muli %add3A, %mul3A_504 : i32
    %add3A_506 = arith.constant 32 : i32
    %add3A_507 = arith.addi %mul3A_505, %add3A_506 : i32
    %dma_start3A_508 = arith.constant 0 : i32
    %dma_start3A_509 = arith.constant 0 : i32
    %dma_start3A_510 = arith.constant 0 : i32
    %dma_start3A_511 = tpu.memref_slice %arg13[%dma_start3A_508, %dma_start3A_509, %dma_start3A_510] : memref<2x16x1024xf32, #tpu.memory_space<vmem>> -> memref<1x16x1024xf32, #tpu.memory_space<vmem>>
    %dma_start3A_512 = tpu.memref_squeeze %dma_start3A_511 : memref<1x16x1024xf32, #tpu.memory_space<vmem>> -> memref<16x1024xf32, #tpu.memory_space<vmem>>
    %dma_start3A_513 = arith.constant 0 : i32
    %dma_start3A_514 = tpu.memref_slice %arg8[%add3A_507, %dma_start3A_513] : memref<2048x1024xf32, #tpu.memory_space<hbm>> -> memref<16x1024xf32, #tpu.memory_space<hbm>>
    %dma_start3A_515 = arith.constant 0 : i32
    %dma_start3A_516 = tpu.memref_slice %arg8[%add3A_507, %dma_start3A_515] : memref<2048x1024xf32, #tpu.memory_space<hbm>> -> memref<16x1024xf32, #tpu.memory_space<hbm>>
    %dma_start3A_517 = arith.constant 0 : i32
    %dma_start3A_518 = arith.constant 0 : i32
    %dma_start3A_519 = tpu.memref_slice %arg13[%dma_start3A_508, %dma_start3A_517, %dma_start3A_518] : memref<2x16x1024xf32, #tpu.memory_space<vmem>> -> memref<1x16x1024xf32, #tpu.memory_space<vmem>>
    %dma_start3A_520 = tpu.memref_squeeze %dma_start3A_519 : memref<1x16x1024xf32, #tpu.memory_space<vmem>> -> memref<16x1024xf32, #tpu.memory_space<vmem>>
    tpu.enqueue_dma source(%dma_start3A_520 : memref<16x1024xf32, #tpu.memory_space<vmem>>) target(%dma_start3A_516 : memref<16x1024xf32, #tpu.memory_space<hbm>>) target_semaphore(%arg16 : memref<!tpu.dma_semaphore, #tpu.memory_space<semaphore_mem>>)
    %dma_wait3A_521 = arith.constant 1 : i32
    %dma_wait3A_522 = arith.constant 1 : i32
    %dma_wait3A_523 = arith.constant 0 : i32
    %dma_wait3A_524 = arith.constant 0 : i32
    %dma_wait3A_525 = tpu.memref_slice %arg12[%dma_wait3A_522, %dma_wait3A_523, %dma_wait3A_524] : memref<2x32x1024xf32, #tpu.memory_space<vmem>> -> memref<1x32x1024xf32, #tpu.memory_space<vmem>>
    %dma_wait3A_526 = tpu.memref_squeeze %dma_wait3A_525 : memref<1x32x1024xf32, #tpu.memory_space<vmem>> -> memref<32x1024xf32, #tpu.memory_space<vmem>>
    %dma_wait3A_527 = arith.constant 0 : i32
    %dma_wait3A_528 = tpu.memref_slice %arg9[%dma_wait3A_521, %dma_wait3A_527] : memref<2x32xi32, #tpu.memory_space<vmem>> -> memref<1x32xi32, #tpu.memory_space<vmem>>
    %dma_wait3A_529 = tpu.memref_squeeze %dma_wait3A_528 : memref<1x32xi32, #tpu.memory_space<vmem>> -> memref<32xi32, #tpu.memory_space<vmem>>
    %dma_wait3A_530 = arith.constant 0 : i32
    %dma_wait3A_531 = arith.constant 0 : i32
    %dma_wait3A_532 = tpu.memref_slice %arg2[%dma_wait3A_530, %dma_wait3A_531] : memref<8192x1024xf32, #tpu.memory_space<hbm>> -> memref<8192x1024xf32, #tpu.memory_space<hbm>>
    tpu.wait_indirect_dma semaphore(%arg14 : memref<!tpu.dma_semaphore, #tpu.memory_space<semaphore_mem>>) src(%dma_wait3A_532 : memref<8192x1024xf32, #tpu.memory_space<hbm>>) dst(%dma_wait3A_526 : memref<32x1024xf32, #tpu.memory_space<vmem>>)
    %dma_wait3A_533 = arith.constant 1 : i32
    %dma_wait3A_534 = arith.constant 0 : i32
    %dma_wait3A_535 = arith.constant 0 : i32
    %dma_wait3A_536 = tpu.memref_slice %arg13[%dma_wait3A_533, %dma_wait3A_534, %dma_wait3A_535] : memref<2x16x1024xf32, #tpu.memory_space<vmem>> -> memref<1x16x1024xf32, #tpu.memory_space<vmem>>
    %dma_wait3A_537 = tpu.memref_squeeze %dma_wait3A_536 : memref<1x16x1024xf32, #tpu.memory_space<vmem>> -> memref<16x1024xf32, #tpu.memory_space<vmem>>
    %dma_wait3A_538 = arith.constant 0 : i32
    %dma_wait3A_539 = tpu.memref_slice %arg3[%add3A_355, %dma_wait3A_538] : memref<2048x1024xf32, #tpu.memory_space<hbm>> -> memref<16x1024xf32, #tpu.memory_space<hbm>>
    %dma_wait3A_540 = arith.constant 0 : i32
    %dma_wait3A_541 = arith.constant 0 : i32
    %dma_wait3A_542 = tpu.memref_slice %arg13[%dma_wait3A_533, %dma_wait3A_540, %dma_wait3A_541] : memref<2x16x1024xf32, #tpu.memory_space<vmem>> -> memref<1x16x1024xf32, #tpu.memory_space<vmem>>
    %dma_wait3A_543 = tpu.memref_squeeze %dma_wait3A_542 : memref<1x16x1024xf32, #tpu.memory_space<vmem>> -> memref<16x1024xf32, #tpu.memory_space<vmem>>
    %dma_wait3A_544 = arith.constant 0 : i32
    %dma_wait3A_545 = tpu.memref_slice %arg3[%add3A_355, %dma_wait3A_544] : memref<2048x1024xf32, #tpu.memory_space<hbm>> -> memref<16x1024xf32, #tpu.memory_space<hbm>>
    tpu.wait_dma2 semaphore(%arg15 : memref<!tpu.dma_semaphore, #tpu.memory_space<semaphore_mem>>) src(%dma_wait3A_545 : memref<16x1024xf32, #tpu.memory_space<hbm>>) dst(%dma_wait3A_543 : memref<16x1024xf32, #tpu.memory_space<vmem>>)
    %get3A_546 = arith.constant 1 : i32
    %get3A_547 = arith.index_cast %get3A_546 : i32 to index
    %get3A_548 = arith.constant 0 : index
    %get3A_549 = tpu.vector_load %arg10[%get3A_547, %get3A_548] {strides = array<i32>} : memref<2x16xf32, #tpu.memory_space<vmem>>, vector<1x16xf32>,
    %get3A_550 = vector.shape_cast %get3A_549 : vector<1x16xf32> to vector<16xf32>
    %get3A_551 = arith.constant 1 : i32
    %get3A_552 = arith.index_cast %get3A_551 : i32 to index
    %get3A_553 = arith.constant 0 : index
    %get3A_554 = tpu.vector_load %arg11[%get3A_552, %get3A_553] {strides = array<i32>} : memref<2x16xf32, #tpu.memory_space<vmem>>, vector<1x16xf32>,
    %get3A_555 = vector.shape_cast %get3A_554 : vector<1x16xf32> to vector<16xf32>
    %slice3A_556 = vector.extract_strided_slice %get3A_550 {offsets = [0], sizes = [1], strides = [1]} : vector<16xf32> to vector<1xf32>
    %squeeze3A_557 = vector.extract %slice3A_556[0] : f32 from vector<1xf32>
    %slice3A_558 = vector.extract_strided_slice %get3A_550 {offsets = [1], sizes = [1], strides = [1]} : vector<16xf32> to vector<1xf32>
    %squeeze3A_559 = vector.extract %slice3A_558[0] : f32 from vector<1xf32>
    %slice3A_560 = vector.extract_strided_slice %get3A_550 {offsets = [2], sizes = [1], strides = [1]} : vector<16xf32> to vector<1xf32>
    %squeeze3A_561 = vector.extract %slice3A_560[0] : f32 from vector<1xf32>
    %slice3A_562 = vector.extract_strided_slice %get3A_550 {offsets = [3], sizes = [1], strides = [1]} : vector<16xf32> to vector<1xf32>
    %squeeze3A_563 = vector.extract %slice3A_562[0] : f32 from vector<1xf32>
    %slice3A_564 = vector.extract_strided_slice %get3A_550 {offsets = [4], sizes = [1], strides = [1]} : vector<16xf32> to vector<1xf32>
    %squeeze3A_565 = vector.extract %slice3A_564[0] : f32 from vector<1xf32>
    %slice3A_566 = vector.extract_strided_slice %get3A_550 {offsets = [5], sizes = [1], strides = [1]} : vector<16xf32> to vector<1xf32>
    %squeeze3A_567 = vector.extract %slice3A_566[0] : f32 from vector<1xf32>
    %slice3A_568 = vector.extract_strided_slice %get3A_550 {offsets = [6], sizes = [1], strides = [1]} : vector<16xf32> to vector<1xf32>
    %squeeze3A_569 = vector.extract %slice3A_568[0] : f32 from vector<1xf32>
    %slice3A_570 = vector.extract_strided_slice %get3A_550 {offsets = [7], sizes = [1], strides = [1]} : vector<16xf32> to vector<1xf32>
    %squeeze3A_571 = vector.extract %slice3A_570[0] : f32 from vector<1xf32>
    %slice3A_572 = vector.extract_strided_slice %get3A_550 {offsets = [8], sizes = [1], strides = [1]} : vector<16xf32> to vector<1xf32>
    %squeeze3A_573 = vector.extract %slice3A_572[0] : f32 from vector<1xf32>
    %slice3A_574 = vector.extract_strided_slice %get3A_550 {offsets = [9], sizes = [1], strides = [1]} : vector<16xf32> to vector<1xf32>
    %squeeze3A_575 = vector.extract %slice3A_574[0] : f32 from vector<1xf32>
    %slice3A_576 = vector.extract_strided_slice %get3A_550 {offsets = [10], sizes = [1], strides = [1]} : vector<16xf32> to vector<1xf32>
    %squeeze3A_577 = vector.extract %slice3A_576[0] : f32 from vector<1xf32>
    %slice3A_578 = vector.extract_strided_slice %get3A_550 {offsets = [11], sizes = [1], strides = [1]} : vector<16xf32> to vector<1xf32>
    %squeeze3A_579 = vector.extract %slice3A_578[0] : f32 from vector<1xf32>
    %slice3A_580 = vector.extract_strided_slice %get3A_550 {offsets = [12], sizes = [1], strides = [1]} : vector<16xf32> to vector<1xf32>
    %squeeze3A_581 = vector.extract %slice3A_580[0] : f32 from vector<1xf32>
    %slice3A_582 = vector.extract_strided_slice %get3A_550 {offsets = [13], sizes = [1], strides = [1]} : vector<16xf32> to vector<1xf32>
    %squeeze3A_583 = vector.extract %slice3A_582[0] : f32 from vector<1xf32>
    %slice3A_584 = vector.extract_strided_slice %get3A_550 {offsets = [14], sizes = [1], strides = [1]} : vector<16xf32> to vector<1xf32>
    %squeeze3A_585 = vector.extract %slice3A_584[0] : f32 from vector<1xf32>
    %slice3A_586 = vector.extract_strided_slice %get3A_550 {offsets = [15], sizes = [1], strides = [1]} : vector<16xf32> to vector<1xf32>
    %squeeze3A_587 = vector.extract %slice3A_586[0] : f32 from vector<1xf32>
    %slice3A_588 = vector.extract_strided_slice %get3A_555 {offsets = [0], sizes = [1], strides = [1]} : vector<16xf32> to vector<1xf32>
    %squeeze3A_589 = vector.extract %slice3A_588[0] : f32 from vector<1xf32>
    %slice3A_590 = vector.extract_strided_slice %get3A_555 {offsets = [1], sizes = [1], strides = [1]} : vector<16xf32> to vector<1xf32>
    %squeeze3A_591 = vector.extract %slice3A_590[0] : f32 from vector<1xf32>
    %slice3A_592 = vector.extract_strided_slice %get3A_555 {offsets = [2], sizes = [1], strides = [1]} : vector<16xf32> to vector<1xf32>
    %squeeze3A_593 = vector.extract %slice3A_592[0] : f32 from vector<1xf32>
    %slice3A_594 = vector.extract_strided_slice %get3A_555 {offsets = [3], sizes = [1], strides = [1]} : vector<16xf32> to vector<1xf32>
    %squeeze3A_595 = vector.extract %slice3A_594[0] : f32 from vector<1xf32>
    %slice3A_596 = vector.extract_strided_slice %get3A_555 {offsets = [4], sizes = [1], strides = [1]} : vector<16xf32> to vector<1xf32>
    %squeeze3A_597 = vector.extract %slice3A_596[0] : f32 from vector<1xf32>
    %slice3A_598 = vector.extract_strided_slice %get3A_555 {offsets = [5], sizes = [1], strides = [1]} : vector<16xf32> to vector<1xf32>
    %squeeze3A_599 = vector.extract %slice3A_598[0] : f32 from vector<1xf32>
    %slice3A_600 = vector.extract_strided_slice %get3A_555 {offsets = [6], sizes = [1], strides = [1]} : vector<16xf32> to vector<1xf32>
    %squeeze3A_601 = vector.extract %slice3A_600[0] : f32 from vector<1xf32>
    %slice3A_602 = vector.extract_strided_slice %get3A_555 {offsets = [7], sizes = [1], strides = [1]} : vector<16xf32> to vector<1xf32>
    %squeeze3A_603 = vector.extract %slice3A_602[0] : f32 from vector<1xf32>
    %slice3A_604 = vector.extract_strided_slice %get3A_555 {offsets = [8], sizes = [1], strides = [1]} : vector<16xf32> to vector<1xf32>
    %squeeze3A_605 = vector.extract %slice3A_604[0] : f32 from vector<1xf32>
    %slice3A_606 = vector.extract_strided_slice %get3A_555 {offsets = [9], sizes = [1], strides = [1]} : vector<16xf32> to vector<1xf32>
    %squeeze3A_607 = vector.extract %slice3A_606[0] : f32 from vector<1xf32>
    %slice3A_608 = vector.extract_strided_slice %get3A_555 {offsets = [10], sizes = [1], strides = [1]} : vector<16xf32> to vector<1xf32>
    %squeeze3A_609 = vector.extract %slice3A_608[0] : f32 from vector<1xf32>
    %slice3A_610 = vector.extract_strided_slice %get3A_555 {offsets = [11], sizes = [1], strides = [1]} : vector<16xf32> to vector<1xf32>
    %squeeze3A_611 = vector.extract %slice3A_610[0] : f32 from vector<1xf32>
    %slice3A_612 = vector.extract_strided_slice %get3A_555 {offsets = [12], sizes = [1], strides = [1]} : vector<16xf32> to vector<1xf32>
    %squeeze3A_613 = vector.extract %slice3A_612[0] : f32 from vector<1xf32>
    %slice3A_614 = vector.extract_strided_slice %get3A_555 {offsets = [13], sizes = [1], strides = [1]} : vector<16xf32> to vector<1xf32>
    %squeeze3A_615 = vector.extract %slice3A_614[0] : f32 from vector<1xf32>
    %slice3A_616 = vector.extract_strided_slice %get3A_555 {offsets = [14], sizes = [1], strides = [1]} : vector<16xf32> to vector<1xf32>
    %squeeze3A_617 = vector.extract %slice3A_616[0] : f32 from vector<1xf32>
    %slice3A_618 = vector.extract_strided_slice %get3A_555 {offsets = [15], sizes = [1], strides = [1]} : vector<16xf32> to vector<1xf32>
    %squeeze3A_619 = vector.extract %slice3A_618[0] : f32 from vector<1xf32>
    %scan3A_620 = arith.constant 0 : i32
    %scan3A_621 = arith.constant 0 : i32
    %scan3A_622 = arith.constant 64 : i32
    %scan3A_623 = arith.addi %scan3A_621, %scan3A_622 : i32
    %scan3A_624 = arith.constant 1 : i32
    %scan3A_625 = scf.for %scan3A_670 = %scan3A_621 to %scan3A_623 step %scan3A_624 iter_args(%scan3A_671 = %scan3A_620) -> (i32)  : i32 {
      %mul3A_672 = arith.constant 16 : i32
      %mul3A_673 = arith.muli %scan3A_670, %mul3A_672 : i32
      %get3A_674 = arith.constant 1 : i32
      %get3A_675 = arith.constant 0 : i32
      %get3A_676 = arith.index_cast %get3A_674 : i32 to index
      %get3A_677 = arith.index_cast %get3A_675 : i32 to index
      %get3A_678 = arith.index_cast %mul3A_673 : i32 to index
      %get3A_679 = tpu.vector_load %arg13[%get3A_676, %get3A_677, %get3A_678] {strides = array<i32>} : memref<2x16x1024xf32, #tpu.memory_space<vmem>>, vector<1x1x16xf32>,
      %get3A_680 = vector.shape_cast %get3A_679 : vector<1x1x16xf32> to vector<16xf32>
      %get3A_681 = arith.constant 1 : i32
      %get3A_682 = arith.constant 0 : i32
      %get3A_683 = arith.index_cast %get3A_681 : i32 to index
      %get3A_684 = arith.index_cast %get3A_682 : i32 to index
      %get3A_685 = arith.index_cast %mul3A_673 : i32 to index
      %get3A_686 = tpu.vector_load %arg12[%get3A_683, %get3A_684, %get3A_685] {strides = array<i32>} : memref<2x32x1024xf32, #tpu.memory_space<vmem>>, vector<1x1x16xf32>,
      %get3A_687 = vector.shape_cast %get3A_686 : vector<1x1x16xf32> to vector<16xf32>
      %mul3A_688 = vector.broadcast %squeeze3A_557 : f32 to vector<16xf32>
      %mul3A_689 = arith.mulf %mul3A_688, %get3A_687 : vector<16xf32>
      %add3A_690 = arith.addf %get3A_680, %mul3A_689 : vector<16xf32>
      %get3A_691 = arith.constant 1 : i32
      %get3A_692 = arith.constant 16 : i32
      %get3A_693 = arith.index_cast %get3A_691 : i32 to index
      %get3A_694 = arith.index_cast %get3A_692 : i32 to index
      %get3A_695 = arith.index_cast %mul3A_673 : i32 to index
      %get3A_696 = tpu.vector_load %arg12[%get3A_693, %get3A_694, %get3A_695] {strides = array<i32>} : memref<2x32x1024xf32, #tpu.memory_space<vmem>>, vector<1x1x16xf32>,
      %get3A_697 = vector.shape_cast %get3A_696 : vector<1x1x16xf32> to vector<16xf32>
      %mul3A_698 = vector.broadcast %squeeze3A_589 : f32 to vector<16xf32>
      %mul3A_699 = arith.mulf %mul3A_698, %get3A_697 : vector<16xf32>
      %add3A_700 = arith.addf %add3A_690, %mul3A_699 : vector<16xf32>
      %swap3A = arith.constant 1 : i32
      %swap3A_701 = arith.constant 0 : i32
      %swap3A_702 = arith.index_cast %swap3A : i32 to index
      %swap3A_703 = arith.index_cast %swap3A_701 : i32 to index
      %swap3A_704 = arith.index_cast %mul3A_673 : i32 to index
      %swap3A_705 = tpu.vector_load %arg13[%swap3A_702, %swap3A_703, %swap3A_704] {strides = array<i32>} : memref<2x16x1024xf32, #tpu.memory_space<vmem>>, vector<1x1x16xf32>,
      %swap3A_706 = vector.shape_cast %swap3A_705 : vector<1x1x16xf32> to vector<16xf32>
      %swap3A_707 = vector.shape_cast %add3A_700 : vector<16xf32> to vector<1x1x16xf32>
      tpu.vector_store %arg13[%swap3A_702, %swap3A_703, %swap3A_704], %swap3A_707 {strides = array<i32>} : memref<2x16x1024xf32, #tpu.memory_space<vmem>>, vector<1x1x16xf32>,
      %get3A_708 = arith.constant 1 : i32
      %get3A_709 = arith.constant 1 : i32
      %get3A_710 = arith.index_cast %get3A_708 : i32 to index
      %get3A_711 = arith.index_cast %get3A_709 : i32 to index
      %get3A_712 = arith.index_cast %mul3A_673 : i32 to index
      %get3A_713 = tpu.vector_load %arg13[%get3A_710, %get3A_711, %get3A_712] {strides = array<i32>} : memref<2x16x1024xf32, #tpu.memory_space<vmem>>, vector<1x1x16xf32>,
      %get3A_714 = vector.shape_cast %get3A_713 : vector<1x1x16xf32> to vector<16xf32>
      %get3A_715 = arith.constant 1 : i32
      %get3A_716 = arith.constant 1 : i32
      %get3A_717 = arith.index_cast %get3A_715 : i32 to index
      %get3A_718 = arith.index_cast %get3A_716 : i32 to index
      %get3A_719 = arith.index_cast %mul3A_673 : i32 to index
      %get3A_720 = tpu.vector_load %arg12[%get3A_717, %get3A_718, %get3A_719] {strides = array<i32>} : memref<2x32x1024xf32, #tpu.memory_space<vmem>>, vector<1x1x16xf32>,
      %get3A_721 = vector.shape_cast %get3A_720 : vector<1x1x16xf32> to vector<16xf32>
      %mul3A_722 = vector.broadcast %squeeze3A_559 : f32 to vector<16xf32>
      %mul3A_723 = arith.mulf %mul3A_722, %get3A_721 : vector<16xf32>
      %add3A_724 = arith.addf %get3A_714, %mul3A_723 : vector<16xf32>
      %get3A_725 = arith.constant 1 : i32
      %get3A_726 = arith.constant 17 : i32
      %get3A_727 = arith.index_cast %get3A_725 : i32 to index
      %get3A_728 = arith.index_cast %get3A_726 : i32 to index
      %get3A_729 = arith.index_cast %mul3A_673 : i32 to index
      %get3A_730 = tpu.vector_load %arg12[%get3A_727, %get3A_728, %get3A_729] {strides = array<i32>} : memref<2x32x1024xf32, #tpu.memory_space<vmem>>, vector<1x1x16xf32>,
      %get3A_731 = vector.shape_cast %get3A_730 : vector<1x1x16xf32> to vector<16xf32>
      %mul3A_732 = vector.broadcast %squeeze3A_591 : f32 to vector<16xf32>
      %mul3A_733 = arith.mulf %mul3A_732, %get3A_731 : vector<16xf32>
      %add3A_734 = arith.addf %add3A_724, %mul3A_733 : vector<16xf32>
      %swap3A_735 = arith.constant 1 : i32
      %swap3A_736 = arith.constant 1 : i32
      %swap3A_737 = arith.index_cast %swap3A_735 : i32 to index
      %swap3A_738 = arith.index_cast %swap3A_736 : i32 to index
      %swap3A_739 = arith.index_cast %mul3A_673 : i32 to index
      %swap3A_740 = tpu.vector_load %arg13[%swap3A_737, %swap3A_738, %swap3A_739] {strides = array<i32>} : memref<2x16x1024xf32, #tpu.memory_space<vmem>>, vector<1x1x16xf32>,
      %swap3A_741 = vector.shape_cast %swap3A_740 : vector<1x1x16xf32> to vector<16xf32>
      %swap3A_742 = vector.shape_cast %add3A_734 : vector<16xf32> to vector<1x1x16xf32>
      tpu.vector_store %arg13[%swap3A_737, %swap3A_738, %swap3A_739], %swap3A_742 {strides = array<i32>} : memref<2x16x1024xf32, #tpu.memory_space<vmem>>, vector<1x1x16xf32>,
      %get3A_743 = arith.constant 1 : i32
      %get3A_744 = arith.constant 2 : i32
      %get3A_745 = arith.index_cast %get3A_743 : i32 to index
      %get3A_746 = arith.index_cast %get3A_744 : i32 to index
      %get3A_747 = arith.index_cast %mul3A_673 : i32 to index
      %get3A_748 = tpu.vector_load %arg13[%get3A_745, %get3A_746, %get3A_747] {strides = array<i32>} : memref<2x16x1024xf32, #tpu.memory_space<vmem>>, vector<1x1x16xf32>,
      %get3A_749 = vector.shape_cast %get3A_748 : vector<1x1x16xf32> to vector<16xf32>
      %get3A_750 = arith.constant 1 : i32
      %get3A_751 = arith.constant 2 : i32
      %get3A_752 = arith.index_cast %get3A_750 : i32 to index
      %get3A_753 = arith.index_cast %get3A_751 : i32 to index
      %get3A_754 = arith.index_cast %mul3A_673 : i32 to index
      %get3A_755 = tpu.vector_load %arg12[%get3A_752, %get3A_753, %get3A_754] {strides = array<i32>} : memref<2x32x1024xf32, #tpu.memory_space<vmem>>, vector<1x1x16xf32>,
      %get3A_756 = vector.shape_cast %get3A_755 : vector<1x1x16xf32> to vector<16xf32>
      %mul3A_757 = vector.broadcast %squeeze3A_561 : f32 to vector<16xf32>
      %mul3A_758 = arith.mulf %mul3A_757, %get3A_756 : vector<16xf32>
      %add3A_759 = arith.addf %get3A_749, %mul3A_758 : vector<16xf32>
      %get3A_760 = arith.constant 1 : i32
      %get3A_761 = arith.constant 18 : i32
      %get3A_762 = arith.index_cast %get3A_760 : i32 to index
      %get3A_763 = arith.index_cast %get3A_761 : i32 to index
      %get3A_764 = arith.index_cast %mul3A_673 : i32 to index
      %get3A_765 = tpu.vector_load %arg12[%get3A_762, %get3A_763, %get3A_764] {strides = array<i32>} : memref<2x32x1024xf32, #tpu.memory_space<vmem>>, vector<1x1x16xf32>,
      %get3A_766 = vector.shape_cast %get3A_765 : vector<1x1x16xf32> to vector<16xf32>
      %mul3A_767 = vector.broadcast %squeeze3A_593 : f32 to vector<16xf32>
      %mul3A_768 = arith.mulf %mul3A_767, %get3A_766 : vector<16xf32>
      %add3A_769 = arith.addf %add3A_759, %mul3A_768 : vector<16xf32>
      %swap3A_770 = arith.constant 1 : i32
      %swap3A_771 = arith.constant 2 : i32
      %swap3A_772 = arith.index_cast %swap3A_770 : i32 to index
      %swap3A_773 = arith.index_cast %swap3A_771 : i32 to index
      %swap3A_774 = arith.index_cast %mul3A_673 : i32 to index
      %swap3A_775 = tpu.vector_load %arg13[%swap3A_772, %swap3A_773, %swap3A_774] {strides = array<i32>} : memref<2x16x1024xf32, #tpu.memory_space<vmem>>, vector<1x1x16xf32>,
      %swap3A_776 = vector.shape_cast %swap3A_775 : vector<1x1x16xf32> to vector<16xf32>
      %swap3A_777 = vector.shape_cast %add3A_769 : vector<16xf32> to vector<1x1x16xf32>
      tpu.vector_store %arg13[%swap3A_772, %swap3A_773, %swap3A_774], %swap3A_777 {strides = array<i32>} : memref<2x16x1024xf32, #tpu.memory_space<vmem>>, vector<1x1x16xf32>,
      %get3A_778 = arith.constant 1 : i32
      %get3A_779 = arith.constant 3 : i32
      %get3A_780 = arith.index_cast %get3A_778 : i32 to index
      %get3A_781 = arith.index_cast %get3A_779 : i32 to index
      %get3A_782 = arith.index_cast %mul3A_673 : i32 to index
      %get3A_783 = tpu.vector_load %arg13[%get3A_780, %get3A_781, %get3A_782] {strides = array<i32>} : memref<2x16x1024xf32, #tpu.memory_space<vmem>>, vector<1x1x16xf32>,
      %get3A_784 = vector.shape_cast %get3A_783 : vector<1x1x16xf32> to vector<16xf32>
      %get3A_785 = arith.constant 1 : i32
      %get3A_786 = arith.constant 3 : i32
      %get3A_787 = arith.index_cast %get3A_785 : i32 to index
      %get3A_788 = arith.index_cast %get3A_786 : i32 to index
      %get3A_789 = arith.index_cast %mul3A_673 : i32 to index
      %get3A_790 = tpu.vector_load %arg12[%get3A_787, %get3A_788, %get3A_789] {strides = array<i32>} : memref<2x32x1024xf32, #tpu.memory_space<vmem>>, vector<1x1x16xf32>,
      %get3A_791 = vector.shape_cast %get3A_790 : vector<1x1x16xf32> to vector<16xf32>
      %mul3A_792 = vector.broadcast %squeeze3A_563 : f32 to vector<16xf32>
      %mul3A_793 = arith.mulf %mul3A_792, %get3A_791 : vector<16xf32>
      %add3A_794 = arith.addf %get3A_784, %mul3A_793 : vector<16xf32>
      %get3A_795 = arith.constant 1 : i32
      %get3A_796 = arith.constant 19 : i32
      %get3A_797 = arith.index_cast %get3A_795 : i32 to index
      %get3A_798 = arith.index_cast %get3A_796 : i32 to index
      %get3A_799 = arith.index_cast %mul3A_673 : i32 to index
      %get3A_800 = tpu.vector_load %arg12[%get3A_797, %get3A_798, %get3A_799] {strides = array<i32>} : memref<2x32x1024xf32, #tpu.memory_space<vmem>>, vector<1x1x16xf32>,
      %get3A_801 = vector.shape_cast %get3A_800 : vector<1x1x16xf32> to vector<16xf32>
      %mul3A_802 = vector.broadcast %squeeze3A_595 : f32 to vector<16xf32>
      %mul3A_803 = arith.mulf %mul3A_802, %get3A_801 : vector<16xf32>
      %add3A_804 = arith.addf %add3A_794, %mul3A_803 : vector<16xf32>
      %swap3A_805 = arith.constant 1 : i32
      %swap3A_806 = arith.constant 3 : i32
      %swap3A_807 = arith.index_cast %swap3A_805 : i32 to index
      %swap3A_808 = arith.index_cast %swap3A_806 : i32 to index
      %swap3A_809 = arith.index_cast %mul3A_673 : i32 to index
      %swap3A_810 = tpu.vector_load %arg13[%swap3A_807, %swap3A_808, %swap3A_809] {strides = array<i32>} : memref<2x16x1024xf32, #tpu.memory_space<vmem>>, vector<1x1x16xf32>,
      %swap3A_811 = vector.shape_cast %swap3A_810 : vector<1x1x16xf32> to vector<16xf32>
      %swap3A_812 = vector.shape_cast %add3A_804 : vector<16xf32> to vector<1x1x16xf32>
      tpu.vector_store %arg13[%swap3A_807, %swap3A_808, %swap3A_809], %swap3A_812 {strides = array<i32>} : memref<2x16x1024xf32, #tpu.memory_space<vmem>>, vector<1x1x16xf32>,
      %get3A_813 = arith.constant 1 : i32
      %get3A_814 = arith.constant 4 : i32
      %get3A_815 = arith.index_cast %get3A_813 : i32 to index
      %get3A_816 = arith.index_cast %get3A_814 : i32 to index
      %get3A_817 = arith.index_cast %mul3A_673 : i32 to index
      %get3A_818 = tpu.vector_load %arg13[%get3A_815, %get3A_816, %get3A_817] {strides = array<i32>} : memref<2x16x1024xf32, #tpu.memory_space<vmem>>, vector<1x1x16xf32>,
      %get3A_819 = vector.shape_cast %get3A_818 : vector<1x1x16xf32> to vector<16xf32>
      %get3A_820 = arith.constant 1 : i32
      %get3A_821 = arith.constant 4 : i32
      %get3A_822 = arith.index_cast %get3A_820 : i32 to index
      %get3A_823 = arith.index_cast %get3A_821 : i32 to index
      %get3A_824 = arith.index_cast %mul3A_673 : i32 to index
      %get3A_825 = tpu.vector_load %arg12[%get3A_822, %get3A_823, %get3A_824] {strides = array<i32>} : memref<2x32x1024xf32, #tpu.memory_space<vmem>>, vector<1x1x16xf32>,
      %get3A_826 = vector.shape_cast %get3A_825 : vector<1x1x16xf32> to vector<16xf32>
      %mul3A_827 = vector.broadcast %squeeze3A_565 : f32 to vector<16xf32>
      %mul3A_828 = arith.mulf %mul3A_827, %get3A_826 : vector<16xf32>
      %add3A_829 = arith.addf %get3A_819, %mul3A_828 : vector<16xf32>
      %get3A_830 = arith.constant 1 : i32
      %get3A_831 = arith.constant 20 : i32
      %get3A_832 = arith.index_cast %get3A_830 : i32 to index
      %get3A_833 = arith.index_cast %get3A_831 : i32 to index
      %get3A_834 = arith.index_cast %mul3A_673 : i32 to index
      %get3A_835 = tpu.vector_load %arg12[%get3A_832, %get3A_833, %get3A_834] {strides = array<i32>} : memref<2x32x1024xf32, #tpu.memory_space<vmem>>, vector<1x1x16xf32>,
      %get3A_836 = vector.shape_cast %get3A_835 : vector<1x1x16xf32> to vector<16xf32>
      %mul3A_837 = vector.broadcast %squeeze3A_597 : f32 to vector<16xf32>
      %mul3A_838 = arith.mulf %mul3A_837, %get3A_836 : vector<16xf32>
      %add3A_839 = arith.addf %add3A_829, %mul3A_838 : vector<16xf32>
      %swap3A_840 = arith.constant 1 : i32
      %swap3A_841 = arith.constant 4 : i32
      %swap3A_842 = arith.index_cast %swap3A_840 : i32 to index
      %swap3A_843 = arith.index_cast %swap3A_841 : i32 to index
      %swap3A_844 = arith.index_cast %mul3A_673 : i32 to index
      %swap3A_845 = tpu.vector_load %arg13[%swap3A_842, %swap3A_843, %swap3A_844] {strides = array<i32>} : memref<2x16x1024xf32, #tpu.memory_space<vmem>>, vector<1x1x16xf32>,
      %swap3A_846 = vector.shape_cast %swap3A_845 : vector<1x1x16xf32> to vector<16xf32>
      %swap3A_847 = vector.shape_cast %add3A_839 : vector<16xf32> to vector<1x1x16xf32>
      tpu.vector_store %arg13[%swap3A_842, %swap3A_843, %swap3A_844], %swap3A_847 {strides = array<i32>} : memref<2x16x1024xf32, #tpu.memory_space<vmem>>, vector<1x1x16xf32>,
      %get3A_848 = arith.constant 1 : i32
      %get3A_849 = arith.constant 5 : i32
      %get3A_850 = arith.index_cast %get3A_848 : i32 to index
      %get3A_851 = arith.index_cast %get3A_849 : i32 to index
      %get3A_852 = arith.index_cast %mul3A_673 : i32 to index
      %get3A_853 = tpu.vector_load %arg13[%get3A_850, %get3A_851, %get3A_852] {strides = array<i32>} : memref<2x16x1024xf32, #tpu.memory_space<vmem>>, vector<1x1x16xf32>,
      %get3A_854 = vector.shape_cast %get3A_853 : vector<1x1x16xf32> to vector<16xf32>
      %get3A_855 = arith.constant 1 : i32
      %get3A_856 = arith.constant 5 : i32
      %get3A_857 = arith.index_cast %get3A_855 : i32 to index
      %get3A_858 = arith.index_cast %get3A_856 : i32 to index
      %get3A_859 = arith.index_cast %mul3A_673 : i32 to index
      %get3A_860 = tpu.vector_load %arg12[%get3A_857, %get3A_858, %get3A_859] {strides = array<i32>} : memref<2x32x1024xf32, #tpu.memory_space<vmem>>, vector<1x1x16xf32>,
      %get3A_861 = vector.shape_cast %get3A_860 : vector<1x1x16xf32> to vector<16xf32>
      %mul3A_862 = vector.broadcast %squeeze3A_567 : f32 to vector<16xf32>
      %mul3A_863 = arith.mulf %mul3A_862, %get3A_861 : vector<16xf32>
      %add3A_864 = arith.addf %get3A_854, %mul3A_863 : vector<16xf32>
      %get3A_865 = arith.constant 1 : i32
      %get3A_866 = arith.constant 21 : i32
      %get3A_867 = arith.index_cast %get3A_865 : i32 to index
      %get3A_868 = arith.index_cast %get3A_866 : i32 to index
      %get3A_869 = arith.index_cast %mul3A_673 : i32 to index
      %get3A_870 = tpu.vector_load %arg12[%get3A_867, %get3A_868, %get3A_869] {strides = array<i32>} : memref<2x32x1024xf32, #tpu.memory_space<vmem>>, vector<1x1x16xf32>,
      %get3A_871 = vector.shape_cast %get3A_870 : vector<1x1x16xf32> to vector<16xf32>
      %mul3A_872 = vector.broadcast %squeeze3A_599 : f32 to vector<16xf32>
      %mul3A_873 = arith.mulf %mul3A_872, %get3A_871 : vector<16xf32>
      %add3A_874 = arith.addf %add3A_864, %mul3A_873 : vector<16xf32>
      %swap3A_875 = arith.constant 1 : i32
      %swap3A_876 = arith.constant 5 : i32
      %swap3A_877 = arith.index_cast %swap3A_875 : i32 to index
      %swap3A_878 = arith.index_cast %swap3A_876 : i32 to index
      %swap3A_879 = arith.index_cast %mul3A_673 : i32 to index
      %swap3A_880 = tpu.vector_load %arg13[%swap3A_877, %swap3A_878, %swap3A_879] {strides = array<i32>} : memref<2x16x1024xf32, #tpu.memory_space<vmem>>, vector<1x1x16xf32>,
      %swap3A_881 = vector.shape_cast %swap3A_880 : vector<1x1x16xf32> to vector<16xf32>
      %swap3A_882 = vector.shape_cast %add3A_874 : vector<16xf32> to vector<1x1x16xf32>
      tpu.vector_store %arg13[%swap3A_877, %swap3A_878, %swap3A_879], %swap3A_882 {strides = array<i32>} : memref<2x16x1024xf32, #tpu.memory_space<vmem>>, vector<1x1x16xf32>,
      %get3A_883 = arith.constant 1 : i32
      %get3A_884 = arith.constant 6 : i32
      %get3A_885 = arith.index_cast %get3A_883 : i32 to index
      %get3A_886 = arith.index_cast %get3A_884 : i32 to index
      %get3A_887 = arith.index_cast %mul3A_673 : i32 to index
      %get3A_888 = tpu.vector_load %arg13[%get3A_885, %get3A_886, %get3A_887] {strides = array<i32>} : memref<2x16x1024xf32, #tpu.memory_space<vmem>>, vector<1x1x16xf32>,
      %get3A_889 = vector.shape_cast %get3A_888 : vector<1x1x16xf32> to vector<16xf32>
      %get3A_890 = arith.constant 1 : i32
      %get3A_891 = arith.constant 6 : i32
      %get3A_892 = arith.index_cast %get3A_890 : i32 to index
      %get3A_893 = arith.index_cast %get3A_891 : i32 to index
      %get3A_894 = arith.index_cast %mul3A_673 : i32 to index
      %get3A_895 = tpu.vector_load %arg12[%get3A_892, %get3A_893, %get3A_894] {strides = array<i32>} : memref<2x32x1024xf32, #tpu.memory_space<vmem>>, vector<1x1x16xf32>,
      %get3A_896 = vector.shape_cast %get3A_895 : vector<1x1x16xf32> to vector<16xf32>
      %mul3A_897 = vector.broadcast %squeeze3A_569 : f32 to vector<16xf32>
      %mul3A_898 = arith.mulf %mul3A_897, %get3A_896 : vector<16xf32>
      %add3A_899 = arith.addf %get3A_889, %mul3A_898 : vector<16xf32>
      %get3A_900 = arith.constant 1 : i32
      %get3A_901 = arith.constant 22 : i32
      %get3A_902 = arith.index_cast %get3A_900 : i32 to index
      %get3A_903 = arith.index_cast %get3A_901 : i32 to index
      %get3A_904 = arith.index_cast %mul3A_673 : i32 to index
      %get3A_905 = tpu.vector_load %arg12[%get3A_902, %get3A_903, %get3A_904] {strides = array<i32>} : memref<2x32x1024xf32, #tpu.memory_space<vmem>>, vector<1x1x16xf32>,
      %get3A_906 = vector.shape_cast %get3A_905 : vector<1x1x16xf32> to vector<16xf32>
      %mul3A_907 = vector.broadcast %squeeze3A_601 : f32 to vector<16xf32>
      %mul3A_908 = arith.mulf %mul3A_907, %get3A_906 : vector<16xf32>
      %add3A_909 = arith.addf %add3A_899, %mul3A_908 : vector<16xf32>
      %swap3A_910 = arith.constant 1 : i32
      %swap3A_911 = arith.constant 6 : i32
      %swap3A_912 = arith.index_cast %swap3A_910 : i32 to index
      %swap3A_913 = arith.index_cast %swap3A_911 : i32 to index
      %swap3A_914 = arith.index_cast %mul3A_673 : i32 to index
      %swap3A_915 = tpu.vector_load %arg13[%swap3A_912, %swap3A_913, %swap3A_914] {strides = array<i32>} : memref<2x16x1024xf32, #tpu.memory_space<vmem>>, vector<1x1x16xf32>,
      %swap3A_916 = vector.shape_cast %swap3A_915 : vector<1x1x16xf32> to vector<16xf32>
      %swap3A_917 = vector.shape_cast %add3A_909 : vector<16xf32> to vector<1x1x16xf32>
      tpu.vector_store %arg13[%swap3A_912, %swap3A_913, %swap3A_914], %swap3A_917 {strides = array<i32>} : memref<2x16x1024xf32, #tpu.memory_space<vmem>>, vector<1x1x16xf32>,
      %get3A_918 = arith.constant 1 : i32
      %get3A_919 = arith.constant 7 : i32
      %get3A_920 = arith.index_cast %get3A_918 : i32 to index
      %get3A_921 = arith.index_cast %get3A_919 : i32 to index
      %get3A_922 = arith.index_cast %mul3A_673 : i32 to index
      %get3A_923 = tpu.vector_load %arg13[%get3A_920, %get3A_921, %get3A_922] {strides = array<i32>} : memref<2x16x1024xf32, #tpu.memory_space<vmem>>, vector<1x1x16xf32>,
      %get3A_924 = vector.shape_cast %get3A_923 : vector<1x1x16xf32> to vector<16xf32>
      %get3A_925 = arith.constant 1 : i32
      %get3A_926 = arith.constant 7 : i32
      %get3A_927 = arith.index_cast %get3A_925 : i32 to index
      %get3A_928 = arith.index_cast %get3A_926 : i32 to index
      %get3A_929 = arith.index_cast %mul3A_673 : i32 to index
      %get3A_930 = tpu.vector_load %arg12[%get3A_927, %get3A_928, %get3A_929] {strides = array<i32>} : memref<2x32x1024xf32, #tpu.memory_space<vmem>>, vector<1x1x16xf32>,
      %get3A_931 = vector.shape_cast %get3A_930 : vector<1x1x16xf32> to vector<16xf32>
      %mul3A_932 = vector.broadcast %squeeze3A_571 : f32 to vector<16xf32>
      %mul3A_933 = arith.mulf %mul3A_932, %get3A_931 : vector<16xf32>
      %add3A_934 = arith.addf %get3A_924, %mul3A_933 : vector<16xf32>
      %get3A_935 = arith.constant 1 : i32
      %get3A_936 = arith.constant 23 : i32
      %get3A_937 = arith.index_cast %get3A_935 : i32 to index
      %get3A_938 = arith.index_cast %get3A_936 : i32 to index
      %get3A_939 = arith.index_cast %mul3A_673 : i32 to index
      %get3A_940 = tpu.vector_load %arg12[%get3A_937, %get3A_938, %get3A_939] {strides = array<i32>} : memref<2x32x1024xf32, #tpu.memory_space<vmem>>, vector<1x1x16xf32>,
      %get3A_941 = vector.shape_cast %get3A_940 : vector<1x1x16xf32> to vector<16xf32>
      %mul3A_942 = vector.broadcast %squeeze3A_603 : f32 to vector<16xf32>
      %mul3A_943 = arith.mulf %mul3A_942, %get3A_941 : vector<16xf32>
      %add3A_944 = arith.addf %add3A_934, %mul3A_943 : vector<16xf32>
      %swap3A_945 = arith.constant 1 : i32
      %swap3A_946 = arith.constant 7 : i32
      %swap3A_947 = arith.index_cast %swap3A_945 : i32 to index
      %swap3A_948 = arith.index_cast %swap3A_946 : i32 to index
      %swap3A_949 = arith.index_cast %mul3A_673 : i32 to index
      %swap3A_950 = tpu.vector_load %arg13[%swap3A_947, %swap3A_948, %swap3A_949] {strides = array<i32>} : memref<2x16x1024xf32, #tpu.memory_space<vmem>>, vector<1x1x16xf32>,
      %swap3A_951 = vector.shape_cast %swap3A_950 : vector<1x1x16xf32> to vector<16xf32>
      %swap3A_952 = vector.shape_cast %add3A_944 : vector<16xf32> to vector<1x1x16xf32>
      tpu.vector_store %arg13[%swap3A_947, %swap3A_948, %swap3A_949], %swap3A_952 {strides = array<i32>} : memref<2x16x1024xf32, #tpu.memory_space<vmem>>, vector<1x1x16xf32>,
      %get3A_953 = arith.constant 1 : i32
      %get3A_954 = arith.constant 8 : i32
      %get3A_955 = arith.index_cast %get3A_953 : i32 to index
      %get3A_956 = arith.index_cast %get3A_954 : i32 to index
      %get3A_957 = arith.index_cast %mul3A_673 : i32 to index
      %get3A_958 = tpu.vector_load %arg13[%get3A_955, %get3A_956, %get3A_957] {strides = array<i32>} : memref<2x16x1024xf32, #tpu.memory_space<vmem>>, vector<1x1x16xf32>,
      %get3A_959 = vector.shape_cast %get3A_958 : vector<1x1x16xf32> to vector<16xf32>
      %get3A_960 = arith.constant 1 : i32
      %get3A_961 = arith.constant 8 : i32
      %get3A_962 = arith.index_cast %get3A_960 : i32 to index
      %get3A_963 = arith.index_cast %get3A_961 : i32 to index
      %get3A_964 = arith.index_cast %mul3A_673 : i32 to index
      %get3A_965 = tpu.vector_load %arg12[%get3A_962, %get3A_963, %get3A_964] {strides = array<i32>} : memref<2x32x1024xf32, #tpu.memory_space<vmem>>, vector<1x1x16xf32>,
      %get3A_966 = vector.shape_cast %get3A_965 : vector<1x1x16xf32> to vector<16xf32>
      %mul3A_967 = vector.broadcast %squeeze3A_573 : f32 to vector<16xf32>
      %mul3A_968 = arith.mulf %mul3A_967, %get3A_966 : vector<16xf32>
      %add3A_969 = arith.addf %get3A_959, %mul3A_968 : vector<16xf32>
      %get3A_970 = arith.constant 1 : i32
      %get3A_971 = arith.constant 24 : i32
      %get3A_972 = arith.index_cast %get3A_970 : i32 to index
      %get3A_973 = arith.index_cast %get3A_971 : i32 to index
      %get3A_974 = arith.index_cast %mul3A_673 : i32 to index
      %get3A_975 = tpu.vector_load %arg12[%get3A_972, %get3A_973, %get3A_974] {strides = array<i32>} : memref<2x32x1024xf32, #tpu.memory_space<vmem>>, vector<1x1x16xf32>,
      %get3A_976 = vector.shape_cast %get3A_975 : vector<1x1x16xf32> to vector<16xf32>
      %mul3A_977 = vector.broadcast %squeeze3A_605 : f32 to vector<16xf32>
      %mul3A_978 = arith.mulf %mul3A_977, %get3A_976 : vector<16xf32>
      %add3A_979 = arith.addf %add3A_969, %mul3A_978 : vector<16xf32>
      %swap3A_980 = arith.constant 1 : i32
      %swap3A_981 = arith.constant 8 : i32
      %swap3A_982 = arith.index_cast %swap3A_980 : i32 to index
      %swap3A_983 = arith.index_cast %swap3A_981 : i32 to index
      %swap3A_984 = arith.index_cast %mul3A_673 : i32 to index
      %swap3A_985 = tpu.vector_load %arg13[%swap3A_982, %swap3A_983, %swap3A_984] {strides = array<i32>} : memref<2x16x1024xf32, #tpu.memory_space<vmem>>, vector<1x1x16xf32>,
      %swap3A_986 = vector.shape_cast %swap3A_985 : vector<1x1x16xf32> to vector<16xf32>
      %swap3A_987 = vector.shape_cast %add3A_979 : vector<16xf32> to vector<1x1x16xf32>
      tpu.vector_store %arg13[%swap3A_982, %swap3A_983, %swap3A_984], %swap3A_987 {strides = array<i32>} : memref<2x16x1024xf32, #tpu.memory_space<vmem>>, vector<1x1x16xf32>,
      %get3A_988 = arith.constant 1 : i32
      %get3A_989 = arith.constant 9 : i32
      %get3A_990 = arith.index_cast %get3A_988 : i32 to index
      %get3A_991 = arith.index_cast %get3A_989 : i32 to index
      %get3A_992 = arith.index_cast %mul3A_673 : i32 to index
      %get3A_993 = tpu.vector_load %arg13[%get3A_990, %get3A_991, %get3A_992] {strides = array<i32>} : memref<2x16x1024xf32, #tpu.memory_space<vmem>>, vector<1x1x16xf32>,
      %get3A_994 = vector.shape_cast %get3A_993 : vector<1x1x16xf32> to vector<16xf32>
      %get3A_995 = arith.constant 1 : i32
      %get3A_996 = arith.constant 9 : i32
      %get3A_997 = arith.index_cast %get3A_995 : i32 to index
      %get3A_998 = arith.index_cast %get3A_996 : i32 to index
      %get3A_999 = arith.index_cast %mul3A_673 : i32 to index
      %get3A_1000 = tpu.vector_load %arg12[%get3A_997, %get3A_998, %get3A_999] {strides = array<i32>} : memref<2x32x1024xf32, #tpu.memory_space<vmem>>, vector<1x1x16xf32>,
      %get3A_1001 = vector.shape_cast %get3A_1000 : vector<1x1x16xf32> to vector<16xf32>
      %mul3A_1002 = vector.broadcast %squeeze3A_575 : f32 to vector<16xf32>
      %mul3A_1003 = arith.mulf %mul3A_1002, %get3A_1001 : vector<16xf32>
      %add3A_1004 = arith.addf %get3A_994, %mul3A_1003 : vector<16xf32>
      %get3A_1005 = arith.constant 1 : i32
      %get3A_1006 = arith.constant 25 : i32
      %get3A_1007 = arith.index_cast %get3A_1005 : i32 to index
      %get3A_1008 = arith.index_cast %get3A_1006 : i32 to index
      %get3A_1009 = arith.index_cast %mul3A_673 : i32 to index
      %get3A_1010 = tpu.vector_load %arg12[%get3A_1007, %get3A_1008, %get3A_1009] {strides = array<i32>} : memref<2x32x1024xf32, #tpu.memory_space<vmem>>, vector<1x1x16xf32>,
      %get3A_1011 = vector.shape_cast %get3A_1010 : vector<1x1x16xf32> to vector<16xf32>
      %mul3A_1012 = vector.broadcast %squeeze3A_607 : f32 to vector<16xf32>
      %mul3A_1013 = arith.mulf %mul3A_1012, %get3A_1011 : vector<16xf32>
      %add3A_1014 = arith.addf %add3A_1004, %mul3A_1013 : vector<16xf32>
      %swap3A_1015 = arith.constant 1 : i32
      %swap3A_1016 = arith.constant 9 : i32
      %swap3A_1017 = arith.index_cast %swap3A_1015 : i32 to index
      %swap3A_1018 = arith.index_cast %swap3A_1016 : i32 to index
      %swap3A_1019 = arith.index_cast %mul3A_673 : i32 to index
      %swap3A_1020 = tpu.vector_load %arg13[%swap3A_1017, %swap3A_1018, %swap3A_1019] {strides = array<i32>} : memref<2x16x1024xf32, #tpu.memory_space<vmem>>, vector<1x1x16xf32>,
      %swap3A_1021 = vector.shape_cast %swap3A_1020 : vector<1x1x16xf32> to vector<16xf32>
      %swap3A_1022 = vector.shape_cast %add3A_1014 : vector<16xf32> to vector<1x1x16xf32>
      tpu.vector_store %arg13[%swap3A_1017, %swap3A_1018, %swap3A_1019], %swap3A_1022 {strides = array<i32>} : memref<2x16x1024xf32, #tpu.memory_space<vmem>>, vector<1x1x16xf32>,
      %get3A_1023 = arith.constant 1 : i32
      %get3A_1024 = arith.constant 10 : i32
      %get3A_1025 = arith.index_cast %get3A_1023 : i32 to index
      %get3A_1026 = arith.index_cast %get3A_1024 : i32 to index
      %get3A_1027 = arith.index_cast %mul3A_673 : i32 to index
      %get3A_1028 = tpu.vector_load %arg13[%get3A_1025, %get3A_1026, %get3A_1027] {strides = array<i32>} : memref<2x16x1024xf32, #tpu.memory_space<vmem>>, vector<1x1x16xf32>,
      %get3A_1029 = vector.shape_cast %get3A_1028 : vector<1x1x16xf32> to vector<16xf32>
      %get3A_1030 = arith.constant 1 : i32
      %get3A_1031 = arith.constant 10 : i32
      %get3A_1032 = arith.index_cast %get3A_1030 : i32 to index
      %get3A_1033 = arith.index_cast %get3A_1031 : i32 to index
      %get3A_1034 = arith.index_cast %mul3A_673 : i32 to index
      %get3A_1035 = tpu.vector_load %arg12[%get3A_1032, %get3A_1033, %get3A_1034] {strides = array<i32>} : memref<2x32x1024xf32, #tpu.memory_space<vmem>>, vector<1x1x16xf32>,
      %get3A_1036 = vector.shape_cast %get3A_1035 : vector<1x1x16xf32> to vector<16xf32>
      %mul3A_1037 = vector.broadcast %squeeze3A_577 : f32 to vector<16xf32>
      %mul3A_1038 = arith.mulf %mul3A_1037, %get3A_1036 : vector<16xf32>
      %add3A_1039 = arith.addf %get3A_1029, %mul3A_1038 : vector<16xf32>
      %get3A_1040 = arith.constant 1 : i32
      %get3A_1041 = arith.constant 26 : i32
      %get3A_1042 = arith.index_cast %get3A_1040 : i32 to index
      %get3A_1043 = arith.index_cast %get3A_1041 : i32 to index
      %get3A_1044 = arith.index_cast %mul3A_673 : i32 to index
      %get3A_1045 = tpu.vector_load %arg12[%get3A_1042, %get3A_1043, %get3A_1044] {strides = array<i32>} : memref<2x32x1024xf32, #tpu.memory_space<vmem>>, vector<1x1x16xf32>,
      %get3A_1046 = vector.shape_cast %get3A_1045 : vector<1x1x16xf32> to vector<16xf32>
      %mul3A_1047 = vector.broadcast %squeeze3A_609 : f32 to vector<16xf32>
      %mul3A_1048 = arith.mulf %mul3A_1047, %get3A_1046 : vector<16xf32>
      %add3A_1049 = arith.addf %add3A_1039, %mul3A_1048 : vector<16xf32>
      %swap3A_1050 = arith.constant 1 : i32
      %swap3A_1051 = arith.constant 10 : i32
      %swap3A_1052 = arith.index_cast %swap3A_1050 : i32 to index
      %swap3A_1053 = arith.index_cast %swap3A_1051 : i32 to index
      %swap3A_1054 = arith.index_cast %mul3A_673 : i32 to index
      %swap3A_1055 = tpu.vector_load %arg13[%swap3A_1052, %swap3A_1053, %swap3A_1054] {strides = array<i32>} : memref<2x16x1024xf32, #tpu.memory_space<vmem>>, vector<1x1x16xf32>,
      %swap3A_1056 = vector.shape_cast %swap3A_1055 : vector<1x1x16xf32> to vector<16xf32>
      %swap3A_1057 = vector.shape_cast %add3A_1049 : vector<16xf32> to vector<1x1x16xf32>
      tpu.vector_store %arg13[%swap3A_1052, %swap3A_1053, %swap3A_1054], %swap3A_1057 {strides = array<i32>} : memref<2x16x1024xf32, #tpu.memory_space<vmem>>, vector<1x1x16xf32>,
      %get3A_1058 = arith.constant 1 : i32
      %get3A_1059 = arith.constant 11 : i32
      %get3A_1060 = arith.index_cast %get3A_1058 : i32 to index
      %get3A_1061 = arith.index_cast %get3A_1059 : i32 to index
      %get3A_1062 = arith.index_cast %mul3A_673 : i32 to index
      %get3A_1063 = tpu.vector_load %arg13[%get3A_1060, %get3A_1061, %get3A_1062] {strides = array<i32>} : memref<2x16x1024xf32, #tpu.memory_space<vmem>>, vector<1x1x16xf32>,
      %get3A_1064 = vector.shape_cast %get3A_1063 : vector<1x1x16xf32> to vector<16xf32>
      %get3A_1065 = arith.constant 1 : i32
      %get3A_1066 = arith.constant 11 : i32
      %get3A_1067 = arith.index_cast %get3A_1065 : i32 to index
      %get3A_1068 = arith.index_cast %get3A_1066 : i32 to index
      %get3A_1069 = arith.index_cast %mul3A_673 : i32 to index
      %get3A_1070 = tpu.vector_load %arg12[%get3A_1067, %get3A_1068, %get3A_1069] {strides = array<i32>} : memref<2x32x1024xf32, #tpu.memory_space<vmem>>, vector<1x1x16xf32>,
      %get3A_1071 = vector.shape_cast %get3A_1070 : vector<1x1x16xf32> to vector<16xf32>
      %mul3A_1072 = vector.broadcast %squeeze3A_579 : f32 to vector<16xf32>
      %mul3A_1073 = arith.mulf %mul3A_1072, %get3A_1071 : vector<16xf32>
      %add3A_1074 = arith.addf %get3A_1064, %mul3A_1073 : vector<16xf32>
      %get3A_1075 = arith.constant 1 : i32
      %get3A_1076 = arith.constant 27 : i32
      %get3A_1077 = arith.index_cast %get3A_1075 : i32 to index
      %get3A_1078 = arith.index_cast %get3A_1076 : i32 to index
      %get3A_1079 = arith.index_cast %mul3A_673 : i32 to index
      %get3A_1080 = tpu.vector_load %arg12[%get3A_1077, %get3A_1078, %get3A_1079] {strides = array<i32>} : memref<2x32x1024xf32, #tpu.memory_space<vmem>>, vector<1x1x16xf32>,
      %get3A_1081 = vector.shape_cast %get3A_1080 : vector<1x1x16xf32> to vector<16xf32>
      %mul3A_1082 = vector.broadcast %squeeze3A_611 : f32 to vector<16xf32>
      %mul3A_1083 = arith.mulf %mul3A_1082, %get3A_1081 : vector<16xf32>
      %add3A_1084 = arith.addf %add3A_1074, %mul3A_1083 : vector<16xf32>
      %swap3A_1085 = arith.constant 1 : i32
      %swap3A_1086 = arith.constant 11 : i32
      %swap3A_1087 = arith.index_cast %swap3A_1085 : i32 to index
      %swap3A_1088 = arith.index_cast %swap3A_1086 : i32 to index
      %swap3A_1089 = arith.index_cast %mul3A_673 : i32 to index
      %swap3A_1090 = tpu.vector_load %arg13[%swap3A_1087, %swap3A_1088, %swap3A_1089] {strides = array<i32>} : memref<2x16x1024xf32, #tpu.memory_space<vmem>>, vector<1x1x16xf32>,
      %swap3A_1091 = vector.shape_cast %swap3A_1090 : vector<1x1x16xf32> to vector<16xf32>
      %swap3A_1092 = vector.shape_cast %add3A_1084 : vector<16xf32> to vector<1x1x16xf32>
      tpu.vector_store %arg13[%swap3A_1087, %swap3A_1088, %swap3A_1089], %swap3A_1092 {strides = array<i32>} : memref<2x16x1024xf32, #tpu.memory_space<vmem>>, vector<1x1x16xf32>,
      %get3A_1093 = arith.constant 1 : i32
      %get3A_1094 = arith.constant 12 : i32
      %get3A_1095 = arith.index_cast %get3A_1093 : i32 to index
      %get3A_1096 = arith.index_cast %get3A_1094 : i32 to index
      %get3A_1097 = arith.index_cast %mul3A_673 : i32 to index
      %get3A_1098 = tpu.vector_load %arg13[%get3A_1095, %get3A_1096, %get3A_1097] {strides = array<i32>} : memref<2x16x1024xf32, #tpu.memory_space<vmem>>, vector<1x1x16xf32>,
      %get3A_1099 = vector.shape_cast %get3A_1098 : vector<1x1x16xf32> to vector<16xf32>
      %get3A_1100 = arith.constant 1 : i32
      %get3A_1101 = arith.constant 12 : i32
      %get3A_1102 = arith.index_cast %get3A_1100 : i32 to index
      %get3A_1103 = arith.index_cast %get3A_1101 : i32 to index
      %get3A_1104 = arith.index_cast %mul3A_673 : i32 to index
      %get3A_1105 = tpu.vector_load %arg12[%get3A_1102, %get3A_1103, %get3A_1104] {strides = array<i32>} : memref<2x32x1024xf32, #tpu.memory_space<vmem>>, vector<1x1x16xf32>,
      %get3A_1106 = vector.shape_cast %get3A_1105 : vector<1x1x16xf32> to vector<16xf32>
      %mul3A_1107 = vector.broadcast %squeeze3A_581 : f32 to vector<16xf32>
      %mul3A_1108 = arith.mulf %mul3A_1107, %get3A_1106 : vector<16xf32>
      %add3A_1109 = arith.addf %get3A_1099, %mul3A_1108 : vector<16xf32>
      %get3A_1110 = arith.constant 1 : i32
      %get3A_1111 = arith.constant 28 : i32
      %get3A_1112 = arith.index_cast %get3A_1110 : i32 to index
      %get3A_1113 = arith.index_cast %get3A_1111 : i32 to index
      %get3A_1114 = arith.index_cast %mul3A_673 : i32 to index
      %get3A_1115 = tpu.vector_load %arg12[%get3A_1112, %get3A_1113, %get3A_1114] {strides = array<i32>} : memref<2x32x1024xf32, #tpu.memory_space<vmem>>, vector<1x1x16xf32>,
      %get3A_1116 = vector.shape_cast %get3A_1115 : vector<1x1x16xf32> to vector<16xf32>
      %mul3A_1117 = vector.broadcast %squeeze3A_613 : f32 to vector<16xf32>
      %mul3A_1118 = arith.mulf %mul3A_1117, %get3A_1116 : vector<16xf32>
      %add3A_1119 = arith.addf %add3A_1109, %mul3A_1118 : vector<16xf32>
      %swap3A_1120 = arith.constant 1 : i32
      %swap3A_1121 = arith.constant 12 : i32
      %swap3A_1122 = arith.index_cast %swap3A_1120 : i32 to index
      %swap3A_1123 = arith.index_cast %swap3A_1121 : i32 to index
      %swap3A_1124 = arith.index_cast %mul3A_673 : i32 to index
      %swap3A_1125 = tpu.vector_load %arg13[%swap3A_1122, %swap3A_1123, %swap3A_1124] {strides = array<i32>} : memref<2x16x1024xf32, #tpu.memory_space<vmem>>, vector<1x1x16xf32>,
      %swap3A_1126 = vector.shape_cast %swap3A_1125 : vector<1x1x16xf32> to vector<16xf32>
      %swap3A_1127 = vector.shape_cast %add3A_1119 : vector<16xf32> to vector<1x1x16xf32>
      tpu.vector_store %arg13[%swap3A_1122, %swap3A_1123, %swap3A_1124], %swap3A_1127 {strides = array<i32>} : memref<2x16x1024xf32, #tpu.memory_space<vmem>>, vector<1x1x16xf32>,
      %get3A_1128 = arith.constant 1 : i32
      %get3A_1129 = arith.constant 13 : i32
      %get3A_1130 = arith.index_cast %get3A_1128 : i32 to index
      %get3A_1131 = arith.index_cast %get3A_1129 : i32 to index
      %get3A_1132 = arith.index_cast %mul3A_673 : i32 to index
      %get3A_1133 = tpu.vector_load %arg13[%get3A_1130, %get3A_1131, %get3A_1132] {strides = array<i32>} : memref<2x16x1024xf32, #tpu.memory_space<vmem>>, vector<1x1x16xf32>,
      %get3A_1134 = vector.shape_cast %get3A_1133 : vector<1x1x16xf32> to vector<16xf32>
      %get3A_1135 = arith.constant 1 : i32
      %get3A_1136 = arith.constant 13 : i32
      %get3A_1137 = arith.index_cast %get3A_1135 : i32 to index
      %get3A_1138 = arith.index_cast %get3A_1136 : i32 to index
      %get3A_1139 = arith.index_cast %mul3A_673 : i32 to index
      %get3A_1140 = tpu.vector_load %arg12[%get3A_1137, %get3A_1138, %get3A_1139] {strides = array<i32>} : memref<2x32x1024xf32, #tpu.memory_space<vmem>>, vector<1x1x16xf32>,
      %get3A_1141 = vector.shape_cast %get3A_1140 : vector<1x1x16xf32> to vector<16xf32>
      %mul3A_1142 = vector.broadcast %squeeze3A_583 : f32 to vector<16xf32>
      %mul3A_1143 = arith.mulf %mul3A_1142, %get3A_1141 : vector<16xf32>
      %add3A_1144 = arith.addf %get3A_1134, %mul3A_1143 : vector<16xf32>
      %get3A_1145 = arith.constant 1 : i32
      %get3A_1146 = arith.constant 29 : i32
      %get3A_1147 = arith.index_cast %get3A_1145 : i32 to index
      %get3A_1148 = arith.index_cast %get3A_1146 : i32 to index
      %get3A_1149 = arith.index_cast %mul3A_673 : i32 to index
      %get3A_1150 = tpu.vector_load %arg12[%get3A_1147, %get3A_1148, %get3A_1149] {strides = array<i32>} : memref<2x32x1024xf32, #tpu.memory_space<vmem>>, vector<1x1x16xf32>,
      %get3A_1151 = vector.shape_cast %get3A_1150 : vector<1x1x16xf32> to vector<16xf32>
      %mul3A_1152 = vector.broadcast %squeeze3A_615 : f32 to vector<16xf32>
      %mul3A_1153 = arith.mulf %mul3A_1152, %get3A_1151 : vector<16xf32>
      %add3A_1154 = arith.addf %add3A_1144, %mul3A_1153 : vector<16xf32>
      %swap3A_1155 = arith.constant 1 : i32
      %swap3A_1156 = arith.constant 13 : i32
      %swap3A_1157 = arith.index_cast %swap3A_1155 : i32 to index
      %swap3A_1158 = arith.index_cast %swap3A_1156 : i32 to index
      %swap3A_1159 = arith.index_cast %mul3A_673 : i32 to index
      %swap3A_1160 = tpu.vector_load %arg13[%swap3A_1157, %swap3A_1158, %swap3A_1159] {strides = array<i32>} : memref<2x16x1024xf32, #tpu.memory_space<vmem>>, vector<1x1x16xf32>,
      %swap3A_1161 = vector.shape_cast %swap3A_1160 : vector<1x1x16xf32> to vector<16xf32>
      %swap3A_1162 = vector.shape_cast %add3A_1154 : vector<16xf32> to vector<1x1x16xf32>
      tpu.vector_store %arg13[%swap3A_1157, %swap3A_1158, %swap3A_1159], %swap3A_1162 {strides = array<i32>} : memref<2x16x1024xf32, #tpu.memory_space<vmem>>, vector<1x1x16xf32>,
      %get3A_1163 = arith.constant 1 : i32
      %get3A_1164 = arith.constant 14 : i32
      %get3A_1165 = arith.index_cast %get3A_1163 : i32 to index
      %get3A_1166 = arith.index_cast %get3A_1164 : i32 to index
      %get3A_1167 = arith.index_cast %mul3A_673 : i32 to index
      %get3A_1168 = tpu.vector_load %arg13[%get3A_1165, %get3A_1166, %get3A_1167] {strides = array<i32>} : memref<2x16x1024xf32, #tpu.memory_space<vmem>>, vector<1x1x16xf32>,
      %get3A_1169 = vector.shape_cast %get3A_1168 : vector<1x1x16xf32> to vector<16xf32>
      %get3A_1170 = arith.constant 1 : i32
      %get3A_1171 = arith.constant 14 : i32
      %get3A_1172 = arith.index_cast %get3A_1170 : i32 to index
      %get3A_1173 = arith.index_cast %get3A_1171 : i32 to index
      %get3A_1174 = arith.index_cast %mul3A_673 : i32 to index
      %get3A_1175 = tpu.vector_load %arg12[%get3A_1172, %get3A_1173, %get3A_1174] {strides = array<i32>} : memref<2x32x1024xf32, #tpu.memory_space<vmem>>, vector<1x1x16xf32>,
      %get3A_1176 = vector.shape_cast %get3A_1175 : vector<1x1x16xf32> to vector<16xf32>
      %mul3A_1177 = vector.broadcast %squeeze3A_585 : f32 to vector<16xf32>
      %mul3A_1178 = arith.mulf %mul3A_1177, %get3A_1176 : vector<16xf32>
      %add3A_1179 = arith.addf %get3A_1169, %mul3A_1178 : vector<16xf32>
      %get3A_1180 = arith.constant 1 : i32
      %get3A_1181 = arith.constant 30 : i32
      %get3A_1182 = arith.index_cast %get3A_1180 : i32 to index
      %get3A_1183 = arith.index_cast %get3A_1181 : i32 to index
      %get3A_1184 = arith.index_cast %mul3A_673 : i32 to index
      %get3A_1185 = tpu.vector_load %arg12[%get3A_1182, %get3A_1183, %get3A_1184] {strides = array<i32>} : memref<2x32x1024xf32, #tpu.memory_space<vmem>>, vector<1x1x16xf32>,
      %get3A_1186 = vector.shape_cast %get3A_1185 : vector<1x1x16xf32> to vector<16xf32>
      %mul3A_1187 = vector.broadcast %squeeze3A_617 : f32 to vector<16xf32>
      %mul3A_1188 = arith.mulf %mul3A_1187, %get3A_1186 : vector<16xf32>
      %add3A_1189 = arith.addf %add3A_1179, %mul3A_1188 : vector<16xf32>
      %swap3A_1190 = arith.constant 1 : i32
      %swap3A_1191 = arith.constant 14 : i32
      %swap3A_1192 = arith.index_cast %swap3A_1190 : i32 to index
      %swap3A_1193 = arith.index_cast %swap3A_1191 : i32 to index
      %swap3A_1194 = arith.index_cast %mul3A_673 : i32 to index
      %swap3A_1195 = tpu.vector_load %arg13[%swap3A_1192, %swap3A_1193, %swap3A_1194] {strides = array<i32>} : memref<2x16x1024xf32, #tpu.memory_space<vmem>>, vector<1x1x16xf32>,
      %swap3A_1196 = vector.shape_cast %swap3A_1195 : vector<1x1x16xf32> to vector<16xf32>
      %swap3A_1197 = vector.shape_cast %add3A_1189 : vector<16xf32> to vector<1x1x16xf32>
      tpu.vector_store %arg13[%swap3A_1192, %swap3A_1193, %swap3A_1194], %swap3A_1197 {strides = array<i32>} : memref<2x16x1024xf32, #tpu.memory_space<vmem>>, vector<1x1x16xf32>,
      %get3A_1198 = arith.constant 1 : i32
      %get3A_1199 = arith.constant 15 : i32
      %get3A_1200 = arith.index_cast %get3A_1198 : i32 to index
      %get3A_1201 = arith.index_cast %get3A_1199 : i32 to index
      %get3A_1202 = arith.index_cast %mul3A_673 : i32 to index
      %get3A_1203 = tpu.vector_load %arg13[%get3A_1200, %get3A_1201, %get3A_1202] {strides = array<i32>} : memref<2x16x1024xf32, #tpu.memory_space<vmem>>, vector<1x1x16xf32>,
      %get3A_1204 = vector.shape_cast %get3A_1203 : vector<1x1x16xf32> to vector<16xf32>
      %get3A_1205 = arith.constant 1 : i32
      %get3A_1206 = arith.constant 15 : i32
      %get3A_1207 = arith.index_cast %get3A_1205 : i32 to index
      %get3A_1208 = arith.index_cast %get3A_1206 : i32 to index
      %get3A_1209 = arith.index_cast %mul3A_673 : i32 to index
      %get3A_1210 = tpu.vector_load %arg12[%get3A_1207, %get3A_1208, %get3A_1209] {strides = array<i32>} : memref<2x32x1024xf32, #tpu.memory_space<vmem>>, vector<1x1x16xf32>,
      %get3A_1211 = vector.shape_cast %get3A_1210 : vector<1x1x16xf32> to vector<16xf32>
      %mul3A_1212 = vector.broadcast %squeeze3A_587 : f32 to vector<16xf32>
      %mul3A_1213 = arith.mulf %mul3A_1212, %get3A_1211 : vector<16xf32>
      %add3A_1214 = arith.addf %get3A_1204, %mul3A_1213 : vector<16xf32>
      %get3A_1215 = arith.constant 1 : i32
      %get3A_1216 = arith.constant 31 : i32
      %get3A_1217 = arith.index_cast %get3A_1215 : i32 to index
      %get3A_1218 = arith.index_cast %get3A_1216 : i32 to index
      %get3A_1219 = arith.index_cast %mul3A_673 : i32 to index
      %get3A_1220 = tpu.vector_load %arg12[%get3A_1217, %get3A_1218, %get3A_1219] {strides = array<i32>} : memref<2x32x1024xf32, #tpu.memory_space<vmem>>, vector<1x1x16xf32>,
      %get3A_1221 = vector.shape_cast %get3A_1220 : vector<1x1x16xf32> to vector<16xf32>
      %mul3A_1222 = vector.broadcast %squeeze3A_619 : f32 to vector<16xf32>
      %mul3A_1223 = arith.mulf %mul3A_1222, %get3A_1221 : vector<16xf32>
      %add3A_1224 = arith.addf %add3A_1214, %mul3A_1223 : vector<16xf32>
      %swap3A_1225 = arith.constant 1 : i32
      %swap3A_1226 = arith.constant 15 : i32
      %swap3A_1227 = arith.index_cast %swap3A_1225 : i32 to index
      %swap3A_1228 = arith.index_cast %swap3A_1226 : i32 to index
      %swap3A_1229 = arith.index_cast %mul3A_673 : i32 to index
      %swap3A_1230 = tpu.vector_load %arg13[%swap3A_1227, %swap3A_1228, %swap3A_1229] {strides = array<i32>} : memref<2x16x1024xf32, #tpu.memory_space<vmem>>, vector<1x1x16xf32>,
      %swap3A_1231 = vector.shape_cast %swap3A_1230 : vector<1x1x16xf32> to vector<16xf32>
      %swap3A_1232 = vector.shape_cast %add3A_1224 : vector<16xf32> to vector<1x1x16xf32>
      tpu.vector_store %arg13[%swap3A_1227, %swap3A_1228, %swap3A_1229], %swap3A_1232 {strides = array<i32>} : memref<2x16x1024xf32, #tpu.memory_space<vmem>>, vector<1x1x16xf32>,
      %scan3A_1233 = arith.constant 0 : i32
      scf.yield %scan3A_1233 : i32
    }
    %scan3A_626 = arith.constant 64 : i32
    %mul3A_627 = arith.constant 64 : i32
    %mul3A_628 = arith.muli %add3A, %mul3A_627 : i32
    %add3A_629 = arith.constant 48 : i32
    %add3A_630 = arith.addi %mul3A_628, %add3A_629 : i32
    %dma_start3A_631 = arith.constant 1 : i32
    %dma_start3A_632 = arith.constant 0 : i32
    %dma_start3A_633 = arith.constant 0 : i32
    %dma_start3A_634 = tpu.memref_slice %arg13[%dma_start3A_631, %dma_start3A_632, %dma_start3A_633] : memref<2x16x1024xf32, #tpu.memory_space<vmem>> -> memref<1x16x1024xf32, #tpu.memory_space<vmem>>
    %dma_start3A_635 = tpu.memref_squeeze %dma_start3A_634 : memref<1x16x1024xf32, #tpu.memory_space<vmem>> -> memref<16x1024xf32, #tpu.memory_space<vmem>>
    %dma_start3A_636 = arith.constant 0 : i32
    %dma_start3A_637 = tpu.memref_slice %arg8[%add3A_630, %dma_start3A_636] : memref<2048x1024xf32, #tpu.memory_space<hbm>> -> memref<16x1024xf32, #tpu.memory_space<hbm>>
    %dma_start3A_638 = arith.constant 0 : i32
    %dma_start3A_639 = tpu.memref_slice %arg8[%add3A_630, %dma_start3A_638] : memref<2048x1024xf32, #tpu.memory_space<hbm>> -> memref<16x1024xf32, #tpu.memory_space<hbm>>
    %dma_start3A_640 = arith.constant 0 : i32
    %dma_start3A_641 = arith.constant 0 : i32
    %dma_start3A_642 = tpu.memref_slice %arg13[%dma_start3A_631, %dma_start3A_640, %dma_start3A_641] : memref<2x16x1024xf32, #tpu.memory_space<vmem>> -> memref<1x16x1024xf32, #tpu.memory_space<vmem>>
    %dma_start3A_643 = tpu.memref_squeeze %dma_start3A_642 : memref<1x16x1024xf32, #tpu.memory_space<vmem>> -> memref<16x1024xf32, #tpu.memory_space<vmem>>
    tpu.enqueue_dma source(%dma_start3A_643 : memref<16x1024xf32, #tpu.memory_space<vmem>>) target(%dma_start3A_639 : memref<16x1024xf32, #tpu.memory_space<hbm>>) target_semaphore(%arg16 : memref<!tpu.dma_semaphore, #tpu.memory_space<semaphore_mem>>)
    %dma_wait3A_644 = arith.constant 0 : i32
    %dma_wait3A_645 = arith.constant 0 : i32
    %dma_wait3A_646 = arith.constant 0 : i32
    %dma_wait3A_647 = tpu.memref_slice %arg13[%dma_wait3A_644, %dma_wait3A_645, %dma_wait3A_646] : memref<2x16x1024xf32, #tpu.memory_space<vmem>> -> memref<1x16x1024xf32, #tpu.memory_space<vmem>>
    %dma_wait3A_648 = tpu.memref_squeeze %dma_wait3A_647 : memref<1x16x1024xf32, #tpu.memory_space<vmem>> -> memref<16x1024xf32, #tpu.memory_space<vmem>>
    %dma_wait3A_649 = arith.constant 0 : i32
    %dma_wait3A_650 = tpu.memref_slice %arg8[%add3A_507, %dma_wait3A_649] : memref<2048x1024xf32, #tpu.memory_space<hbm>> -> memref<16x1024xf32, #tpu.memory_space<hbm>>
    %dma_wait3A_651 = arith.constant 0 : i32
    %dma_wait3A_652 = tpu.memref_slice %arg8[%add3A_507, %dma_wait3A_651] : memref<2048x1024xf32, #tpu.memory_space<hbm>> -> memref<16x1024xf32, #tpu.memory_space<hbm>>
    %dma_wait3A_653 = arith.constant 0 : i32
    %dma_wait3A_654 = arith.constant 0 : i32
    %dma_wait3A_655 = tpu.memref_slice %arg13[%dma_wait3A_644, %dma_wait3A_653, %dma_wait3A_654] : memref<2x16x1024xf32, #tpu.memory_space<vmem>> -> memref<1x16x1024xf32, #tpu.memory_space<vmem>>
    %dma_wait3A_656 = tpu.memref_squeeze %dma_wait3A_655 : memref<1x16x1024xf32, #tpu.memory_space<vmem>> -> memref<16x1024xf32, #tpu.memory_space<vmem>>
    tpu.wait_dma2 semaphore(%arg16 : memref<!tpu.dma_semaphore, #tpu.memory_space<semaphore_mem>>) src(%dma_wait3A_656 : memref<16x1024xf32, #tpu.memory_space<vmem>>) dst(%dma_wait3A_652 : memref<16x1024xf32, #tpu.memory_space<hbm>>)
    %dma_wait3A_657 = arith.constant 1 : i32
    %dma_wait3A_658 = arith.constant 0 : i32
    %dma_wait3A_659 = arith.constant 0 : i32
    %dma_wait3A_660 = tpu.memref_slice %arg13[%dma_wait3A_657, %dma_wait3A_658, %dma_wait3A_659] : memref<2x16x1024xf32, #tpu.memory_space<vmem>> -> memref<1x16x1024xf32, #tpu.memory_space<vmem>>
    %dma_wait3A_661 = tpu.memref_squeeze %dma_wait3A_660 : memref<1x16x1024xf32, #tpu.memory_space<vmem>> -> memref<16x1024xf32, #tpu.memory_space<vmem>>
    %dma_wait3A_662 = arith.constant 0 : i32
    %dma_wait3A_663 = tpu.memref_slice %arg8[%add3A_630, %dma_wait3A_662] : memref<2048x1024xf32, #tpu.memory_space<hbm>> -> memref<16x1024xf32, #tpu.memory_space<hbm>>
    %dma_wait3A_664 = arith.constant 0 : i32
    %dma_wait3A_665 = tpu.memref_slice %arg8[%add3A_630, %dma_wait3A_664] : memref<2048x1024xf32, #tpu.memory_space<hbm>> -> memref<16x1024xf32, #tpu.memory_space<hbm>>
    %dma_wait3A_666 = arith.constant 0 : i32
    %dma_wait3A_667 = arith.constant 0 : i32
    %dma_wait3A_668 = tpu.memref_slice %arg13[%dma_wait3A_657, %dma_wait3A_666, %dma_wait3A_667] : memref<2x16x1024xf32, #tpu.memory_space<vmem>> -> memref<1x16x1024xf32, #tpu.memory_space<vmem>>
    %dma_wait3A_669 = tpu.memref_squeeze %dma_wait3A_668 : memref<1x16x1024xf32, #tpu.memory_space<vmem>> -> memref<16x1024xf32, #tpu.memory_space<vmem>>
    tpu.wait_dma2 semaphore(%arg16 : memref<!tpu.dma_semaphore, #tpu.memory_space<semaphore_mem>>) src(%dma_wait3A_669 : memref<16x1024xf32, #tpu.memory_space<vmem>>) dst(%dma_wait3A_665 : memref<16x1024xf32, #tpu.memory_space<hbm>>)
    return
  }
}

#map = affine_map<(d0, d1) -> (0, 0)>
#map1 = affine_map<(d0, d1) -> (0)>
module attributes {stable_mosaic.version = 14 : i64} {
  func.func @_sc_scatter(%arg0: i32, %arg1: i32, %arg2: memref<2048x1024xf32, #tpu.memory_space<hbm>>, %arg3: memref<2048xi32, #tpu.memory_space<hbm>>, %arg4: memref<2048xi32, #tpu.memory_space<hbm>>, %arg5: memref<8192x1024xf32, #tpu.memory_space<hbm>>, %arg6: memref<2x32xi32, #tpu.memory_space<vmem>>, %arg7: memref<2x32xi32, #tpu.memory_space<vmem>>, %arg8: memref<2x32x1024xf32, #tpu.memory_space<vmem>>, %arg9: memref<!tpu.dma_semaphore, #tpu.memory_space<semaphore_mem>>, %arg10: memref<!tpu.dma_semaphore, #tpu.memory_space<semaphore_mem>>) attributes {dimension_semantics = [#tpu.dimension_semantics<core_parallel>, #tpu.dimension_semantics<subcore_parallel>], iteration_bounds = array<i64: 2, 16>, scalar_prefetch = 0 : i64, scratch_operands = 5 : i64, tpu.core_type = #tpu.core_type<sc_vector_subcore>, window_params = [{transform_indices = #map}, {transform_indices = #map1}, {transform_indices = #map1}, {transform_indices = #map}]} {
    %mul3A = arith.constant 2 : i32
    %mul3A_0 = arith.muli %arg1, %mul3A : i32
    %add3A = arith.addi %mul3A_0, %arg0 : i32
    %mul3A_1 = arith.constant 64 : i32
    %mul3A_2 = arith.muli %add3A, %mul3A_1 : i32
    %add3A_3 = arith.constant 0 : i32
    %add3A_4 = arith.addi %mul3A_2, %add3A_3 : i32
    %run_scoped3A = arith.constant 0 : i32
    "tpu.region"() ({
      %run_scoped3A_158 = tpu.sem_alloc : memref<!tpu.dma_semaphore, #tpu.memory_space<semaphore_mem>>
      %dma_start3A_159 = arith.constant 0 : i32
      %dma_start3A_160 = tpu.memref_slice %arg6[%run_scoped3A, %dma_start3A_159] : memref<2x32xi32, #tpu.memory_space<vmem>> -> memref<1x32xi32, #tpu.memory_space<vmem>>
      %dma_start3A_161 = tpu.memref_squeeze %dma_start3A_160 : memref<1x32xi32, #tpu.memory_space<vmem>> -> memref<32xi32, #tpu.memory_space<vmem>>
      %dma_start3A_162 = tpu.memref_slice %arg3[%add3A_4] : memref<2048xi32, #tpu.memory_space<hbm>> -> memref<32xi32, #tpu.memory_space<hbm>>
      %dma_start3A_163 = arith.constant 0 : i32
      %dma_start3A_164 = tpu.memref_slice %arg6[%run_scoped3A, %dma_start3A_163] : memref<2x32xi32, #tpu.memory_space<vmem>> -> memref<1x32xi32, #tpu.memory_space<vmem>>
      %dma_start3A_165 = tpu.memref_squeeze %dma_start3A_164 : memref<1x32xi32, #tpu.memory_space<vmem>> -> memref<32xi32, #tpu.memory_space<vmem>>
      %dma_start3A_166 = tpu.memref_slice %arg3[%add3A_4] : memref<2048xi32, #tpu.memory_space<hbm>> -> memref<32xi32, #tpu.memory_space<hbm>>
      tpu.enqueue_dma source(%dma_start3A_166 : memref<32xi32, #tpu.memory_space<hbm>>) target(%dma_start3A_165 : memref<32xi32, #tpu.memory_space<vmem>>) target_semaphore(%run_scoped3A_158 : memref<!tpu.dma_semaphore, #tpu.memory_space<semaphore_mem>>)
      %dma_wait3A_167 = arith.constant 0 : i32
      %dma_wait3A_168 = tpu.memref_slice %arg6[%run_scoped3A, %dma_wait3A_167] : memref<2x32xi32, #tpu.memory_space<vmem>> -> memref<1x32xi32, #tpu.memory_space<vmem>>
      %dma_wait3A_169 = tpu.memref_squeeze %dma_wait3A_168 : memref<1x32xi32, #tpu.memory_space<vmem>> -> memref<32xi32, #tpu.memory_space<vmem>>
      %dma_wait3A_170 = tpu.memref_slice %arg3[%add3A_4] : memref<2048xi32, #tpu.memory_space<hbm>> -> memref<32xi32, #tpu.memory_space<hbm>>
      %dma_wait3A_171 = arith.constant 0 : i32
      %dma_wait3A_172 = tpu.memref_slice %arg6[%run_scoped3A, %dma_wait3A_171] : memref<2x32xi32, #tpu.memory_space<vmem>> -> memref<1x32xi32, #tpu.memory_space<vmem>>
      %dma_wait3A_173 = tpu.memref_squeeze %dma_wait3A_172 : memref<1x32xi32, #tpu.memory_space<vmem>> -> memref<32xi32, #tpu.memory_space<vmem>>
      %dma_wait3A_174 = tpu.memref_slice %arg3[%add3A_4] : memref<2048xi32, #tpu.memory_space<hbm>> -> memref<32xi32, #tpu.memory_space<hbm>>
      tpu.wait_dma2 semaphore(%run_scoped3A_158 : memref<!tpu.dma_semaphore, #tpu.memory_space<semaphore_mem>>) src(%dma_wait3A_174 : memref<32xi32, #tpu.memory_space<hbm>>) dst(%dma_wait3A_173 : memref<32xi32, #tpu.memory_space<vmem>>)
      tpu.yield
    }) : () -> ()
    %run_scoped3A_5 = arith.constant 0 : i32
    "tpu.region"() ({
      %run_scoped3A_158 = tpu.sem_alloc : memref<!tpu.dma_semaphore, #tpu.memory_space<semaphore_mem>>
      %dma_start3A_159 = arith.constant 0 : i32
      %dma_start3A_160 = tpu.memref_slice %arg7[%run_scoped3A_5, %dma_start3A_159] : memref<2x32xi32, #tpu.memory_space<vmem>> -> memref<1x32xi32, #tpu.memory_space<vmem>>
      %dma_start3A_161 = tpu.memref_squeeze %dma_start3A_160 : memref<1x32xi32, #tpu.memory_space<vmem>> -> memref<32xi32, #tpu.memory_space<vmem>>
      %dma_start3A_162 = tpu.memref_slice %arg4[%add3A_4] : memref<2048xi32, #tpu.memory_space<hbm>> -> memref<32xi32, #tpu.memory_space<hbm>>
      %dma_start3A_163 = arith.constant 0 : i32
      %dma_start3A_164 = tpu.memref_slice %arg7[%run_scoped3A_5, %dma_start3A_163] : memref<2x32xi32, #tpu.memory_space<vmem>> -> memref<1x32xi32, #tpu.memory_space<vmem>>
      %dma_start3A_165 = tpu.memref_squeeze %dma_start3A_164 : memref<1x32xi32, #tpu.memory_space<vmem>> -> memref<32xi32, #tpu.memory_space<vmem>>
      %dma_start3A_166 = tpu.memref_slice %arg4[%add3A_4] : memref<2048xi32, #tpu.memory_space<hbm>> -> memref<32xi32, #tpu.memory_space<hbm>>
      tpu.enqueue_dma source(%dma_start3A_166 : memref<32xi32, #tpu.memory_space<hbm>>) target(%dma_start3A_165 : memref<32xi32, #tpu.memory_space<vmem>>) target_semaphore(%run_scoped3A_158 : memref<!tpu.dma_semaphore, #tpu.memory_space<semaphore_mem>>)
      %dma_wait3A_167 = arith.constant 0 : i32
      %dma_wait3A_168 = tpu.memref_slice %arg7[%run_scoped3A_5, %dma_wait3A_167] : memref<2x32xi32, #tpu.memory_space<vmem>> -> memref<1x32xi32, #tpu.memory_space<vmem>>
      %dma_wait3A_169 = tpu.memref_squeeze %dma_wait3A_168 : memref<1x32xi32, #tpu.memory_space<vmem>> -> memref<32xi32, #tpu.memory_space<vmem>>
      %dma_wait3A_170 = tpu.memref_slice %arg4[%add3A_4] : memref<2048xi32, #tpu.memory_space<hbm>> -> memref<32xi32, #tpu.memory_space<hbm>>
      %dma_wait3A_171 = arith.constant 0 : i32
      %dma_wait3A_172 = tpu.memref_slice %arg7[%run_scoped3A_5, %dma_wait3A_171] : memref<2x32xi32, #tpu.memory_space<vmem>> -> memref<1x32xi32, #tpu.memory_space<vmem>>
      %dma_wait3A_173 = tpu.memref_squeeze %dma_wait3A_172 : memref<1x32xi32, #tpu.memory_space<vmem>> -> memref<32xi32, #tpu.memory_space<vmem>>
      %dma_wait3A_174 = tpu.memref_slice %arg4[%add3A_4] : memref<2048xi32, #tpu.memory_space<hbm>> -> memref<32xi32, #tpu.memory_space<hbm>>
      tpu.wait_dma2 semaphore(%run_scoped3A_158 : memref<!tpu.dma_semaphore, #tpu.memory_space<semaphore_mem>>) src(%dma_wait3A_174 : memref<32xi32, #tpu.memory_space<hbm>>) dst(%dma_wait3A_173 : memref<32xi32, #tpu.memory_space<vmem>>)
      tpu.yield
    }) : () -> ()
    %dma_start3A = arith.constant 0 : i32
    %dma_start3A_6 = arith.constant 0 : i32
    %dma_start3A_7 = arith.constant 0 : i32
    %dma_start3A_8 = tpu.memref_slice %arg8[%dma_start3A, %dma_start3A_6, %dma_start3A_7] : memref<2x32x1024xf32, #tpu.memory_space<vmem>> -> memref<1x32x1024xf32, #tpu.memory_space<vmem>>
    %dma_start3A_9 = tpu.memref_squeeze %dma_start3A_8 : memref<1x32x1024xf32, #tpu.memory_space<vmem>> -> memref<32x1024xf32, #tpu.memory_space<vmem>>
    %dma_start3A_10 = arith.constant 0 : i32
    %dma_start3A_11 = tpu.memref_slice %arg2[%add3A_4, %dma_start3A_10] : memref<2048x1024xf32, #tpu.memory_space<hbm>> -> memref<32x1024xf32, #tpu.memory_space<hbm>>
    %dma_start3A_12 = arith.constant 0 : i32
    %dma_start3A_13 = arith.constant 0 : i32
    %dma_start3A_14 = tpu.memref_slice %arg8[%dma_start3A, %dma_start3A_12, %dma_start3A_13] : memref<2x32x1024xf32, #tpu.memory_space<vmem>> -> memref<1x32x1024xf32, #tpu.memory_space<vmem>>
    %dma_start3A_15 = tpu.memref_squeeze %dma_start3A_14 : memref<1x32x1024xf32, #tpu.memory_space<vmem>> -> memref<32x1024xf32, #tpu.memory_space<vmem>>
    %dma_start3A_16 = arith.constant 0 : i32
    %dma_start3A_17 = tpu.memref_slice %arg2[%add3A_4, %dma_start3A_16] : memref<2048x1024xf32, #tpu.memory_space<hbm>> -> memref<32x1024xf32, #tpu.memory_space<hbm>>
    tpu.enqueue_dma source(%dma_start3A_17 : memref<32x1024xf32, #tpu.memory_space<hbm>>) target(%dma_start3A_15 : memref<32x1024xf32, #tpu.memory_space<vmem>>) target_semaphore(%arg9 : memref<!tpu.dma_semaphore, #tpu.memory_space<semaphore_mem>>)
    %mul3A_18 = arith.constant 64 : i32
    %mul3A_19 = arith.muli %add3A, %mul3A_18 : i32
    %add3A_20 = arith.constant 32 : i32
    %add3A_21 = arith.addi %mul3A_19, %add3A_20 : i32
    %run_scoped3A_22 = arith.constant 1 : i32
    "tpu.region"() ({
      %run_scoped3A_158 = tpu.sem_alloc : memref<!tpu.dma_semaphore, #tpu.memory_space<semaphore_mem>>
      %dma_start3A_159 = arith.constant 0 : i32
      %dma_start3A_160 = tpu.memref_slice %arg6[%run_scoped3A_22, %dma_start3A_159] : memref<2x32xi32, #tpu.memory_space<vmem>> -> memref<1x32xi32, #tpu.memory_space<vmem>>
      %dma_start3A_161 = tpu.memref_squeeze %dma_start3A_160 : memref<1x32xi32, #tpu.memory_space<vmem>> -> memref<32xi32, #tpu.memory_space<vmem>>
      %dma_start3A_162 = tpu.memref_slice %arg3[%add3A_21] : memref<2048xi32, #tpu.memory_space<hbm>> -> memref<32xi32, #tpu.memory_space<hbm>>
      %dma_start3A_163 = arith.constant 0 : i32
      %dma_start3A_164 = tpu.memref_slice %arg6[%run_scoped3A_22, %dma_start3A_163] : memref<2x32xi32, #tpu.memory_space<vmem>> -> memref<1x32xi32, #tpu.memory_space<vmem>>
      %dma_start3A_165 = tpu.memref_squeeze %dma_start3A_164 : memref<1x32xi32, #tpu.memory_space<vmem>> -> memref<32xi32, #tpu.memory_space<vmem>>
      %dma_start3A_166 = tpu.memref_slice %arg3[%add3A_21] : memref<2048xi32, #tpu.memory_space<hbm>> -> memref<32xi32, #tpu.memory_space<hbm>>
      tpu.enqueue_dma source(%dma_start3A_166 : memref<32xi32, #tpu.memory_space<hbm>>) target(%dma_start3A_165 : memref<32xi32, #tpu.memory_space<vmem>>) target_semaphore(%run_scoped3A_158 : memref<!tpu.dma_semaphore, #tpu.memory_space<semaphore_mem>>)
      %dma_wait3A_167 = arith.constant 0 : i32
      %dma_wait3A_168 = tpu.memref_slice %arg6[%run_scoped3A_22, %dma_wait3A_167] : memref<2x32xi32, #tpu.memory_space<vmem>> -> memref<1x32xi32, #tpu.memory_space<vmem>>
      %dma_wait3A_169 = tpu.memref_squeeze %dma_wait3A_168 : memref<1x32xi32, #tpu.memory_space<vmem>> -> memref<32xi32, #tpu.memory_space<vmem>>
      %dma_wait3A_170 = tpu.memref_slice %arg3[%add3A_21] : memref<2048xi32, #tpu.memory_space<hbm>> -> memref<32xi32, #tpu.memory_space<hbm>>
      %dma_wait3A_171 = arith.constant 0 : i32
      %dma_wait3A_172 = tpu.memref_slice %arg6[%run_scoped3A_22, %dma_wait3A_171] : memref<2x32xi32, #tpu.memory_space<vmem>> -> memref<1x32xi32, #tpu.memory_space<vmem>>
      %dma_wait3A_173 = tpu.memref_squeeze %dma_wait3A_172 : memref<1x32xi32, #tpu.memory_space<vmem>> -> memref<32xi32, #tpu.memory_space<vmem>>
      %dma_wait3A_174 = tpu.memref_slice %arg3[%add3A_21] : memref<2048xi32, #tpu.memory_space<hbm>> -> memref<32xi32, #tpu.memory_space<hbm>>
      tpu.wait_dma2 semaphore(%run_scoped3A_158 : memref<!tpu.dma_semaphore, #tpu.memory_space<semaphore_mem>>) src(%dma_wait3A_174 : memref<32xi32, #tpu.memory_space<hbm>>) dst(%dma_wait3A_173 : memref<32xi32, #tpu.memory_space<vmem>>)
      tpu.yield
    }) : () -> ()
    %run_scoped3A_23 = arith.constant 1 : i32
    "tpu.region"() ({
      %run_scoped3A_158 = tpu.sem_alloc : memref<!tpu.dma_semaphore, #tpu.memory_space<semaphore_mem>>
      %dma_start3A_159 = arith.constant 0 : i32
      %dma_start3A_160 = tpu.memref_slice %arg7[%run_scoped3A_23, %dma_start3A_159] : memref<2x32xi32, #tpu.memory_space<vmem>> -> memref<1x32xi32, #tpu.memory_space<vmem>>
      %dma_start3A_161 = tpu.memref_squeeze %dma_start3A_160 : memref<1x32xi32, #tpu.memory_space<vmem>> -> memref<32xi32, #tpu.memory_space<vmem>>
      %dma_start3A_162 = tpu.memref_slice %arg4[%add3A_21] : memref<2048xi32, #tpu.memory_space<hbm>> -> memref<32xi32, #tpu.memory_space<hbm>>
      %dma_start3A_163 = arith.constant 0 : i32
      %dma_start3A_164 = tpu.memref_slice %arg7[%run_scoped3A_23, %dma_start3A_163] : memref<2x32xi32, #tpu.memory_space<vmem>> -> memref<1x32xi32, #tpu.memory_space<vmem>>
      %dma_start3A_165 = tpu.memref_squeeze %dma_start3A_164 : memref<1x32xi32, #tpu.memory_space<vmem>> -> memref<32xi32, #tpu.memory_space<vmem>>
      %dma_start3A_166 = tpu.memref_slice %arg4[%add3A_21] : memref<2048xi32, #tpu.memory_space<hbm>> -> memref<32xi32, #tpu.memory_space<hbm>>
      tpu.enqueue_dma source(%dma_start3A_166 : memref<32xi32, #tpu.memory_space<hbm>>) target(%dma_start3A_165 : memref<32xi32, #tpu.memory_space<vmem>>) target_semaphore(%run_scoped3A_158 : memref<!tpu.dma_semaphore, #tpu.memory_space<semaphore_mem>>)
      %dma_wait3A_167 = arith.constant 0 : i32
      %dma_wait3A_168 = tpu.memref_slice %arg7[%run_scoped3A_23, %dma_wait3A_167] : memref<2x32xi32, #tpu.memory_space<vmem>> -> memref<1x32xi32, #tpu.memory_space<vmem>>
      %dma_wait3A_169 = tpu.memref_squeeze %dma_wait3A_168 : memref<1x32xi32, #tpu.memory_space<vmem>> -> memref<32xi32, #tpu.memory_space<vmem>>
      %dma_wait3A_170 = tpu.memref_slice %arg4[%add3A_21] : memref<2048xi32, #tpu.memory_space<hbm>> -> memref<32xi32, #tpu.memory_space<hbm>>
      %dma_wait3A_171 = arith.constant 0 : i32
      %dma_wait3A_172 = tpu.memref_slice %arg7[%run_scoped3A_23, %dma_wait3A_171] : memref<2x32xi32, #tpu.memory_space<vmem>> -> memref<1x32xi32, #tpu.memory_space<vmem>>
      %dma_wait3A_173 = tpu.memref_squeeze %dma_wait3A_172 : memref<1x32xi32, #tpu.memory_space<vmem>> -> memref<32xi32, #tpu.memory_space<vmem>>
      %dma_wait3A_174 = tpu.memref_slice %arg4[%add3A_21] : memref<2048xi32, #tpu.memory_space<hbm>> -> memref<32xi32, #tpu.memory_space<hbm>>
      tpu.wait_dma2 semaphore(%run_scoped3A_158 : memref<!tpu.dma_semaphore, #tpu.memory_space<semaphore_mem>>) src(%dma_wait3A_174 : memref<32xi32, #tpu.memory_space<hbm>>) dst(%dma_wait3A_173 : memref<32xi32, #tpu.memory_space<vmem>>)
      tpu.yield
    }) : () -> ()
    %dma_start3A_24 = arith.constant 1 : i32
    %dma_start3A_25 = arith.constant 0 : i32
    %dma_start3A_26 = arith.constant 0 : i32
    %dma_start3A_27 = tpu.memref_slice %arg8[%dma_start3A_24, %dma_start3A_25, %dma_start3A_26] : memref<2x32x1024xf32, #tpu.memory_space<vmem>> -> memref<1x32x1024xf32, #tpu.memory_space<vmem>>
    %dma_start3A_28 = tpu.memref_squeeze %dma_start3A_27 : memref<1x32x1024xf32, #tpu.memory_space<vmem>> -> memref<32x1024xf32, #tpu.memory_space<vmem>>
    %dma_start3A_29 = arith.constant 0 : i32
    %dma_start3A_30 = tpu.memref_slice %arg2[%add3A_21, %dma_start3A_29] : memref<2048x1024xf32, #tpu.memory_space<hbm>> -> memref<32x1024xf32, #tpu.memory_space<hbm>>
    %dma_start3A_31 = arith.constant 0 : i32
    %dma_start3A_32 = arith.constant 0 : i32
    %dma_start3A_33 = tpu.memref_slice %arg8[%dma_start3A_24, %dma_start3A_31, %dma_start3A_32] : memref<2x32x1024xf32, #tpu.memory_space<vmem>> -> memref<1x32x1024xf32, #tpu.memory_space<vmem>>
    %dma_start3A_34 = tpu.memref_squeeze %dma_start3A_33 : memref<1x32x1024xf32, #tpu.memory_space<vmem>> -> memref<32x1024xf32, #tpu.memory_space<vmem>>
    %dma_start3A_35 = arith.constant 0 : i32
    %dma_start3A_36 = tpu.memref_slice %arg2[%add3A_21, %dma_start3A_35] : memref<2048x1024xf32, #tpu.memory_space<hbm>> -> memref<32x1024xf32, #tpu.memory_space<hbm>>
    tpu.enqueue_dma source(%dma_start3A_36 : memref<32x1024xf32, #tpu.memory_space<hbm>>) target(%dma_start3A_34 : memref<32x1024xf32, #tpu.memory_space<vmem>>) target_semaphore(%arg9 : memref<!tpu.dma_semaphore, #tpu.memory_space<semaphore_mem>>)
    %dma_wait3A = arith.constant 0 : i32
    %dma_wait3A_37 = arith.constant 0 : i32
    %dma_wait3A_38 = arith.constant 0 : i32
    %dma_wait3A_39 = tpu.memref_slice %arg8[%dma_wait3A, %dma_wait3A_37, %dma_wait3A_38] : memref<2x32x1024xf32, #tpu.memory_space<vmem>> -> memref<1x32x1024xf32, #tpu.memory_space<vmem>>
    %dma_wait3A_40 = tpu.memref_squeeze %dma_wait3A_39 : memref<1x32x1024xf32, #tpu.memory_space<vmem>> -> memref<32x1024xf32, #tpu.memory_space<vmem>>
    %dma_wait3A_41 = arith.constant 0 : i32
    %dma_wait3A_42 = tpu.memref_slice %arg2[%add3A_4, %dma_wait3A_41] : memref<2048x1024xf32, #tpu.memory_space<hbm>> -> memref<32x1024xf32, #tpu.memory_space<hbm>>
    %dma_wait3A_43 = arith.constant 0 : i32
    %dma_wait3A_44 = arith.constant 0 : i32
    %dma_wait3A_45 = tpu.memref_slice %arg8[%dma_wait3A, %dma_wait3A_43, %dma_wait3A_44] : memref<2x32x1024xf32, #tpu.memory_space<vmem>> -> memref<1x32x1024xf32, #tpu.memory_space<vmem>>
    %dma_wait3A_46 = tpu.memref_squeeze %dma_wait3A_45 : memref<1x32x1024xf32, #tpu.memory_space<vmem>> -> memref<32x1024xf32, #tpu.memory_space<vmem>>
    %dma_wait3A_47 = arith.constant 0 : i32
    %dma_wait3A_48 = tpu.memref_slice %arg2[%add3A_4, %dma_wait3A_47] : memref<2048x1024xf32, #tpu.memory_space<hbm>> -> memref<32x1024xf32, #tpu.memory_space<hbm>>
    tpu.wait_dma2 semaphore(%arg9 : memref<!tpu.dma_semaphore, #tpu.memory_space<semaphore_mem>>) src(%dma_wait3A_48 : memref<32x1024xf32, #tpu.memory_space<hbm>>) dst(%dma_wait3A_46 : memref<32x1024xf32, #tpu.memory_space<vmem>>)
    %dma_start3A_49 = arith.constant 0 : i32
    %dma_start3A_50 = arith.constant 0 : i32
    %dma_start3A_51 = arith.constant 0 : i32
    %dma_start3A_52 = arith.constant 0 : i32
    %dma_start3A_53 = tpu.memref_slice %arg8[%dma_start3A_49, %dma_start3A_51, %dma_start3A_52] : memref<2x32x1024xf32, #tpu.memory_space<vmem>> -> memref<1x32x1024xf32, #tpu.memory_space<vmem>>
    %dma_start3A_54 = tpu.memref_squeeze %dma_start3A_53 : memref<1x32x1024xf32, #tpu.memory_space<vmem>> -> memref<32x1024xf32, #tpu.memory_space<vmem>>
    %dma_start3A_55 = arith.constant 0 : i32
    %dma_start3A_56 = tpu.memref_slice %arg6[%dma_start3A_50, %dma_start3A_55] : memref<2x32xi32, #tpu.memory_space<vmem>> -> memref<1x32xi32, #tpu.memory_space<vmem>>
    %dma_start3A_57 = tpu.memref_squeeze %dma_start3A_56 : memref<1x32xi32, #tpu.memory_space<vmem>> -> memref<32xi32, #tpu.memory_space<vmem>>
    %dma_start3A_58 = arith.constant 0 : i32
    %dma_start3A_59 = arith.constant 0 : i32
    %dma_start3A_60 = tpu.memref_slice %arg5[%dma_start3A_58, %dma_start3A_59] : memref<8192x1024xf32, #tpu.memory_space<hbm>> -> memref<8192x1024xf32, #tpu.memory_space<hbm>>
    tpu.enqueue_indirect_dma source(%dma_start3A_54 : memref<32x1024xf32, #tpu.memory_space<vmem>>) target(%dma_start3A_60 : memref<8192x1024xf32, #tpu.memory_space<hbm>>) offsets(%dma_start3A_57 : memref<32xi32, #tpu.memory_space<vmem>>) semaphore(%arg10 : memref<!tpu.dma_semaphore, #tpu.memory_space<semaphore_mem>>)
    %dma_start3A_61 = arith.constant 0 : i32
    %dma_start3A_62 = arith.constant 0 : i32
    %dma_start3A_63 = arith.constant 0 : i32
    %dma_start3A_64 = arith.constant 0 : i32
    %dma_start3A_65 = tpu.memref_slice %arg8[%dma_start3A_61, %dma_start3A_63, %dma_start3A_64] : memref<2x32x1024xf32, #tpu.memory_space<vmem>> -> memref<1x32x1024xf32, #tpu.memory_space<vmem>>
    %dma_start3A_66 = tpu.memref_squeeze %dma_start3A_65 : memref<1x32x1024xf32, #tpu.memory_space<vmem>> -> memref<32x1024xf32, #tpu.memory_space<vmem>>
    %dma_start3A_67 = arith.constant 0 : i32
    %dma_start3A_68 = tpu.memref_slice %arg7[%dma_start3A_62, %dma_start3A_67] : memref<2x32xi32, #tpu.memory_space<vmem>> -> memref<1x32xi32, #tpu.memory_space<vmem>>
    %dma_start3A_69 = tpu.memref_squeeze %dma_start3A_68 : memref<1x32xi32, #tpu.memory_space<vmem>> -> memref<32xi32, #tpu.memory_space<vmem>>
    %dma_start3A_70 = arith.constant 0 : i32
    %dma_start3A_71 = arith.constant 0 : i32
    %dma_start3A_72 = tpu.memref_slice %arg5[%dma_start3A_70, %dma_start3A_71] : memref<8192x1024xf32, #tpu.memory_space<hbm>> -> memref<8192x1024xf32, #tpu.memory_space<hbm>>
    tpu.enqueue_indirect_dma source(%dma_start3A_66 : memref<32x1024xf32, #tpu.memory_space<vmem>>) target(%dma_start3A_72 : memref<8192x1024xf32, #tpu.memory_space<hbm>>) offsets(%dma_start3A_69 : memref<32xi32, #tpu.memory_space<vmem>>) semaphore(%arg10 : memref<!tpu.dma_semaphore, #tpu.memory_space<semaphore_mem>>)
    %dma_wait3A_73 = arith.constant 1 : i32
    %dma_wait3A_74 = arith.constant 0 : i32
    %dma_wait3A_75 = arith.constant 0 : i32
    %dma_wait3A_76 = tpu.memref_slice %arg8[%dma_wait3A_73, %dma_wait3A_74, %dma_wait3A_75] : memref<2x32x1024xf32, #tpu.memory_space<vmem>> -> memref<1x32x1024xf32, #tpu.memory_space<vmem>>
    %dma_wait3A_77 = tpu.memref_squeeze %dma_wait3A_76 : memref<1x32x1024xf32, #tpu.memory_space<vmem>> -> memref<32x1024xf32, #tpu.memory_space<vmem>>
    %dma_wait3A_78 = arith.constant 0 : i32
    %dma_wait3A_79 = tpu.memref_slice %arg2[%add3A_21, %dma_wait3A_78] : memref<2048x1024xf32, #tpu.memory_space<hbm>> -> memref<32x1024xf32, #tpu.memory_space<hbm>>
    %dma_wait3A_80 = arith.constant 0 : i32
    %dma_wait3A_81 = arith.constant 0 : i32
    %dma_wait3A_82 = tpu.memref_slice %arg8[%dma_wait3A_73, %dma_wait3A_80, %dma_wait3A_81] : memref<2x32x1024xf32, #tpu.memory_space<vmem>> -> memref<1x32x1024xf32, #tpu.memory_space<vmem>>
    %dma_wait3A_83 = tpu.memref_squeeze %dma_wait3A_82 : memref<1x32x1024xf32, #tpu.memory_space<vmem>> -> memref<32x1024xf32, #tpu.memory_space<vmem>>
    %dma_wait3A_84 = arith.constant 0 : i32
    %dma_wait3A_85 = tpu.memref_slice %arg2[%add3A_21, %dma_wait3A_84] : memref<2048x1024xf32, #tpu.memory_space<hbm>> -> memref<32x1024xf32, #tpu.memory_space<hbm>>
    tpu.wait_dma2 semaphore(%arg9 : memref<!tpu.dma_semaphore, #tpu.memory_space<semaphore_mem>>) src(%dma_wait3A_85 : memref<32x1024xf32, #tpu.memory_space<hbm>>) dst(%dma_wait3A_83 : memref<32x1024xf32, #tpu.memory_space<vmem>>)
    %dma_start3A_86 = arith.constant 1 : i32
    %dma_start3A_87 = arith.constant 1 : i32
    %dma_start3A_88 = arith.constant 0 : i32
    %dma_start3A_89 = arith.constant 0 : i32
    %dma_start3A_90 = tpu.memref_slice %arg8[%dma_start3A_86, %dma_start3A_88, %dma_start3A_89] : memref<2x32x1024xf32, #tpu.memory_space<vmem>> -> memref<1x32x1024xf32, #tpu.memory_space<vmem>>
    %dma_start3A_91 = tpu.memref_squeeze %dma_start3A_90 : memref<1x32x1024xf32, #tpu.memory_space<vmem>> -> memref<32x1024xf32, #tpu.memory_space<vmem>>
    %dma_start3A_92 = arith.constant 0 : i32
    %dma_start3A_93 = tpu.memref_slice %arg6[%dma_start3A_87, %dma_start3A_92] : memref<2x32xi32, #tpu.memory_space<vmem>> -> memref<1x32xi32, #tpu.memory_space<vmem>>
    %dma_start3A_94 = tpu.memref_squeeze %dma_start3A_93 : memref<1x32xi32, #tpu.memory_space<vmem>> -> memref<32xi32, #tpu.memory_space<vmem>>
    %dma_start3A_95 = arith.constant 0 : i32
    %dma_start3A_96 = arith.constant 0 : i32
    %dma_start3A_97 = tpu.memref_slice %arg5[%dma_start3A_95, %dma_start3A_96] : memref<8192x1024xf32, #tpu.memory_space<hbm>> -> memref<8192x1024xf32, #tpu.memory_space<hbm>>
    tpu.enqueue_indirect_dma source(%dma_start3A_91 : memref<32x1024xf32, #tpu.memory_space<vmem>>) target(%dma_start3A_97 : memref<8192x1024xf32, #tpu.memory_space<hbm>>) offsets(%dma_start3A_94 : memref<32xi32, #tpu.memory_space<vmem>>) semaphore(%arg10 : memref<!tpu.dma_semaphore, #tpu.memory_space<semaphore_mem>>)
    %dma_start3A_98 = arith.constant 1 : i32
    %dma_start3A_99 = arith.constant 1 : i32
    %dma_start3A_100 = arith.constant 0 : i32
    %dma_start3A_101 = arith.constant 0 : i32
    %dma_start3A_102 = tpu.memref_slice %arg8[%dma_start3A_98, %dma_start3A_100, %dma_start3A_101] : memref<2x32x1024xf32, #tpu.memory_space<vmem>> -> memref<1x32x1024xf32, #tpu.memory_space<vmem>>
    %dma_start3A_103 = tpu.memref_squeeze %dma_start3A_102 : memref<1x32x1024xf32, #tpu.memory_space<vmem>> -> memref<32x1024xf32, #tpu.memory_space<vmem>>
    %dma_start3A_104 = arith.constant 0 : i32
    %dma_start3A_105 = tpu.memref_slice %arg7[%dma_start3A_99, %dma_start3A_104] : memref<2x32xi32, #tpu.memory_space<vmem>> -> memref<1x32xi32, #tpu.memory_space<vmem>>
    %dma_start3A_106 = tpu.memref_squeeze %dma_start3A_105 : memref<1x32xi32, #tpu.memory_space<vmem>> -> memref<32xi32, #tpu.memory_space<vmem>>
    %dma_start3A_107 = arith.constant 0 : i32
    %dma_start3A_108 = arith.constant 0 : i32
    %dma_start3A_109 = tpu.memref_slice %arg5[%dma_start3A_107, %dma_start3A_108] : memref<8192x1024xf32, #tpu.memory_space<hbm>> -> memref<8192x1024xf32, #tpu.memory_space<hbm>>
    tpu.enqueue_indirect_dma source(%dma_start3A_103 : memref<32x1024xf32, #tpu.memory_space<vmem>>) target(%dma_start3A_109 : memref<8192x1024xf32, #tpu.memory_space<hbm>>) offsets(%dma_start3A_106 : memref<32xi32, #tpu.memory_space<vmem>>) semaphore(%arg10 : memref<!tpu.dma_semaphore, #tpu.memory_space<semaphore_mem>>)
    %dma_wait3A_110 = arith.constant 0 : i32
    %dma_wait3A_111 = arith.constant 0 : i32
    %dma_wait3A_112 = arith.constant 0 : i32
    %dma_wait3A_113 = arith.constant 0 : i32
    %dma_wait3A_114 = tpu.memref_slice %arg8[%dma_wait3A_110, %dma_wait3A_112, %dma_wait3A_113] : memref<2x32x1024xf32, #tpu.memory_space<vmem>> -> memref<1x32x1024xf32, #tpu.memory_space<vmem>>
    %dma_wait3A_115 = tpu.memref_squeeze %dma_wait3A_114 : memref<1x32x1024xf32, #tpu.memory_space<vmem>> -> memref<32x1024xf32, #tpu.memory_space<vmem>>
    %dma_wait3A_116 = arith.constant 0 : i32
    %dma_wait3A_117 = tpu.memref_slice %arg6[%dma_wait3A_111, %dma_wait3A_116] : memref<2x32xi32, #tpu.memory_space<vmem>> -> memref<1x32xi32, #tpu.memory_space<vmem>>
    %dma_wait3A_118 = tpu.memref_squeeze %dma_wait3A_117 : memref<1x32xi32, #tpu.memory_space<vmem>> -> memref<32xi32, #tpu.memory_space<vmem>>
    %dma_wait3A_119 = arith.constant 0 : i32
    %dma_wait3A_120 = arith.constant 0 : i32
    %dma_wait3A_121 = tpu.memref_slice %arg5[%dma_wait3A_119, %dma_wait3A_120] : memref<8192x1024xf32, #tpu.memory_space<hbm>> -> memref<8192x1024xf32, #tpu.memory_space<hbm>>
    tpu.wait_indirect_dma semaphore(%arg10 : memref<!tpu.dma_semaphore, #tpu.memory_space<semaphore_mem>>) src(%dma_wait3A_115 : memref<32x1024xf32, #tpu.memory_space<vmem>>) dst(%dma_wait3A_121 : memref<8192x1024xf32, #tpu.memory_space<hbm>>)
    %dma_wait3A_122 = arith.constant 0 : i32
    %dma_wait3A_123 = arith.constant 0 : i32
    %dma_wait3A_124 = arith.constant 0 : i32
    %dma_wait3A_125 = arith.constant 0 : i32
    %dma_wait3A_126 = tpu.memref_slice %arg8[%dma_wait3A_122, %dma_wait3A_124, %dma_wait3A_125] : memref<2x32x1024xf32, #tpu.memory_space<vmem>> -> memref<1x32x1024xf32, #tpu.memory_space<vmem>>
    %dma_wait3A_127 = tpu.memref_squeeze %dma_wait3A_126 : memref<1x32x1024xf32, #tpu.memory_space<vmem>> -> memref<32x1024xf32, #tpu.memory_space<vmem>>
    %dma_wait3A_128 = arith.constant 0 : i32
    %dma_wait3A_129 = tpu.memref_slice %arg7[%dma_wait3A_123, %dma_wait3A_128] : memref<2x32xi32, #tpu.memory_space<vmem>> -> memref<1x32xi32, #tpu.memory_space<vmem>>
    %dma_wait3A_130 = tpu.memref_squeeze %dma_wait3A_129 : memref<1x32xi32, #tpu.memory_space<vmem>> -> memref<32xi32, #tpu.memory_space<vmem>>
    %dma_wait3A_131 = arith.constant 0 : i32
    %dma_wait3A_132 = arith.constant 0 : i32
    %dma_wait3A_133 = tpu.memref_slice %arg5[%dma_wait3A_131, %dma_wait3A_132] : memref<8192x1024xf32, #tpu.memory_space<hbm>> -> memref<8192x1024xf32, #tpu.memory_space<hbm>>
    tpu.wait_indirect_dma semaphore(%arg10 : memref<!tpu.dma_semaphore, #tpu.memory_space<semaphore_mem>>) src(%dma_wait3A_127 : memref<32x1024xf32, #tpu.memory_space<vmem>>) dst(%dma_wait3A_133 : memref<8192x1024xf32, #tpu.memory_space<hbm>>)
    %dma_wait3A_134 = arith.constant 1 : i32
    %dma_wait3A_135 = arith.constant 1 : i32
    %dma_wait3A_136 = arith.constant 0 : i32
    %dma_wait3A_137 = arith.constant 0 : i32
    %dma_wait3A_138 = tpu.memref_slice %arg8[%dma_wait3A_134, %dma_wait3A_136, %dma_wait3A_137] : memref<2x32x1024xf32, #tpu.memory_space<vmem>> -> memref<1x32x1024xf32, #tpu.memory_space<vmem>>
    %dma_wait3A_139 = tpu.memref_squeeze %dma_wait3A_138 : memref<1x32x1024xf32, #tpu.memory_space<vmem>> -> memref<32x1024xf32, #tpu.memory_space<vmem>>
    %dma_wait3A_140 = arith.constant 0 : i32
    %dma_wait3A_141 = tpu.memref_slice %arg6[%dma_wait3A_135, %dma_wait3A_140] : memref<2x32xi32, #tpu.memory_space<vmem>> -> memref<1x32xi32, #tpu.memory_space<vmem>>
    %dma_wait3A_142 = tpu.memref_squeeze %dma_wait3A_141 : memref<1x32xi32, #tpu.memory_space<vmem>> -> memref<32xi32, #tpu.memory_space<vmem>>
    %dma_wait3A_143 = arith.constant 0 : i32
    %dma_wait3A_144 = arith.constant 0 : i32
    %dma_wait3A_145 = tpu.memref_slice %arg5[%dma_wait3A_143, %dma_wait3A_144] : memref<8192x1024xf32, #tpu.memory_space<hbm>> -> memref<8192x1024xf32, #tpu.memory_space<hbm>>
    tpu.wait_indirect_dma semaphore(%arg10 : memref<!tpu.dma_semaphore, #tpu.memory_space<semaphore_mem>>) src(%dma_wait3A_139 : memref<32x1024xf32, #tpu.memory_space<vmem>>) dst(%dma_wait3A_145 : memref<8192x1024xf32, #tpu.memory_space<hbm>>)
    %dma_wait3A_146 = arith.constant 1 : i32
    %dma_wait3A_147 = arith.constant 1 : i32
    %dma_wait3A_148 = arith.constant 0 : i32
    %dma_wait3A_149 = arith.constant 0 : i32
    %dma_wait3A_150 = tpu.memref_slice %arg8[%dma_wait3A_146, %dma_wait3A_148, %dma_wait3A_149] : memref<2x32x1024xf32, #tpu.memory_space<vmem>> -> memref<1x32x1024xf32, #tpu.memory_space<vmem>>
    %dma_wait3A_151 = tpu.memref_squeeze %dma_wait3A_150 : memref<1x32x1024xf32, #tpu.memory_space<vmem>> -> memref<32x1024xf32, #tpu.memory_space<vmem>>
    %dma_wait3A_152 = arith.constant 0 : i32
    %dma_wait3A_153 = tpu.memref_slice %arg7[%dma_wait3A_147, %dma_wait3A_152] : memref<2x32xi32, #tpu.memory_space<vmem>> -> memref<1x32xi32, #tpu.memory_space<vmem>>
    %dma_wait3A_154 = tpu.memref_squeeze %dma_wait3A_153 : memref<1x32xi32, #tpu.memory_space<vmem>> -> memref<32xi32, #tpu.memory_space<vmem>>
    %dma_wait3A_155 = arith.constant 0 : i32
    %dma_wait3A_156 = arith.constant 0 : i32
    %dma_wait3A_157 = tpu.memref_slice %arg5[%dma_wait3A_155, %dma_wait3A_156] : memref<8192x1024xf32, #tpu.memory_space<hbm>> -> memref<8192x1024xf32, #tpu.memory_space<hbm>>
    tpu.wait_indirect_dma semaphore(%arg10 : memref<!tpu.dma_semaphore, #tpu.memory_space<semaphore_mem>>) src(%dma_wait3A_151 : memref<32x1024xf32, #tpu.memory_space<vmem>>) dst(%dma_wait3A_157 : memref<8192x1024xf32, #tpu.memory_space<hbm>>)
    return
  }
}

module attributes {stable_mosaic.version = 14 : i64} {
  func.func @_router_body(%arg0: i32, %arg1: memref<2048x1024xf32, #tpu.memory_space<vmem>>, %arg2: memref<8x1024xf32, #tpu.memory_space<vmem>>, %arg3: memref<1x8xf32, #tpu.memory_space<vmem>>, %arg4: memref<2048x2xi32, #tpu.memory_space<vmem>>, %arg5: memref<2x2048xf32, #tpu.memory_space<vmem>>) attributes {dimension_semantics = [#tpu.dimension_semantics<arbitrary>], iteration_bounds = array<i64: 1>, scalar_prefetch = 0 : i64, scratch_operands = 0 : i64, tpu.core_type = #tpu.core_type<tc>, window_params = [{pipeline_mode = #tpu.pipeline_mode<synchronous>, transform_indices = @transform_0, window_bounds = array<i64: 2048, 1024>}, {pipeline_mode = #tpu.pipeline_mode<synchronous>, transform_indices = @transform_1, window_bounds = array<i64: 8, 1024>}, {pipeline_mode = #tpu.pipeline_mode<synchronous>, transform_indices = @transform_2, window_bounds = array<i64: 1, 8>}, {pipeline_mode = #tpu.pipeline_mode<synchronous>, transform_indices = @transform_3, window_bounds = array<i64: 2048, 2>}, {pipeline_mode = #tpu.pipeline_mode<synchronous>, transform_indices = @transform_4, window_bounds = array<i64: 2, 2048>}]} {
    %get3A = arith.constant 0 : index
    %get3A_0 = arith.constant 0 : index
    %get3A_1 = vector.load %arg1[%get3A, %get3A_0] : memref<2048x1024xf32, #tpu.memory_space<vmem>>, vector<2048x1024xf32>
    %convert_element_type3A = arith.truncf %get3A_1 : vector<2048x1024xf32> to vector<2048x1024xbf16>
    %get3A_2 = arith.constant 0 : index
    %get3A_3 = arith.constant 0 : index
    %get3A_4 = vector.load %arg2[%get3A_2, %get3A_3] : memref<8x1024xf32, #tpu.memory_space<vmem>>, vector<8x1024xf32>
    %convert_element_type3A_5 = arith.truncf %get3A_4 : vector<8x1024xf32> to vector<8x1024xbf16>
    %dot_general3A = arith.constant dense<0.000000e+00> : vector<2048x8xf32>
    %dot_general3A_6 = tpu.matmul %convert_element_type3A, %convert_element_type3A_5, %dot_general3A {dimension_numbers = #tpu.dot_dimension_numbers<[1], [1], [0], [0], [0, 0, 1, 0], [], []>, transpose_lhs_hint = false} : vector<2048x1024xbf16>, vector<8x1024xbf16>, vector<2048x8xf32> -> vector<2048x8xf32>
    %logistic3A = arith.negf %dot_general3A_6 : vector<2048x8xf32>
    %logistic3A_7 = math.exp %logistic3A : vector<2048x8xf32>
    %logistic3A_8 = arith.constant 1.000000e+00 : f32
    %logistic3A_9 = vector.broadcast %logistic3A_8 : f32 to vector<2048x8xf32>
    %logistic3A_10 = arith.addf %logistic3A_9, %logistic3A_7 : vector<2048x8xf32>
    %logistic3A_11 = arith.divf %logistic3A_9, %logistic3A_10 : vector<2048x8xf32>
    %get3A_12 = arith.constant 0 : index
    %get3A_13 = arith.constant 0 : index
    %get3A_14 = vector.load %arg3[%get3A_12, %get3A_13] : memref<1x8xf32, #tpu.memory_space<vmem>>, vector<1x8xf32>
    %add3A = vector.broadcast %get3A_14 : vector<1x8xf32> to vector<2048x8xf32>
    %add3A_15 = arith.addf %logistic3A_11, %add3A : vector<2048x8xf32>
    %iota3A = tpu.iota {dimensions = array<i32: 1>} : vector<2048x8xi32>
    %argmax3A = tpu.reduce_index %add3A_15 {axis = 1 : i32, kind = #tpu.reduction_kind<arg_max>} : vector<2048x8xf32> -> vector<2048xi32>
    %broadcast_in_dim3A = vector.shape_cast %argmax3A : vector<2048xi32> to vector<2048x1xi32>
    %eq3A = vector.broadcast %broadcast_in_dim3A : vector<2048x1xi32> to vector<2048x8xi32>
    %eq3A_16 = arith.cmpi eq, %iota3A, %eq3A : vector<2048x8xi32>
    %jit3A = arith.constant 0xFF800000 : f32
    %broadcast_in_dim3A_17 = vector.broadcast %jit3A : f32 to vector<2048x8xf32>
    %select_n3A = arith.select %eq3A_16, %broadcast_in_dim3A_17, %add3A_15 : vector<2048x8xi1>, vector<2048x8xf32>
    %argmax3A_18 = tpu.reduce_index %select_n3A {axis = 1 : i32, kind = #tpu.reduction_kind<arg_max>} : vector<2048x8xf32> -> vector<2048xi32>
    %broadcast_in_dim3A_19 = vector.shape_cast %argmax3A_18 : vector<2048xi32> to vector<2048x1xi32>
    %eq3A_20 = vector.broadcast %broadcast_in_dim3A_19 : vector<2048x1xi32> to vector<2048x8xi32>
    %eq3A_21 = arith.cmpi eq, %iota3A, %eq3A_20 : vector<2048x8xi32>
    %jit3A_22 = arith.constant 0.000000e+00 : f32
    %broadcast_in_dim3A_23 = vector.broadcast %jit3A_22 : f32 to vector<2048x8xf32>
    %select_n3A_24 = arith.select %eq3A_16, %logistic3A_11, %broadcast_in_dim3A_23 : vector<2048x8xi1>, vector<2048x8xf32>
    %reduce_sum3A = arith.constant dense<0.000000e+00> : vector<2048xf32>
    %reduce_sum3A_25 = vector.multi_reduction <add>, %select_n3A_24, %reduce_sum3A [1] : vector<2048x8xf32> to vector<2048xf32>
    %broadcast_in_dim3A_26 = vector.shape_cast %reduce_sum3A_25 : vector<2048xf32> to vector<2048x1xf32>
    %jit3A_27 = arith.constant 0.000000e+00 : f32
    %broadcast_in_dim3A_28 = vector.broadcast %jit3A_27 : f32 to vector<2048x8xf32>
    %select_n3A_29 = arith.select %eq3A_21, %logistic3A_11, %broadcast_in_dim3A_28 : vector<2048x8xi1>, vector<2048x8xf32>
    %reduce_sum3A_30 = arith.constant dense<0.000000e+00> : vector<2048xf32>
    %reduce_sum3A_31 = vector.multi_reduction <add>, %select_n3A_29, %reduce_sum3A_30 [1] : vector<2048x8xf32> to vector<2048xf32>
    %broadcast_in_dim3A_32 = vector.shape_cast %reduce_sum3A_31 : vector<2048xf32> to vector<2048x1xf32>
    %add3A_33 = arith.addf %broadcast_in_dim3A_26, %broadcast_in_dim3A_32 : vector<2048x1xf32>
    %add3A_34 = arith.constant 9.99999968E-21 : f32
    %add3A_35 = vector.broadcast %add3A_34 : f32 to vector<2048x1xf32>
    %add3A_36 = arith.addf %add3A_33, %add3A_35 : vector<2048x1xf32>
    %concatenate3A = tpu.concatenate %broadcast_in_dim3A, %broadcast_in_dim3A_19 in 1 : vector<2048x1xi32>, vector<2048x1xi32> -> vector<2048x2xi32>
    %swap3A = arith.constant 0 : index
    %swap3A_37 = arith.constant 0 : index
    %swap3A_38 = vector.load %arg4[%swap3A, %swap3A_37] : memref<2048x2xi32, #tpu.memory_space<vmem>>, vector<2048x2xi32>
    tpu.vector_store %arg4[%swap3A, %swap3A_37], %concatenate3A {strides = array<i32>} : memref<2048x2xi32, #tpu.memory_space<vmem>>, vector<2048x2xi32>,
    %div3A = arith.divf %broadcast_in_dim3A_26, %add3A_36 : vector<2048x1xf32>
    %reshape3A = vector.shape_cast %div3A : vector<2048x1xf32> to vector<1x2048xf32>
    %div3A_39 = arith.divf %broadcast_in_dim3A_32, %add3A_36 : vector<2048x1xf32>
    %reshape3A_40 = vector.shape_cast %div3A_39 : vector<2048x1xf32> to vector<1x2048xf32>
    %concatenate3A_41 = tpu.concatenate %reshape3A, %reshape3A_40 in 0 : vector<1x2048xf32>, vector<1x2048xf32> -> vector<2x2048xf32>
    %swap3A_42 = arith.constant 0 : index
    %swap3A_43 = arith.constant 0 : index
    %swap3A_44 = vector.load %arg5[%swap3A_42, %swap3A_43] : memref<2x2048xf32, #tpu.memory_space<vmem>>, vector<2x2048xf32>
    tpu.vector_store %arg5[%swap3A_42, %swap3A_43], %concatenate3A_41 {strides = array<i32>} : memref<2x2048xf32, #tpu.memory_space<vmem>>, vector<2x2048xf32>,
    return
  }
  func.func @transform_0(%arg0: i32) -> (i32, i32) {
    %c0_i32 = arith.constant 0 : i32
    %c0_i32_0 = arith.constant 0 : i32
    %c0_i32_1 = arith.constant 0 : i32
    return %c0_i32, %c0_i32_0 : i32, i32
  }
  func.func @transform_1(%arg0: i32) -> (i32, i32) {
    %c0_i32 = arith.constant 0 : i32
    %c0_i32_0 = arith.constant 0 : i32
    %c0_i32_1 = arith.constant 0 : i32
    return %c0_i32, %c0_i32_0 : i32, i32
  }
  func.func @transform_2(%arg0: i32) -> (i32, i32) {
    %c0_i32 = arith.constant 0 : i32
    %c0_i32_0 = arith.constant 0 : i32
    %c0_i32_1 = arith.constant 0 : i32
    return %c0_i32, %c0_i32_0 : i32, i32
  }
  func.func @transform_3(%arg0: i32) -> (i32, i32) {
    %c0_i32 = arith.constant 0 : i32
    %c0_i32_0 = arith.constant 0 : i32
    %c0_i32_1 = arith.constant 0 : i32
    return %c0_i32, %c0_i32_0 : i32, i32
  }
  func.func @transform_4(%arg0: i32) -> (i32, i32) {
    %c0_i32 = arith.constant 0 : i32
    %c0_i32_0 = arith.constant 0 : i32
    %c0_i32_1 = arith.constant 0 : i32
    return %c0_i32, %c0_i32_0 : i32, i32
  }
}

module attributes {stable_mosaic.version = 14 : i64} {
  func.func @_dispatch_body(%arg0: i32, %arg1: memref<32x128xi32, #tpu.memory_space<vmem>>, %arg2: memref<32x64xi32, #tpu.memory_space<vmem>>, %arg3: memref<32x64xi32, #tpu.memory_space<vmem>>, %arg4: memref<8x32xi32, #tpu.memory_space<vmem>>) attributes {dimension_semantics = [#tpu.dimension_semantics<arbitrary>], iteration_bounds = array<i64: 1>, scalar_prefetch = 0 : i64, scratch_operands = 0 : i64, tpu.core_type = #tpu.core_type<tc>, window_params = [{pipeline_mode = #tpu.pipeline_mode<synchronous>, transform_indices = @transform_0, window_bounds = array<i64: 32, 128>}, {pipeline_mode = #tpu.pipeline_mode<synchronous>, transform_indices = @transform_1, window_bounds = array<i64: 32, 64>}, {pipeline_mode = #tpu.pipeline_mode<synchronous>, transform_indices = @transform_2, window_bounds = array<i64: 32, 64>}, {pipeline_mode = #tpu.pipeline_mode<synchronous>, transform_indices = @transform_3, window_bounds = array<i64: 8, 32>}]} {
    %get3A = arith.constant 0 : index
    %get3A_0 = arith.constant 0 : index
    %get3A_1 = vector.load %arg1[%get3A, %get3A_0] : memref<32x128xi32, #tpu.memory_space<vmem>>, vector<32x128xi32>
    %iota3A = tpu.iota {dimensions = array<i32: 0>} : vector<128x128xi32>
    %iota3A_2 = tpu.iota {dimensions = array<i32: 1>} : vector<128x128xi32>
    %lt3A = arith.cmpi slt, %iota3A, %iota3A_2 : vector<128x128xi32>
    %convert_element_type3A = arith.extui %lt3A : vector<128x128xi1> to vector<128x128xi32>
    %convert_element_type3A_3 = arith.sitofp %convert_element_type3A : vector<128x128xi32> to vector<128x128xf32>
    %iota3A_4 = tpu.iota {dimensions = array<i32: 0>} : vector<32x32xi32>
    %iota3A_5 = tpu.iota {dimensions = array<i32: 1>} : vector<32x32xi32>
    %lt3A_6 = arith.cmpi slt, %iota3A_5, %iota3A_4 : vector<32x32xi32>
    %convert_element_type3A_7 = arith.extui %lt3A_6 : vector<32x32xi1> to vector<32x32xi32>
    %convert_element_type3A_8 = arith.sitofp %convert_element_type3A_7 : vector<32x32xi32> to vector<32x32xf32>
    %broadcast_in_dim3A = arith.constant 1.000000e+00 : f32
    %broadcast_in_dim3A_9 = vector.broadcast %broadcast_in_dim3A : f32 to vector<128x1xf32>
    %broadcast_in_dim3A_10 = arith.constant 0.000000e+00 : f32
    %broadcast_in_dim3A_11 = vector.broadcast %broadcast_in_dim3A_10 : f32 to vector<32x128xf32>
    %eq3A = arith.constant 0 : i32
    %eq3A_12 = vector.broadcast %eq3A : i32 to vector<32x128xi32>
    %eq3A_13 = arith.cmpi eq, %get3A_1, %eq3A_12 : vector<32x128xi32>
    %convert_element_type3A_14 = arith.extui %eq3A_13 : vector<32x128xi1> to vector<32x128xi32>
    %convert_element_type3A_15 = arith.sitofp %convert_element_type3A_14 : vector<32x128xi32> to vector<32x128xf32>
    %dot_general3A = arith.constant dense<0.000000e+00> : vector<32x128xf32>
    %dot_general3A_16 = tpu.matmul %convert_element_type3A_15, %convert_element_type3A_3, %dot_general3A {dimension_numbers = #tpu.dot_dimension_numbers<[1], [0], [0], [1], [0, 0, 1, 1], [], []>, precision = #tpu.contract_precision<fp32>, transpose_lhs_hint = false} : vector<32x128xf32>, vector<128x128xf32>, vector<32x128xf32> -> vector<32x128xf32>
    %dot_general3A_17 = arith.constant dense<0.000000e+00> : vector<32x1xf32>
    %dot_general3A_18 = tpu.matmul %convert_element_type3A_15, %broadcast_in_dim3A_9, %dot_general3A_17 {dimension_numbers = #tpu.dot_dimension_numbers<[1], [0], [0], [1], [0, 0, 1, 1], [], []>, precision = #tpu.contract_precision<fp32>, transpose_lhs_hint = false} : vector<32x128xf32>, vector<128x1xf32>, vector<32x1xf32> -> vector<32x1xf32>
    %dot_general3A_19 = arith.constant dense<0.000000e+00> : vector<32x1xf32>
    %dot_general3A_20 = tpu.matmul %convert_element_type3A_8, %dot_general3A_18, %dot_general3A_19 {dimension_numbers = #tpu.dot_dimension_numbers<[1], [0], [0], [1], [0, 0, 1, 1], [], []>, precision = #tpu.contract_precision<fp32>, transpose_lhs_hint = false} : vector<32x32xf32>, vector<32x1xf32>, vector<32x1xf32> -> vector<32x1xf32>
    %add3A = vector.broadcast %dot_general3A_20 : vector<32x1xf32> to vector<32x128xf32>
    %add3A_21 = arith.addf %dot_general3A_16, %add3A : vector<32x128xf32>
    %mul3A = arith.mulf %convert_element_type3A_15, %add3A_21 : vector<32x128xf32>
    %add3A_22 = arith.addf %broadcast_in_dim3A_11, %mul3A : vector<32x128xf32>
    %reduce_sum3A = vector.shape_cast %convert_element_type3A_15 : vector<32x128xf32> to vector<1x32x128xf32>
    %reduce_sum3A_23 = arith.constant dense<0.000000e+00> : vector<1xf32>
    %reduce_sum3A_24 = vector.multi_reduction <add>, %reduce_sum3A, %reduce_sum3A_23 [1, 2] : vector<1x32x128xf32> to vector<1xf32>
    %reduce_sum3A_25 = vector.shape_cast %reduce_sum3A_24 : vector<1xf32> to vector<1x1x1xf32>
    %reduce_sum3A_26 = vector.extract %reduce_sum3A_25[0, 0, 0] : f32 from vector<1x1x1xf32>
    %eq3A_27 = arith.constant 1 : i32
    %eq3A_28 = vector.broadcast %eq3A_27 : i32 to vector<32x128xi32>
    %eq3A_29 = arith.cmpi eq, %get3A_1, %eq3A_28 : vector<32x128xi32>
    %convert_element_type3A_30 = arith.extui %eq3A_29 : vector<32x128xi1> to vector<32x128xi32>
    %convert_element_type3A_31 = arith.sitofp %convert_element_type3A_30 : vector<32x128xi32> to vector<32x128xf32>
    %dot_general3A_32 = arith.constant dense<0.000000e+00> : vector<32x128xf32>
    %dot_general3A_33 = tpu.matmul %convert_element_type3A_31, %convert_element_type3A_3, %dot_general3A_32 {dimension_numbers = #tpu.dot_dimension_numbers<[1], [0], [0], [1], [0, 0, 1, 1], [], []>, precision = #tpu.contract_precision<fp32>, transpose_lhs_hint = false} : vector<32x128xf32>, vector<128x128xf32>, vector<32x128xf32> -> vector<32x128xf32>
    %dot_general3A_34 = arith.constant dense<0.000000e+00> : vector<32x1xf32>
    %dot_general3A_35 = tpu.matmul %convert_element_type3A_31, %broadcast_in_dim3A_9, %dot_general3A_34 {dimension_numbers = #tpu.dot_dimension_numbers<[1], [0], [0], [1], [0, 0, 1, 1], [], []>, precision = #tpu.contract_precision<fp32>, transpose_lhs_hint = false} : vector<32x128xf32>, vector<128x1xf32>, vector<32x1xf32> -> vector<32x1xf32>
    %dot_general3A_36 = arith.constant dense<0.000000e+00> : vector<32x1xf32>
    %dot_general3A_37 = tpu.matmul %convert_element_type3A_8, %dot_general3A_35, %dot_general3A_36 {dimension_numbers = #tpu.dot_dimension_numbers<[1], [0], [0], [1], [0, 0, 1, 1], [], []>, precision = #tpu.contract_precision<fp32>, transpose_lhs_hint = false} : vector<32x32xf32>, vector<32x1xf32>, vector<32x1xf32> -> vector<32x1xf32>
    %add3A_38 = vector.broadcast %dot_general3A_37 : vector<32x1xf32> to vector<32x128xf32>
    %add3A_39 = arith.addf %dot_general3A_33, %add3A_38 : vector<32x128xf32>
    %mul3A_40 = arith.mulf %convert_element_type3A_31, %add3A_39 : vector<32x128xf32>
    %add3A_41 = arith.addf %add3A_22, %mul3A_40 : vector<32x128xf32>
    %reduce_sum3A_42 = vector.shape_cast %convert_element_type3A_31 : vector<32x128xf32> to vector<1x32x128xf32>
    %reduce_sum3A_43 = arith.constant dense<0.000000e+00> : vector<1xf32>
    %reduce_sum3A_44 = vector.multi_reduction <add>, %reduce_sum3A_42, %reduce_sum3A_43 [1, 2] : vector<1x32x128xf32> to vector<1xf32>
    %reduce_sum3A_45 = vector.shape_cast %reduce_sum3A_44 : vector<1xf32> to vector<1x1x1xf32>
    %reduce_sum3A_46 = vector.extract %reduce_sum3A_45[0, 0, 0] : f32 from vector<1x1x1xf32>
    %eq3A_47 = arith.constant 2 : i32
    %eq3A_48 = vector.broadcast %eq3A_47 : i32 to vector<32x128xi32>
    %eq3A_49 = arith.cmpi eq, %get3A_1, %eq3A_48 : vector<32x128xi32>
    %convert_element_type3A_50 = arith.extui %eq3A_49 : vector<32x128xi1> to vector<32x128xi32>
    %convert_element_type3A_51 = arith.sitofp %convert_element_type3A_50 : vector<32x128xi32> to vector<32x128xf32>
    %dot_general3A_52 = arith.constant dense<0.000000e+00> : vector<32x128xf32>
    %dot_general3A_53 = tpu.matmul %convert_element_type3A_51, %convert_element_type3A_3, %dot_general3A_52 {dimension_numbers = #tpu.dot_dimension_numbers<[1], [0], [0], [1], [0, 0, 1, 1], [], []>, precision = #tpu.contract_precision<fp32>, transpose_lhs_hint = false} : vector<32x128xf32>, vector<128x128xf32>, vector<32x128xf32> -> vector<32x128xf32>
    %dot_general3A_54 = arith.constant dense<0.000000e+00> : vector<32x1xf32>
    %dot_general3A_55 = tpu.matmul %convert_element_type3A_51, %broadcast_in_dim3A_9, %dot_general3A_54 {dimension_numbers = #tpu.dot_dimension_numbers<[1], [0], [0], [1], [0, 0, 1, 1], [], []>, precision = #tpu.contract_precision<fp32>, transpose_lhs_hint = false} : vector<32x128xf32>, vector<128x1xf32>, vector<32x1xf32> -> vector<32x1xf32>
    %dot_general3A_56 = arith.constant dense<0.000000e+00> : vector<32x1xf32>
    %dot_general3A_57 = tpu.matmul %convert_element_type3A_8, %dot_general3A_55, %dot_general3A_56 {dimension_numbers = #tpu.dot_dimension_numbers<[1], [0], [0], [1], [0, 0, 1, 1], [], []>, precision = #tpu.contract_precision<fp32>, transpose_lhs_hint = false} : vector<32x32xf32>, vector<32x1xf32>, vector<32x1xf32> -> vector<32x1xf32>
    %add3A_58 = vector.broadcast %dot_general3A_57 : vector<32x1xf32> to vector<32x128xf32>
    %add3A_59 = arith.addf %dot_general3A_53, %add3A_58 : vector<32x128xf32>
    %mul3A_60 = arith.mulf %convert_element_type3A_51, %add3A_59 : vector<32x128xf32>
    %add3A_61 = arith.addf %add3A_41, %mul3A_60 : vector<32x128xf32>
    %reduce_sum3A_62 = vector.shape_cast %convert_element_type3A_51 : vector<32x128xf32> to vector<1x32x128xf32>
    %reduce_sum3A_63 = arith.constant dense<0.000000e+00> : vector<1xf32>
    %reduce_sum3A_64 = vector.multi_reduction <add>, %reduce_sum3A_62, %reduce_sum3A_63 [1, 2] : vector<1x32x128xf32> to vector<1xf32>
    %reduce_sum3A_65 = vector.shape_cast %reduce_sum3A_64 : vector<1xf32> to vector<1x1x1xf32>
    %reduce_sum3A_66 = vector.extract %reduce_sum3A_65[0, 0, 0] : f32 from vector<1x1x1xf32>
    %eq3A_67 = arith.constant 3 : i32
    %eq3A_68 = vector.broadcast %eq3A_67 : i32 to vector<32x128xi32>
    %eq3A_69 = arith.cmpi eq, %get3A_1, %eq3A_68 : vector<32x128xi32>
    %convert_element_type3A_70 = arith.extui %eq3A_69 : vector<32x128xi1> to vector<32x128xi32>
    %convert_element_type3A_71 = arith.sitofp %convert_element_type3A_70 : vector<32x128xi32> to vector<32x128xf32>
    %dot_general3A_72 = arith.constant dense<0.000000e+00> : vector<32x128xf32>
    %dot_general3A_73 = tpu.matmul %convert_element_type3A_71, %convert_element_type3A_3, %dot_general3A_72 {dimension_numbers = #tpu.dot_dimension_numbers<[1], [0], [0], [1], [0, 0, 1, 1], [], []>, precision = #tpu.contract_precision<fp32>, transpose_lhs_hint = false} : vector<32x128xf32>, vector<128x128xf32>, vector<32x128xf32> -> vector<32x128xf32>
    %dot_general3A_74 = arith.constant dense<0.000000e+00> : vector<32x1xf32>
    %dot_general3A_75 = tpu.matmul %convert_element_type3A_71, %broadcast_in_dim3A_9, %dot_general3A_74 {dimension_numbers = #tpu.dot_dimension_numbers<[1], [0], [0], [1], [0, 0, 1, 1], [], []>, precision = #tpu.contract_precision<fp32>, transpose_lhs_hint = false} : vector<32x128xf32>, vector<128x1xf32>, vector<32x1xf32> -> vector<32x1xf32>
    %dot_general3A_76 = arith.constant dense<0.000000e+00> : vector<32x1xf32>
    %dot_general3A_77 = tpu.matmul %convert_element_type3A_8, %dot_general3A_75, %dot_general3A_76 {dimension_numbers = #tpu.dot_dimension_numbers<[1], [0], [0], [1], [0, 0, 1, 1], [], []>, precision = #tpu.contract_precision<fp32>, transpose_lhs_hint = false} : vector<32x32xf32>, vector<32x1xf32>, vector<32x1xf32> -> vector<32x1xf32>
    %add3A_78 = vector.broadcast %dot_general3A_77 : vector<32x1xf32> to vector<32x128xf32>
    %add3A_79 = arith.addf %dot_general3A_73, %add3A_78 : vector<32x128xf32>
    %mul3A_80 = arith.mulf %convert_element_type3A_71, %add3A_79 : vector<32x128xf32>
    %add3A_81 = arith.addf %add3A_61, %mul3A_80 : vector<32x128xf32>
    %reduce_sum3A_82 = vector.shape_cast %convert_element_type3A_71 : vector<32x128xf32> to vector<1x32x128xf32>
    %reduce_sum3A_83 = arith.constant dense<0.000000e+00> : vector<1xf32>
    %reduce_sum3A_84 = vector.multi_reduction <add>, %reduce_sum3A_82, %reduce_sum3A_83 [1, 2] : vector<1x32x128xf32> to vector<1xf32>
    %reduce_sum3A_85 = vector.shape_cast %reduce_sum3A_84 : vector<1xf32> to vector<1x1x1xf32>
    %reduce_sum3A_86 = vector.extract %reduce_sum3A_85[0, 0, 0] : f32 from vector<1x1x1xf32>
    %eq3A_87 = arith.constant 4 : i32
    %eq3A_88 = vector.broadcast %eq3A_87 : i32 to vector<32x128xi32>
    %eq3A_89 = arith.cmpi eq, %get3A_1, %eq3A_88 : vector<32x128xi32>
    %convert_element_type3A_90 = arith.extui %eq3A_89 : vector<32x128xi1> to vector<32x128xi32>
    %convert_element_type3A_91 = arith.sitofp %convert_element_type3A_90 : vector<32x128xi32> to vector<32x128xf32>
    %dot_general3A_92 = arith.constant dense<0.000000e+00> : vector<32x128xf32>
    %dot_general3A_93 = tpu.matmul %convert_element_type3A_91, %convert_element_type3A_3, %dot_general3A_92 {dimension_numbers = #tpu.dot_dimension_numbers<[1], [0], [0], [1], [0, 0, 1, 1], [], []>, precision = #tpu.contract_precision<fp32>, transpose_lhs_hint = false} : vector<32x128xf32>, vector<128x128xf32>, vector<32x128xf32> -> vector<32x128xf32>
    %dot_general3A_94 = arith.constant dense<0.000000e+00> : vector<32x1xf32>
    %dot_general3A_95 = tpu.matmul %convert_element_type3A_91, %broadcast_in_dim3A_9, %dot_general3A_94 {dimension_numbers = #tpu.dot_dimension_numbers<[1], [0], [0], [1], [0, 0, 1, 1], [], []>, precision = #tpu.contract_precision<fp32>, transpose_lhs_hint = false} : vector<32x128xf32>, vector<128x1xf32>, vector<32x1xf32> -> vector<32x1xf32>
    %dot_general3A_96 = arith.constant dense<0.000000e+00> : vector<32x1xf32>
    %dot_general3A_97 = tpu.matmul %convert_element_type3A_8, %dot_general3A_95, %dot_general3A_96 {dimension_numbers = #tpu.dot_dimension_numbers<[1], [0], [0], [1], [0, 0, 1, 1], [], []>, precision = #tpu.contract_precision<fp32>, transpose_lhs_hint = false} : vector<32x32xf32>, vector<32x1xf32>, vector<32x1xf32> -> vector<32x1xf32>
    %add3A_98 = vector.broadcast %dot_general3A_97 : vector<32x1xf32> to vector<32x128xf32>
    %add3A_99 = arith.addf %dot_general3A_93, %add3A_98 : vector<32x128xf32>
    %mul3A_100 = arith.mulf %convert_element_type3A_91, %add3A_99 : vector<32x128xf32>
    %add3A_101 = arith.addf %add3A_81, %mul3A_100 : vector<32x128xf32>
    %reduce_sum3A_102 = vector.shape_cast %convert_element_type3A_91 : vector<32x128xf32> to vector<1x32x128xf32>
    %reduce_sum3A_103 = arith.constant dense<0.000000e+00> : vector<1xf32>
    %reduce_sum3A_104 = vector.multi_reduction <add>, %reduce_sum3A_102, %reduce_sum3A_103 [1, 2] : vector<1x32x128xf32> to vector<1xf32>
    %reduce_sum3A_105 = vector.shape_cast %reduce_sum3A_104 : vector<1xf32> to vector<1x1x1xf32>
    %reduce_sum3A_106 = vector.extract %reduce_sum3A_105[0, 0, 0] : f32 from vector<1x1x1xf32>
    %eq3A_107 = arith.constant 5 : i32
    %eq3A_108 = vector.broadcast %eq3A_107 : i32 to vector<32x128xi32>
    %eq3A_109 = arith.cmpi eq, %get3A_1, %eq3A_108 : vector<32x128xi32>
    %convert_element_type3A_110 = arith.extui %eq3A_109 : vector<32x128xi1> to vector<32x128xi32>
    %convert_element_type3A_111 = arith.sitofp %convert_element_type3A_110 : vector<32x128xi32> to vector<32x128xf32>
    %dot_general3A_112 = arith.constant dense<0.000000e+00> : vector<32x128xf32>
    %dot_general3A_113 = tpu.matmul %convert_element_type3A_111, %convert_element_type3A_3, %dot_general3A_112 {dimension_numbers = #tpu.dot_dimension_numbers<[1], [0], [0], [1], [0, 0, 1, 1], [], []>, precision = #tpu.contract_precision<fp32>, transpose_lhs_hint = false} : vector<32x128xf32>, vector<128x128xf32>, vector<32x128xf32> -> vector<32x128xf32>
    %dot_general3A_114 = arith.constant dense<0.000000e+00> : vector<32x1xf32>
    %dot_general3A_115 = tpu.matmul %convert_element_type3A_111, %broadcast_in_dim3A_9, %dot_general3A_114 {dimension_numbers = #tpu.dot_dimension_numbers<[1], [0], [0], [1], [0, 0, 1, 1], [], []>, precision = #tpu.contract_precision<fp32>, transpose_lhs_hint = false} : vector<32x128xf32>, vector<128x1xf32>, vector<32x1xf32> -> vector<32x1xf32>
    %dot_general3A_116 = arith.constant dense<0.000000e+00> : vector<32x1xf32>
    %dot_general3A_117 = tpu.matmul %convert_element_type3A_8, %dot_general3A_115, %dot_general3A_116 {dimension_numbers = #tpu.dot_dimension_numbers<[1], [0], [0], [1], [0, 0, 1, 1], [], []>, precision = #tpu.contract_precision<fp32>, transpose_lhs_hint = false} : vector<32x32xf32>, vector<32x1xf32>, vector<32x1xf32> -> vector<32x1xf32>
    %add3A_118 = vector.broadcast %dot_general3A_117 : vector<32x1xf32> to vector<32x128xf32>
    %add3A_119 = arith.addf %dot_general3A_113, %add3A_118 : vector<32x128xf32>
    %mul3A_120 = arith.mulf %convert_element_type3A_111, %add3A_119 : vector<32x128xf32>
    %add3A_121 = arith.addf %add3A_101, %mul3A_120 : vector<32x128xf32>
    %reduce_sum3A_122 = vector.shape_cast %convert_element_type3A_111 : vector<32x128xf32> to vector<1x32x128xf32>
    %reduce_sum3A_123 = arith.constant dense<0.000000e+00> : vector<1xf32>
    %reduce_sum3A_124 = vector.multi_reduction <add>, %reduce_sum3A_122, %reduce_sum3A_123 [1, 2] : vector<1x32x128xf32> to vector<1xf32>
    %reduce_sum3A_125 = vector.shape_cast %reduce_sum3A_124 : vector<1xf32> to vector<1x1x1xf32>
    %reduce_sum3A_126 = vector.extract %reduce_sum3A_125[0, 0, 0] : f32 from vector<1x1x1xf32>
    %eq3A_127 = arith.constant 6 : i32
    %eq3A_128 = vector.broadcast %eq3A_127 : i32 to vector<32x128xi32>
    %eq3A_129 = arith.cmpi eq, %get3A_1, %eq3A_128 : vector<32x128xi32>
    %convert_element_type3A_130 = arith.extui %eq3A_129 : vector<32x128xi1> to vector<32x128xi32>
    %convert_element_type3A_131 = arith.sitofp %convert_element_type3A_130 : vector<32x128xi32> to vector<32x128xf32>
    %dot_general3A_132 = arith.constant dense<0.000000e+00> : vector<32x128xf32>
    %dot_general3A_133 = tpu.matmul %convert_element_type3A_131, %convert_element_type3A_3, %dot_general3A_132 {dimension_numbers = #tpu.dot_dimension_numbers<[1], [0], [0], [1], [0, 0, 1, 1], [], []>, precision = #tpu.contract_precision<fp32>, transpose_lhs_hint = false} : vector<32x128xf32>, vector<128x128xf32>, vector<32x128xf32> -> vector<32x128xf32>
    %dot_general3A_134 = arith.constant dense<0.000000e+00> : vector<32x1xf32>
    %dot_general3A_135 = tpu.matmul %convert_element_type3A_131, %broadcast_in_dim3A_9, %dot_general3A_134 {dimension_numbers = #tpu.dot_dimension_numbers<[1], [0], [0], [1], [0, 0, 1, 1], [], []>, precision = #tpu.contract_precision<fp32>, transpose_lhs_hint = false} : vector<32x128xf32>, vector<128x1xf32>, vector<32x1xf32> -> vector<32x1xf32>
    %dot_general3A_136 = arith.constant dense<0.000000e+00> : vector<32x1xf32>
    %dot_general3A_137 = tpu.matmul %convert_element_type3A_8, %dot_general3A_135, %dot_general3A_136 {dimension_numbers = #tpu.dot_dimension_numbers<[1], [0], [0], [1], [0, 0, 1, 1], [], []>, precision = #tpu.contract_precision<fp32>, transpose_lhs_hint = false} : vector<32x32xf32>, vector<32x1xf32>, vector<32x1xf32> -> vector<32x1xf32>
    %add3A_138 = vector.broadcast %dot_general3A_137 : vector<32x1xf32> to vector<32x128xf32>
    %add3A_139 = arith.addf %dot_general3A_133, %add3A_138 : vector<32x128xf32>
    %mul3A_140 = arith.mulf %convert_element_type3A_131, %add3A_139 : vector<32x128xf32>
    %add3A_141 = arith.addf %add3A_121, %mul3A_140 : vector<32x128xf32>
    %reduce_sum3A_142 = vector.shape_cast %convert_element_type3A_131 : vector<32x128xf32> to vector<1x32x128xf32>
    %reduce_sum3A_143 = arith.constant dense<0.000000e+00> : vector<1xf32>
    %reduce_sum3A_144 = vector.multi_reduction <add>, %reduce_sum3A_142, %reduce_sum3A_143 [1, 2] : vector<1x32x128xf32> to vector<1xf32>
    %reduce_sum3A_145 = vector.shape_cast %reduce_sum3A_144 : vector<1xf32> to vector<1x1x1xf32>
    %reduce_sum3A_146 = vector.extract %reduce_sum3A_145[0, 0, 0] : f32 from vector<1x1x1xf32>
    %eq3A_147 = arith.constant 7 : i32
    %eq3A_148 = vector.broadcast %eq3A_147 : i32 to vector<32x128xi32>
    %eq3A_149 = arith.cmpi eq, %get3A_1, %eq3A_148 : vector<32x128xi32>
    %convert_element_type3A_150 = arith.extui %eq3A_149 : vector<32x128xi1> to vector<32x128xi32>
    %convert_element_type3A_151 = arith.sitofp %convert_element_type3A_150 : vector<32x128xi32> to vector<32x128xf32>
    %dot_general3A_152 = arith.constant dense<0.000000e+00> : vector<32x128xf32>
    %dot_general3A_153 = tpu.matmul %convert_element_type3A_151, %convert_element_type3A_3, %dot_general3A_152 {dimension_numbers = #tpu.dot_dimension_numbers<[1], [0], [0], [1], [0, 0, 1, 1], [], []>, precision = #tpu.contract_precision<fp32>, transpose_lhs_hint = false} : vector<32x128xf32>, vector<128x128xf32>, vector<32x128xf32> -> vector<32x128xf32>
    %dot_general3A_154 = arith.constant dense<0.000000e+00> : vector<32x1xf32>
    %dot_general3A_155 = tpu.matmul %convert_element_type3A_151, %broadcast_in_dim3A_9, %dot_general3A_154 {dimension_numbers = #tpu.dot_dimension_numbers<[1], [0], [0], [1], [0, 0, 1, 1], [], []>, precision = #tpu.contract_precision<fp32>, transpose_lhs_hint = false} : vector<32x128xf32>, vector<128x1xf32>, vector<32x1xf32> -> vector<32x1xf32>
    %dot_general3A_156 = arith.constant dense<0.000000e+00> : vector<32x1xf32>
    %dot_general3A_157 = tpu.matmul %convert_element_type3A_8, %dot_general3A_155, %dot_general3A_156 {dimension_numbers = #tpu.dot_dimension_numbers<[1], [0], [0], [1], [0, 0, 1, 1], [], []>, precision = #tpu.contract_precision<fp32>, transpose_lhs_hint = false} : vector<32x32xf32>, vector<32x1xf32>, vector<32x1xf32> -> vector<32x1xf32>
    %add3A_158 = vector.broadcast %dot_general3A_157 : vector<32x1xf32> to vector<32x128xf32>
    %add3A_159 = arith.addf %dot_general3A_153, %add3A_158 : vector<32x128xf32>
    %mul3A_160 = arith.mulf %convert_element_type3A_151, %add3A_159 : vector<32x128xf32>
    %add3A_161 = arith.addf %add3A_141, %mul3A_160 : vector<32x128xf32>
    %reduce_sum3A_162 = vector.shape_cast %convert_element_type3A_151 : vector<32x128xf32> to vector<1x32x128xf32>
    %reduce_sum3A_163 = arith.constant dense<0.000000e+00> : vector<1xf32>
    %reduce_sum3A_164 = vector.multi_reduction <add>, %reduce_sum3A_162, %reduce_sum3A_163 [1, 2] : vector<1x32x128xf32> to vector<1xf32>
    %reduce_sum3A_165 = vector.shape_cast %reduce_sum3A_164 : vector<1xf32> to vector<1x1x1xf32>
    %reduce_sum3A_166 = vector.extract %reduce_sum3A_165[0, 0, 0] : f32 from vector<1x1x1xf32>
    %div3A = arith.constant 5.120000e+02 : f32
    %div3A_167 = arith.divf %reduce_sum3A_26, %div3A : f32
    %ceil3A = math.ceil %div3A_167 : f32
    %mul3A_168 = arith.constant 5.120000e+02 : f32
    %mul3A_169 = arith.mulf %ceil3A, %mul3A_168 : f32
    %add3A_170 = arith.constant 0.000000e+00 : f32
    %add3A_171 = arith.addf %add3A_170, %mul3A_169 : f32
    %add3A_172 = arith.constant 0.000000e+00 : f32
    %add3A_173 = arith.addf %add3A_172, %mul3A_169 : f32
    %div3A_174 = arith.constant 5.120000e+02 : f32
    %div3A_175 = arith.divf %reduce_sum3A_46, %div3A_174 : f32
    %ceil3A_176 = math.ceil %div3A_175 : f32
    %mul3A_177 = arith.constant 5.120000e+02 : f32
    %mul3A_178 = arith.mulf %ceil3A_176, %mul3A_177 : f32
    %add3A_179 = arith.addf %add3A_171, %mul3A_178 : f32
    %add3A_180 = arith.addf %add3A_173, %mul3A_178 : f32
    %div3A_181 = arith.constant 5.120000e+02 : f32
    %div3A_182 = arith.divf %reduce_sum3A_66, %div3A_181 : f32
    %ceil3A_183 = math.ceil %div3A_182 : f32
    %mul3A_184 = arith.constant 5.120000e+02 : f32
    %mul3A_185 = arith.mulf %ceil3A_183, %mul3A_184 : f32
    %add3A_186 = arith.addf %add3A_179, %mul3A_185 : f32
    %add3A_187 = arith.addf %add3A_180, %mul3A_185 : f32
    %div3A_188 = arith.constant 5.120000e+02 : f32
    %div3A_189 = arith.divf %reduce_sum3A_86, %div3A_188 : f32
    %ceil3A_190 = math.ceil %div3A_189 : f32
    %mul3A_191 = arith.constant 5.120000e+02 : f32
    %mul3A_192 = arith.mulf %ceil3A_190, %mul3A_191 : f32
    %add3A_193 = arith.addf %add3A_186, %mul3A_192 : f32
    %add3A_194 = arith.addf %add3A_187, %mul3A_192 : f32
    %div3A_195 = arith.constant 5.120000e+02 : f32
    %div3A_196 = arith.divf %reduce_sum3A_106, %div3A_195 : f32
    %ceil3A_197 = math.ceil %div3A_196 : f32
    %mul3A_198 = arith.constant 5.120000e+02 : f32
    %mul3A_199 = arith.mulf %ceil3A_197, %mul3A_198 : f32
    %add3A_200 = arith.addf %add3A_193, %mul3A_199 : f32
    %add3A_201 = arith.addf %add3A_194, %mul3A_199 : f32
    %div3A_202 = arith.constant 5.120000e+02 : f32
    %div3A_203 = arith.divf %reduce_sum3A_126, %div3A_202 : f32
    %ceil3A_204 = math.ceil %div3A_203 : f32
    %mul3A_205 = arith.constant 5.120000e+02 : f32
    %mul3A_206 = arith.mulf %ceil3A_204, %mul3A_205 : f32
    %add3A_207 = arith.addf %add3A_200, %mul3A_206 : f32
    %add3A_208 = arith.addf %add3A_201, %mul3A_206 : f32
    %div3A_209 = arith.constant 5.120000e+02 : f32
    %div3A_210 = arith.divf %reduce_sum3A_146, %div3A_209 : f32
    %ceil3A_211 = math.ceil %div3A_210 : f32
    %mul3A_212 = arith.constant 5.120000e+02 : f32
    %mul3A_213 = arith.mulf %ceil3A_211, %mul3A_212 : f32
    %add3A_214 = arith.addf %add3A_207, %mul3A_213 : f32
    %add3A_215 = arith.addf %add3A_208, %mul3A_213 : f32
    %div3A_216 = arith.constant 5.120000e+02 : f32
    %div3A_217 = arith.divf %reduce_sum3A_166, %div3A_216 : f32
    %ceil3A_218 = math.ceil %div3A_217 : f32
    %mul3A_219 = arith.constant 5.120000e+02 : f32
    %mul3A_220 = arith.mulf %ceil3A_218, %mul3A_219 : f32
    %add3A_221 = arith.addf %add3A_215, %mul3A_220 : f32
    %broadcast_in_dim3A_222 = arith.constant 0.000000e+00 : f32
    %broadcast_in_dim3A_223 = vector.broadcast %broadcast_in_dim3A_222 : f32 to vector<32x128xf32>
    %eq3A_224 = arith.constant 0 : i32
    %eq3A_225 = vector.broadcast %eq3A_224 : i32 to vector<32x128xi32>
    %eq3A_226 = arith.cmpi eq, %get3A_1, %eq3A_225 : vector<32x128xi32>
    %convert_element_type3A_227 = arith.extui %eq3A_226 : vector<32x128xi1> to vector<32x128xi32>
    %convert_element_type3A_228 = arith.sitofp %convert_element_type3A_227 : vector<32x128xi32> to vector<32x128xf32>
    %mul3A_229 = arith.constant 0.000000e+00 : f32
    %mul3A_230 = vector.broadcast %mul3A_229 : f32 to vector<32x128xf32>
    %mul3A_231 = arith.mulf %convert_element_type3A_228, %mul3A_230 : vector<32x128xf32>
    %add3A_232 = arith.addf %broadcast_in_dim3A_223, %mul3A_231 : vector<32x128xf32>
    %eq3A_233 = arith.constant 1 : i32
    %eq3A_234 = vector.broadcast %eq3A_233 : i32 to vector<32x128xi32>
    %eq3A_235 = arith.cmpi eq, %get3A_1, %eq3A_234 : vector<32x128xi32>
    %convert_element_type3A_236 = arith.extui %eq3A_235 : vector<32x128xi1> to vector<32x128xi32>
    %convert_element_type3A_237 = arith.sitofp %convert_element_type3A_236 : vector<32x128xi32> to vector<32x128xf32>
    %mul3A_238 = vector.broadcast %add3A_171 : f32 to vector<32x128xf32>
    %mul3A_239 = arith.mulf %convert_element_type3A_237, %mul3A_238 : vector<32x128xf32>
    %add3A_240 = arith.addf %add3A_232, %mul3A_239 : vector<32x128xf32>
    %eq3A_241 = arith.constant 2 : i32
    %eq3A_242 = vector.broadcast %eq3A_241 : i32 to vector<32x128xi32>
    %eq3A_243 = arith.cmpi eq, %get3A_1, %eq3A_242 : vector<32x128xi32>
    %convert_element_type3A_244 = arith.extui %eq3A_243 : vector<32x128xi1> to vector<32x128xi32>
    %convert_element_type3A_245 = arith.sitofp %convert_element_type3A_244 : vector<32x128xi32> to vector<32x128xf32>
    %mul3A_246 = vector.broadcast %add3A_179 : f32 to vector<32x128xf32>
    %mul3A_247 = arith.mulf %convert_element_type3A_245, %mul3A_246 : vector<32x128xf32>
    %add3A_248 = arith.addf %add3A_240, %mul3A_247 : vector<32x128xf32>
    %eq3A_249 = arith.constant 3 : i32
    %eq3A_250 = vector.broadcast %eq3A_249 : i32 to vector<32x128xi32>
    %eq3A_251 = arith.cmpi eq, %get3A_1, %eq3A_250 : vector<32x128xi32>
    %convert_element_type3A_252 = arith.extui %eq3A_251 : vector<32x128xi1> to vector<32x128xi32>
    %convert_element_type3A_253 = arith.sitofp %convert_element_type3A_252 : vector<32x128xi32> to vector<32x128xf32>
    %mul3A_254 = vector.broadcast %add3A_186 : f32 to vector<32x128xf32>
    %mul3A_255 = arith.mulf %convert_element_type3A_253, %mul3A_254 : vector<32x128xf32>
    %add3A_256 = arith.addf %add3A_248, %mul3A_255 : vector<32x128xf32>
    %eq3A_257 = arith.constant 4 : i32
    %eq3A_258 = vector.broadcast %eq3A_257 : i32 to vector<32x128xi32>
    %eq3A_259 = arith.cmpi eq, %get3A_1, %eq3A_258 : vector<32x128xi32>
    %convert_element_type3A_260 = arith.extui %eq3A_259 : vector<32x128xi1> to vector<32x128xi32>
    %convert_element_type3A_261 = arith.sitofp %convert_element_type3A_260 : vector<32x128xi32> to vector<32x128xf32>
    %mul3A_262 = vector.broadcast %add3A_193 : f32 to vector<32x128xf32>
    %mul3A_263 = arith.mulf %convert_element_type3A_261, %mul3A_262 : vector<32x128xf32>
    %add3A_264 = arith.addf %add3A_256, %mul3A_263 : vector<32x128xf32>
    %eq3A_265 = arith.constant 5 : i32
    %eq3A_266 = vector.broadcast %eq3A_265 : i32 to vector<32x128xi32>
    %eq3A_267 = arith.cmpi eq, %get3A_1, %eq3A_266 : vector<32x128xi32>
    %convert_element_type3A_268 = arith.extui %eq3A_267 : vector<32x128xi1> to vector<32x128xi32>
    %convert_element_type3A_269 = arith.sitofp %convert_element_type3A_268 : vector<32x128xi32> to vector<32x128xf32>
    %mul3A_270 = vector.broadcast %add3A_200 : f32 to vector<32x128xf32>
    %mul3A_271 = arith.mulf %convert_element_type3A_269, %mul3A_270 : vector<32x128xf32>
    %add3A_272 = arith.addf %add3A_264, %mul3A_271 : vector<32x128xf32>
    %eq3A_273 = arith.constant 6 : i32
    %eq3A_274 = vector.broadcast %eq3A_273 : i32 to vector<32x128xi32>
    %eq3A_275 = arith.cmpi eq, %get3A_1, %eq3A_274 : vector<32x128xi32>
    %convert_element_type3A_276 = arith.extui %eq3A_275 : vector<32x128xi1> to vector<32x128xi32>
    %convert_element_type3A_277 = arith.sitofp %convert_element_type3A_276 : vector<32x128xi32> to vector<32x128xf32>
    %mul3A_278 = vector.broadcast %add3A_207 : f32 to vector<32x128xf32>
    %mul3A_279 = arith.mulf %convert_element_type3A_277, %mul3A_278 : vector<32x128xf32>
    %add3A_280 = arith.addf %add3A_272, %mul3A_279 : vector<32x128xf32>
    %eq3A_281 = arith.constant 7 : i32
    %eq3A_282 = vector.broadcast %eq3A_281 : i32 to vector<32x128xi32>
    %eq3A_283 = arith.cmpi eq, %get3A_1, %eq3A_282 : vector<32x128xi32>
    %convert_element_type3A_284 = arith.extui %eq3A_283 : vector<32x128xi1> to vector<32x128xi32>
    %convert_element_type3A_285 = arith.sitofp %convert_element_type3A_284 : vector<32x128xi32> to vector<32x128xf32>
    %mul3A_286 = vector.broadcast %add3A_214 : f32 to vector<32x128xf32>
    %mul3A_287 = arith.mulf %convert_element_type3A_285, %mul3A_286 : vector<32x128xf32>
    %add3A_288 = arith.addf %add3A_280, %mul3A_287 : vector<32x128xf32>
    %add3A_289 = arith.addf %add3A_288, %add3A_161 : vector<32x128xf32>
    %iota3A_290 = tpu.iota {dimensions = array<i32: 0>} : vector<128x64xi32>
    %iota3A_291 = tpu.iota {dimensions = array<i32: 1>} : vector<128x64xi32>
    %mul3A_292 = arith.constant 2 : i32
    %mul3A_293 = vector.broadcast %mul3A_292 : i32 to vector<128x64xi32>
    %mul3A_294 = arith.muli %mul3A_293, %iota3A_291 : vector<128x64xi32>
    %eq3A_295 = arith.cmpi eq, %iota3A_290, %mul3A_294 : vector<128x64xi32>
    %convert_element_type3A_296 = arith.extui %eq3A_295 : vector<128x64xi1> to vector<128x64xi32>
    %convert_element_type3A_297 = arith.sitofp %convert_element_type3A_296 : vector<128x64xi32> to vector<128x64xf32>
    %mul3A_298 = arith.constant 2 : i32
    %mul3A_299 = vector.broadcast %mul3A_298 : i32 to vector<128x64xi32>
    %mul3A_300 = arith.muli %mul3A_299, %iota3A_291 : vector<128x64xi32>
    %add3A_301 = arith.constant 1 : i32
    %add3A_302 = vector.broadcast %add3A_301 : i32 to vector<128x64xi32>
    %add3A_303 = arith.addi %mul3A_300, %add3A_302 : vector<128x64xi32>
    %eq3A_304 = arith.cmpi eq, %iota3A_290, %add3A_303 : vector<128x64xi32>
    %convert_element_type3A_305 = arith.extui %eq3A_304 : vector<128x64xi1> to vector<128x64xi32>
    %convert_element_type3A_306 = arith.sitofp %convert_element_type3A_305 : vector<128x64xi32> to vector<128x64xf32>
    %dot_general3A_307 = arith.constant dense<0.000000e+00> : vector<32x64xf32>
    %dot_general3A_308 = tpu.matmul %add3A_289, %convert_element_type3A_297, %dot_general3A_307 {dimension_numbers = #tpu.dot_dimension_numbers<[1], [0], [0], [1], [0, 0, 1, 1], [], []>, precision = #tpu.contract_precision<fp32>, transpose_lhs_hint = false} : vector<32x128xf32>, vector<128x64xf32>, vector<32x64xf32> -> vector<32x64xf32>
    %round3A = math.roundeven %dot_general3A_308 : vector<32x64xf32>
    %convert_element_type3A_309 = arith.fptosi %round3A : vector<32x64xf32> to vector<32x64xi32>
    %swap3A = arith.constant 0 : index
    %swap3A_310 = arith.constant 0 : index
    %swap3A_311 = vector.load %arg2[%swap3A, %swap3A_310] : memref<32x64xi32, #tpu.memory_space<vmem>>, vector<32x64xi32>
    tpu.vector_store %arg2[%swap3A, %swap3A_310], %convert_element_type3A_309 {strides = array<i32>} : memref<32x64xi32, #tpu.memory_space<vmem>>, vector<32x64xi32>,
    %dot_general3A_312 = arith.constant dense<0.000000e+00> : vector<32x64xf32>
    %dot_general3A_313 = tpu.matmul %add3A_289, %convert_element_type3A_306, %dot_general3A_312 {dimension_numbers = #tpu.dot_dimension_numbers<[1], [0], [0], [1], [0, 0, 1, 1], [], []>, precision = #tpu.contract_precision<fp32>, transpose_lhs_hint = false} : vector<32x128xf32>, vector<128x64xf32>, vector<32x64xf32> -> vector<32x64xf32>
    %round3A_314 = math.roundeven %dot_general3A_313 : vector<32x64xf32>
    %convert_element_type3A_315 = arith.fptosi %round3A_314 : vector<32x64xf32> to vector<32x64xi32>
    %swap3A_316 = arith.constant 0 : index
    %swap3A_317 = arith.constant 0 : index
    %swap3A_318 = vector.load %arg3[%swap3A_316, %swap3A_317] : memref<32x64xi32, #tpu.memory_space<vmem>>, vector<32x64xi32>
    tpu.vector_store %arg3[%swap3A_316, %swap3A_317], %convert_element_type3A_315 {strides = array<i32>} : memref<32x64xi32, #tpu.memory_space<vmem>>, vector<32x64xi32>,
    %div3A_319 = arith.constant 5.120000e+02 : f32
    %div3A_320 = arith.divf %add3A_221, %div3A_319 : f32
    %convert_element_type3A_321 = arith.fptosi %div3A_320 : f32 to i32
    %iota3A_322 = tpu.iota {dimensions = array<i32: 1>} : vector<1x32xi32>
    %broadcast_in_dim3A_323 = arith.constant -1 : i32
    %broadcast_in_dim3A_324 = vector.broadcast %broadcast_in_dim3A_323 : i32 to vector<1x32xi32>
    %sub3A = arith.constant 1 : i32
    %sub3A_325 = arith.subi %convert_element_type3A_321, %sub3A : i32
    %max3A = arith.constant 0 : i32
    %max3A_326 = arith.maxsi %sub3A_325, %max3A : i32
    %mul3A_327 = arith.constant 512 : i32
    %mul3A_328 = arith.muli %max3A_326, %mul3A_327 : i32
    %convert_element_type3A_329 = arith.sitofp %mul3A_328 : i32 to f32
    %mul3A_330 = arith.constant 512 : i32
    %mul3A_331 = vector.broadcast %mul3A_330 : i32 to vector<1x32xi32>
    %mul3A_332 = arith.muli %iota3A_322, %mul3A_331 : vector<1x32xi32>
    %convert_element_type3A_333 = arith.sitofp %mul3A_332 : vector<1x32xi32> to vector<1x32xf32>
    %ge3A = arith.constant 0.000000e+00 : f32
    %ge3A_334 = vector.broadcast %ge3A : f32 to vector<1x32xf32>
    %ge3A_335 = arith.cmpf oge, %convert_element_type3A_333, %ge3A_334 : vector<1x32xf32>
    %convert_element_type3A_336 = arith.extui %ge3A_335 : vector<1x32xi1> to vector<1x32xi32>
    %add3A_337 = arith.addi %broadcast_in_dim3A_324, %convert_element_type3A_336 : vector<1x32xi32>
    %ge3A_338 = arith.constant 0.000000e+00 : f32
    %ge3A_339 = arith.cmpf oge, %convert_element_type3A_329, %ge3A_338 : f32
    %convert_element_type3A_340 = arith.extui %ge3A_339 : i1 to i32
    %add3A_341 = arith.constant -1 : i32
    %add3A_342 = arith.addi %add3A_341, %convert_element_type3A_340 : i32
    %mul3A_343 = arith.constant 512 : i32
    %mul3A_344 = vector.broadcast %mul3A_343 : i32 to vector<1x32xi32>
    %mul3A_345 = arith.muli %iota3A_322, %mul3A_344 : vector<1x32xi32>
    %convert_element_type3A_346 = arith.sitofp %mul3A_345 : vector<1x32xi32> to vector<1x32xf32>
    %ge3A_347 = vector.broadcast %add3A_171 : f32 to vector<1x32xf32>
    %ge3A_348 = arith.cmpf oge, %convert_element_type3A_346, %ge3A_347 : vector<1x32xf32>
    %convert_element_type3A_349 = arith.extui %ge3A_348 : vector<1x32xi1> to vector<1x32xi32>
    %add3A_350 = arith.addi %add3A_337, %convert_element_type3A_349 : vector<1x32xi32>
    %ge3A_351 = arith.cmpf oge, %convert_element_type3A_329, %add3A_171 : f32
    %convert_element_type3A_352 = arith.extui %ge3A_351 : i1 to i32
    %add3A_353 = arith.addi %add3A_342, %convert_element_type3A_352 : i32
    %mul3A_354 = arith.constant 512 : i32
    %mul3A_355 = vector.broadcast %mul3A_354 : i32 to vector<1x32xi32>
    %mul3A_356 = arith.muli %iota3A_322, %mul3A_355 : vector<1x32xi32>
    %convert_element_type3A_357 = arith.sitofp %mul3A_356 : vector<1x32xi32> to vector<1x32xf32>
    %ge3A_358 = vector.broadcast %add3A_179 : f32 to vector<1x32xf32>
    %ge3A_359 = arith.cmpf oge, %convert_element_type3A_357, %ge3A_358 : vector<1x32xf32>
    %convert_element_type3A_360 = arith.extui %ge3A_359 : vector<1x32xi1> to vector<1x32xi32>
    %add3A_361 = arith.addi %add3A_350, %convert_element_type3A_360 : vector<1x32xi32>
    %ge3A_362 = arith.cmpf oge, %convert_element_type3A_329, %add3A_179 : f32
    %convert_element_type3A_363 = arith.extui %ge3A_362 : i1 to i32
    %add3A_364 = arith.addi %add3A_353, %convert_element_type3A_363 : i32
    %mul3A_365 = arith.constant 512 : i32
    %mul3A_366 = vector.broadcast %mul3A_365 : i32 to vector<1x32xi32>
    %mul3A_367 = arith.muli %iota3A_322, %mul3A_366 : vector<1x32xi32>
    %convert_element_type3A_368 = arith.sitofp %mul3A_367 : vector<1x32xi32> to vector<1x32xf32>
    %ge3A_369 = vector.broadcast %add3A_186 : f32 to vector<1x32xf32>
    %ge3A_370 = arith.cmpf oge, %convert_element_type3A_368, %ge3A_369 : vector<1x32xf32>
    %convert_element_type3A_371 = arith.extui %ge3A_370 : vector<1x32xi1> to vector<1x32xi32>
    %add3A_372 = arith.addi %add3A_361, %convert_element_type3A_371 : vector<1x32xi32>
    %ge3A_373 = arith.cmpf oge, %convert_element_type3A_329, %add3A_186 : f32
    %convert_element_type3A_374 = arith.extui %ge3A_373 : i1 to i32
    %add3A_375 = arith.addi %add3A_364, %convert_element_type3A_374 : i32
    %mul3A_376 = arith.constant 512 : i32
    %mul3A_377 = vector.broadcast %mul3A_376 : i32 to vector<1x32xi32>
    %mul3A_378 = arith.muli %iota3A_322, %mul3A_377 : vector<1x32xi32>
    %convert_element_type3A_379 = arith.sitofp %mul3A_378 : vector<1x32xi32> to vector<1x32xf32>
    %ge3A_380 = vector.broadcast %add3A_193 : f32 to vector<1x32xf32>
    %ge3A_381 = arith.cmpf oge, %convert_element_type3A_379, %ge3A_380 : vector<1x32xf32>
    %convert_element_type3A_382 = arith.extui %ge3A_381 : vector<1x32xi1> to vector<1x32xi32>
    %add3A_383 = arith.addi %add3A_372, %convert_element_type3A_382 : vector<1x32xi32>
    %ge3A_384 = arith.cmpf oge, %convert_element_type3A_329, %add3A_193 : f32
    %convert_element_type3A_385 = arith.extui %ge3A_384 : i1 to i32
    %add3A_386 = arith.addi %add3A_375, %convert_element_type3A_385 : i32
    %mul3A_387 = arith.constant 512 : i32
    %mul3A_388 = vector.broadcast %mul3A_387 : i32 to vector<1x32xi32>
    %mul3A_389 = arith.muli %iota3A_322, %mul3A_388 : vector<1x32xi32>
    %convert_element_type3A_390 = arith.sitofp %mul3A_389 : vector<1x32xi32> to vector<1x32xf32>
    %ge3A_391 = vector.broadcast %add3A_200 : f32 to vector<1x32xf32>
    %ge3A_392 = arith.cmpf oge, %convert_element_type3A_390, %ge3A_391 : vector<1x32xf32>
    %convert_element_type3A_393 = arith.extui %ge3A_392 : vector<1x32xi1> to vector<1x32xi32>
    %add3A_394 = arith.addi %add3A_383, %convert_element_type3A_393 : vector<1x32xi32>
    %ge3A_395 = arith.cmpf oge, %convert_element_type3A_329, %add3A_200 : f32
    %convert_element_type3A_396 = arith.extui %ge3A_395 : i1 to i32
    %add3A_397 = arith.addi %add3A_386, %convert_element_type3A_396 : i32
    %mul3A_398 = arith.constant 512 : i32
    %mul3A_399 = vector.broadcast %mul3A_398 : i32 to vector<1x32xi32>
    %mul3A_400 = arith.muli %iota3A_322, %mul3A_399 : vector<1x32xi32>
    %convert_element_type3A_401 = arith.sitofp %mul3A_400 : vector<1x32xi32> to vector<1x32xf32>
    %ge3A_402 = vector.broadcast %add3A_207 : f32 to vector<1x32xf32>
    %ge3A_403 = arith.cmpf oge, %convert_element_type3A_401, %ge3A_402 : vector<1x32xf32>
    %convert_element_type3A_404 = arith.extui %ge3A_403 : vector<1x32xi1> to vector<1x32xi32>
    %add3A_405 = arith.addi %add3A_394, %convert_element_type3A_404 : vector<1x32xi32>
    %ge3A_406 = arith.cmpf oge, %convert_element_type3A_329, %add3A_207 : f32
    %convert_element_type3A_407 = arith.extui %ge3A_406 : i1 to i32
    %add3A_408 = arith.addi %add3A_397, %convert_element_type3A_407 : i32
    %mul3A_409 = arith.constant 512 : i32
    %mul3A_410 = vector.broadcast %mul3A_409 : i32 to vector<1x32xi32>
    %mul3A_411 = arith.muli %iota3A_322, %mul3A_410 : vector<1x32xi32>
    %convert_element_type3A_412 = arith.sitofp %mul3A_411 : vector<1x32xi32> to vector<1x32xf32>
    %ge3A_413 = vector.broadcast %add3A_214 : f32 to vector<1x32xf32>
    %ge3A_414 = arith.cmpf oge, %convert_element_type3A_412, %ge3A_413 : vector<1x32xf32>
    %convert_element_type3A_415 = arith.extui %ge3A_414 : vector<1x32xi1> to vector<1x32xi32>
    %add3A_416 = arith.addi %add3A_405, %convert_element_type3A_415 : vector<1x32xi32>
    %ge3A_417 = arith.cmpf oge, %convert_element_type3A_329, %add3A_214 : f32
    %convert_element_type3A_418 = arith.extui %ge3A_417 : i1 to i32
    %add3A_419 = arith.addi %add3A_408, %convert_element_type3A_418 : i32
    %jit3A = arith.constant 0 : i32
    %jit3A_420 = arith.constant 7 : i32
    %max3A_421 = vector.broadcast %jit3A : i32 to vector<1x32xi32>
    %max3A_422 = arith.maxsi %max3A_421, %add3A_416 : vector<1x32xi32>
    %min3A = vector.broadcast %jit3A_420 : i32 to vector<1x32xi32>
    %min3A_423 = arith.minsi %min3A, %max3A_422 : vector<1x32xi32>
    %jit3A_424 = arith.constant 0 : i32
    %jit3A_425 = arith.constant 7 : i32
    %max3A_426 = arith.maxsi %jit3A_424, %add3A_419 : i32
    %min3A_427 = arith.minsi %jit3A_425, %max3A_426 : i32
    %lt3A_428 = vector.broadcast %convert_element_type3A_321 : i32 to vector<1x32xi32>
    %lt3A_429 = arith.cmpi slt, %iota3A_322, %lt3A_428 : vector<1x32xi32>
    %broadcast_in_dim3A_430 = vector.broadcast %min3A_427 : i32 to vector<1x32xi32>
    %select_n3A = arith.select %lt3A_429, %min3A_423, %broadcast_in_dim3A_430 : vector<1x32xi1>, vector<1x32xi32>
    %sub3A_431 = arith.constant 1 : i32
    %sub3A_432 = arith.subi %convert_element_type3A_321, %sub3A_431 : i32
    %max3A_433 = arith.constant 0 : i32
    %max3A_434 = arith.maxsi %sub3A_432, %max3A_433 : i32
    %min3A_435 = vector.broadcast %max3A_434 : i32 to vector<1x32xi32>
    %min3A_436 = arith.minsi %iota3A_322, %min3A_435 : vector<1x32xi32>
    %convert_element_type3A_437 = arith.extui %lt3A_429 : vector<1x32xi1> to vector<1x32xi32>
    %broadcast_in_dim3A_438 = arith.constant 0 : i32
    %broadcast_in_dim3A_439 = vector.broadcast %broadcast_in_dim3A_438 : i32 to vector<5x32xi32>
    %concatenate3A = tpu.concatenate %min3A_436, %select_n3A, %convert_element_type3A_437, %broadcast_in_dim3A_439 in 0 : vector<1x32xi32>, vector<1x32xi32>, vector<1x32xi32>, vector<5x32xi32> -> vector<8x32xi32>
    %swap3A_440 = arith.constant 0 : index
    %swap3A_441 = arith.constant 0 : index
    %swap3A_442 = vector.load %arg4[%swap3A_440, %swap3A_441] : memref<8x32xi32, #tpu.memory_space<vmem>>, vector<8x32xi32>
    tpu.vector_store %arg4[%swap3A_440, %swap3A_441], %concatenate3A {strides = array<i32>} : memref<8x32xi32, #tpu.memory_space<vmem>>, vector<8x32xi32>,
    return
  }
  func.func @transform_0(%arg0: i32) -> (i32, i32) {
    %c0_i32 = arith.constant 0 : i32
    %c0_i32_0 = arith.constant 0 : i32
    %c0_i32_1 = arith.constant 0 : i32
    return %c0_i32, %c0_i32_0 : i32, i32
  }
  func.func @transform_1(%arg0: i32) -> (i32, i32) {
    %c0_i32 = arith.constant 0 : i32
    %c0_i32_0 = arith.constant 0 : i32
    %c0_i32_1 = arith.constant 0 : i32
    return %c0_i32, %c0_i32_0 : i32, i32
  }
  func.func @transform_2(%arg0: i32) -> (i32, i32) {
    %c0_i32 = arith.constant 0 : i32
    %c0_i32_0 = arith.constant 0 : i32
    %c0_i32_1 = arith.constant 0 : i32
    return %c0_i32, %c0_i32_0 : i32, i32
  }
  func.func @transform_3(%arg0: i32) -> (i32, i32) {
    %c0_i32 = arith.constant 0 : i32
    %c0_i32_0 = arith.constant 0 : i32
    %c0_i32_1 = arith.constant 0 : i32
    return %c0_i32, %c0_i32_0 : i32, i32
  }
}

module attributes {stable_mosaic.version = 14 : i64} {
  func.func @_shared_body(%arg0: i32, %arg1: memref<1024x1024xf32, #tpu.memory_space<vmem>>, %arg2: memref<768x1024xf32, #tpu.memory_space<vmem>>, %arg3: memref<1024x768xf32, #tpu.memory_space<vmem>>, %arg4: memref<768x1024xf32, #tpu.memory_space<vmem>>, %arg5: memref<1024x1024xf32, #tpu.memory_space<vmem>>) attributes {dimension_semantics = [#tpu.dimension_semantics<arbitrary>], iteration_bounds = array<i64: 2>, scalar_prefetch = 0 : i64, scratch_operands = 0 : i64, tpu.core_type = #tpu.core_type<tc>, window_params = [{transform_indices = @transform_0, window_bounds = array<i64: 1024, 1024>}, {pipeline_mode = #tpu.pipeline_mode<synchronous>, transform_indices = @transform_1, window_bounds = array<i64: 768, 1024>}, {pipeline_mode = #tpu.pipeline_mode<synchronous>, transform_indices = @transform_2, window_bounds = array<i64: 1024, 768>}, {pipeline_mode = #tpu.pipeline_mode<synchronous>, transform_indices = @transform_3, window_bounds = array<i64: 768, 1024>}, {transform_indices = @transform_4, window_bounds = array<i64: 1024, 1024>}]} {
    %get3A = arith.constant 0 : index
    %get3A_0 = arith.constant 0 : index
    %get3A_1 = vector.load %arg1[%get3A, %get3A_0] : memref<1024x1024xf32, #tpu.memory_space<vmem>>, vector<1024x1024xf32>
    %convert_element_type3A = arith.truncf %get3A_1 : vector<1024x1024xf32> to vector<1024x1024xbf16>
    %get3A_2 = arith.constant 0 : index
    %get3A_3 = arith.constant 0 : index
    %get3A_4 = vector.load %arg2[%get3A_2, %get3A_3] : memref<768x1024xf32, #tpu.memory_space<vmem>>, vector<768x1024xf32>
    %convert_element_type3A_5 = arith.truncf %get3A_4 : vector<768x1024xf32> to vector<768x1024xbf16>
    %dot_general3A = arith.constant dense<0.000000e+00> : vector<1024x768xf32>
    %dot_general3A_6 = tpu.matmul %convert_element_type3A, %convert_element_type3A_5, %dot_general3A {dimension_numbers = #tpu.dot_dimension_numbers<[1], [1], [0], [0], [0, 0, 1, 0], [], []>, transpose_lhs_hint = false} : vector<1024x1024xbf16>, vector<768x1024xbf16>, vector<1024x768xf32> -> vector<1024x768xf32>
    %get3A_7 = arith.constant 0 : index
    %get3A_8 = arith.constant 0 : index
    %get3A_9 = vector.load %arg4[%get3A_7, %get3A_8] : memref<768x1024xf32, #tpu.memory_space<vmem>>, vector<768x1024xf32>
    %convert_element_type3A_10 = arith.truncf %get3A_9 : vector<768x1024xf32> to vector<768x1024xbf16>
    %dot_general3A_11 = arith.constant dense<0.000000e+00> : vector<1024x768xf32>
    %dot_general3A_12 = tpu.matmul %convert_element_type3A, %convert_element_type3A_10, %dot_general3A_11 {dimension_numbers = #tpu.dot_dimension_numbers<[1], [1], [0], [0], [0, 0, 1, 0], [], []>, transpose_lhs_hint = false} : vector<1024x1024xbf16>, vector<768x1024xbf16>, vector<1024x768xf32> -> vector<1024x768xf32>
    %logistic3A = arith.negf %dot_general3A_6 : vector<1024x768xf32>
    %logistic3A_13 = math.exp %logistic3A : vector<1024x768xf32>
    %logistic3A_14 = arith.constant 1.000000e+00 : f32
    %logistic3A_15 = vector.broadcast %logistic3A_14 : f32 to vector<1024x768xf32>
    %logistic3A_16 = arith.addf %logistic3A_15, %logistic3A_13 : vector<1024x768xf32>
    %logistic3A_17 = arith.divf %logistic3A_15, %logistic3A_16 : vector<1024x768xf32>
    %mul3A = arith.mulf %dot_general3A_6, %logistic3A_17 : vector<1024x768xf32>
    %mul3A_18 = arith.mulf %mul3A, %dot_general3A_12 : vector<1024x768xf32>
    %convert_element_type3A_19 = arith.truncf %mul3A_18 : vector<1024x768xf32> to vector<1024x768xbf16>
    %get3A_20 = arith.constant 0 : index
    %get3A_21 = arith.constant 0 : index
    %get3A_22 = vector.load %arg3[%get3A_20, %get3A_21] : memref<1024x768xf32, #tpu.memory_space<vmem>>, vector<1024x768xf32>
    %convert_element_type3A_23 = arith.truncf %get3A_22 : vector<1024x768xf32> to vector<1024x768xbf16>
    %dot_general3A_24 = arith.constant dense<0.000000e+00> : vector<1024x1024xf32>
    %dot_general3A_25 = tpu.matmul %convert_element_type3A_19, %convert_element_type3A_23, %dot_general3A_24 {dimension_numbers = #tpu.dot_dimension_numbers<[1], [1], [0], [0], [0, 0, 1, 0], [], []>, transpose_lhs_hint = false} : vector<1024x768xbf16>, vector<1024x768xbf16>, vector<1024x1024xf32> -> vector<1024x1024xf32>
    %swap3A = arith.constant 0 : index
    %swap3A_26 = arith.constant 0 : index
    %swap3A_27 = vector.load %arg5[%swap3A, %swap3A_26] : memref<1024x1024xf32, #tpu.memory_space<vmem>>, vector<1024x1024xf32>
    tpu.vector_store %arg5[%swap3A, %swap3A_26], %dot_general3A_25 {strides = array<i32>} : memref<1024x1024xf32, #tpu.memory_space<vmem>>, vector<1024x1024xf32>,
    return
  }
  func.func @transform_0(%arg0: i32) -> (i32, i32) {
    %c0_i32 = arith.constant 0 : i32
    %c0_i32_0 = arith.constant 0 : i32
    return %arg0, %c0_i32 : i32, i32
  }
  func.func @transform_1(%arg0: i32) -> (i32, i32) {
    %c0_i32 = arith.constant 0 : i32
    %c0_i32_0 = arith.constant 0 : i32
    %c0_i32_1 = arith.constant 0 : i32
    return %c0_i32, %c0_i32_0 : i32, i32
  }
  func.func @transform_2(%arg0: i32) -> (i32, i32) {
    %c0_i32 = arith.constant 0 : i32
    %c0_i32_0 = arith.constant 0 : i32
    %c0_i32_1 = arith.constant 0 : i32
    return %c0_i32, %c0_i32_0 : i32, i32
  }
  func.func @transform_3(%arg0: i32) -> (i32, i32) {
    %c0_i32 = arith.constant 0 : i32
    %c0_i32_0 = arith.constant 0 : i32
    %c0_i32_1 = arith.constant 0 : i32
    return %c0_i32, %c0_i32_0 : i32, i32
  }
  func.func @transform_4(%arg0: i32) -> (i32, i32) {
    %c0_i32 = arith.constant 0 : i32
    %c0_i32_0 = arith.constant 0 : i32
    return %arg0, %c0_i32 : i32, i32
  }
}

module attributes {stable_mosaic.version = 14 : i64} {
  func.func @_grouped_gemm_body(%arg0: i32, %arg1: memref<16xi32, #tpu.memory_space<smem>>, %arg2: memref<16xi32, #tpu.memory_space<smem>>, %arg3: memref<16xi32, #tpu.memory_space<smem>>, %arg4: memref<512x1024xf32, #tpu.memory_space<vmem>>, %arg5: memref<1x768x1024xf32, #tpu.memory_space<vmem>>, %arg6: memref<1x1024x768xf32, #tpu.memory_space<vmem>>, %arg7: memref<1x768x1024xf32, #tpu.memory_space<vmem>>, %arg8: memref<512x1024xf32, #tpu.memory_space<vmem>>) attributes {dimension_semantics = [#tpu.dimension_semantics<arbitrary>], iteration_bounds = array<i64: 16>, scalar_prefetch = 3 : i64, scratch_operands = 0 : i64, tpu.core_type = #tpu.core_type<tc>, window_params = [{transform_indices = @transform_0, window_bounds = array<i64: 512, 1024>}, {transform_indices = @transform_1, window_bounds = array<i64: 1, 768, 1024>}, {transform_indices = @transform_2, window_bounds = array<i64: 1, 1024, 768>}, {transform_indices = @transform_3, window_bounds = array<i64: 1, 768, 1024>}, {transform_indices = @transform_4, window_bounds = array<i64: 512, 1024>}]} {
    %get3A = arith.index_cast %arg0 : i32 to index
    %get3A_0 = memref.load %arg3[%get3A] : memref<16xi32, #tpu.memory_space<smem>>
    %eq3A = arith.constant 1 : i32
    %eq3A_1 = arith.cmpi eq, %get3A_0, %eq3A : i32
    %convert_element_type3A = arith.extui %eq3A_1 : i1 to i32
    %cond3A = arith.constant 0 : i32
    %cond3A_2 = arith.cmpi ne, %convert_element_type3A, %cond3A : i32
    scf.if %cond3A_2 {
      %get3A_10 = arith.constant 0 : index
      %get3A_11 = arith.constant 0 : index
      %get3A_12 = vector.load %arg4[%get3A_10, %get3A_11] : memref<512x1024xf32, #tpu.memory_space<vmem>>, vector<512x1024xf32>
      %convert_element_type3A_13 = arith.truncf %get3A_12 : vector<512x1024xf32> to vector<512x1024xbf16>
      %get3A_14 = arith.constant 0 : index
      %get3A_15 = arith.constant 0 : index
      %get3A_16 = arith.constant 0 : index
      %get3A_17 = vector.load %arg5[%get3A_14, %get3A_15, %get3A_16] : memref<1x768x1024xf32, #tpu.memory_space<vmem>>, vector<1x768x1024xf32>
      %get3A_18 = vector.shape_cast %get3A_17 : vector<1x768x1024xf32> to vector<768x1024xf32>
      %convert_element_type3A_19 = arith.truncf %get3A_18 : vector<768x1024xf32> to vector<768x1024xbf16>
      %dot_general3A = arith.constant dense<0.000000e+00> : vector<512x768xf32>
      %dot_general3A_20 = tpu.matmul %convert_element_type3A_13, %convert_element_type3A_19, %dot_general3A {dimension_numbers = #tpu.dot_dimension_numbers<[1], [1], [0], [0], [0, 0, 1, 0], [], []>, transpose_lhs_hint = false} : vector<512x1024xbf16>, vector<768x1024xbf16>, vector<512x768xf32> -> vector<512x768xf32>
      %get3A_21 = arith.constant 0 : index
      %get3A_22 = arith.constant 0 : index
      %get3A_23 = arith.constant 0 : index
      %get3A_24 = vector.load %arg7[%get3A_21, %get3A_22, %get3A_23] : memref<1x768x1024xf32, #tpu.memory_space<vmem>>, vector<1x768x1024xf32>
      %get3A_25 = vector.shape_cast %get3A_24 : vector<1x768x1024xf32> to vector<768x1024xf32>
      %convert_element_type3A_26 = arith.truncf %get3A_25 : vector<768x1024xf32> to vector<768x1024xbf16>
      %dot_general3A_27 = arith.constant dense<0.000000e+00> : vector<512x768xf32>
      %dot_general3A_28 = tpu.matmul %convert_element_type3A_13, %convert_element_type3A_26, %dot_general3A_27 {dimension_numbers = #tpu.dot_dimension_numbers<[1], [1], [0], [0], [0, 0, 1, 0], [], []>, transpose_lhs_hint = false} : vector<512x1024xbf16>, vector<768x1024xbf16>, vector<512x768xf32> -> vector<512x768xf32>
      %logistic3A = arith.negf %dot_general3A_20 : vector<512x768xf32>
      %logistic3A_29 = math.exp %logistic3A : vector<512x768xf32>
      %logistic3A_30 = arith.constant 1.000000e+00 : f32
      %logistic3A_31 = vector.broadcast %logistic3A_30 : f32 to vector<512x768xf32>
      %logistic3A_32 = arith.addf %logistic3A_31, %logistic3A_29 : vector<512x768xf32>
      %logistic3A_33 = arith.divf %logistic3A_31, %logistic3A_32 : vector<512x768xf32>
      %mul3A = arith.mulf %dot_general3A_20, %logistic3A_33 : vector<512x768xf32>
      %mul3A_34 = arith.mulf %mul3A, %dot_general3A_28 : vector<512x768xf32>
      %convert_element_type3A_35 = arith.truncf %mul3A_34 : vector<512x768xf32> to vector<512x768xbf16>
      %get3A_36 = arith.constant 0 : index
      %get3A_37 = arith.constant 0 : index
      %get3A_38 = arith.constant 0 : index
      %get3A_39 = vector.load %arg6[%get3A_36, %get3A_37, %get3A_38] : memref<1x1024x768xf32, #tpu.memory_space<vmem>>, vector<1x1024x768xf32>
      %get3A_40 = vector.shape_cast %get3A_39 : vector<1x1024x768xf32> to vector<1024x768xf32>
      %convert_element_type3A_41 = arith.truncf %get3A_40 : vector<1024x768xf32> to vector<1024x768xbf16>
      %dot_general3A_42 = arith.constant dense<0.000000e+00> : vector<512x1024xf32>
      %dot_general3A_43 = tpu.matmul %convert_element_type3A_35, %convert_element_type3A_41, %dot_general3A_42 {dimension_numbers = #tpu.dot_dimension_numbers<[1], [1], [0], [0], [0, 0, 1, 0], [], []>, transpose_lhs_hint = false} : vector<512x768xbf16>, vector<1024x768xbf16>, vector<512x1024xf32> -> vector<512x1024xf32>
      %swap3A = arith.constant 0 : index
      %swap3A_44 = arith.constant 0 : index
      %swap3A_45 = vector.load %arg8[%swap3A, %swap3A_44] : memref<512x1024xf32, #tpu.memory_space<vmem>>, vector<512x1024xf32>
      tpu.vector_store %arg8[%swap3A, %swap3A_44], %dot_general3A_43 {strides = array<i32>} : memref<512x1024xf32, #tpu.memory_space<vmem>>, vector<512x1024xf32>,
    } else {
    }
    %get3A_3 = arith.index_cast %arg0 : i32 to index
    %get3A_4 = memref.load %arg3[%get3A_3] : memref<16xi32, #tpu.memory_space<smem>>
    %eq3A_5 = arith.constant 0 : i32
    %eq3A_6 = arith.cmpi eq, %get3A_4, %eq3A_5 : i32
    %convert_element_type3A_7 = arith.extui %eq3A_6 : i1 to i32
    %cond3A_8 = arith.constant 0 : i32
    %cond3A_9 = arith.cmpi ne, %convert_element_type3A_7, %cond3A_8 : i32
    scf.if %cond3A_9 {
      %broadcast_in_dim3A = arith.constant 0.000000e+00 : f32
      %broadcast_in_dim3A_10 = vector.broadcast %broadcast_in_dim3A : f32 to vector<512x1024xf32>
      %swap3A = arith.constant 0 : index
      %swap3A_11 = arith.constant 0 : index
      %swap3A_12 = vector.load %arg8[%swap3A, %swap3A_11] : memref<512x1024xf32, #tpu.memory_space<vmem>>, vector<512x1024xf32>
      tpu.vector_store %arg8[%swap3A, %swap3A_11], %broadcast_in_dim3A_10 {strides = array<i32>} : memref<512x1024xf32, #tpu.memory_space<vmem>>, vector<512x1024xf32>,
    } else {
    }
    return
  }
  func.func @transform_0(%arg0: i32, %arg1: memref<16xi32, #tpu.memory_space<smem>>, %arg2: memref<16xi32, #tpu.memory_space<smem>>, %arg3: memref<16xi32, #tpu.memory_space<smem>>) -> (i32, i32) {
    %get3A = arith.index_cast %arg0 : i32 to index
    %get3A_0 = memref.load %arg1[%get3A] : memref<16xi32, #tpu.memory_space<smem>>
    %c0_i32 = arith.constant 0 : i32
    %c0_i32_1 = arith.constant 0 : i32
    return %get3A_0, %c0_i32 : i32, i32
  }
  func.func @transform_1(%arg0: i32, %arg1: memref<16xi32, #tpu.memory_space<smem>>, %arg2: memref<16xi32, #tpu.memory_space<smem>>, %arg3: memref<16xi32, #tpu.memory_space<smem>>) -> (i32, i32, i32) {
    %get3A = arith.index_cast %arg0 : i32 to index
    %get3A_0 = memref.load %arg2[%get3A] : memref<16xi32, #tpu.memory_space<smem>>
    %c0_i32 = arith.constant 0 : i32
    %c0_i32_1 = arith.constant 0 : i32
    %c0_i32_2 = arith.constant 0 : i32
    return %get3A_0, %c0_i32, %c0_i32_1 : i32, i32, i32
  }
  func.func @transform_2(%arg0: i32, %arg1: memref<16xi32, #tpu.memory_space<smem>>, %arg2: memref<16xi32, #tpu.memory_space<smem>>, %arg3: memref<16xi32, #tpu.memory_space<smem>>) -> (i32, i32, i32) {
    %get3A = arith.index_cast %arg0 : i32 to index
    %get3A_0 = memref.load %arg2[%get3A] : memref<16xi32, #tpu.memory_space<smem>>
    %c0_i32 = arith.constant 0 : i32
    %c0_i32_1 = arith.constant 0 : i32
    %c0_i32_2 = arith.constant 0 : i32
    return %get3A_0, %c0_i32, %c0_i32_1 : i32, i32, i32
  }
  func.func @transform_3(%arg0: i32, %arg1: memref<16xi32, #tpu.memory_space<smem>>, %arg2: memref<16xi32, #tpu.memory_space<smem>>, %arg3: memref<16xi32, #tpu.memory_space<smem>>) -> (i32, i32, i32) {
    %get3A = arith.index_cast %arg0 : i32 to index
    %get3A_0 = memref.load %arg2[%get3A] : memref<16xi32, #tpu.memory_space<smem>>
    %c0_i32 = arith.constant 0 : i32
    %c0_i32_1 = arith.constant 0 : i32
    %c0_i32_2 = arith.constant 0 : i32
    return %get3A_0, %c0_i32, %c0_i32_1 : i32, i32, i32
  }
  func.func @transform_4(%arg0: i32, %arg1: memref<16xi32, #tpu.memory_space<smem>>, %arg2: memref<16xi32, #tpu.memory_space<smem>>, %arg3: memref<16xi32, #tpu.memory_space<smem>>) -> (i32, i32) {
    %c0_i32 = arith.constant 0 : i32
    %c0_i32_0 = arith.constant 0 : i32
    return %arg0, %c0_i32 : i32, i32
  }
}

</mosaic_0001>

<sc_bundles>
// kernel: kernel.11.cloned.1.call-start
scs
__scs_entry_jumppad:
0x0: {  	(pc) =	sbr.rel $0x88, $3  }
0x1: {  	(tag) =	ssettag $0x0;
	lr =	simm.s32 $0x1  }
0x2: {  	[smem:$0x3F98] =	sst lr;
	_ =	strace $0xD0000000  }
0x3: {  	_ = 	snop  }
0x4: {  	_ = 	snop  }
0x5: {  	_ = 	snop  }
0x6: {  	_ = 	snop  }
0x7: {  	_ = 	snop  }
__scs_overlays_trampoline_lowered:
0x8: {  	[smem:$0x3FA7] =	sst s0  }
0x9: {  	[smem:$0x3FA8] =	sst s1  }
0xa: {  	[smem:$0x3FA9] =	sst s2  }
0xb: {  	[smem:$0x3FAA] =	sst s3  }
0xc: {  	[smem:$0x3FAB] =	sst s4  }
0xd: {  	[smem:$0x3FAC] =	sst s5  }
0xe: {  	[smem:$0x3FAD] =	sst s6  }
0xf: {  	[smem:$0x3FAE] =	sst s7  }
0x10: {  	[smem:$0x3FAF] =	sst s8  }
0x11: {  	[smem:$0x3FB0] =	sst s9;
	s0 =	simm.s32 @!p0 $0x0  }
0x12: {  	s1 =	sld [smem:$0x3F96];
	s0 =	simm.s32 @p0 $0x1  }
0x13: {  	[smem:$0x3FB1] =	sst s0;
	s0 =	simm.s32 @!p1 $0x0  }
0x14: {  	s2 =	sld [smem:$0x3F95];
	s0 =	simm.s32 @p1 $0x1  }
0x15: {  	[smem:$0x3FB2] =	sst s0;
	s0 =	simm.s32 @!p2 $0x0  }
0x16: {  	s3 =	sld [smem:$0x3FDB];
	s0 =	simm.s32 @p2 $0x1  }
0x17: {  	s4 =	simm.s32 $0x1BF5;
	[smem:$0x3FB4] =	sst s0  }
0x18: {  	s0 =	sld [smem:$0x3F97];
	_ =	swait.ge [sflag:s4], $0x0  }
0x19: {  	s7 =	sld [smem:$0x3F98]  }
0x1a: {  	s8 =	sadd.s32 $0xFFFFE003, lr  }
0x1b: {  	s9 =	sadd.s32 $0xFFFFFEF7, lr;
	s5 =	simm.s32 $0xFFFFFFFF;
	p2 =	slt.u32 s8, $0xFFFFF086  }
0x1c: {  	p1 =	slt.u32 s9, $0xF7A;
	s5 =	simm.s32 @!p2 $0x0  }
0x1d: {  	s5 =	simm.s32 @p1 $0x1;
	p0 =	seq.s32 s7, s2  }
0x1e: {  	s7 =	smul.u32 @!p0 $0xF7A, s2;
	p2 =	seq.s32 @!p0 s5, $0x0  }
0x1f: {  	s9 =	smul.u32 $0xF7A, s1;
	s8 =	simm.s32 @!p0 $0x1BF5;
	p2 =	por !p2, p0  }
0x20: {  	[sflag:s8] =	ssyncset.s32 @!p0 $0xFFFFF086;
	s6 =	sadd.s32 @!p0 s3, s7;
	s7 =	simm.s32 @!p0 $0x108  }
0x21: {  	s3 =	sadd.s32 s3, s9;
	s6 =	sadd.s32 @!p0 $0x88, s6;
	s7 =	simm.s32 @p2 $0x1082  }
0x22: {  	[simem:s7], [sflag:s8] =	dma.local @!p0 [hbm:s6], $0xF7A  }
0x23: {  	s9 =	sor.u32 $0xD0000000, s2;
	s6 =	simm.s32 $0x108;
	_ =	swait.ge @!p0 [sflag:s8], $0x0  }
0x24: {  	s3 =	sadd.s32 $0x88, s3;
	s6 =	simm.s32 @!p1 $0x1082;
	[sflag:s4] =	ssyncset.s32 $0xFFFFF086  }
0x25: {  	[simem:s6], [sflag:s4] =	dma.local [hbm:s3], $0xF7A  }
0x26: {  	[smem:$0x3F98] =	sst s1;
	(tag) =	ssettag s2;
	_ =	strace s9  }
0x27: {  	s1 =	sld [smem:$0x3FA8]  }
0x28: {  	s2 =	sld [smem:$0x3FA9]  }
0x29: {  	s4 =	sld [smem:$0x3FAB]  }
0x2a: {  	p0 =	seq.s32 s5, $0x0;
	s5 =	sld [smem:$0x3FAC]  }
0x2b: {  	s6 =	sld [smem:$0x3FAD]  }
0x2c: {  	s7 =	sld [smem:$0x3FAE]  }
0x2d: {  	s3 =	simm.s32 $0x108;
	s8 =	sld [smem:$0x3FAF]  }
0x2e: {  	s3 =	simm.s32 @!p0 $0x1082;
	s9 =	sld [smem:$0x3FB0]  }
0x2f: {  	lr =	sadd.s32 s0, s3;
	s0 =	sld [smem:$0x3FA7]  }
0x30: {  	s3 =	sld [smem:$0x3FAA]  }
0x31: {  	[smem:$0x3FB3] =	sst s10  }
0x32: {  	s10 =	sld [smem:$0x3FB1];
	_ =	sdelay $0x3  }
0x33: {  	p0 =	seq.s32 s10, $0x1;
	s10 =	sld [smem:$0x3FB3];
	_ =	sdelay $0x3  }
0x34: {  	[smem:$0x3FB3] =	sst s10  }
0x35: {  	s10 =	sld [smem:$0x3FB2];
	_ =	sdelay $0x3  }
0x36: {  	p1 =	seq.s32 s10, $0x1;
	s10 =	sld [smem:$0x3FB3];
	_ =	sdelay $0x3  }
0x37: {  	[smem:$0x3FB3] =	sst s10  }
0x38: {  	s10 =	sld [smem:$0x3FB4]  }
0x39: {  	_ = 	snop;
	(pc) =	sbr.ind lr, $3  }
0x3a: {  	_ = 	snop  }
0x3b: {  	_ = 	snop  }
0x3c: {  	p2 =	seq.s32 s10, $0x1;
	s10 =	sld [smem:$0x3FB3]  }
0x3d: {  	_ =	shalt  }
0x3e: {  	_ =	shalt  }
0x3f: {  	_ =	shalt  }
0x40: {  	_ =	shalt  }
0x41: {  	_ =	shalt  }
0x42: {  	_ =	shalt  }
0x43: {  	_ =	shalt  }
0x44: {  	_ =	shalt  }
0x45: {  	_ =	shalt  }
0x46: {  	_ =	shalt  }
0x47: {  	_ =	shalt  }
0x48: {  	_ =	shalt  }
0x49: {  	_ =	shalt  }
0x4a: {  	_ =	shalt  }
0x4b: {  	_ =	shalt  }
0x4c: {  	_ =	shalt  }
0x4d: {  	_ =	shalt  }
0x4e: {  	_ =	shalt  }
0x4f: {  	_ =	shalt  }
0x50: {  	_ =	shalt  }
0x51: {  	_ =	shalt  }
0x52: {  	_ =	shalt  }
0x53: {  	_ =	shalt  }
0x54: {  	_ =	shalt  }
0x55: {  	_ =	shalt  }
0x56: {  	_ =	shalt  }
0x57: {  	_ =	shalt  }
0x58: {  	_ =	shalt  }
0x59: {  	_ =	shalt  }
0x5a: {  	_ =	shalt  }
0x5b: {  	_ =	shalt  }
0x5c: {  	_ =	shalt  }
0x5d: {  	_ =	shalt  }
0x5e: {  	_ =	shalt  }
0x5f: {  	_ =	shalt  }
0x60: {  	_ =	shalt  }
0x61: {  	_ =	shalt  }
0x62: {  	_ =	shalt  }
0x63: {  	_ =	shalt  }
0x64: {  	_ =	shalt  }
0x65: {  	_ =	shalt  }
0x66: {  	_ =	shalt  }
0x67: {  	_ =	shalt  }
0x68: {  	_ =	shalt  }
0x69: {  	_ =	shalt  }
0x6a: {  	_ =	shalt  }
0x6b: {  	_ =	shalt  }
0x6c: {  	_ =	shalt  }
0x6d: {  	_ =	shalt  }
0x6e: {  	_ =	shalt  }
0x6f: {  	_ =	shalt  }
0x70: {  	_ =	shalt  }
0x71: {  	_ =	shalt  }
0x72: {  	_ =	shalt  }
0x73: {  	_ =	shalt  }
0x74: {  	_ =	shalt  }
0x75: {  	_ =	shalt  }
0x76: {  	_ =	shalt  }
0x77: {  	_ =	shalt  }
0x78: {  	_ =	shalt  }
0x79: {  	_ =	shalt  }
0x7a: {  	_ =	shalt  }
0x7b: {  	_ =	shalt  }
0x7c: {  	_ =	shalt  }
0x7d: {  	_ =	shalt  }
0x7e: {  	_ =	shalt  }
0x7f: {  	_ =	shalt  }
0x80: {  	_ =	shalt  }
0x81: {  	_ =	shalt  }
0x82: {  	_ =	shalt  }
0x83: {  	_ =	shalt  }
0x84: {  	_ =	shalt  }
0x85: {  	_ =	shalt  }
0x86: {  	_ =	shalt  }
0x87: {  	_ =	shalt  }
.Lfunc_end0:
.L_simem_size_0:
called_computation.1_lowered:
.L_overlay_start_0:
0x88: {  	s2 =	sld [smem:$0x3FD9]  }
0x89: {  	s3 =	sld [smem:$0x3FFE];
	_ =	sdelay $0x1  }
0x8a: {  	s1 =	srdreg.scid  }
0x8b: {  	s0 =	sand.u32 $0x1, s1  }
0x8c: {  	s17 =	sshll.u32 s0, $0xA;
	s2 =	sadd.s32 s3, s2  }
0x8d: {  	s2 =	sadd.s32 s2, s17  }
0x8e: {  	[smem:$0x3FBF] =	sst s2  }
0x8f: {  	_ = 	snop  }
0x90: {  	s2 =	sld [smem:$0x3FD0];
	(tm) =	ssettm $0x1  }
0x91: {  	s18 =	sld [smem:$0x3FFB];
	_ =	sdelay $0x3  }
0x92: {  	_ =	strace s18  }
0x93: {  	s3 =	sld [smem:$0x3FFC];
	_ =	sdelay $0x3  }
0x94: {  	_ =	strace s3  }
0x95: {  	s3 =	sld [smem:$0x3FFD];
	_ =	sdelay $0x3  }
0x96: {  	_ =	strace s3  }
0x97: {  	_ =	strace $0x8FFFFFFF  }
0x98: {  	s19 =	sld [smem:$0x3FDB];
	_ =	sdelay $0x1  }
0x99: {  	s4 =	simm.s32 $_scs_section_size  }
0x9a: {  	s5 =	simm.s32 $_size__tile_overlayer_lowered;
	s6 =	simm.s32 $_tile_overlayer_lowered  }
0x9b: {  	s22 =	simm.s32 $0x1BFF;
	s21 =	sshll.u32 s6, $0x1;
	s3 =	sadd.s32 s4, s19  }
0x9c: {  	s7 =	simm.s32 $0x0;
	s20 =	sshll.u32 s5, $0x1;
	s5 =	sadd.s32 s21, s3  }
0x9d: {  	[timem:s7], [sflag:s22] =	dma.local [hbm:s5], s20  }
0x9e: {  	_ =	swait.ge [sflag:s22], s20  }
0x9f: {  	s4 =	ssub.s32 $0x0, s20;
	[sflag:s22] =	ssyncset.done $0x0  }
0xa0: {  	[sflag:s22] =	ssyncadd.s32 s4;
	_ =	sdelay $0x1  }
0xa1: {  	s23 =	simm.s32 $0x1B8B  }
0xa2: {  	_ =	swait.ge [sflag:s23], $0x1  }
0xa3: {  	[sflag:s23] =	ssyncset.done $0x0  }
0xa4: {  	s25 =	simm.s32 $0x1B8E;
	s24 =	sld [smem:$0x3FFE];
	[sflag:s23] =	ssyncadd.s32 $0xFFFFFFFF  }
0xa5: {  	s26 =	simm.s32 $execute0_lowered;
	[smem:$0x3FD2] =	sst s25  }
0xa6: {  	s5 =	sshll.u32 s26, $0x1;
	_ =	strace $0x80000049;
	[dreg:$0x1] =	wrdreg $0xFFFFFFFF  }
0xa7: {  	s28 =	simm.s32 $_size_execute0_lowered;
	s3 =	sadd.s32 s3, s5;
	[dreg:$0x0] =	wrdreg $0x0  }
0xa8: {  	s5 =	sshll.u32 s28, $0x1;
	[dreg:$0x2] =	wrdreg s3  }
0xa9: {  	[dreg:$0x3] =	wrdreg s5  }
0xaa: {  	[dreg:$0x4] =	wrdreg $0xC0  }
0xab: {  	_ =	task [dreg:s7], $0x5FFFF  }
0xac: {  	[dreg:$0x1] =	wrdreg $0xFFFFFFFF  }
0xad: {  	[dreg:$0x0] =	wrdreg $0x60  }
0xae: {  	[dreg:$0x2] =	wrdreg s24  }
0xaf: {  	[dreg:$0x3] =	wrdreg s2  }
0xb0: {  	[dreg:$0x4] =	wrdreg $0x9  }
0xb1: {  	_ =	task.clear_ibuf [dreg:s7], $0x5FFFF;
	_ =	strace $0x90000049  }
0xb2: {  	s29 =	simm.s32 $0x9;
	_ =	strace $0x8000004B  }
0xb3: {  	_ =	swait.ge [sflag:s29], $0x1  }
0xb4: {  	[sflag:s29] =	ssyncadd.s32 $0xFFFFFFFF  }
0xb5: {  	_ =	strace $0x9000004B  }
0xb6: {  	_ =	sfence  }
0xb7: {  	s30 =	sld [smem:$0x0];
	_ =	sdelay $0x2  }
0xb8: {  	s31 =	sshll.u32 s1, $0xD;
	s1 =	sshrl.u32 s1, $0x2  }
0xb9: {  	s3 =	sand.u32 $0x4000, s31;
	s1 =	sadd.s32 s1, s30  }
0xba: {  	s0 =	sor.u32 s3, s0;
	s1 =	sshll.u32 s1, $0x11  }
0xbb: {  	s0 =	sor.u32 s1, s0  }
0xbc: {  	s0 =	sadd.s32 $0x8F2B, s0  }
0xbd: {  	[sflag:s0] =	ssyncadd.remote.s32 $0x1  }
0xbe: {  	_ =	sfence.sel $0xFFFF  }
0xbf: {  	[dreg:$0x0] =	wrdreg $0xFFFFFFFF;
	(pc) =	sbr.abs _section_cstart, $3  }
0xc0: {  	[dreg:$0x1] =	wrdreg $0xFFFFFFFF  }
0xc1: {  	_ =	task.clear_ibuf [dreg:s7], $0x2FFFF;
	_ =	strace $0x9FFFFFFF  }
0xc2: {  	(tm) =	ssettm $0x7FFFFFFF  }
0xc3: {  	_ =	shalt  }
tec
execute0_lowered:
.L_overlay_start_1:
0x0: {  	(tag) =	ssettag $0x1  }
0x1: {  	s0 =	rddreg [dreg:$0x0];
	s2 =	srdreg.scid  }
0x2: {  	s1 =	rddreg [dreg:$0x1];
	s5 =	stileid.u32;
	s2 =	sand.u32 $0x1, s2  }
0x3: {  	s28 =	simm.s32 $0x0;
	s5 =	sshll.u32 s5, $0x7;
	s6 =	sshll.u32 s2, $0x6  }
0x4: {  	s3 =	sadd.s32 $0x1E00, s0;
	s4 =	sadd.s32 $0x2000, s0;
	s5 =	sor.u32 s6, s5  }
0x5: {  	s7 =	sadd.s32 $0x142400, s0;
	s2 =	ssub.s32 $0x2, s2;
	s9 =	sshrl.u32 s5, $0x3  }
0x6: {  	s16 =	sadd.s32 $0x142200, s0;
	s8 =	sshrl.u32 s2, $0x1;
	s17 =	sadd.s32 s3, s9  }
0x7: {  	s2 =	ssub.s32 s2, s8;
	s10 =	sadd.s32 s4, s9;
	[dreg:$0x3] =	wrdreg s17  }
0x8: {  	s8 =	sor.u32 $0x10, s5;
	s18 =	sadd.s32 s7, s9;
	[dreg:$0x4] =	wrdreg s10  }
0x9: {  	s19 =	sshrl.u32 s8, $0x3;
	s9 =	sadd.s32 s16, s9;
	[dreg:$0x5] =	wrdreg s18  }
0xa: {  	s29 =	sadd.s32 $0x142700, s0;
	[dreg:$0x6] =	wrdreg s9;
	s20 =	sadd.s32 s3, s19  }
0xb: {  	s30 =	sadd.s32 $0x142800, s0;
	s11 =	sadd.s32 s4, s19;
	[dreg:$0x7] =	wrdreg s20  }
0xc: {  	s24 =	sor.u32 $0x30, s5;
	s21 =	sadd.s32 s7, s19;
	[dreg:$0x8] =	wrdreg s11  }
0xd: {  	s26 =	sshrl.u32 s24, $0x3;
	s10 =	sadd.s32 s16, s19;
	[dreg:$0x9] =	wrdreg s21  }
0xe: {  	s31 =	sadd.s32 $0x142900, s0;
	s13 =	sadd.s32 s4, s26;
	[dreg:$0xa] =	wrdreg s10  }
0xf: {  	s6 =	simm.s32 $0x280;
	s14 =	sadd.s32 s7, s26;
	[dreg:$0x10] =	wrdreg s13  }
0x10: {  	s9 =	sor.u32 $0x20, s5;
	s15 =	sadd.s32 s16, s26;
	[dreg:$0x11] =	wrdreg s14  }
0x11: {  	s18 =	simm.s32 $0x0;
	s17 =	sadd.s32 $0x102200, s0;
	[dreg:$0x12] =	wrdreg s15  }
0x12: {  	s19 =	sshll.u32 s8, $0x7;
	s22 =	sshrl.u32 s9, $0x3;
	[smem:$0x7FF] =	sst s18  }
0x13: {  	s21 =	sshll.u32 s9, $0x7;
	s13 =	simm.s32 $0xBB00;
	s23 =	sadd.s32 s3, s22  }
0x14: {  	s14 =	simm.s32 $0xD300;
	s12 =	sadd.s32 s4, s22;
	[dreg:$0xb] =	wrdreg s23  }
0x15: {  	s15 =	simm.s32 $0xF300;
	s25 =	sadd.s32 s7, s22;
	[dreg:$0xc] =	wrdreg s12  }
0x16: {  	s11 =	sadd.s32 s16, s22;
	s3 =	sadd.s32 s3, s26;
	[dreg:$0xd] =	wrdreg s25  }
0x17: {  	s16 =	sshll.u32 s5, $0x7;
	s22 =	sadd.s32 s17, s19;
	[dreg:$0xe] =	wrdreg s11  }
0x18: {  	s5 =	sadd.s32 s1, s19;
	[dreg:$0xf] =	wrdreg s3;
	s20 =	sadd.s32 s17, s16  }
0x19: {  	s3 =	sadd.s32 s1, s16;
	_ =	strace $0x8000004A;
	[dreg:$0x13] =	wrdreg s20  }
0x1a: {  	s26 =	sadd.s32 $0x142600, s0;
	s19 =	simm.s32 $0xB300;
	[dreg:$0x14] =	wrdreg s3  }
0x1b: {  	s7 =	simm.s32 $0x3;
	s23 =	sshll.u32 s24, $0x7;
	[dreg:$0x15] =	wrdreg s22  }
0x1c: {  	s24 =	sadd.s32 s17, s21;
	s25 =	smax.u32 s2, $0x1;
	[dreg:$0x16] =	wrdreg s5  }
0x1d: {  	s2 =	simm.s32 $0xAB00;
	s16 =	simm.s32 $0x14300;
	[dreg:$0x17] =	wrdreg s24  }
0x1e: {  	v2 =	vlaneseq.u32;
	s4 =	sadd.s32 s17, s23;
	s3 =	sadd.s32 s1, s21;
	s1 =	sadd.s32 s1, s23  }
0x1f: {  	v1 =	vshrl.u32 v2, $0x3;
	[dreg:$0x1b] =	wrdreg s25;
	s5 =	simm.s32 $0x10300;
	s20 =	simm.s32 $0xC300  }
0x20: {  	v0 =	vand.u32 $0x7, v2;
	v62 =	vmul.u32 $0x8, v1;
	s21 =	simm.s32 $0xDB00;
	s22 =	simm.s32 $0xEB00;
	[dreg:$0x18] =	wrdreg s4  }
0x21: {  	s23 =	simm.s32 $0xFB00;
	[tilespmem:$0x1FFD0] =	vst v0;
	s24 =	simm.s32 $0x180;
	[dreg:$0x19] =	wrdreg s3  }
0x22: {  	v63 =	vor.u32 $0x8, v2;
	s25 =	simm.s32 $0x1;
	[tilespmem:$0x1FFE0] =	vst v62;
	s17 =	simm.s32 $0x2;
	[dreg:$0x1a] =	wrdreg s1  }
0x23: {  	vm0 =	vmmov $0xffff;
	[tilespmem:$0x1FFF0] =	vst v63;
	s1 =	simm.s32 $0x4;
	s3 =	simm.s32 $0xCB00;
	s4 =	simm.s32 $0xE300  }
.LBB2_1:
0x24: {  	s0 =	rddreg [dreg:$0x3]  }
0x25: {  	[tilespmem:s18], [sflag:$0x4] =	stream.linear.gather [hbm4b:s0+s18], $0x10, $0x38;
	[tilespmem:$0x18300] =	vst v63  }
0x26: {  	_ =	swait.ge [sflag:s1], $0x10  }
0x27: {  	[sflag:s1] =	ssyncset.done $0x0  }
0x28: {  	s8 =	simm.s32 $0x10;
	s11 =	rddreg [dreg:$0x4];
	[sflag:s1] =	ssyncadd.s32 $0xFFFFFFF0  }
0x29: {  	[tilespmem:s8], [sflag:$0x4] =	stream.linear.gather [hbm4b:s11+s18], $0x10, $0x38;
	[tilespmem:$0x18300] =	vst v63  }
0x2a: {  	_ =	swait.ge [sflag:s1], $0x10  }
0x2b: {  	[sflag:s1] =	ssyncset.done $0x0  }
0x2c: {  	[sflag:s1] =	ssyncadd.s32 $0xFFFFFFF0  }
0x2d: {  	v3 =	vld [tilespmem:$0x0];
	_ =	sdelay $0x2  }
0x2e: {  	v0 =	vld [tilespmem:$0x1FFD0];
	_ =	sdelay $0x1  }
0x2f: {  	v1 =	vld [tilespmem:$0x1FFE0];
	v4 =	vshll.u32 v3, $0x3  }
0x30: {  	v3 =	vand.u32 $0x7, v3;
	v4 =	vand.u32 $0xFFFFFFC0, v4  }
0x31: {  	v3 =	vor.u32 v3, v4  }
0x32: {  	v4 =	vperm.xlane v3, v0;
	_ =	sdelay $0x1  }
0x33: {  	v4 =	vadd.s32 v1, v4  }
0x34: {  	v2 =	vld [tilespmem:$0x1FFF0];
	_ =	sdelay $0x2  }
0x35: {  	s12 =	simm.s32 $0x300  }
0x36: {  	[tilespmem:s12], [sflag:$0x1] =	stream.indirect_vreg.gather [hbm4b:s26+s18], $0x80, v4, vm0, $0xb8;
	[tilespmem:$0x18300] =	vst v63  }
0x37: {  	s8 =	simm.s32 $0xB00;
	v3 =	vperm.xlane v3, v2  }
0x38: {  	[tilespmem:s8], [sflag:$0x1] =	stream.indirect_vreg.gather [hbm4b:s29+s18], $0x80, v4, vm0, $0xb8;
	[tilespmem:$0x18300] =	vst v63  }
0x39: {  	s9 =	simm.s32 $0x1300;
	v3 =	vadd.s32 v1, v3  }
0x3a: {  	[tilespmem:s9], [sflag:$0x1] =	stream.indirect_vreg.gather [hbm4b:s30+s18], $0x80, v4, vm0, $0xb8;
	[tilespmem:$0x18300] =	vst v63  }
0x3b: {  	s10 =	simm.s32 $0x1B00  }
0x3c: {  	[tilespmem:s10], [sflag:$0x1] =	stream.indirect_vreg.gather [hbm4b:s31+s18], $0x80, v4, vm0, $0xb8;
	[tilespmem:$0x18300] =	vst v63  }
0x3d: {  	s11 =	simm.s32 $0x2300  }
0x3e: {  	[tilespmem:s11], [sflag:$0x1] =	stream.indirect_vreg.gather [hbm4b:s26+s18], $0x80, v3, vm0, $0xb8;
	[tilespmem:$0x18300] =	vst v63  }
0x3f: {  	s12 =	simm.s32 $0x2B00  }
0x40: {  	[tilespmem:s12], [sflag:$0x1] =	stream.indirect_vreg.gather [hbm4b:s29+s18], $0x80, v3, vm0, $0xb8;
	[tilespmem:$0x18300] =	vst v63  }
0x41: {  	s8 =	simm.s32 $0x3300  }
0x42: {  	[tilespmem:s8], [sflag:$0x1] =	stream.indirect_vreg.gather [hbm4b:s30+s18], $0x80, v3, vm0, $0xb8;
	[tilespmem:$0x18300] =	vst v63  }
0x43: {  	s9 =	simm.s32 $0x3B00  }
0x44: {  	[tilespmem:s9], [sflag:$0x1] =	stream.indirect_vreg.gather [hbm4b:s31+s18], $0x80, v3, vm0, $0xb8;
	[tilespmem:$0x18300] =	vst v63  }
0x45: {  	v3 =	vld [tilespmem:$0x10];
	_ =	sdelay $0x4  }
0x46: {  	v4 =	vshll.u32 v3, $0x3  }
0x47: {  	v3 =	vand.u32 $0x7, v3;
	v4 =	vand.u32 $0xFFFFFFC0, v4  }
0x48: {  	v3 =	vor.u32 v3, v4  }
0x49: {  	v4 =	vperm.xlane v3, v0;
	_ =	sdelay $0x1  }
0x4a: {  	v4 =	vadd.s32 v1, v4;
	_ =	sdelay $0x3  }
0x4b: {  	s10 =	simm.s32 $0x4300  }
0x4c: {  	[tilespmem:s10], [sflag:$0x1] =	stream.indirect_vreg.gather [hbm4b:s26+s18], $0x80, v4, vm0, $0xb8;
	[tilespmem:$0x18300] =	vst v63  }
0x4d: {  	s11 =	simm.s32 $0x4B00;
	v3 =	vperm.xlane v3, v2  }
0x4e: {  	[tilespmem:s11], [sflag:$0x1] =	stream.indirect_vreg.gather [hbm4b:s29+s18], $0x80, v4, vm0, $0xb8;
	[tilespmem:$0x18300] =	vst v63  }
0x4f: {  	s12 =	simm.s32 $0x5300;
	v3 =	vadd.s32 v1, v3  }
0x50: {  	[tilespmem:s12], [sflag:$0x1] =	stream.indirect_vreg.gather [hbm4b:s30+s18], $0x80, v4, vm0, $0xb8;
	[tilespmem:$0x18300] =	vst v63  }
0x51: {  	s8 =	simm.s32 $0x5B00  }
0x52: {  	[tilespmem:s8], [sflag:$0x1] =	stream.indirect_vreg.gather [hbm4b:s31+s18], $0x80, v4, vm0, $0xb8;
	[tilespmem:$0x18300] =	vst v63  }
0x53: {  	s9 =	simm.s32 $0x6300  }
0x54: {  	[tilespmem:s9], [sflag:$0x1] =	stream.indirect_vreg.gather [hbm4b:s26+s18], $0x80, v3, vm0, $0xb8;
	[tilespmem:$0x18300] =	vst v63  }
0x55: {  	s10 =	simm.s32 $0x6B00  }
0x56: {  	[tilespmem:s10], [sflag:$0x1] =	stream.indirect_vreg.gather [hbm4b:s29+s18], $0x80, v3, vm0, $0xb8;
	[tilespmem:$0x18300] =	vst v63  }
0x57: {  	s11 =	simm.s32 $0x7300  }
0x58: {  	[tilespmem:s11], [sflag:$0x1] =	stream.indirect_vreg.gather [hbm4b:s30+s18], $0x80, v3, vm0, $0xb8;
	[tilespmem:$0x18300] =	vst v63  }
0x59: {  	s12 =	simm.s32 $0x7B00  }
0x5a: {  	[tilespmem:s12], [sflag:$0x1] =	stream.indirect_vreg.gather [hbm4b:s31+s18], $0x80, v3, vm0, $0xb8;
	[tilespmem:$0x18300] =	vst v63  }
0x5b: {  	s8 =	rddreg [dreg:$0x13]  }
0x5c: {  	[tilespmem:s5], [sflag:$0x2] =	stream.linear.gather [hbm4b:s8+s18], $0x4000, $0x38;
	[tilespmem:$0x18300] =	vst v63  }
0x5d: {  	s9 =	rddreg [dreg:$0x5];
	s10 =	simm.s32 $0x100  }
0x5e: {  	[tilespmem:s10], [sflag:$0x4] =	stream.linear.gather [hbm4b:s9+s18], $0x10, $0x38;
	[tilespmem:$0x18300] =	vst v63  }
0x5f: {  	_ =	swait.ge [sflag:s1], $0x10  }
0x60: {  	[sflag:s1] =	ssyncset.done $0x0  }
0x61: {  	s12 =	simm.s32 $0x200;
	s11 =	rddreg [dreg:$0x6];
	[sflag:s1] =	ssyncadd.s32 $0xFFFFFFF0  }
0x62: {  	[tilespmem:s12], [sflag:$0x4] =	stream.linear.gather [hbm4b:s11+s18], $0x10, $0x38;
	[tilespmem:$0x18300] =	vst v63  }
0x63: {  	_ =	swait.ge [sflag:s1], $0x10  }
0x64: {  	[sflag:s1] =	ssyncset.done $0x0  }
0x65: {  	s9 =	simm.s32 $0x80;
	s8 =	rddreg [dreg:$0x7];
	[sflag:s1] =	ssyncadd.s32 $0xFFFFFFF0  }
0x66: {  	[tilespmem:s9], [sflag:$0x4] =	stream.linear.gather [hbm4b:s8+s18], $0x10, $0x38;
	[tilespmem:$0x18300] =	vst v63  }
0x67: {  	_ =	swait.ge [sflag:s1], $0x10  }
0x68: {  	[sflag:s1] =	ssyncset.done $0x0  }
0x69: {  	s11 =	simm.s32 $0x90;
	s10 =	rddreg [dreg:$0x8];
	[sflag:s1] =	ssyncadd.s32 $0xFFFFFFF0  }
0x6a: {  	[tilespmem:s11], [sflag:$0x4] =	stream.linear.gather [hbm4b:s10+s18], $0x10, $0x38;
	[tilespmem:$0x18300] =	vst v63  }
0x6b: {  	_ =	swait.ge [sflag:s1], $0x10  }
0x6c: {  	[sflag:s1] =	ssyncset.done $0x0  }
0x6d: {  	[sflag:s1] =	ssyncadd.s32 $0xFFFFFFF0  }
0x6e: {  	v3 =	vld [tilespmem:$0x80];
	_ =	sdelay $0x4  }
0x6f: {  	v4 =	vshll.u32 v3, $0x3  }
0x70: {  	v3 =	vand.u32 $0x7, v3;
	v4 =	vand.u32 $0xFFFFFFC0, v4  }
0x71: {  	v3 =	vor.u32 v3, v4  }
0x72: {  	v4 =	vperm.xlane v3, v0;
	_ =	sdelay $0x1  }
0x73: {  	v4 =	vadd.s32 v1, v4;
	_ =	sdelay $0x3  }
0x74: {  	s12 =	simm.s32 $0x8300  }
0x75: {  	[tilespmem:s12], [sflag:$0x1] =	stream.indirect_vreg.gather [hbm4b:s26+s18], $0x80, v4, vm0, $0xb8;
	[tilespmem:$0x18300] =	vst v63  }
0x76: {  	s8 =	simm.s32 $0x8B00;
	v3 =	vperm.xlane v3, v2  }
0x77: {  	[tilespmem:s8], [sflag:$0x1] =	stream.indirect_vreg.gather [hbm4b:s29+s18], $0x80, v4, vm0, $0xb8;
	[tilespmem:$0x18300] =	vst v63  }
0x78: {  	s9 =	simm.s32 $0x9300;
	v3 =	vadd.s32 v1, v3  }
0x79: {  	[tilespmem:s9], [sflag:$0x1] =	stream.indirect_vreg.gather [hbm4b:s30+s18], $0x80, v4, vm0, $0xb8;
	[tilespmem:$0x18300] =	vst v63  }
0x7a: {  	s10 =	simm.s32 $0x9B00  }
0x7b: {  	[tilespmem:s10], [sflag:$0x1] =	stream.indirect_vreg.gather [hbm4b:s31+s18], $0x80, v4, vm0, $0xb8;
	[tilespmem:$0x18300] =	vst v63  }
0x7c: {  	s11 =	simm.s32 $0xA300  }
0x7d: {  	[tilespmem:s11], [sflag:$0x1] =	stream.indirect_vreg.gather [hbm4b:s26+s18], $0x80, v3, vm0, $0xb8;
	[tilespmem:$0x18300] =	vst v63  }
0x7e: {  	_ = 	snop  }
0x7f: {  	[tilespmem:s2], [sflag:$0x1] =	stream.indirect_vreg.gather [hbm4b:s29+s18], $0x80, v3, vm0, $0xb8;
	[tilespmem:$0x18300] =	vst v63  }
0x80: {  	_ = 	snop  }
0x81: {  	[tilespmem:s19], [sflag:$0x1] =	stream.indirect_vreg.gather [hbm4b:s30+s18], $0x80, v3, vm0, $0xb8;
	[tilespmem:$0x18300] =	vst v63  }
0x82: {  	_ = 	snop  }
0x83: {  	[tilespmem:s13], [sflag:$0x1] =	stream.indirect_vreg.gather [hbm4b:s31+s18], $0x80, v3, vm0, $0xb8;
	[tilespmem:$0x18300] =	vst v63  }
0x84: {  	v3 =	vld [tilespmem:$0x90];
	_ =	sdelay $0x4  }
0x85: {  	v4 =	vshll.u32 v3, $0x3  }
0x86: {  	v3 =	vand.u32 $0x7, v3;
	v4 =	vand.u32 $0xFFFFFFC0, v4  }
0x87: {  	v3 =	vor.u32 v3, v4  }
0x88: {  	v4 =	vperm.xlane v3, v0;
	_ =	sdelay $0x1  }
0x89: {  	v4 =	vadd.s32 v1, v4;
	_ =	sdelay $0x4  }
0x8a: {  	[tilespmem:s20], [sflag:$0x1] =	stream.indirect_vreg.gather [hbm4b:s26+s18], $0x80, v4, vm0, $0xb8;
	[tilespmem:$0x18300] =	vst v63  }
0x8b: {  	v3 =	vperm.xlane v3, v2  }
0x8c: {  	[tilespmem:s3], [sflag:$0x1] =	stream.indirect_vreg.gather [hbm4b:s29+s18], $0x80, v4, vm0, $0xb8;
	[tilespmem:$0x18300] =	vst v63  }
0x8d: {  	v3 =	vadd.s32 v1, v3  }
0x8e: {  	[tilespmem:s14], [sflag:$0x1] =	stream.indirect_vreg.gather [hbm4b:s30+s18], $0x80, v4, vm0, $0xb8;
	[tilespmem:$0x18300] =	vst v63  }
0x8f: {  	_ = 	snop  }
0x90: {  	[tilespmem:s21], [sflag:$0x1] =	stream.indirect_vreg.gather [hbm4b:s31+s18], $0x80, v4, vm0, $0xb8;
	[tilespmem:$0x18300] =	vst v63  }
0x91: {  	_ = 	snop  }
0x92: {  	[tilespmem:s4], [sflag:$0x1] =	stream.indirect_vreg.gather [hbm4b:s26+s18], $0x80, v3, vm0, $0xb8;
	[tilespmem:$0x18300] =	vst v63  }
0x93: {  	_ = 	snop  }
0x94: {  	[tilespmem:s22], [sflag:$0x1] =	stream.indirect_vreg.gather [hbm4b:s29+s18], $0x80, v3, vm0, $0xb8;
	[tilespmem:$0x18300] =	vst v63  }
0x95: {  	_ = 	snop  }
0x96: {  	[tilespmem:s15], [sflag:$0x1] =	stream.indirect_vreg.gather [hbm4b:s30+s18], $0x80, v3, vm0, $0xb8;
	[tilespmem:$0x18300] =	vst v63  }
0x97: {  	_ = 	snop  }
0x98: {  	[tilespmem:s23], [sflag:$0x1] =	stream.indirect_vreg.gather [hbm4b:s31+s18], $0x80, v3, vm0, $0xb8;
	[tilespmem:$0x18300] =	vst v63  }
0x99: {  	s12 =	rddreg [dreg:$0x15]  }
0x9a: {  	[tilespmem:s16], [sflag:$0x2] =	stream.linear.gather [hbm4b:s12+s18], $0x4000, $0x38;
	[tilespmem:$0x18300] =	vst v63  }
0x9b: {  	s8 =	rddreg [dreg:$0x9]  }
0x9c: {  	[tilespmem:s24], [sflag:$0x4] =	stream.linear.gather [hbm4b:s8+s18], $0x10, $0x38;
	[tilespmem:$0x18300] =	vst v63  }
0x9d: {  	_ =	swait.ge [sflag:s1], $0x10  }
0x9e: {  	[sflag:s1] =	ssyncset.done $0x0  }
0x9f: {  	s9 =	rddreg [dreg:$0xa];
	[sflag:s1] =	ssyncadd.s32 $0xFFFFFFF0  }
0xa0: {  	[tilespmem:s6], [sflag:$0x4] =	stream.linear.gather [hbm4b:s9+s18], $0x10, $0x38;
	[tilespmem:$0x18300] =	vst v63  }
0xa1: {  	_ =	swait.ge [sflag:s1], $0x10  }
0xa2: {  	[sflag:s1] =	ssyncset.done $0x0  }
0xa3: {  	[sflag:s1] =	ssyncadd.s32 $0xFFFFFFF0  }
0xa4: {  	_ =	swait.ge [sflag:s25], $0x8000  }
0xa5: {  	[sflag:s25] =	ssyncset.done $0x0  }
0xa6: {  	[sflag:s25] =	ssyncadd.s32 $0xFFFF8000  }
0xa7: {  	_ =	swait.ge [sflag:s17], $0x4000  }
0xa8: {  	[sflag:s17] =	ssyncset.done $0x0  }
0xa9: {  	[sflag:s17] =	ssyncadd.s32 $0xFFFFC000  }
0xaa: {  	s10 =	sand.u32 $0x70, s18;
	s11 =	sand.u32 $0x1C00, s18;
	v17 =	vld [tilespmem:$0x100]  }
0xab: {  	s8 =	sor.u32 s10, s11;
	v35 =	vld [tilespmem:$0x200]  }
0xac: {  	v18 =	vld [tilespmem:s8+$0x10580]  }
0xad: {  	v19 =	vld [tilespmem:s8+$0x10500]  }
0xae: {  	v20 =	vld [tilespmem:s8+$0x10480]  }
0xaf: {  	v21 =	vld [tilespmem:s8+$0x10600]  }
0xb0: {  	v22 =	vld [tilespmem:s8+$0x10400]  }
0xb1: {  	v23 =	vld [tilespmem:s8+$0x4400]  }
0xb2: {  	v24 =	vld [tilespmem:s8+$0x4580]  }
0xb3: {  	v25 =	vld [tilespmem:s8+$0x4480]  }
0xb4: {  	v26 =	vld [tilespmem:s8+$0x4600]  }
0xb5: {  	v27 =	vld [tilespmem:s8+$0x4500];
	v3 =	vbroadcast v17, $0x0  }
0xb6: {  	v28 =	vld [tilespmem:s8+$0x4300];
	v4 =	vbroadcast v35, $0x0;
	v5 =	vbroadcast v17, $0x1  }
0xb7: {  	v29 =	vld [tilespmem:s8+$0x600];
	v6 =	vbroadcast v35, $0x1;
	v7 =	vbroadcast v17, $0x2  }
0xb8: {  	v30 =	vld [tilespmem:s8+$0x580];
	v8 =	vbroadcast v35, $0x2;
	v9 =	vbroadcast v17, $0x3  }
0xb9: {  	v31 =	vld [tilespmem:s8+$0x400];
	v10 =	vbroadcast v35, $0x3;
	v11 =	vbroadcast v17, $0x4  }
0xba: {  	v32 =	vld [tilespmem:s8+$0x500];
	v12 =	vbroadcast v35, $0x4;
	v13 =	vbroadcast v17, $0x5  }
0xbb: {  	v33 =	vld [tilespmem:s8+$0x300];
	v14 =	vbroadcast v17, $0x6;
	v15 =	vbroadcast v35, $0x6  }
0xbc: {  	v34 =	vld [tilespmem:s8+$0x480];
	v16 =	vbroadcast v35, $0x5;
	v23 =	vmul.f32 v23, v8  }
0xbd: {  	v36 =	vld [tilespmem:s8+$0x10300];
	v29 =	vmul.f32 v29, v14;
	v26 =	vmul.f32 v26, v15  }
0xbe: {  	v37 =	vld [tilespmem:s8+$0x380];
	v30 =	vmul.f32 v30, v13;
	v31 =	vmul.f32 v31, v7  }
0xbf: {  	v38 =	vld [tilespmem:s8+$0x4380];
	v24 =	vmul.f32 v24, v16;
	v21 =	vadd.f32 v29, v21;
	v29 =	vmul.f32 v32, v11  }
0xc0: {  	v63 =	vld [tilespmem:s8+$0x10380];
	v28 =	vmul.f32 v28, v4;
	v22 =	vadd.f32 v31, v22;
	v18 =	vadd.f32 v30, v18  }
0xc1: {  	v31 =	vmul.f32 v33, v3;
	v21 =	vadd.f32 v26, v21;
	v19 =	vadd.f32 v29, v19  }
0xc2: {  	v26 =	vmul.f32 v27, v12;
	v27 =	vmul.f32 v34, v9;
	v22 =	vadd.f32 v23, v22  }
0xc3: {  	v23 =	vadd.f32 v31, v36;
	v29 =	vmul.f32 v37, v5;
	v18 =	vadd.f32 v24, v18;
	[tilespmem:s8+$0x10600] =	vst v21  }
0xc4: {  	v19 =	vadd.f32 v26, v19;
	v21 =	vmul.f32 v25, v10;
	v20 =	vadd.f32 v27, v20;
	[tilespmem:s8+$0x10400] =	vst v22  }
0xc5: {  	v23 =	vadd.f32 v28, v23;
	v22 =	vmul.f32 v38, v6;
	v24 =	vadd.f32 v29, v63;
	[tilespmem:s8+$0x10580] =	vst v18  }
0xc6: {  	[tilespmem:s8+$0x10500] =	vst v19;
	v19 =	vadd.f32 v21, v20  }
0xc7: {  	[tilespmem:s8+$0x10300] =	vst v23;
	v20 =	vadd.f32 v22, v24  }
0xc8: {  	s11 =	sor.u32 s18, s18;
	[tilespmem:s8+$0x10480] =	vst v19  }
0xc9: {  	s12 =	sor.u32 $0x380, s11;
	[tilespmem:s8+$0x10380] =	vst v20  }
0xca: {  	v18 =	vld [tilespmem:s12+$0x300]  }
0xcb: {  	v20 =	vld [tilespmem:s8+$0x4680]  }
0xcc: {  	v19 =	vld [tilespmem:s12+$0x10300]  }
0xcd: {  	v33 =	vbroadcast v17, $0x7  }
0xce: {  	v32 =	vbroadcast v17, $0x8  }
0xcf: {  	v34 =	vbroadcast v35, $0x7;
	v18 =	vmul.f32 v18, v33  }
0xd0: {  	v30 =	vbroadcast v35, $0x8;
	v31 =	vbroadcast v17, $0xE  }
0xd1: {  	v27 =	vbroadcast v17, $0x9;
	v21 =	vmul.f32 v20, v34;
	v18 =	vadd.f32 v18, v19  }
0xd2: {  	v25 =	vbroadcast v35, $0x9;
	v28 =	vbroadcast v17, $0xC  }
0xd3: {  	v26 =	vbroadcast v35, $0xC;
	v29 =	vbroadcast v35, $0xE;
	v18 =	vadd.f32 v21, v18  }
0xd4: {  	v23 =	vbroadcast v17, $0xB;
	v22 =	vbroadcast v35, $0xB  }
0xd5: {  	v24 =	vbroadcast v17, $0xD;
	v20 =	vbroadcast v17, $0xA;
	[tilespmem:s12+$0x10300] =	vst v18  }
0xd6: {  	v19 =	vbroadcast v35, $0xA;
	v21 =	vbroadcast v35, $0xD;
	v36 =	vld [tilespmem:s8+$0x2380]  }
0xd7: {  	s10 =	simm.s32 $0x0;
	s9 =	simm.s32 $0x10;
	v18 =	vbroadcast v17, $0xF;
	v17 =	vbroadcast v35, $0xF;
	v35 =	vld [tilespmem:s8+$0x6300]  }
.LBB2_2:
0xd8: {  	p0 =	sne.s32 s9, $0x3F0  }
0xd9: {  	v37 =	vld [tilespmem:s8+$0x12580];
	s10 =	sadd.s32 $0x80, s10;
	s0 =	smov.u32 s9;
	s9 =	sadd.s32 $0x10, s9  }
0xda: {  	v38 =	vld [tilespmem:s8+$0x2600]  }
0xdb: {  	v39 =	vld [tilespmem:s8+$0x12480]  }
0xdc: {  	v40 =	vld [tilespmem:s8+$0x12380];
	v36 =	vmul.f32 v36, v27  }
0xdd: {  	v41 =	vld [tilespmem:s8+$0x12300]  }
0xde: {  	v42 =	vld [tilespmem:s8+$0x2300]  }
0xdf: {  	v43 =	vld [tilespmem:s8+$0x6400]  }
0xe0: {  	v38 =	vmul.f32 v38, v31;
	v44 =	vld [tilespmem:s8+$0x6480]  }
0xe1: {  	v36 =	vadd.f32 v36, v40;
	v40 =	vld [tilespmem:s8+$0x12600]  }
0xe2: {  	v45 =	vld [tilespmem:s8+$0x6380]  }
0xe3: {  	v42 =	vmul.f32 v42, v32;
	v46 =	vld [tilespmem:s8+$0x2500]  }
0xe4: {  	v35 =	vmul.f32 v35, v30;
	v47 =	vld [tilespmem:s8+$0x6600]  }
0xe5: {  	v41 =	vadd.f32 v42, v41;
	v42 =	vld [tilespmem:s8+$0x6500]  }
0xe6: {  	v48 =	vld [tilespmem:s8+$0x2480];
	v38 =	vadd.f32 v38, v40  }
0xe7: {  	v35 =	vadd.f32 v35, v41;
	v40 =	vmul.f32 v45, v25;
	v41 =	vld [tilespmem:s8+$0x12500]  }
0xe8: {  	v45 =	vld [tilespmem:s8+$0x2580]  }
0xe9: {  	[tilespmem:s8+$0x12300] =	vst v35;
	v35 =	vadd.f32 v40, v36;
	v36 =	vld [tilespmem:s8+$0x2400];
	v40 =	vmul.f32 v46, v28  }
0xea: {  	v47 =	vmul.f32 v47, v29;
	v46 =	vld [tilespmem:s8+$0x6580]  }
0xeb: {  	v42 =	vmul.f32 v42, v26;
	[tilespmem:s8+$0x12380] =	vst v35;
	v35 =	vld [tilespmem:s8+$0x12400];
	v48 =	vmul.f32 v48, v23  }
0xec: {  	v44 =	vmul.f32 v44, v22;
	v40 =	vadd.f32 v40, v41;
	v41 =	vld [tilespmem:s8+$0x6680]  }
0xed: {  	v38 =	vadd.f32 v47, v38;
	v45 =	vmul.f32 v45, v24  }
0xee: {  	v39 =	vadd.f32 v48, v39;
	v36 =	vmul.f32 v36, v20;
	v40 =	vadd.f32 v42, v40  }
0xef: {  	v42 =	vmul.f32 v43, v19;
	v37 =	vadd.f32 v45, v37;
	v43 =	vmul.f32 v46, v21  }
0xf0: {  	v35 =	vadd.f32 v36, v35;
	v36 =	vadd.f32 v44, v39;
	[tilespmem:s8+$0x12500] =	vst v40  }
0xf1: {  	v37 =	vadd.f32 v43, v37;
	[tilespmem:s8+$0x12600] =	vst v38  }
0xf2: {  	v35 =	vadd.f32 v42, v35;
	[tilespmem:s8+$0x12480] =	vst v36  }
0xf3: {  	[tilespmem:s8+$0x12580] =	vst v37  }
0xf4: {  	s11 =	sor.u32 $0x2380, s11;
	[tilespmem:s8+$0x12400] =	vst v35  }
0xf5: {  	v35 =	vld [tilespmem:s11+$0x300]  }
0xf6: {  	v36 =	vld [tilespmem:s11+$0x10300];
	_ =	sdelay $0x3  }
0xf7: {  	s12 =	sand.u32 $0x1C00, s10;
	s8 =	sand.u32 $0x70, s0;
	v35 =	vmul.f32 v35, v18  }
0xf8: {  	s8 =	sor.u32 s8, s12  }
0xf9: {  	v37 =	vld [tilespmem:s8+$0x10580];
	v35 =	vadd.f32 v35, v36;
	v36 =	vmul.f32 v41, v17  }
0xfa: {  	v38 =	vld [tilespmem:s8+$0x10500]  }
0xfb: {  	v39 =	vld [tilespmem:s8+$0x10480];
	v35 =	vadd.f32 v36, v35  }
0xfc: {  	v36 =	vld [tilespmem:s8+$0x10600]  }
0xfd: {  	v40 =	vld [tilespmem:s8+$0x10400];
	[tilespmem:s11+$0x10300] =	vst v35  }
0xfe: {  	v35 =	vld [tilespmem:s8+$0x4400]  }
0xff: {  	v41 =	vld [tilespmem:s8+$0x4580]  }
0x100: {  	v42 =	vld [tilespmem:s8+$0x4480]  }
0x101: {  	v43 =	vld [tilespmem:s8+$0x4600]  }
0x102: {  	v44 =	vld [tilespmem:s8+$0x4500]  }
0x103: {  	v45 =	vld [tilespmem:s8+$0x4300]  }
0x104: {  	v46 =	vld [tilespmem:s8+$0x600]  }
0x105: {  	v47 =	vld [tilespmem:s8+$0x4380]  }
0x106: {  	v48 =	vld [tilespmem:s8+$0x580]  }
0x107: {  	v49 =	vld [tilespmem:s8+$0x500]  }
0x108: {  	v35 =	vmul.f32 v35, v8;
	v50 =	vld [tilespmem:s8+$0x400]  }
0x109: {  	v42 =	vmul.f32 v42, v10;
	v51 =	vld [tilespmem:s8+$0x480];
	v46 =	vmul.f32 v46, v14  }
0x10a: {  	v43 =	vmul.f32 v43, v15;
	v52 =	vld [tilespmem:s8+$0x380]  }
0x10b: {  	v41 =	vmul.f32 v41, v16;
	v53 =	vld [tilespmem:s8+$0x300];
	v48 =	vmul.f32 v48, v13;
	v36 =	vadd.f32 v46, v36  }
0x10c: {  	v45 =	vmul.f32 v45, v4;
	v46 =	vld [tilespmem:s8+$0x10380];
	v49 =	vmul.f32 v49, v11  }
0x10d: {  	v47 =	vmul.f32 v47, v6;
	v54 =	vld [tilespmem:s8+$0x10300];
	v50 =	vmul.f32 v50, v7;
	v36 =	vadd.f32 v43, v36  }
0x10e: {  	v37 =	vadd.f32 v48, v37;
	v43 =	vmul.f32 v51, v9;
	v38 =	vadd.f32 v49, v38  }
0x10f: {  	v48 =	vmul.f32 v52, v5;
	v40 =	vadd.f32 v50, v40  }
0x110: {  	v37 =	vadd.f32 v41, v37;
	v49 =	vmul.f32 v53, v3;
	v39 =	vadd.f32 v43, v39  }
0x111: {  	v41 =	vadd.f32 v48, v46;
	v35 =	vadd.f32 v35, v40;
	v40 =	vmul.f32 v44, v12  }
0x112: {  	v43 =	vadd.f32 v49, v54;
	v39 =	vadd.f32 v42, v39  }
0x113: {  	v41 =	vadd.f32 v47, v41;
	v38 =	vadd.f32 v40, v38;
	[tilespmem:s8+$0x10600] =	vst v36  }
0x114: {  	v36 =	vadd.f32 v45, v43;
	[tilespmem:s8+$0x10400] =	vst v35  }
0x115: {  	[tilespmem:s8+$0x10500] =	vst v38  }
0x116: {  	[tilespmem:s8+$0x10300] =	vst v36  }
0x117: {  	[tilespmem:s8+$0x10580] =	vst v37  }
0x118: {  	s11 =	sor.u32 s0, s10;
	[tilespmem:s8+$0x10480] =	vst v39  }
0x119: {  	s0 =	sor.u32 $0x380, s11;
	[tilespmem:s8+$0x10380] =	vst v41  }
0x11a: {  	v35 =	vld [tilespmem:s0+$0x300]  }
0x11b: {  	v36 =	vld [tilespmem:s0+$0x10300]  }
0x11c: {  	v37 =	vld [tilespmem:s8+$0x4680];
	_ =	sdelay $0x2  }
0x11d: {  	v35 =	vmul.f32 v35, v33;
	_ =	sdelay $0x1  }
0x11e: {  	v35 =	vadd.f32 v35, v36;
	v36 =	vmul.f32 v37, v34;
	_ =	sdelay $0x1  }
.Ltmp0:
0x11f: {  	v35 =	vadd.f32 v36, v35;
	(pc) =	sbr.rel @p0 .LBB2_2-.Ltmp0, $4  }
0x120: {  	_ = 	snop  }
0x121: {  	[tilespmem:s0+$0x10300] =	vst v35  }
0x122: {  	v36 =	vld [tilespmem:s8+$0x2380]  }
0x123: {  	v35 =	vld [tilespmem:s8+$0x6300]  }
0x124: {  	v3 =	vld [tilespmem:s8+$0x12580]  }
0x125: {  	v4 =	vld [tilespmem:s8+$0x2600]  }
0x126: {  	v5 =	vld [tilespmem:s8+$0x12480]  }
0x127: {  	v6 =	vld [tilespmem:s8+$0x12380]  }
0x128: {  	v7 =	vld [tilespmem:s8+$0x2300]  }
0x129: {  	v8 =	vld [tilespmem:s8+$0x12300]  }
0x12a: {  	v9 =	vld [tilespmem:s8+$0x6400]  }
0x12b: {  	v10 =	vld [tilespmem:s8+$0x6480]  }
0x12c: {  	v11 =	vld [tilespmem:s8+$0x6380]  }
0x12d: {  	v12 =	vld [tilespmem:s8+$0x2500]  }
0x12e: {  	v13 =	vld [tilespmem:s8+$0x6600];
	v7 =	vmul.f32 v7, v32  }
0x12f: {  	v61 =	vld [tilespmem:s8+$0x6500]  }
0x130: {  	v15 =	vld [tilespmem:s8+$0x2480];
	v14 =	vmul.f32 v35, v30;
	v7 =	vadd.f32 v7, v8  }
0x131: {  	v16 =	vmul.f32 v36, v27;
	v27 =	vld [tilespmem:s8+$0x2580]  }
0x132: {  	v30 =	vld [tilespmem:s8+$0x12600];
	v7 =	vadd.f32 v14, v7  }
0x133: {  	v14 =	vld [tilespmem:s8+$0x12500]  }
0x134: {  	v62 =	vld [tilespmem:s8+$0x2400];
	v6 =	vadd.f32 v16, v6;
	[tilespmem:s8+$0x12300] =	vst v7;
	v7 =	vmul.f32 v11, v25  }
0x135: {  	v12 =	vmul.f32 v12, v28;
	v16 =	vld [tilespmem:s8+$0x6580];
	v15 =	vmul.f32 v15, v23  }
0x136: {  	v4 =	vmul.f32 v4, v31;
	v6 =	vadd.f32 v7, v6;
	v7 =	vmul.f32 v13, v29;
	v13 =	vld [tilespmem:s8+$0x12400]  }
0x137: {  	v10 =	vmul.f32 v10, v22;
	v5 =	vadd.f32 v15, v5  }
0x138: {  	v4 =	vadd.f32 v4, v30;
	v12 =	vadd.f32 v12, v14;
	v14 =	vmul.f32 v27, v24  }
0x139: {  	v8 =	vmul.f32 v61, v26;
	v5 =	vadd.f32 v10, v5;
	[tilespmem:s8+$0x12380] =	vst v6;
	v6 =	vmul.f32 v62, v20  }
0x13a: {  	v4 =	vadd.f32 v7, v4;
	v7 =	vmul.f32 v16, v21;
	v3 =	vadd.f32 v14, v3  }
0x13b: {  	v9 =	vmul.f32 v9, v19;
	[tilespmem:s8+$0x12480] =	vst v5;
	v8 =	vadd.f32 v8, v12;
	v6 =	vadd.f32 v6, v13  }
0x13c: {  	[tilespmem:s8+$0x12600] =	vst v4;
	v3 =	vadd.f32 v7, v3  }
0x13d: {  	[tilespmem:s8+$0x12500] =	vst v8;
	v4 =	vadd.f32 v9, v6  }
0x13e: {  	[tilespmem:s8+$0x12580] =	vst v3  }
0x13f: {  	s0 =	sor.u32 $0x2380, s11;
	[tilespmem:s8+$0x12400] =	vst v4  }
0x140: {  	v3 =	vld [tilespmem:s0+$0x300]  }
0x141: {  	v63 =	vld [tilespmem:s8+$0x6680]  }
0x142: {  	v4 =	vld [tilespmem:s0+$0x10300];
	_ =	sdelay $0x2  }
0x143: {  	v3 =	vmul.f32 v3, v18;
	_ =	sdelay $0x1  }
0x144: {  	v3 =	vadd.f32 v3, v4;
	v4 =	vmul.f32 v63, v17;
	_ =	sdelay $0x1  }
0x145: {  	v3 =	vadd.f32 v4, v3;
	_ =	sdelay $0x1  }
0x146: {  	s10 =	rddreg [dreg:$0x14];
	s8 =	simm.s32 $0x0;
	[tilespmem:s0+$0x10300] =	vst v3  }
0x147: {  	[hbm4b:s10+s8] =	stream.linear.scatter [tilespmem:s5], [sflag:$0x3], $0x4000, $0x38;
	[tilespmem:$0x18300] =	vst v63  }
0x148: {  	_ =	swait.ge [sflag:s7], $0x4000  }
0x149: {  	[sflag:s7] =	ssyncset.done $0x0  }
0x14a: {  	s11 =	rddreg [dreg:$0xb];
	[sflag:s7] =	ssyncadd.s32 $0xFFFFC000  }
0x14b: {  	[tilespmem:s8], [sflag:$0x4] =	stream.linear.gather [hbm4b:s11+s8], $0x10, $0x38;
	[tilespmem:$0x18300] =	vst v63  }
0x14c: {  	_ =	swait.ge [sflag:s1], $0x10  }
0x14d: {  	[sflag:s1] =	ssyncset.done $0x0  }
0x14e: {  	s9 =	simm.s32 $0x10;
	s12 =	rddreg [dreg:$0xc];
	[sflag:s1] =	ssyncadd.s32 $0xFFFFFFF0  }
0x14f: {  	[tilespmem:s9], [sflag:$0x4] =	stream.linear.gather [hbm4b:s12+s8], $0x10, $0x38;
	[tilespmem:$0x18300] =	vst v63  }
0x150: {  	_ =	swait.ge [sflag:s1], $0x10  }
0x151: {  	[sflag:s1] =	ssyncset.done $0x0  }
0x152: {  	[sflag:s1] =	ssyncadd.s32 $0xFFFFFFF0  }
0x153: {  	v3 =	vld [tilespmem:$0x0];
	_ =	sdelay $0x2  }
0x154: {  	v0 =	vld [tilespmem:$0x1FFD0];
	_ =	sdelay $0x1  }
0x155: {  	v1 =	vld [tilespmem:$0x1FFE0];
	v4 =	vshll.u32 v3, $0x3  }
0x156: {  	v3 =	vand.u32 $0x7, v3;
	v4 =	vand.u32 $0xFFFFFFC0, v4  }
0x157: {  	v3 =	vor.u32 v3, v4  }
0x158: {  	v4 =	vperm.xlane v3, v0;
	_ =	sdelay $0x1  }
0x159: {  	v4 =	vadd.s32 v1, v4  }
0x15a: {  	v2 =	vld [tilespmem:$0x1FFF0];
	_ =	sdelay $0x2  }
0x15b: {  	s10 =	simm.s32 $0x300  }
0x15c: {  	[tilespmem:s10], [sflag:$0x1] =	stream.indirect_vreg.gather [hbm4b:s26+s8], $0x80, v4, vm0, $0xb8;
	[tilespmem:$0x18300] =	vst v63  }
0x15d: {  	s11 =	simm.s32 $0xB00;
	v3 =	vperm.xlane v3, v2  }
0x15e: {  	[tilespmem:s11], [sflag:$0x1] =	stream.indirect_vreg.gather [hbm4b:s29+s8], $0x80, v4, vm0, $0xb8;
	[tilespmem:$0x18300] =	vst v63  }
0x15f: {  	s12 =	simm.s32 $0x1300;
	v3 =	vadd.s32 v1, v3  }
0x160: {  	[tilespmem:s12], [sflag:$0x1] =	stream.indirect_vreg.gather [hbm4b:s30+s8], $0x80, v4, vm0, $0xb8;
	[tilespmem:$0x18300] =	vst v63  }
0x161: {  	s9 =	simm.s32 $0x1B00  }
0x162: {  	[tilespmem:s9], [sflag:$0x1] =	stream.indirect_vreg.gather [hbm4b:s31+s8], $0x80, v4, vm0, $0xb8;
	[tilespmem:$0x18300] =	vst v63  }
0x163: {  	s10 =	simm.s32 $0x2300  }
0x164: {  	[tilespmem:s10], [sflag:$0x1] =	stream.indirect_vreg.gather [hbm4b:s26+s8], $0x80, v3, vm0, $0xb8;
	[tilespmem:$0x18300] =	vst v63  }
0x165: {  	s11 =	simm.s32 $0x2B00  }
0x166: {  	[tilespmem:s11], [sflag:$0x1] =	stream.indirect_vreg.gather [hbm4b:s29+s8], $0x80, v3, vm0, $0xb8;
	[tilespmem:$0x18300] =	vst v63  }
0x167: {  	s12 =	simm.s32 $0x3300  }
0x168: {  	[tilespmem:s12], [sflag:$0x1] =	stream.indirect_vreg.gather [hbm4b:s30+s8], $0x80, v3, vm0, $0xb8;
	[tilespmem:$0x18300] =	vst v63  }
0x169: {  	s9 =	simm.s32 $0x3B00  }
0x16a: {  	[tilespmem:s9], [sflag:$0x1] =	stream.indirect_vreg.gather [hbm4b:s31+s8], $0x80, v3, vm0, $0xb8;
	[tilespmem:$0x18300] =	vst v63  }
0x16b: {  	v3 =	vld [tilespmem:$0x10];
	_ =	sdelay $0x4  }
0x16c: {  	v4 =	vshll.u32 v3, $0x3  }
0x16d: {  	v3 =	vand.u32 $0x7, v3;
	v4 =	vand.u32 $0xFFFFFFC0, v4  }
0x16e: {  	v3 =	vor.u32 v3, v4  }
0x16f: {  	v4 =	vperm.xlane v3, v0;
	_ =	sdelay $0x1  }
0x170: {  	v4 =	vadd.s32 v1, v4;
	_ =	sdelay $0x3  }
0x171: {  	s10 =	simm.s32 $0x4300  }
0x172: {  	[tilespmem:s10], [sflag:$0x1] =	stream.indirect_vreg.gather [hbm4b:s26+s8], $0x80, v4, vm0, $0xb8;
	[tilespmem:$0x18300] =	vst v63  }
0x173: {  	s11 =	simm.s32 $0x4B00;
	v3 =	vperm.xlane v3, v2  }
0x174: {  	[tilespmem:s11], [sflag:$0x1] =	stream.indirect_vreg.gather [hbm4b:s29+s8], $0x80, v4, vm0, $0xb8;
	[tilespmem:$0x18300] =	vst v63  }
0x175: {  	s12 =	simm.s32 $0x5300;
	v3 =	vadd.s32 v1, v3  }
0x176: {  	[tilespmem:s12], [sflag:$0x1] =	stream.indirect_vreg.gather [hbm4b:s30+s8], $0x80, v4, vm0, $0xb8;
	[tilespmem:$0x18300] =	vst v63  }
0x177: {  	s9 =	simm.s32 $0x5B00  }
0x178: {  	[tilespmem:s9], [sflag:$0x1] =	stream.indirect_vreg.gather [hbm4b:s31+s8], $0x80, v4, vm0, $0xb8;
	[tilespmem:$0x18300] =	vst v63  }
0x179: {  	s10 =	simm.s32 $0x6300  }
0x17a: {  	[tilespmem:s10], [sflag:$0x1] =	stream.indirect_vreg.gather [hbm4b:s26+s8], $0x80, v3, vm0, $0xb8;
	[tilespmem:$0x18300] =	vst v63  }
0x17b: {  	s11 =	simm.s32 $0x6B00  }
0x17c: {  	[tilespmem:s11], [sflag:$0x1] =	stream.indirect_vreg.gather [hbm4b:s29+s8], $0x80, v3, vm0, $0xb8;
	[tilespmem:$0x18300] =	vst v63  }
0x17d: {  	s12 =	simm.s32 $0x7300  }
0x17e: {  	[tilespmem:s12], [sflag:$0x1] =	stream.indirect_vreg.gather [hbm4b:s30+s8], $0x80, v3, vm0, $0xb8;
	[tilespmem:$0x18300] =	vst v63  }
0x17f: {  	s9 =	simm.s32 $0x7B00  }
0x180: {  	[tilespmem:s9], [sflag:$0x1] =	stream.indirect_vreg.gather [hbm4b:s31+s8], $0x80, v3, vm0, $0xb8;
	[tilespmem:$0x18300] =	vst v63  }
0x181: {  	s10 =	rddreg [dreg:$0x17]  }
0x182: {  	[tilespmem:s5], [sflag:$0x2] =	stream.linear.gather [hbm4b:s10+s8], $0x4000, $0x38;
	[tilespmem:$0x18300] =	vst v63  }
0x183: {  	s11 =	rddreg [dreg:$0xd];
	s12 =	simm.s32 $0x100  }
0x184: {  	[tilespmem:s12], [sflag:$0x4] =	stream.linear.gather [hbm4b:s11+s8], $0x10, $0x38;
	[tilespmem:$0x18300] =	vst v63  }
0x185: {  	_ =	swait.ge [sflag:s1], $0x10  }
0x186: {  	[sflag:s1] =	ssyncset.done $0x0  }
0x187: {  	s10 =	simm.s32 $0x200;
	s9 =	rddreg [dreg:$0xe];
	[sflag:s1] =	ssyncadd.s32 $0xFFFFFFF0  }
0x188: {  	[tilespmem:s10], [sflag:$0x4] =	stream.linear.gather [hbm4b:s9+s8], $0x10, $0x38;
	[tilespmem:$0x18300] =	vst v63  }
0x189: {  	_ =	swait.ge [sflag:s1], $0x10  }
0x18a: {  	[sflag:s1] =	ssyncset.done $0x0  }
0x18b: {  	[sflag:s1] =	ssyncadd.s32 $0xFFFFFFF0  }
0x18c: {  	_ =	swait.ge [sflag:s25], $0x8000  }
0x18d: {  	[sflag:s25] =	ssyncset.done $0x0  }
0x18e: {  	[sflag:s25] =	ssyncadd.s32 $0xFFFF8000  }
0x18f: {  	_ =	swait.ge [sflag:s17], $0x4000  }
0x190: {  	s11 =	sand.u32 $0x70, s8;
	s12 =	sand.u32 $0x1C00, s8;
	[sflag:s17] =	ssyncset.done $0x0  }
0x191: {  	s9 =	sor.u32 s11, s12;
	[sflag:s17] =	ssyncadd.s32 $0xFFFFC000  }
0x192: {  	v1 =	vld [tilespmem:s9+$0xE380];
	_ =	sdelay $0x4  }
0x193: {  	[tilespmem:$0x1FF70] =	vst v1;
	v1 =	vld [tilespmem:s9+$0xE400]  }
0x194: {  	v0 =	vld [tilespmem:$0x180]  }
0x195: {  	v19 =	vld [tilespmem:$0x280]  }
0x196: {  	v21 =	vld [tilespmem:s9+$0xC300]  }
0x197: {  	v46 =	vld [tilespmem:s9+$0xC380]  }
0x198: {  	[tilespmem:$0x1FF80] =	vst v1;
	v1 =	vld [tilespmem:s9+$0xE480]  }
0x199: {  	v47 =	vld [tilespmem:s9+$0xC400]  }
0x19a: {  	v2 =	vld [tilespmem:s9+$0xA300]  }
0x19b: {  	v22 =	vld [tilespmem:s9+$0xC480]  }
0x19c: {  	v49 =	vld [tilespmem:s9+$0xC500]  }
0x19d: {  	[tilespmem:$0x1FF90] =	vst v1;
	v1 =	vld [tilespmem:s9+$0xE500]  }
0x19e: {  	v50 =	vld [tilespmem:s9+$0xC580]  }
0x19f: {  	v55 =	vld [tilespmem:s9+$0xC600];
	[tilespmem:$0x1FFC0] =	vst v2;
	v2 =	vbroadcast v0, $0xA  }
0x1a0: {  	v25 =	vld [tilespmem:s9+$0xC680];
	v6 =	vbroadcast v0, $0x1  }
0x1a1: {  	v23 =	vld [tilespmem:s9+$0xE300];
	v8 =	vbroadcast v0, $0x2;
	v10 =	vbroadcast v0, $0x3;
	[tilespmem:$0x1FEF0] =	vst v2  }
0x1a2: {  	v12 =	vbroadcast v0, $0x4;
	v2 =	vbroadcast v0, $0xB;
	[tilespmem:$0x1FFA0] =	vst v1;
	v1 =	vld [tilespmem:s9+$0xE580]  }
0x1a3: {  	v4 =	vld [tilespmem:s9+$0xE600];
	v62 =	vbroadcast v0, $0x5;
	v13 =	vbroadcast v0, $0xD  }
0x1a4: {  	v39 =	vld [tilespmem:s9+$0x8380];
	v59 =	vbroadcast v0, $0x6;
	[tilespmem:$0x1FF00] =	vst v2;
	v2 =	vbroadcast v0, $0xC  }
0x1a5: {  	v3 =	vld [tilespmem:s9+$0xE680];
	v28 =	vbroadcast v0, $0x7;
	v30 =	vbroadcast v0, $0x8;
	[tilespmem:$0x1FF20] =	vst v13  }
0x1a6: {  	v26 =	vbroadcast v0, $0x9;
	v13 =	vbroadcast v0, $0xE;
	[tilespmem:$0x1FF10] =	vst v2;
	v2 =	vld [tilespmem:s9+$0x14380]  }
0x1a7: {  	v36 =	vld [tilespmem:s9+$0x8300];
	[tilespmem:$0x1FFB0] =	vst v1;
	v1 =	vbroadcast v0, $0x0;
	v0 =	vbroadcast v0, $0xF  }
0x1a8: {  	v51 =	vld [tilespmem:s9+$0x8400]  }
0x1a9: {  	v52 =	vld [tilespmem:s9+$0x8480];
	v7 =	vbroadcast v19, $0x1;
	[tilespmem:$0x1FF40] =	vst v0;
	v0 =	vmul.f32 v39, v6  }
0x1aa: {  	v53 =	vld [tilespmem:s9+$0x8500]  }
0x1ab: {  	v58 =	vld [tilespmem:s9+$0x8580];
	v46 =	vmul.f32 v46, v7;
	v0 =	vadd.f32 v0, v2  }
0x1ac: {  	v61 =	vld [tilespmem:s9+$0x8600]  }
0x1ad: {  	v63 =	vld [tilespmem:s9+$0x8680];
	v0 =	vadd.f32 v46, v0  }
0x1ae: {  	v54 =	vld [tilespmem:s9+$0x14300]  }
0x1af: {  	v5 =	vbroadcast v19, $0x0;
	[tilespmem:s9+$0x14380] =	vst v0;
	v0 =	vld [tilespmem:$0x1FF70]  }
0x1b0: {  	v43 =	vld [tilespmem:s9+$0xA380];
	v9 =	vbroadcast v19, $0x2;
	v48 =	vbroadcast v19, $0x5  }
0x1b1: {  	v44 =	vld [tilespmem:s9+$0x14400];
	v32 =	vbroadcast v19, $0x9;
	v51 =	vmul.f32 v51, v8  }
0x1b2: {  	v42 =	vld [tilespmem:s9+$0xA400];
	v47 =	vmul.f32 v47, v9;
	v36 =	vmul.f32 v36, v1  }
0x1b3: {  	v41 =	vld [tilespmem:s9+$0xA480];
	v18 =	vmovc v9;
	v9 =	vmul.f32 v52, v10;
	v24 =	vmov v48;
	v52 =	vmul.f32 v50, v48;
	[tilespmem:$0x1FF30] =	vst v13  }
0x1b4: {  	v13 =	vmovc v1;
	v1 =	vmul.f32 v21, v5;
	v54 =	vadd.f32 v36, v54;
	v48 =	vmul.f32 v0, v32;
	v0 =	vld [tilespmem:$0x1FF80]  }
0x1b5: {  	v40 =	vld [tilespmem:s9+$0xA500];
	v11 =	vbroadcast v19, $0x3;
	v57 =	vbroadcast v19, $0x4  }
0x1b6: {  	v45 =	vld [tilespmem:s9+$0x14480];
	v27 =	vbroadcast v19, $0x6;
	v44 =	vadd.f32 v51, v44;
	v1 =	vadd.f32 v1, v54  }
0x1b7: {  	v37 =	vld [tilespmem:s9+$0xA580];
	v29 =	vbroadcast v19, $0x7;
	v33 =	vbroadcast v19, $0xA  }
0x1b8: {  	v56 =	vld [tilespmem:s9+$0x14580];
	v31 =	vbroadcast v19, $0x8;
	v34 =	vbroadcast v19, $0xB;
	[tilespmem:s9+$0x14300] =	vst v1;
	v1 =	vadd.f32 v47, v44  }
0x1b9: {  	v35 =	vbroadcast v19, $0xC;
	v47 =	vmul.f32 v0, v33;
	v0 =	vld [tilespmem:$0x1FF90]  }
0x1ba: {  	v14 =	vmov v5;
	v51 =	vmul.f32 v55, v27;
	v5 =	vbroadcast v19, $0xF;
	[tilespmem:s9+$0x14400] =	vst v1;
	v1 =	vld [tilespmem:$0x1FFA0]  }
0x1bb: {  	v60 =	vld [tilespmem:s9+$0x14600];
	v45 =	vadd.f32 v9, v45;
	v36 =	vbroadcast v19, $0xD;
	v2 =	vbroadcast v19, $0xE  }
0x1bc: {  	v38 =	vld [tilespmem:s9+$0xA600];
	v19 =	vmovc v10;
	v10 =	vmul.f32 v22, v11;
	v22 =	vmov v57;
	v57 =	vmul.f32 v49, v57  }
0x1bd: {  	v55 =	vld [tilespmem:s9+$0x16380];
	v49 =	vmul.f32 v23, v31;
	v23 =	vmov v62;
	v62 =	vmul.f32 v58, v62  }
0x1be: {  	[tilespmem:$0x1FF50] =	vst v2;
	v2 =	vld [tilespmem:s9+$0x14500];
	v58 =	vadd.f32 v10, v45;
	v45 =	vmul.f32 v0, v34;
	v0 =	vmul.f32 v61, v59  }
0x1bf: {  	v46 =	vmul.f32 v1, v35;
	v1 =	vld [tilespmem:$0x1FFB0]  }
0x1c0: {  	v50 =	vmul.f32 v25, v29;
	v25 =	vmovc v59;
	v59 =	vadd.f32 v62, v56;
	v62 =	vadd.f32 v0, v60;
	v0 =	vld [tilespmem:$0x1FFC0]  }
0x1c1: {  	v20 =	vmov v11;
	v11 =	vmul.f32 v53, v12;
	v54 =	vld [tilespmem:s9+$0x14680]  }
0x1c2: {  	v39 =	vld [tilespmem:s9+$0xA680]  }
0x1c3: {  	v53 =	vld [tilespmem:s9+$0x16300];
	v2 =	vadd.f32 v11, v2  }
0x1c4: {  	v15 =	vmovc v6;
	v17 =	vmovc v8;
	v16 =	vmov v7;
	v63 =	vmul.f32 v63, v28;
	v21 =	vmov v12;
	v56 =	vld [tilespmem:s9+$0x16400]  }
0x1c5: {  	s0 =	simm.s32 $0x10;
	[tilespmem:$0x1FF60] =	vst v5;
	v44 =	vmul.f32 v1, v36;
	v61 =	vadd.f32 v57, v2;
	v57 =	vld [tilespmem:s9+$0x16480];
	v60 =	vmul.f32 v0, v30  }
.LBB2_4:
0x1c6: {  	v0 =	vadd.f32 v52, v59;
	v1 =	vadd.f32 v63, v54;
	v2 =	vmul.f32 v43, v26;
	_ =	sdelay $0x1  }
0x1c7: {  	[tilespmem:s9+$0x14580] =	vst v0;
	v0 =	vadd.f32 v50, v1;
	v1 =	vadd.f32 v2, v55;
	v2 =	vld [tilespmem:$0x1FF00]  }
0x1c8: {  	v5 =	vld [tilespmem:$0x1FEF0]  }
0x1c9: {  	s8 =	sadd.s32 $0x80, s8;
	[tilespmem:s9+$0x14480] =	vst v58;
	v51 =	vadd.f32 v51, v62  }
0x1ca: {  	s10 =	sand.u32 $0x70, s0;
	[tilespmem:s9+$0x14500] =	vst v61;
	s11 =	sand.u32 $0x1C00, s8  }
0x1cb: {  	s10 =	sor.u32 s10, s11;
	[tilespmem:s9+$0x14600] =	vst v51  }
0x1cc: {  	v51 =	vld [tilespmem:s10+$0xC300];
	v2 =	vmul.f32 v41, v2  }
0x1cd: {  	v42 =	vmul.f32 v42, v5;
	v5 =	vld [tilespmem:$0x1FF10]  }
0x1ce: {  	[tilespmem:s9+$0x14680] =	vst v0;
	v0 =	vadd.f32 v48, v1;
	v1 =	vadd.f32 v2, v57;
	v2 =	vld [tilespmem:$0x1FF20]  }
0x1cf: {  	v62 =	vadd.f32 v60, v53  }
0x1d0: {  	v63 =	vld [tilespmem:s9+$0x16580]  }
0x1d1: {  	v49 =	vadd.f32 v49, v62  }
0x1d2: {  	v42 =	vadd.f32 v42, v56;
	v10 =	vld [tilespmem:s10+$0xC380]  }
0x1d3: {  	[tilespmem:s9+$0x16300] =	vst v49;
	v40 =	vmul.f32 v40, v5;
	v5 =	vld [tilespmem:$0x1FF30];
	v2 =	vmul.f32 v37, v2  }
0x1d4: {  	v11 =	vadd.f32 v47, v42;
	v47 =	vld [tilespmem:s10+$0xC400]  }
0x1d5: {  	[tilespmem:s9+$0x16380] =	vst v0;
	v0 =	vadd.f32 v45, v1;
	v1 =	vadd.f32 v2, v63;
	v2 =	vld [tilespmem:$0x1FF40]  }
0x1d6: {  	v8 =	vld [tilespmem:s9+$0x16600]  }
0x1d7: {  	v9 =	vld [tilespmem:s9+$0x16680]  }
0x1d8: {  	v59 =	vld [tilespmem:s9+$0x16500]  }
0x1d9: {  	v38 =	vmul.f32 v38, v5;
	v5 =	vld [tilespmem:$0x1FF50]  }
0x1da: {  	v2 =	vmul.f32 v39, v2;
	v39 =	vld [tilespmem:s10+$0xC480];
	[tilespmem:s9+$0x16400] =	vst v11  }
0x1db: {  	v45 =	vld [tilespmem:s10+$0xC500]  }
0x1dc: {  	[tilespmem:s9+$0x16480] =	vst v0;
	v0 =	vadd.f32 v44, v1;
	v1 =	vadd.f32 v2, v9;
	v2 =	vld [tilespmem:$0x1FF60];
	_ =	sdelay $0x1  }
0x1dd: {  	v40 =	vadd.f32 v40, v59;
	_ =	sdelay $0x1  }
0x1de: {  	v40 =	vadd.f32 v46, v40;
	v38 =	vadd.f32 v38, v8;
	v4 =	vmul.f32 v4, v5  }
0x1df: {  	v2 =	vmul.f32 v3, v2  }
0x1e0: {  	v49 =	vld [tilespmem:s10+$0xC580];
	[tilespmem:s9+$0x16500] =	vst v40;
	v3 =	vadd.f32 v4, v38  }
0x1e1: {  	v50 =	vld [tilespmem:s10+$0xC600];
	[tilespmem:s9+$0x16580] =	vst v0;
	v0 =	vadd.f32 v2, v1  }
0x1e2: {  	v1 =	vld [tilespmem:s10+$0xC680];
	[tilespmem:s9+$0x16600] =	vst v3  }
0x1e3: {  	v2 =	vld [tilespmem:s10+$0xE300];
	[tilespmem:s9+$0x16680] =	vst v0;
	s9 =	smov.u32 s10  }
0x1e4: {  	v0 =	vld [tilespmem:s9+$0xE380]  }
0x1e5: {  	v53 =	vld [tilespmem:s9+$0xE400]  }
0x1e6: {  	v54 =	vld [tilespmem:s9+$0xE480]  }
0x1e7: {  	v55 =	vld [tilespmem:s9+$0xE500]  }
0x1e8: {  	v56 =	vld [tilespmem:s9+$0xE580]  }
0x1e9: {  	v4 =	vld [tilespmem:s9+$0xE600]  }
0x1ea: {  	v3 =	vld [tilespmem:s9+$0xE680]  }
0x1eb: {  	v57 =	vld [tilespmem:s9+$0x8300]  }
0x1ec: {  	v58 =	vld [tilespmem:s9+$0x8380]  }
0x1ed: {  	v59 =	vld [tilespmem:s9+$0x8400]  }
0x1ee: {  	v60 =	vld [tilespmem:s9+$0x8480]  }
0x1ef: {  	v61 =	vld [tilespmem:s9+$0x8500]  }
0x1f0: {  	v62 =	vld [tilespmem:s9+$0x8580]  }
0x1f1: {  	v63 =	vld [tilespmem:s9+$0x8600]  }
0x1f2: {  	v5 =	vld [tilespmem:s9+$0x8680]  }
0x1f3: {  	v6 =	vld [tilespmem:s9+$0xA300]  }
0x1f4: {  	v43 =	vld [tilespmem:s9+$0xA380]  }
0x1f5: {  	v42 =	vld [tilespmem:s9+$0xA400]  }
0x1f6: {  	v41 =	vld [tilespmem:s9+$0xA480]  }
0x1f7: {  	v40 =	vld [tilespmem:s9+$0xA500]  }
0x1f8: {  	v37 =	vld [tilespmem:s9+$0xA580]  }
0x1f9: {  	v7 =	vmul.f32 v51, v14;
	v8 =	vmul.f32 v10, v16;
	v38 =	vld [tilespmem:s9+$0xA600]  }
0x1fa: {  	v9 =	vmul.f32 v47, v18;
	v10 =	vmul.f32 v39, v20;
	v39 =	vld [tilespmem:s9+$0xA680]  }
0x1fb: {  	v12 =	vmul.f32 v45, v22;
	v52 =	vmul.f32 v49, v24;
	v11 =	vld [tilespmem:s9+$0x14300]  }
0x1fc: {  	v51 =	vmul.f32 v50, v27;
	v44 =	vld [tilespmem:s9+$0x14380];
	v50 =	vmul.f32 v1, v29  }
0x1fd: {  	v1 =	vld [tilespmem:s9+$0x14400];
	v49 =	vmul.f32 v2, v31;
	v48 =	vmul.f32 v0, v32  }
0x1fe: {  	v2 =	vld [tilespmem:s9+$0x14480];
	v0 =	vmul.f32 v57, v13;
	v47 =	vmul.f32 v53, v33  }
0x1ff: {  	v53 =	vmul.f32 v58, v15;
	v57 =	vld [tilespmem:s9+$0x14500];
	v45 =	vmul.f32 v54, v34  }
0x200: {  	v46 =	vmul.f32 v55, v35;
	v0 =	vadd.f32 v0, v11;
	v11 =	vmul.f32 v59, v17;
	v59 =	vld [tilespmem:s9+$0x14580]  }
0x201: {  	p0 =	sne.s32 s0, $0x3F0;
	v58 =	vmul.f32 v60, v19;
	v60 =	vld [tilespmem:s9+$0x14600];
	v62 =	vmul.f32 v62, v23;
	v53 =	vadd.f32 v53, v44  }
.Ltmp1:
0x202: {  	v54 =	vld [tilespmem:s9+$0x14680];
	v0 =	vadd.f32 v7, v0;
	v1 =	vadd.f32 v11, v1;
	v7 =	vmul.f32 v61, v21;
	(pc) =	sbr.rel @p0 .LBB2_4-.Ltmp1, $4  }
0x203: {  	v55 =	vld [tilespmem:s9+$0x16380];
	v44 =	vmul.f32 v56, v36;
	v2 =	vadd.f32 v58, v2;
	v8 =	vadd.f32 v8, v53  }
0x204: {  	v56 =	vld [tilespmem:s9+$0x16400];
	[tilespmem:s9+$0x14300] =	vst v0;
	v0 =	vadd.f32 v9, v1;
	v1 =	vadd.f32 v7, v57;
	v7 =	vmul.f32 v63, v25  }
0x205: {  	v53 =	vld [tilespmem:s9+$0x16300];
	v58 =	vadd.f32 v10, v2;
	[tilespmem:s9+$0x14380] =	vst v8;
	v63 =	vmul.f32 v5, v28;
	v59 =	vadd.f32 v62, v59  }
0x206: {  	s0 =	sadd.s32 $0x10, s0;
	v57 =	vld [tilespmem:s9+$0x16480];
	[tilespmem:s9+$0x14400] =	vst v0;
	v61 =	vadd.f32 v12, v1;
	v62 =	vadd.f32 v7, v60;
	v60 =	vmul.f32 v6, v30  }
0x207: {  	v8 =	vld [tilespmem:$0x1FEF0]  }
0x208: {  	v10 =	vld [tilespmem:$0x1FF00];
	_ =	sdelay $0x1  }
0x209: {  	v1 =	vadd.f32 v52, v59  }
0x20a: {  	v5 =	vadd.f32 v63, v54;
	v6 =	vmul.f32 v43, v26  }
0x20b: {  	v7 =	vadd.f32 v51, v62;
	[tilespmem:s9+$0x14580] =	vst v1;
	v1 =	vadd.f32 v60, v53;
	v8 =	vmul.f32 v42, v8  }
0x20c: {  	v5 =	vadd.f32 v50, v5;
	v6 =	vadd.f32 v6, v55;
	v10 =	vmul.f32 v41, v10  }
0x20d: {  	[tilespmem:s9+$0x14600] =	vst v7;
	v1 =	vadd.f32 v49, v1;
	v7 =	vadd.f32 v8, v56  }
0x20e: {  	v9 =	vld [tilespmem:s9+$0x16600];
	[tilespmem:s9+$0x14680] =	vst v5;
	v5 =	vadd.f32 v48, v6;
	v6 =	vadd.f32 v10, v57  }
0x20f: {  	[tilespmem:s9+$0x16300] =	vst v1;
	v1 =	vadd.f32 v47, v7;
	v7 =	vld [tilespmem:$0x1FF30]  }
0x210: {  	[tilespmem:s9+$0x16380] =	vst v5;
	v5 =	vadd.f32 v45, v6;
	v6 =	vld [tilespmem:$0x1FF40]  }
0x211: {  	v11 =	vld [tilespmem:s9+$0x16680]  }
0x212: {  	v8 =	vld [tilespmem:$0x1FF10]  }
0x213: {  	v10 =	vld [tilespmem:$0x1FF20]  }
0x214: {  	v0 =	vld [tilespmem:s9+$0x16500];
	v7 =	vmul.f32 v38, v7  }
0x215: {  	v2 =	vld [tilespmem:s9+$0x16580];
	v6 =	vmul.f32 v39, v6  }
0x216: {  	[tilespmem:s9+$0x16400] =	vst v1;
	v1 =	vadd.f32 v7, v9;
	v7 =	vld [tilespmem:$0x1FF50]  }
0x217: {  	[tilespmem:s9+$0x16480] =	vst v5;
	v8 =	vmul.f32 v40, v8;
	v5 =	vadd.f32 v6, v11;
	v6 =	vld [tilespmem:$0x1FF60]  }
0x218: {  	v10 =	vmul.f32 v37, v10  }
0x219: {  	v0 =	vadd.f32 v8, v0  }
0x21a: {  	v2 =	vadd.f32 v10, v2  }
0x21b: {  	[tilespmem:s9+$0x14480] =	vst v58;
	v0 =	vadd.f32 v46, v0;
	v4 =	vmul.f32 v4, v7  }
0x21c: {  	[tilespmem:s9+$0x14500] =	vst v61;
	v2 =	vadd.f32 v44, v2;
	v3 =	vmul.f32 v3, v6  }
0x21d: {  	[tilespmem:s9+$0x16500] =	vst v0;
	v0 =	vadd.f32 v4, v1  }
0x21e: {  	[tilespmem:s9+$0x16580] =	vst v2;
	v1 =	vadd.f32 v3, v5  }
0x21f: {  	[tilespmem:s9+$0x16600] =	vst v0  }
0x220: {  	s8 =	simm.s32 $0x0;
	s0 =	rddreg [dreg:$0x16];
	[tilespmem:s9+$0x16680] =	vst v1  }
0x221: {  	[hbm4b:s0+s8] =	stream.linear.scatter [tilespmem:s16], [sflag:$0x3], $0x4000, $0x38;
	[tilespmem:$0x18300] =	vst v63  }
0x222: {  	_ =	swait.ge [sflag:s7], $0x4000  }
0x223: {  	[sflag:s7] =	ssyncset.done $0x0  }
0x224: {  	s10 =	simm.s32 $0x80;
	s9 =	rddreg [dreg:$0xf];
	[sflag:s7] =	ssyncadd.s32 $0xFFFFC000  }
0x225: {  	[tilespmem:s10], [sflag:$0x4] =	stream.linear.gather [hbm4b:s9+s8], $0x10, $0x38;
	[tilespmem:$0x18300] =	vst v63  }
0x226: {  	_ =	swait.ge [sflag:s1], $0x10  }
0x227: {  	[sflag:s1] =	ssyncset.done $0x0  }
0x228: {  	s12 =	simm.s32 $0x90;
	s11 =	rddreg [dreg:$0x10];
	[sflag:s1] =	ssyncadd.s32 $0xFFFFFFF0  }
0x229: {  	[tilespmem:s12], [sflag:$0x4] =	stream.linear.gather [hbm4b:s11+s8], $0x10, $0x38;
	[tilespmem:$0x18300] =	vst v63  }
0x22a: {  	_ =	swait.ge [sflag:s1], $0x10  }
0x22b: {  	[sflag:s1] =	ssyncset.done $0x0  }
0x22c: {  	[sflag:s1] =	ssyncadd.s32 $0xFFFFFFF0  }
0x22d: {  	v0 =	vld [tilespmem:$0x80];
	_ =	sdelay $0x2  }
0x22e: {  	v2 =	vld [tilespmem:$0x1FFD0];
	_ =	sdelay $0x1  }
0x22f: {  	v3 =	vld [tilespmem:$0x1FFE0];
	v1 =	vshll.u32 v0, $0x3  }
0x230: {  	v0 =	vand.u32 $0x7, v0;
	v1 =	vand.u32 $0xFFFFFFC0, v1  }
0x231: {  	v0 =	vor.u32 v0, v1  }
0x232: {  	v1 =	vperm.xlane v0, v2;
	_ =	sdelay $0x1  }
0x233: {  	v1 =	vadd.s32 v3, v1  }
0x234: {  	v4 =	vld [tilespmem:$0x1FFF0];
	_ =	sdelay $0x2  }
0x235: {  	s10 =	simm.s32 $0x8300  }
0x236: {  	[tilespmem:s10], [sflag:$0x1] =	stream.indirect_vreg.gather [hbm4b:s26+s8], $0x80, v1, vm0, $0xb8;
	[tilespmem:$0x18300] =	vst v63  }
0x237: {  	s11 =	simm.s32 $0x8B00;
	v0 =	vperm.xlane v0, v4  }
0x238: {  	[tilespmem:s11], [sflag:$0x1] =	stream.indirect_vreg.gather [hbm4b:s29+s8], $0x80, v1, vm0, $0xb8;
	[tilespmem:$0x18300] =	vst v63  }
0x239: {  	s12 =	simm.s32 $0x9300;
	v0 =	vadd.s32 v3, v0  }
0x23a: {  	[tilespmem:s12], [sflag:$0x1] =	stream.indirect_vreg.gather [hbm4b:s30+s8], $0x80, v1, vm0, $0xb8;
	[tilespmem:$0x18300] =	vst v63  }
0x23b: {  	s9 =	simm.s32 $0x9B00  }
0x23c: {  	[tilespmem:s9], [sflag:$0x1] =	stream.indirect_vreg.gather [hbm4b:s31+s8], $0x80, v1, vm0, $0xb8;
	[tilespmem:$0x18300] =	vst v63  }
0x23d: {  	s10 =	simm.s32 $0xA300  }
0x23e: {  	[tilespmem:s10], [sflag:$0x1] =	stream.indirect_vreg.gather [hbm4b:s26+s8], $0x80, v0, vm0, $0xb8;
	[tilespmem:$0x18300] =	vst v63  }
0x23f: {  	_ = 	snop  }
0x240: {  	[tilespmem:s2], [sflag:$0x1] =	stream.indirect_vreg.gather [hbm4b:s29+s8], $0x80, v0, vm0, $0xb8;
	[tilespmem:$0x18300] =	vst v63  }
0x241: {  	_ = 	snop  }
0x242: {  	[tilespmem:s19], [sflag:$0x1] =	stream.indirect_vreg.gather [hbm4b:s30+s8], $0x80, v0, vm0, $0xb8;
	[tilespmem:$0x18300] =	vst v63  }
0x243: {  	_ = 	snop  }
0x244: {  	[tilespmem:s13], [sflag:$0x1] =	stream.indirect_vreg.gather [hbm4b:s31+s8], $0x80, v0, vm0, $0xb8;
	[tilespmem:$0x18300] =	vst v63  }
0x245: {  	v0 =	vld [tilespmem:$0x90];
	_ =	sdelay $0x4  }
0x246: {  	v1 =	vshll.u32 v0, $0x3  }
0x247: {  	v0 =	vand.u32 $0x7, v0;
	v1 =	vand.u32 $0xFFFFFFC0, v1  }
0x248: {  	v0 =	vor.u32 v0, v1  }
0x249: {  	v1 =	vperm.xlane v0, v2;
	_ =	sdelay $0x1  }
0x24a: {  	v1 =	vadd.s32 v3, v1;
	_ =	sdelay $0x4  }
0x24b: {  	[tilespmem:s20], [sflag:$0x1] =	stream.indirect_vreg.gather [hbm4b:s26+s8], $0x80, v1, vm0, $0xb8;
	[tilespmem:$0x18300] =	vst v63  }
0x24c: {  	v0 =	vperm.xlane v0, v4  }
0x24d: {  	[tilespmem:s3], [sflag:$0x1] =	stream.indirect_vreg.gather [hbm4b:s29+s8], $0x80, v1, vm0, $0xb8;
	[tilespmem:$0x18300] =	vst v63  }
0x24e: {  	v0 =	vadd.s32 v3, v0  }
0x24f: {  	[tilespmem:s14], [sflag:$0x1] =	stream.indirect_vreg.gather [hbm4b:s30+s8], $0x80, v1, vm0, $0xb8;
	[tilespmem:$0x18300] =	vst v63  }
0x250: {  	_ = 	snop  }
0x251: {  	[tilespmem:s21], [sflag:$0x1] =	stream.indirect_vreg.gather [hbm4b:s31+s8], $0x80, v1, vm0, $0xb8;
	[tilespmem:$0x18300] =	vst v63  }
0x252: {  	_ = 	snop  }
0x253: {  	[tilespmem:s4], [sflag:$0x1] =	stream.indirect_vreg.gather [hbm4b:s26+s8], $0x80, v0, vm0, $0xb8;
	[tilespmem:$0x18300] =	vst v63  }
0x254: {  	_ = 	snop  }
0x255: {  	[tilespmem:s22], [sflag:$0x1] =	stream.indirect_vreg.gather [hbm4b:s29+s8], $0x80, v0, vm0, $0xb8;
	[tilespmem:$0x18300] =	vst v63  }
0x256: {  	_ = 	snop  }
0x257: {  	[tilespmem:s15], [sflag:$0x1] =	stream.indirect_vreg.gather [hbm4b:s30+s8], $0x80, v0, vm0, $0xb8;
	[tilespmem:$0x18300] =	vst v63  }
0x258: {  	_ = 	snop  }
0x259: {  	[tilespmem:s23], [sflag:$0x1] =	stream.indirect_vreg.gather [hbm4b:s31+s8], $0x80, v0, vm0, $0xb8;
	[tilespmem:$0x18300] =	vst v63  }
0x25a: {  	s11 =	rddreg [dreg:$0x18]  }
0x25b: {  	[tilespmem:s16], [sflag:$0x2] =	stream.linear.gather [hbm4b:s11+s8], $0x4000, $0x38;
	[tilespmem:$0x18300] =	vst v63  }
0x25c: {  	s12 =	rddreg [dreg:$0x11]  }
0x25d: {  	[tilespmem:s24], [sflag:$0x4] =	stream.linear.gather [hbm4b:s12+s8], $0x10, $0x38;
	[tilespmem:$0x18300] =	vst v63  }
0x25e: {  	_ =	swait.ge [sflag:s1], $0x10  }
0x25f: {  	[sflag:s1] =	ssyncset.done $0x0  }
0x260: {  	s9 =	rddreg [dreg:$0x12];
	[sflag:s1] =	ssyncadd.s32 $0xFFFFFFF0  }
0x261: {  	[tilespmem:s6], [sflag:$0x4] =	stream.linear.gather [hbm4b:s9+s8], $0x10, $0x38;
	[tilespmem:$0x18300] =	vst v63  }
0x262: {  	_ =	swait.ge [sflag:s1], $0x10  }
0x263: {  	[sflag:s1] =	ssyncset.done $0x0  }
0x264: {  	[sflag:s1] =	ssyncadd.s32 $0xFFFFFFF0  }
0x265: {  	_ =	swait.ge [sflag:s25], $0x8000  }
0x266: {  	[sflag:s25] =	ssyncset.done $0x0  }
0x267: {  	[sflag:s25] =	ssyncadd.s32 $0xFFFF8000  }
0x268: {  	_ =	swait.ge [sflag:s17], $0x4000  }
0x269: {  	[sflag:s17] =	ssyncset.done $0x0  }
0x26a: {  	[sflag:s17] =	ssyncadd.s32 $0xFFFFC000  }
0x26b: {  	s10 =	sand.u32 $0x70, s8;
	s11 =	sand.u32 $0x1C00, s8;
	v0 =	vld [tilespmem:$0x100]  }
0x26c: {  	s9 =	sor.u32 s10, s11;
	v1 =	vld [tilespmem:$0x200]  }
0x26d: {  	v2 =	vld [tilespmem:s9+$0x10580]  }
0x26e: {  	v17 =	vld [tilespmem:s9+$0x10500]  }
0x26f: {  	v18 =	vld [tilespmem:s9+$0x10480]  }
0x270: {  	v19 =	vld [tilespmem:s9+$0x10600]  }
0x271: {  	v20 =	vld [tilespmem:s9+$0x10400]  }
0x272: {  	v21 =	vld [tilespmem:s9+$0x4400]  }
0x273: {  	v22 =	vld [tilespmem:s9+$0x4580]  }
0x274: {  	v23 =	vld [tilespmem:s9+$0x4480]  }
0x275: {  	v24 =	vld [tilespmem:s9+$0x4600]  }
0x276: {  	v25 =	vld [tilespmem:s9+$0x4500];
	v3 =	vbroadcast v0, $0x0  }
0x277: {  	v26 =	vld [tilespmem:s9+$0x4300];
	v4 =	vbroadcast v1, $0x0;
	v5 =	vbroadcast v0, $0x1  }
0x278: {  	v27 =	vld [tilespmem:s9+$0x600];
	v6 =	vbroadcast v1, $0x1;
	v7 =	vbroadcast v0, $0x2  }
0x279: {  	v28 =	vld [tilespmem:s9+$0x580];
	v8 =	vbroadcast v1, $0x2;
	v9 =	vbroadcast v0, $0x3  }
0x27a: {  	v29 =	vld [tilespmem:s9+$0x400];
	v10 =	vbroadcast v1, $0x3;
	v11 =	vbroadcast v0, $0x4  }
0x27b: {  	v30 =	vld [tilespmem:s9+$0x500];
	v12 =	vbroadcast v1, $0x4;
	v13 =	vbroadcast v0, $0x5  }
0x27c: {  	v31 =	vld [tilespmem:s9+$0x300];
	v14 =	vbroadcast v0, $0x6;
	v15 =	vbroadcast v1, $0x6  }
0x27d: {  	v32 =	vld [tilespmem:s9+$0x480];
	v16 =	vbroadcast v1, $0x5;
	v21 =	vmul.f32 v21, v8  }
0x27e: {  	v33 =	vld [tilespmem:s9+$0x10300];
	v27 =	vmul.f32 v27, v14;
	v24 =	vmul.f32 v24, v15  }
0x27f: {  	v34 =	vld [tilespmem:s9+$0x380];
	v28 =	vmul.f32 v28, v13;
	v29 =	vmul.f32 v29, v7  }
0x280: {  	v35 =	vld [tilespmem:s9+$0x4380];
	v22 =	vmul.f32 v22, v16;
	v19 =	vadd.f32 v27, v19;
	v27 =	vmul.f32 v30, v11  }
0x281: {  	v26 =	vmul.f32 v26, v4;
	v30 =	vld [tilespmem:s9+$0x10380];
	v20 =	vadd.f32 v29, v20;
	v2 =	vadd.f32 v28, v2  }
0x282: {  	v29 =	vmul.f32 v31, v3;
	v19 =	vadd.f32 v24, v19;
	v17 =	vadd.f32 v27, v17  }
0x283: {  	v24 =	vmul.f32 v25, v12;
	v25 =	vmul.f32 v32, v9;
	v20 =	vadd.f32 v21, v20  }
0x284: {  	v21 =	vadd.f32 v29, v33;
	v27 =	vmul.f32 v34, v5;
	v2 =	vadd.f32 v22, v2;
	[tilespmem:s9+$0x10600] =	vst v19  }
0x285: {  	v17 =	vadd.f32 v24, v17;
	v19 =	vmul.f32 v23, v10;
	v18 =	vadd.f32 v25, v18;
	[tilespmem:s9+$0x10400] =	vst v20  }
0x286: {  	v21 =	vadd.f32 v26, v21;
	v20 =	vmul.f32 v35, v6;
	[tilespmem:s9+$0x10580] =	vst v2;
	v22 =	vadd.f32 v27, v30  }
0x287: {  	[tilespmem:s9+$0x10500] =	vst v17;
	v17 =	vadd.f32 v19, v18  }
0x288: {  	[tilespmem:s9+$0x10300] =	vst v21;
	v18 =	vadd.f32 v20, v22  }
0x289: {  	s11 =	sor.u32 s8, s8;
	[tilespmem:s9+$0x10480] =	vst v17  }
0x28a: {  	s12 =	sor.u32 $0x380, s11;
	[tilespmem:s9+$0x10380] =	vst v18  }
0x28b: {  	v2 =	vld [tilespmem:s12+$0x300]  }
0x28c: {  	v18 =	vld [tilespmem:s9+$0x4680]  }
0x28d: {  	v17 =	vld [tilespmem:s12+$0x10300]  }
0x28e: {  	v33 =	vbroadcast v0, $0x7  }
0x28f: {  	v28 =	vbroadcast v0, $0xC  }
0x290: {  	v34 =	vbroadcast v1, $0x7;
	v2 =	vmul.f32 v2, v33  }
0x291: {  	v31 =	vbroadcast v0, $0xE;
	v32 =	vbroadcast v0, $0x8  }
0x292: {  	v29 =	vbroadcast v1, $0xE;
	v2 =	vadd.f32 v2, v17;
	v17 =	vmul.f32 v18, v34  }
0x293: {  	v25 =	vbroadcast v1, $0x9;
	v23 =	vbroadcast v0, $0xB  }
0x294: {  	v26 =	vbroadcast v1, $0xC;
	v24 =	vbroadcast v0, $0xD;
	v2 =	vadd.f32 v17, v2  }
0x295: {  	v30 =	vbroadcast v1, $0x8;
	v27 =	vbroadcast v0, $0x9  }
0x296: {  	v19 =	vbroadcast v1, $0xA;
	v21 =	vbroadcast v1, $0xD;
	[tilespmem:s12+$0x10300] =	vst v2  }
0x297: {  	v20 =	vbroadcast v0, $0xA;
	v22 =	vbroadcast v1, $0xB;
	v36 =	vld [tilespmem:s9+$0x2380]  }
0x298: {  	s10 =	simm.s32 $0x10;
	v18 =	vbroadcast v0, $0xF;
	v17 =	vbroadcast v1, $0xF;
	v35 =	vld [tilespmem:s9+$0x6300]  }
.LBB2_6:
0x299: {  	p0 =	sne.s32 s10, $0x3F0  }
0x29a: {  	v0 =	vld [tilespmem:s9+$0x12580];
	s8 =	sadd.s32 $0x80, s8;
	s0 =	smov.u32 s10;
	s10 =	sadd.s32 $0x10, s10  }
0x29b: {  	v1 =	vld [tilespmem:s9+$0x2600]  }
0x29c: {  	v2 =	vld [tilespmem:s9+$0x12480]  }
0x29d: {  	v37 =	vld [tilespmem:s9+$0x12380];
	v36 =	vmul.f32 v36, v27  }
0x29e: {  	v38 =	vld [tilespmem:s9+$0x12300]  }
0x29f: {  	v39 =	vld [tilespmem:s9+$0x2300]  }
0x2a0: {  	v40 =	vld [tilespmem:s9+$0x6400]  }
0x2a1: {  	v1 =	vmul.f32 v1, v31;
	v41 =	vld [tilespmem:s9+$0x6480]  }
0x2a2: {  	v36 =	vadd.f32 v36, v37;
	v37 =	vld [tilespmem:s9+$0x12600]  }
0x2a3: {  	v42 =	vld [tilespmem:s9+$0x6380]  }
0x2a4: {  	v39 =	vmul.f32 v39, v32;
	v43 =	vld [tilespmem:s9+$0x2500]  }
0x2a5: {  	v35 =	vmul.f32 v35, v30;
	v44 =	vld [tilespmem:s9+$0x6600]  }
0x2a6: {  	v38 =	vadd.f32 v39, v38;
	v39 =	vld [tilespmem:s9+$0x6500]  }
0x2a7: {  	v45 =	vld [tilespmem:s9+$0x2480];
	v1 =	vadd.f32 v1, v37  }
0x2a8: {  	v35 =	vadd.f32 v35, v38;
	v37 =	vmul.f32 v42, v25;
	v38 =	vld [tilespmem:s9+$0x12500]  }
0x2a9: {  	v42 =	vld [tilespmem:s9+$0x2580]  }
0x2aa: {  	[tilespmem:s9+$0x12300] =	vst v35;
	v35 =	vadd.f32 v37, v36;
	v36 =	vld [tilespmem:s9+$0x2400];
	v37 =	vmul.f32 v43, v28  }
0x2ab: {  	v44 =	vmul.f32 v44, v29;
	v43 =	vld [tilespmem:s9+$0x6580]  }
0x2ac: {  	v39 =	vmul.f32 v39, v26;
	[tilespmem:s9+$0x12380] =	vst v35;
	v35 =	vld [tilespmem:s9+$0x12400];
	v45 =	vmul.f32 v45, v23  }
0x2ad: {  	v41 =	vmul.f32 v41, v22;
	v37 =	vadd.f32 v37, v38;
	v38 =	vld [tilespmem:s9+$0x6680]  }
0x2ae: {  	v1 =	vadd.f32 v44, v1;
	v42 =	vmul.f32 v42, v24  }
0x2af: {  	v2 =	vadd.f32 v45, v2;
	v36 =	vmul.f32 v36, v20;
	v37 =	vadd.f32 v39, v37  }
0x2b0: {  	v39 =	vmul.f32 v40, v19;
	v0 =	vadd.f32 v42, v0;
	v40 =	vmul.f32 v43, v21  }
0x2b1: {  	v2 =	vadd.f32 v41, v2;
	v35 =	vadd.f32 v36, v35;
	[tilespmem:s9+$0x12500] =	vst v37  }
0x2b2: {  	v0 =	vadd.f32 v40, v0;
	[tilespmem:s9+$0x12600] =	vst v1  }
0x2b3: {  	v1 =	vadd.f32 v39, v35;
	[tilespmem:s9+$0x12480] =	vst v2  }
0x2b4: {  	[tilespmem:s9+$0x12580] =	vst v0  }
0x2b5: {  	s11 =	sor.u32 $0x2380, s11;
	[tilespmem:s9+$0x12400] =	vst v1  }
0x2b6: {  	v0 =	vld [tilespmem:s11+$0x300]  }
0x2b7: {  	v1 =	vld [tilespmem:s11+$0x10300];
	_ =	sdelay $0x3  }
0x2b8: {  	s12 =	sand.u32 $0x1C00, s8;
	s9 =	sand.u32 $0x70, s0;
	v0 =	vmul.f32 v0, v18  }
0x2b9: {  	s9 =	sor.u32 s9, s12  }
0x2ba: {  	v2 =	vld [tilespmem:s9+$0x10580];
	v0 =	vadd.f32 v0, v1;
	v1 =	vmul.f32 v38, v17  }
0x2bb: {  	v35 =	vld [tilespmem:s9+$0x10500]  }
0x2bc: {  	v36 =	vld [tilespmem:s9+$0x10480];
	v0 =	vadd.f32 v1, v0  }
0x2bd: {  	v1 =	vld [tilespmem:s9+$0x10600]  }
0x2be: {  	v37 =	vld [tilespmem:s9+$0x10400];
	[tilespmem:s11+$0x10300] =	vst v0  }
0x2bf: {  	v0 =	vld [tilespmem:s9+$0x4400]  }
0x2c0: {  	v38 =	vld [tilespmem:s9+$0x4580]  }
0x2c1: {  	v39 =	vld [tilespmem:s9+$0x4480]  }
0x2c2: {  	v40 =	vld [tilespmem:s9+$0x4600]  }
0x2c3: {  	v41 =	vld [tilespmem:s9+$0x4500]  }
0x2c4: {  	v42 =	vld [tilespmem:s9+$0x4300]  }
0x2c5: {  	v43 =	vld [tilespmem:s9+$0x600]  }
0x2c6: {  	v44 =	vld [tilespmem:s9+$0x4380]  }
0x2c7: {  	v45 =	vld [tilespmem:s9+$0x580]  }
0x2c8: {  	v46 =	vld [tilespmem:s9+$0x500]  }
0x2c9: {  	v0 =	vmul.f32 v0, v8;
	v47 =	vld [tilespmem:s9+$0x400]  }
0x2ca: {  	v39 =	vmul.f32 v39, v10;
	v48 =	vld [tilespmem:s9+$0x480];
	v43 =	vmul.f32 v43, v14  }
0x2cb: {  	v40 =	vmul.f32 v40, v15;
	v49 =	vld [tilespmem:s9+$0x380]  }
0x2cc: {  	v38 =	vmul.f32 v38, v16;
	v50 =	vld [tilespmem:s9+$0x300];
	v45 =	vmul.f32 v45, v13;
	v1 =	vadd.f32 v43, v1  }
0x2cd: {  	v42 =	vmul.f32 v42, v4;
	v43 =	vld [tilespmem:s9+$0x10380];
	v46 =	vmul.f32 v46, v11  }
0x2ce: {  	v44 =	vmul.f32 v44, v6;
	v51 =	vld [tilespmem:s9+$0x10300];
	v47 =	vmul.f32 v47, v7;
	v1 =	vadd.f32 v40, v1  }
0x2cf: {  	v2 =	vadd.f32 v45, v2;
	v40 =	vmul.f32 v48, v9;
	v35 =	vadd.f32 v46, v35  }
0x2d0: {  	v45 =	vmul.f32 v49, v5;
	v37 =	vadd.f32 v47, v37  }
0x2d1: {  	v2 =	vadd.f32 v38, v2;
	v46 =	vmul.f32 v50, v3;
	v36 =	vadd.f32 v40, v36  }
0x2d2: {  	v38 =	vadd.f32 v45, v43;
	v0 =	vadd.f32 v0, v37;
	v37 =	vmul.f32 v41, v12  }
0x2d3: {  	v40 =	vadd.f32 v46, v51;
	v36 =	vadd.f32 v39, v36  }
0x2d4: {  	v38 =	vadd.f32 v44, v38;
	v35 =	vadd.f32 v37, v35;
	[tilespmem:s9+$0x10600] =	vst v1  }
0x2d5: {  	v1 =	vadd.f32 v42, v40;
	[tilespmem:s9+$0x10400] =	vst v0  }
0x2d6: {  	[tilespmem:s9+$0x10500] =	vst v35  }
0x2d7: {  	[tilespmem:s9+$0x10300] =	vst v1  }
0x2d8: {  	[tilespmem:s9+$0x10580] =	vst v2  }
0x2d9: {  	s11 =	sor.u32 s0, s8;
	[tilespmem:s9+$0x10480] =	vst v36  }
0x2da: {  	s0 =	sor.u32 $0x380, s11;
	[tilespmem:s9+$0x10380] =	vst v38  }
0x2db: {  	v0 =	vld [tilespmem:s0+$0x300]  }
0x2dc: {  	v1 =	vld [tilespmem:s0+$0x10300]  }
0x2dd: {  	v2 =	vld [tilespmem:s9+$0x4680];
	_ =	sdelay $0x2  }
0x2de: {  	v0 =	vmul.f32 v0, v33;
	_ =	sdelay $0x1  }
0x2df: {  	v0 =	vadd.f32 v0, v1;
	v1 =	vmul.f32 v2, v34;
	_ =	sdelay $0x1  }
.Ltmp2:
0x2e0: {  	v0 =	vadd.f32 v1, v0;
	(pc) =	sbr.rel @p0 .LBB2_6-.Ltmp2, $4  }
0x2e1: {  	_ = 	snop  }
0x2e2: {  	[tilespmem:s0+$0x10300] =	vst v0  }
0x2e3: {  	v36 =	vld [tilespmem:s9+$0x2380]  }
0x2e4: {  	v35 =	vld [tilespmem:s9+$0x6300]  }
0x2e5: {  	v0 =	vld [tilespmem:s9+$0x12580]  }
0x2e6: {  	v1 =	vld [tilespmem:s9+$0x2600]  }
0x2e7: {  	v2 =	vld [tilespmem:s9+$0x12480]  }
0x2e8: {  	v3 =	vld [tilespmem:s9+$0x12380]  }
0x2e9: {  	v4 =	vld [tilespmem:s9+$0x2300]  }
0x2ea: {  	v5 =	vld [tilespmem:s9+$0x12300]  }
0x2eb: {  	v6 =	vld [tilespmem:s9+$0x6400]  }
0x2ec: {  	v7 =	vld [tilespmem:s9+$0x6480]  }
0x2ed: {  	v8 =	vld [tilespmem:s9+$0x6380]  }
0x2ee: {  	v9 =	vld [tilespmem:s9+$0x2500]  }
0x2ef: {  	v10 =	vld [tilespmem:s9+$0x6600]  }
0x2f0: {  	v12 =	vld [tilespmem:s9+$0x2480];
	v4 =	vmul.f32 v4, v32  }
0x2f1: {  	v41 =	vld [tilespmem:s9+$0x12500]  }
0x2f2: {  	v14 =	vld [tilespmem:s9+$0x2580];
	v11 =	vmul.f32 v35, v30;
	v4 =	vadd.f32 v4, v5  }
0x2f3: {  	v15 =	vld [tilespmem:s9+$0x12600]  }
0x2f4: {  	v13 =	vmul.f32 v36, v27;
	v5 =	vld [tilespmem:s9+$0x6500];
	v4 =	vadd.f32 v11, v4  }
0x2f5: {  	v42 =	vld [tilespmem:s9+$0x2400];
	v9 =	vmul.f32 v9, v28  }
0x2f6: {  	v3 =	vadd.f32 v13, v3;
	v13 =	vld [tilespmem:s9+$0x6580];
	v12 =	vmul.f32 v12, v23;
	[tilespmem:s9+$0x12300] =	vst v4;
	v4 =	vmul.f32 v8, v25  }
0x2f7: {  	v43 =	vld [tilespmem:s9+$0x12400];
	v1 =	vmul.f32 v1, v31;
	v7 =	vmul.f32 v7, v22;
	v9 =	vadd.f32 v9, v41  }
0x2f8: {  	v44 =	vmul.f32 v14, v24;
	v2 =	vadd.f32 v12, v2;
	v3 =	vadd.f32 v4, v3  }
0x2f9: {  	v1 =	vadd.f32 v1, v15;
	v5 =	vmul.f32 v5, v26;
	v4 =	vmul.f32 v10, v29  }
0x2fa: {  	v0 =	vadd.f32 v44, v0;
	v2 =	vadd.f32 v7, v2;
	[tilespmem:s9+$0x12380] =	vst v3;
	v3 =	vmul.f32 v42, v20  }
0x2fb: {  	v5 =	vadd.f32 v5, v9;
	v1 =	vadd.f32 v4, v1;
	v4 =	vmul.f32 v13, v21  }
0x2fc: {  	v6 =	vmul.f32 v6, v19;
	[tilespmem:s9+$0x12480] =	vst v2;
	v3 =	vadd.f32 v3, v43  }
0x2fd: {  	[tilespmem:s9+$0x12500] =	vst v5;
	v0 =	vadd.f32 v4, v0  }
0x2fe: {  	[tilespmem:s9+$0x12600] =	vst v1;
	v1 =	vadd.f32 v6, v3  }
0x2ff: {  	[tilespmem:s9+$0x12580] =	vst v0  }
0x300: {  	s0 =	sor.u32 $0x2380, s11;
	[tilespmem:s9+$0x12400] =	vst v1  }
0x301: {  	v0 =	vld [tilespmem:s0+$0x300]  }
0x302: {  	v45 =	vld [tilespmem:s9+$0x6680]  }
0x303: {  	v1 =	vld [tilespmem:s0+$0x10300];
	_ =	sdelay $0x2  }
0x304: {  	v0 =	vmul.f32 v0, v18;
	_ =	sdelay $0x1  }
0x305: {  	v0 =	vadd.f32 v0, v1;
	v1 =	vmul.f32 v45, v17;
	_ =	sdelay $0x1  }
0x306: {  	v0 =	vadd.f32 v1, v0;
	_ =	sdelay $0x1  }
0x307: {  	s11 =	rddreg [dreg:$0x19];
	s9 =	simm.s32 $0x0;
	[tilespmem:s0+$0x10300] =	vst v0  }
0x308: {  	[hbm4b:s11+s9] =	stream.linear.scatter [tilespmem:s5], [sflag:$0x3], $0x4000, $0x38;
	[tilespmem:$0x18300] =	vst v63  }
0x309: {  	_ =	swait.ge [sflag:s25], $0x8000  }
0x30a: {  	[sflag:s25] =	ssyncset.done $0x0  }
0x30b: {  	[sflag:s25] =	ssyncadd.s32 $0xFFFF8000  }
0x30c: {  	_ =	swait.ge [sflag:s17], $0x4000  }
0x30d: {  	s12 =	sand.u32 $0x70, s9;
	s8 =	sand.u32 $0x1C00, s9;
	[sflag:s17] =	ssyncset.done $0x0  }
0x30e: {  	s8 =	sor.u32 s12, s8;
	[sflag:s17] =	ssyncadd.s32 $0xFFFFC000  }
0x30f: {  	v2 =	vld [tilespmem:s8+$0xE300];
	_ =	sdelay $0x4  }
0x310: {  	[tilespmem:$0x1FE80] =	vst v2;
	v2 =	vld [tilespmem:s8+$0xE380];
	_ =	sdelay $0x4  }
0x311: {  	[tilespmem:$0x1FE90] =	vst v2;
	v2 =	vld [tilespmem:s8+$0xE400];
	_ =	sdelay $0x2  }
0x312: {  	v0 =	vld [tilespmem:$0x180]  }
0x313: {  	v1 =	vld [tilespmem:$0x280]  }
0x314: {  	[tilespmem:$0x1FEA0] =	vst v2;
	v2 =	vld [tilespmem:s8+$0xE480];
	_ =	sdelay $0x1  }
0x315: {  	v13 =	vld [tilespmem:s8+$0xA300];
	_ =	sdelay $0x1  }
0x316: {  	v44 =	vld [tilespmem:s8+$0xC300]  }
0x317: {  	v5 =	vbroadcast v0, $0x0;
	v6 =	vbroadcast v1, $0x0;
	[tilespmem:$0x1FEB0] =	vst v2;
	v2 =	vld [tilespmem:s8+$0xE500]  }
0x318: {  	v47 =	vld [tilespmem:s8+$0xC380];
	v7 =	vbroadcast v0, $0x1;
	v8 =	vbroadcast v1, $0x1  }
0x319: {  	v48 =	vld [tilespmem:s8+$0xC400];
	v46 =	vbroadcast v0, $0x2;
	[tilespmem:$0x1FEE0] =	vst v13;
	v13 =	vbroadcast v0, $0xA  }
0x31a: {  	v22 =	vld [tilespmem:s8+$0xC480];
	v10 =	vbroadcast v1, $0x2;
	v11 =	vbroadcast v0, $0x3  }
0x31b: {  	v57 =	vld [tilespmem:s8+$0xC500];
	v12 =	vbroadcast v1, $0x3;
	v49 =	vbroadcast v0, $0x4;
	[tilespmem:$0x1FE00] =	vst v13  }
0x31c: {  	v50 =	vbroadcast v1, $0x4;
	v13 =	vbroadcast v0, $0xB;
	[tilespmem:$0x1FEC0] =	vst v2;
	v2 =	vld [tilespmem:s8+$0xE580]  }
0x31d: {  	v55 =	vld [tilespmem:s8+$0xC580];
	v59 =	vbroadcast v0, $0x5;
	v51 =	vbroadcast v1, $0x5  }
0x31e: {  	v23 =	vld [tilespmem:s8+$0xC600];
	v62 =	vbroadcast v0, $0x6;
	[tilespmem:$0x1FE10] =	vst v13;
	v13 =	vbroadcast v0, $0xC  }
0x31f: {  	v25 =	vld [tilespmem:s8+$0xC680];
	v27 =	vbroadcast v1, $0x6;
	v28 =	vbroadcast v0, $0x7  }
0x320: {  	v19 =	vld [tilespmem:s8+$0x8380];
	v29 =	vbroadcast v1, $0x7;
	v30 =	vbroadcast v0, $0x8;
	[tilespmem:$0x1FE20] =	vst v13  }
0x321: {  	v31 =	vbroadcast v1, $0x8;
	v13 =	vbroadcast v0, $0xD;
	[tilespmem:$0x1FED0] =	vst v2;
	v2 =	vld [tilespmem:s8+$0x8300]  }
0x322: {  	v4 =	vld [tilespmem:s8+$0xE600];
	v26 =	vbroadcast v0, $0x9;
	v32 =	vbroadcast v1, $0x9  }
0x323: {  	v3 =	vld [tilespmem:s8+$0xE680];
	v33 =	vbroadcast v1, $0xA;
	[tilespmem:$0x1FE30] =	vst v13;
	v13 =	vbroadcast v0, $0xE  }
0x324: {  	v52 =	vld [tilespmem:s8+$0x14380];
	v34 =	vbroadcast v1, $0xB;
	v0 =	vbroadcast v0, $0xF  }
0x325: {  	v21 =	vld [tilespmem:s8+$0x8400];
	v35 =	vbroadcast v1, $0xC;
	v36 =	vbroadcast v1, $0xD  }
0x326: {  	v20 =	vld [tilespmem:s8+$0x8480];
	[tilespmem:$0x1FE50] =	vst v0;
	v0 =	vmul.f32 v19, v7;
	v2 =	vmul.f32 v2, v5  }
0x327: {  	v53 =	vld [tilespmem:s8+$0x8500];
	[tilespmem:$0x1FE40] =	vst v13;
	v13 =	vmov v5;
	v5 =	vbroadcast v1, $0xE;
	v1 =	vbroadcast v1, $0xF  }
0x328: {  	v58 =	vld [tilespmem:s8+$0x8580]  }
0x329: {  	v61 =	vld [tilespmem:s8+$0x8600];
	v0 =	vadd.f32 v0, v52;
	[tilespmem:$0x1FE70] =	vst v1;
	v1 =	vmul.f32 v47, v8  }
0x32a: {  	v63 =	vld [tilespmem:s8+$0x8680]  }
0x32b: {  	v43 =	vld [tilespmem:s8+$0xA380];
	v0 =	vadd.f32 v1, v0  }
0x32c: {  	v42 =	vld [tilespmem:s8+$0xA400]  }
0x32d: {  	[tilespmem:s8+$0x14380] =	vst v0;
	v0 =	vld [tilespmem:$0x1FE90]  }
0x32e: {  	v41 =	vld [tilespmem:s8+$0xA480]  }
0x32f: {  	v40 =	vld [tilespmem:s8+$0xA500]  }
0x330: {  	v60 =	vld [tilespmem:s8+$0x14300]  }
0x331: {  	v45 =	vld [tilespmem:s8+$0x14480]  }
0x332: {  	v18 =	vmov v10;
	v10 =	vmul.f32 v48, v10;
	v48 =	vmul.f32 v0, v32;
	v0 =	vld [tilespmem:$0x1FEA0]  }
0x333: {  	v37 =	vld [tilespmem:s8+$0xA580]  }
0x334: {  	v38 =	vld [tilespmem:s8+$0xA600];
	v16 =	vmov v8;
	v19 =	vmul.f32 v44, v6;
	v8 =	vmul.f32 v20, v11  }
0x335: {  	v54 =	vld [tilespmem:s8+$0x14400];
	v9 =	vmul.f32 v21, v46  }
0x336: {  	v17 =	vmovc v46;
	v46 =	vld [tilespmem:s8+$0x14500];
	v2 =	vadd.f32 v2, v60;
	v1 =	vmul.f32 v22, v12;
	v45 =	vadd.f32 v8, v45  }
0x337: {  	v47 =	vmul.f32 v0, v33;
	v0 =	vld [tilespmem:$0x1FEB0]  }
0x338: {  	v2 =	vadd.f32 v19, v2;
	v19 =	vmovc v11;
	v11 =	vmul.f32 v58, v59;
	v58 =	vadd.f32 v1, v45;
	v1 =	vld [tilespmem:$0x1FEC0]  }
0x339: {  	v60 =	vld [tilespmem:s8+$0x14600]  }
0x33a: {  	v39 =	vld [tilespmem:s8+$0xA680]  }
0x33b: {  	v56 =	vld [tilespmem:s8+$0x14580];
	v57 =	vmul.f32 v57, v50;
	v44 =	vadd.f32 v9, v54;
	v9 =	vmul.f32 v53, v49  }
0x33c: {  	[tilespmem:$0x1FE60] =	vst v5;
	v5 =	vld [tilespmem:$0x1FE80];
	v45 =	vmul.f32 v0, v34;
	v0 =	vmul.f32 v61, v62  }
0x33d: {  	[tilespmem:s8+$0x14300] =	vst v2;
	v2 =	vadd.f32 v10, v44;
	v10 =	vadd.f32 v9, v46;
	v46 =	vmul.f32 v1, v35;
	v1 =	vld [tilespmem:$0x1FED0]  }
0x33e: {  	v22 =	vmovc v50;
	v50 =	vmul.f32 v25, v29;
	v25 =	vmov v62;
	v62 =	vadd.f32 v0, v60;
	v0 =	vld [tilespmem:$0x1FEE0]  }
0x33f: {  	v54 =	vld [tilespmem:s8+$0x14680]  }
0x340: {  	v63 =	vmul.f32 v63, v28;
	v53 =	vld [tilespmem:s8+$0x16300]  }
0x341: {  	v15 =	vmovc v7;
	v14 =	vmovc v6;
	v24 =	vmov v51;
	v52 =	vmul.f32 v55, v51;
	v51 =	vmul.f32 v23, v27;
	v55 =	vld [tilespmem:s8+$0x16380]  }
0x342: {  	v21 =	vmovc v49;
	v23 =	vmovc v59;
	v20 =	vmov v12;
	v59 =	vadd.f32 v11, v56;
	v56 =	vld [tilespmem:s8+$0x16400];
	v49 =	vmul.f32 v5, v31  }
0x343: {  	s0 =	simm.s32 $0x10;
	[tilespmem:s8+$0x14400] =	vst v2;
	v44 =	vmul.f32 v1, v36;
	v61 =	vadd.f32 v57, v10;
	v57 =	vld [tilespmem:s8+$0x16480];
	v60 =	vmul.f32 v0, v30  }
.LBB2_8:
0x344: {  	v0 =	vadd.f32 v52, v59;
	v1 =	vadd.f32 v63, v54;
	v2 =	vmul.f32 v43, v26;
	_ =	sdelay $0x1  }
0x345: {  	[tilespmem:s8+$0x14580] =	vst v0;
	v0 =	vadd.f32 v50, v1;
	v1 =	vadd.f32 v2, v55;
	v2 =	vld [tilespmem:$0x1FE10]  }
0x346: {  	v5 =	vld [tilespmem:$0x1FE00]  }
0x347: {  	s9 =	sadd.s32 $0x80, s9;
	[tilespmem:s8+$0x14480] =	vst v58;
	v51 =	vadd.f32 v51, v62  }
0x348: {  	s10 =	sand.u32 $0x70, s0;
	[tilespmem:s8+$0x14500] =	vst v61;
	s11 =	sand.u32 $0x1C00, s9  }
0x349: {  	s10 =	sor.u32 s10, s11;
	[tilespmem:s8+$0x14600] =	vst v51  }
0x34a: {  	v51 =	vld [tilespmem:s10+$0xC300];
	v2 =	vmul.f32 v41, v2  }
0x34b: {  	v42 =	vmul.f32 v42, v5;
	v5 =	vld [tilespmem:$0x1FE20]  }
0x34c: {  	[tilespmem:s8+$0x14680] =	vst v0;
	v0 =	vadd.f32 v48, v1;
	v1 =	vadd.f32 v2, v57;
	v2 =	vld [tilespmem:$0x1FE30]  }
0x34d: {  	v62 =	vadd.f32 v60, v53  }
0x34e: {  	v63 =	vld [tilespmem:s8+$0x16580]  }
0x34f: {  	v49 =	vadd.f32 v49, v62  }
0x350: {  	v42 =	vadd.f32 v42, v56;
	v10 =	vld [tilespmem:s10+$0xC380]  }
0x351: {  	[tilespmem:s8+$0x16300] =	vst v49;
	v40 =	vmul.f32 v40, v5;
	v5 =	vld [tilespmem:$0x1FE40];
	v2 =	vmul.f32 v37, v2  }
0x352: {  	v11 =	vadd.f32 v47, v42;
	v47 =	vld [tilespmem:s10+$0xC400]  }
0x353: {  	[tilespmem:s8+$0x16380] =	vst v0;
	v0 =	vadd.f32 v45, v1;
	v1 =	vadd.f32 v2, v63;
	v2 =	vld [tilespmem:$0x1FE50]  }
0x354: {  	v8 =	vld [tilespmem:s8+$0x16600]  }
0x355: {  	v9 =	vld [tilespmem:s8+$0x16680]  }
0x356: {  	v59 =	vld [tilespmem:s8+$0x16500]  }
0x357: {  	v38 =	vmul.f32 v38, v5;
	v5 =	vld [tilespmem:$0x1FE60]  }
0x358: {  	v2 =	vmul.f32 v39, v2;
	v39 =	vld [tilespmem:s10+$0xC480];
	[tilespmem:s8+$0x16400] =	vst v11  }
0x359: {  	v45 =	vld [tilespmem:s10+$0xC500]  }
0x35a: {  	[tilespmem:s8+$0x16480] =	vst v0;
	v0 =	vadd.f32 v44, v1;
	v1 =	vadd.f32 v2, v9;
	v2 =	vld [tilespmem:$0x1FE70];
	_ =	sdelay $0x1  }
0x35b: {  	v40 =	vadd.f32 v40, v59;
	_ =	sdelay $0x1  }
0x35c: {  	v40 =	vadd.f32 v46, v40;
	v38 =	vadd.f32 v38, v8;
	v4 =	vmul.f32 v4, v5  }
0x35d: {  	v2 =	vmul.f32 v3, v2  }
0x35e: {  	v49 =	vld [tilespmem:s10+$0xC580];
	[tilespmem:s8+$0x16500] =	vst v40;
	v3 =	vadd.f32 v4, v38  }
0x35f: {  	v50 =	vld [tilespmem:s10+$0xC600];
	[tilespmem:s8+$0x16580] =	vst v0;
	v0 =	vadd.f32 v2, v1  }
0x360: {  	v1 =	vld [tilespmem:s10+$0xC680];
	[tilespmem:s8+$0x16600] =	vst v3  }
0x361: {  	v2 =	vld [tilespmem:s10+$0xE300];
	[tilespmem:s8+$0x16680] =	vst v0;
	s8 =	smov.u32 s10  }
0x362: {  	v0 =	vld [tilespmem:s8+$0xE380]  }
0x363: {  	v53 =	vld [tilespmem:s8+$0xE400]  }
0x364: {  	v54 =	vld [tilespmem:s8+$0xE480]  }
0x365: {  	v55 =	vld [tilespmem:s8+$0xE500]  }
0x366: {  	v56 =	vld [tilespmem:s8+$0xE580]  }
0x367: {  	v4 =	vld [tilespmem:s8+$0xE600]  }
0x368: {  	v3 =	vld [tilespmem:s8+$0xE680]  }
0x369: {  	v57 =	vld [tilespmem:s8+$0x8300]  }
0x36a: {  	v58 =	vld [tilespmem:s8+$0x8380]  }
0x36b: {  	v59 =	vld [tilespmem:s8+$0x8400]  }
0x36c: {  	v60 =	vld [tilespmem:s8+$0x8480]  }
0x36d: {  	v61 =	vld [tilespmem:s8+$0x8500]  }
0x36e: {  	v62 =	vld [tilespmem:s8+$0x8580]  }
0x36f: {  	v63 =	vld [tilespmem:s8+$0x8600]  }
0x370: {  	v5 =	vld [tilespmem:s8+$0x8680]  }
0x371: {  	v6 =	vld [tilespmem:s8+$0xA300]  }
0x372: {  	v43 =	vld [tilespmem:s8+$0xA380]  }
0x373: {  	v42 =	vld [tilespmem:s8+$0xA400]  }
0x374: {  	v41 =	vld [tilespmem:s8+$0xA480]  }
0x375: {  	v40 =	vld [tilespmem:s8+$0xA500]  }
0x376: {  	v37 =	vld [tilespmem:s8+$0xA580]  }
0x377: {  	v7 =	vmul.f32 v51, v14;
	v8 =	vmul.f32 v10, v16;
	v38 =	vld [tilespmem:s8+$0xA600]  }
0x378: {  	v9 =	vmul.f32 v47, v18;
	v10 =	vmul.f32 v39, v20;
	v39 =	vld [tilespmem:s8+$0xA680]  }
0x379: {  	v12 =	vmul.f32 v45, v22;
	v52 =	vmul.f32 v49, v24;
	v11 =	vld [tilespmem:s8+$0x14300]  }
0x37a: {  	v51 =	vmul.f32 v50, v27;
	v44 =	vld [tilespmem:s8+$0x14380];
	v50 =	vmul.f32 v1, v29  }
0x37b: {  	v1 =	vld [tilespmem:s8+$0x14400];
	v49 =	vmul.f32 v2, v31;
	v48 =	vmul.f32 v0, v32  }
0x37c: {  	v2 =	vld [tilespmem:s8+$0x14480];
	v0 =	vmul.f32 v57, v13;
	v47 =	vmul.f32 v53, v33  }
0x37d: {  	v53 =	vmul.f32 v58, v15;
	v57 =	vld [tilespmem:s8+$0x14500];
	v45 =	vmul.f32 v54, v34  }
0x37e: {  	v46 =	vmul.f32 v55, v35;
	v0 =	vadd.f32 v0, v11;
	v11 =	vmul.f32 v59, v17;
	v59 =	vld [tilespmem:s8+$0x14580]  }
0x37f: {  	p0 =	sne.s32 s0, $0x3F0;
	v58 =	vmul.f32 v60, v19;
	v60 =	vld [tilespmem:s8+$0x14600];
	v62 =	vmul.f32 v62, v23;
	v53 =	vadd.f32 v53, v44  }
.Ltmp3:
0x380: {  	v54 =	vld [tilespmem:s8+$0x14680];
	v0 =	vadd.f32 v7, v0;
	v1 =	vadd.f32 v11, v1;
	v7 =	vmul.f32 v61, v21;
	(pc) =	sbr.rel @p0 .LBB2_8-.Ltmp3, $4  }
0x381: {  	v55 =	vld [tilespmem:s8+$0x16380];
	v44 =	vmul.f32 v56, v36;
	v2 =	vadd.f32 v58, v2;
	v8 =	vadd.f32 v8, v53  }
0x382: {  	v56 =	vld [tilespmem:s8+$0x16400];
	[tilespmem:s8+$0x14300] =	vst v0;
	v0 =	vadd.f32 v9, v1;
	v1 =	vadd.f32 v7, v57;
	v7 =	vmul.f32 v63, v25  }
0x383: {  	v53 =	vld [tilespmem:s8+$0x16300];
	v58 =	vadd.f32 v10, v2;
	[tilespmem:s8+$0x14380] =	vst v8;
	v63 =	vmul.f32 v5, v28;
	v59 =	vadd.f32 v62, v59  }
0x384: {  	s0 =	sadd.s32 $0x10, s0;
	v57 =	vld [tilespmem:s8+$0x16480];
	[tilespmem:s8+$0x14400] =	vst v0;
	v61 =	vadd.f32 v12, v1;
	v62 =	vadd.f32 v7, v60;
	v60 =	vmul.f32 v6, v30  }
0x385: {  	v0 =	vld [tilespmem:s8+$0x16500]  }
0x386: {  	v2 =	vld [tilespmem:s8+$0x16580]  }
0x387: {  	v10 =	vld [tilespmem:$0x1FE10]  }
0x388: {  	v8 =	vld [tilespmem:$0x1FE00]  }
0x389: {  	v5 =	vadd.f32 v63, v54;
	v9 =	vld [tilespmem:s8+$0x16600]  }
0x38a: {  	v1 =	vadd.f32 v52, v59;
	v6 =	vmul.f32 v43, v26;
	v59 =	vld [tilespmem:$0x1FE60]  }
0x38b: {  	v5 =	vadd.f32 v50, v5;
	v50 =	vld [tilespmem:$0x1FE20]  }
0x38c: {  	v6 =	vadd.f32 v6, v55;
	v55 =	vld [tilespmem:$0x1FE40];
	v10 =	vmul.f32 v41, v10  }
0x38d: {  	[tilespmem:s8+$0x14480] =	vst v58;
	v43 =	vadd.f32 v60, v53;
	v53 =	vld [tilespmem:$0x1FE30]  }
0x38e: {  	[tilespmem:s8+$0x14500] =	vst v61;
	v7 =	vadd.f32 v51, v62;
	v8 =	vmul.f32 v42, v8;
	v52 =	vadd.f32 v10, v57;
	v57 =	vld [tilespmem:$0x1FE50]  }
0x38f: {  	v11 =	vld [tilespmem:s8+$0x16680];
	[tilespmem:s8+$0x14580] =	vst v1;
	v51 =	vadd.f32 v48, v6  }
0x390: {  	v61 =	vld [tilespmem:$0x1FE70];
	[tilespmem:s8+$0x14600] =	vst v7;
	v1 =	vadd.f32 v49, v43;
	v49 =	vadd.f32 v8, v56;
	v8 =	vmul.f32 v40, v50  }
0x391: {  	[tilespmem:s8+$0x14680] =	vst v5;
	v4 =	vmul.f32 v4, v59;
	v7 =	vmul.f32 v38, v55  }
0x392: {  	[tilespmem:s8+$0x16380] =	vst v51;
	v10 =	vmul.f32 v37, v53;
	v54 =	vadd.f32 v47, v49;
	v0 =	vadd.f32 v8, v0  }
0x393: {  	[tilespmem:s8+$0x16300] =	vst v1;
	v56 =	vadd.f32 v45, v52;
	v58 =	vadd.f32 v7, v9;
	v6 =	vmul.f32 v39, v57  }
0x394: {  	v2 =	vadd.f32 v10, v2;
	[tilespmem:s8+$0x16400] =	vst v54;
	v0 =	vadd.f32 v46, v0  }
0x395: {  	v3 =	vmul.f32 v3, v61;
	[tilespmem:s8+$0x16480] =	vst v56;
	v62 =	vadd.f32 v4, v58;
	v60 =	vadd.f32 v6, v11  }
0x396: {  	v2 =	vadd.f32 v44, v2;
	[tilespmem:s8+$0x16500] =	vst v0  }
0x397: {  	[tilespmem:s8+$0x16600] =	vst v62;
	v63 =	vadd.f32 v3, v60  }
0x398: {  	[tilespmem:s8+$0x16580] =	vst v2  }
0x399: {  	s0 =	rddreg [dreg:$0x1a];
	[tilespmem:s8+$0x16680] =	vst v63  }
0x39a: {  	[hbm4b:s0+s18] =	stream.linear.scatter [tilespmem:s16], [sflag:$0x3], $0x4000, $0x38;
	[tilespmem:$0x18300] =	vst v63  }
0x39b: {  	_ =	swait.ge [sflag:s7], $0x4000  }
0x39c: {  	[sflag:s7] =	ssyncset.done $0x0  }
0x39d: {  	[sflag:s7] =	ssyncadd.s32 $0xFFFFC000  }
0x39e: {  	_ =	swait.ge [sflag:s7], $0x4000  }
0x39f: {  	s28 =	sadd.s32 $0x1, s28;
	s12 =	rddreg [dreg:$0x1b]  }
0x3a0: {  	p0 =	sne.s32 s28, s12  }
.Ltmp4:
0x3a1: {  	_ = 	snop;
	(pc) =	sbr.rel @p0 .LBB2_1-.Ltmp4, $3  }
0x3a2: {  	_ =	sdelay $0x1  }
0x3a3: {  	[sflag:s7] =	ssyncset.done $0x0  }
0x3a4: {  	[sflag:s7] =	ssyncadd.s32 $0xFFFFC000  }
0x3a5: {  	_ =	sfence.sel $0x180000  }
0x3a6: {  	[bflag:$0x0] =	sbarrier.arrive $0xFFFF  }
0x3a7: {  	_ =	strace $0x9000004A  }
0x3a8: {  	s0 =	stileid.u32;
	[bflag:$0x2] =	sbarrier.arrive $0xFFFF  }
0x3a9: {  	p0 =	sne.s32 s0, $0x0;
	s0 =	rddreg [dreg:$0x2]  }
0x3aa: {  	s0 =	sadd.s32 @!p0 $0x100000, s0  }
0x3ab: {  	[sflag:s0] =	ssyncadd.tile.s32 @!p0 $0x1;
	_ =	shalt  }
.Lfunc_end2:
_tile_overlayer_lowered:
.L_overlay_start_2:
0x3ac: {  	(tag) =	ssettag $0x2  }
0x3ad: {  	s0 =	rddreg [dreg:$0x0];
	s2 =	stileid.u32  }
0x3ae: {  	s1 =	rddreg [dreg:$0x1];
	p0 =	sne.s32 s2, $0x0  }
0x3af: {  	s3 =	rddreg [dreg:$0x2];
	[bflag:$0x3] =	sbarrier.arrive $0xFFFF;
	s2 =	simm.s32 @!p0 $0x1C04  }
0x3b0: {  	[timem:s3], [sflag:s2] =	dma.local @!p0 [hbm:s0], s1  }
0x3b1: {  	s0 =	simm.s32 @!p0 $0x4  }
0x3b2: {  	_ =	swait.ge @!p0 [sflag:s0], s1  }
0x3b3: {  	s1 =	ssub.s32 @!p0 $0x0, s1;
	[sflag:s0] =	ssyncset.done @!p0 $0x0  }
0x3b4: {  	[sflag:s0] =	ssyncadd.s32 @!p0 s1  }
0x3b5: {  	[bflag:$0x3] =	sbarrier.arrive $0xFFFF  }
0x3b6: {  	_ =	shalt  }

// kernel: kernel.8.cloned.1.call-start
scs
__scs_entry_jumppad:
0x0: {  	(pc) =	sbr.rel $0x88, $3  }
0x1: {  	(tag) =	ssettag $0x0;
	lr =	simm.s32 $0x1  }
0x2: {  	[smem:$0x3F98] =	sst lr;
	_ =	strace $0xD0000000  }
0x3: {  	_ = 	snop  }
0x4: {  	_ = 	snop  }
0x5: {  	_ = 	snop  }
0x6: {  	_ = 	snop  }
0x7: {  	_ = 	snop  }
__scs_overlays_trampoline_lowered:
0x8: {  	[smem:$0x3FA7] =	sst s0  }
0x9: {  	[smem:$0x3FA8] =	sst s1  }
0xa: {  	[smem:$0x3FA9] =	sst s2  }
0xb: {  	[smem:$0x3FAA] =	sst s3  }
0xc: {  	[smem:$0x3FAB] =	sst s4  }
0xd: {  	[smem:$0x3FAC] =	sst s5  }
0xe: {  	[smem:$0x3FAD] =	sst s6  }
0xf: {  	[smem:$0x3FAE] =	sst s7  }
0x10: {  	[smem:$0x3FAF] =	sst s8  }
0x11: {  	[smem:$0x3FB0] =	sst s9;
	s0 =	simm.s32 @!p0 $0x0  }
0x12: {  	s1 =	sld [smem:$0x3F96];
	s0 =	simm.s32 @p0 $0x1  }
0x13: {  	[smem:$0x3FB1] =	sst s0;
	s0 =	simm.s32 @!p1 $0x0  }
0x14: {  	s2 =	sld [smem:$0x3F95];
	s0 =	simm.s32 @p1 $0x1  }
0x15: {  	[smem:$0x3FB2] =	sst s0;
	s0 =	simm.s32 @!p2 $0x0  }
0x16: {  	s3 =	sld [smem:$0x3FDB];
	s0 =	simm.s32 @p2 $0x1  }
0x17: {  	s4 =	simm.s32 $0x1BF5;
	[smem:$0x3FB4] =	sst s0  }
0x18: {  	s0 =	sld [smem:$0x3F97];
	_ =	swait.ge [sflag:s4], $0x0  }
0x19: {  	s7 =	sld [smem:$0x3F98]  }
0x1a: {  	s8 =	sadd.s32 $0xFFFFE003, lr  }
0x1b: {  	s9 =	sadd.s32 $0xFFFFFEF7, lr;
	s5 =	simm.s32 $0xFFFFFFFF;
	p2 =	slt.u32 s8, $0xFFFFF086  }
0x1c: {  	p1 =	slt.u32 s9, $0xF7A;
	s5 =	simm.s32 @!p2 $0x0  }
0x1d: {  	s5 =	simm.s32 @p1 $0x1;
	p0 =	seq.s32 s7, s2  }
0x1e: {  	s7 =	smul.u32 @!p0 $0xF7A, s2;
	p2 =	seq.s32 @!p0 s5, $0x0  }
0x1f: {  	s9 =	smul.u32 $0xF7A, s1;
	s8 =	simm.s32 @!p0 $0x1BF5;
	p2 =	por !p2, p0  }
0x20: {  	[sflag:s8] =	ssyncset.s32 @!p0 $0xFFFFF086;
	s6 =	sadd.s32 @!p0 s3, s7;
	s7 =	simm.s32 @!p0 $0x108  }
0x21: {  	s3 =	sadd.s32 s3, s9;
	s6 =	sadd.s32 @!p0 $0x88, s6;
	s7 =	simm.s32 @p2 $0x1082  }
0x22: {  	[simem:s7], [sflag:s8] =	dma.local @!p0 [hbm:s6], $0xF7A  }
0x23: {  	s9 =	sor.u32 $0xD0000000, s2;
	s6 =	simm.s32 $0x108;
	_ =	swait.ge @!p0 [sflag:s8], $0x0  }
0x24: {  	s3 =	sadd.s32 $0x88, s3;
	s6 =	simm.s32 @!p1 $0x1082;
	[sflag:s4] =	ssyncset.s32 $0xFFFFF086  }
0x25: {  	[simem:s6], [sflag:s4] =	dma.local [hbm:s3], $0xF7A  }
0x26: {  	[smem:$0x3F98] =	sst s1;
	(tag) =	ssettag s2;
	_ =	strace s9  }
0x27: {  	s1 =	sld [smem:$0x3FA8]  }
0x28: {  	s2 =	sld [smem:$0x3FA9]  }
0x29: {  	s4 =	sld [smem:$0x3FAB]  }
0x2a: {  	p0 =	seq.s32 s5, $0x0;
	s5 =	sld [smem:$0x3FAC]  }
0x2b: {  	s6 =	sld [smem:$0x3FAD]  }
0x2c: {  	s7 =	sld [smem:$0x3FAE]  }
0x2d: {  	s3 =	simm.s32 $0x108;
	s8 =	sld [smem:$0x3FAF]  }
0x2e: {  	s3 =	simm.s32 @!p0 $0x1082;
	s9 =	sld [smem:$0x3FB0]  }
0x2f: {  	lr =	sadd.s32 s0, s3;
	s0 =	sld [smem:$0x3FA7]  }
0x30: {  	s3 =	sld [smem:$0x3FAA]  }
0x31: {  	[smem:$0x3FB3] =	sst s10  }
0x32: {  	s10 =	sld [smem:$0x3FB1];
	_ =	sdelay $0x3  }
0x33: {  	p0 =	seq.s32 s10, $0x1;
	s10 =	sld [smem:$0x3FB3];
	_ =	sdelay $0x3  }
0x34: {  	[smem:$0x3FB3] =	sst s10  }
0x35: {  	s10 =	sld [smem:$0x3FB2];
	_ =	sdelay $0x3  }
0x36: {  	p1 =	seq.s32 s10, $0x1;
	s10 =	sld [smem:$0x3FB3];
	_ =	sdelay $0x3  }
0x37: {  	[smem:$0x3FB3] =	sst s10  }
0x38: {  	s10 =	sld [smem:$0x3FB4]  }
0x39: {  	_ = 	snop;
	(pc) =	sbr.ind lr, $3  }
0x3a: {  	_ = 	snop  }
0x3b: {  	_ = 	snop  }
0x3c: {  	p2 =	seq.s32 s10, $0x1;
	s10 =	sld [smem:$0x3FB3]  }
0x3d: {  	_ =	shalt  }
0x3e: {  	_ =	shalt  }
0x3f: {  	_ =	shalt  }
0x40: {  	_ =	shalt  }
0x41: {  	_ =	shalt  }
0x42: {  	_ =	shalt  }
0x43: {  	_ =	shalt  }
0x44: {  	_ =	shalt  }
0x45: {  	_ =	shalt  }
0x46: {  	_ =	shalt  }
0x47: {  	_ =	shalt  }
0x48: {  	_ =	shalt  }
0x49: {  	_ =	shalt  }
0x4a: {  	_ =	shalt  }
0x4b: {  	_ =	shalt  }
0x4c: {  	_ =	shalt  }
0x4d: {  	_ =	shalt  }
0x4e: {  	_ =	shalt  }
0x4f: {  	_ =	shalt  }
0x50: {  	_ =	shalt  }
0x51: {  	_ =	shalt  }
0x52: {  	_ =	shalt  }
0x53: {  	_ =	shalt  }
0x54: {  	_ =	shalt  }
0x55: {  	_ =	shalt  }
0x56: {  	_ =	shalt  }
0x57: {  	_ =	shalt  }
0x58: {  	_ =	shalt  }
0x59: {  	_ =	shalt  }
0x5a: {  	_ =	shalt  }
0x5b: {  	_ =	shalt  }
0x5c: {  	_ =	shalt  }
0x5d: {  	_ =	shalt  }
0x5e: {  	_ =	shalt  }
0x5f: {  	_ =	shalt  }
0x60: {  	_ =	shalt  }
0x61: {  	_ =	shalt  }
0x62: {  	_ =	shalt  }
0x63: {  	_ =	shalt  }
0x64: {  	_ =	shalt  }
0x65: {  	_ =	shalt  }
0x66: {  	_ =	shalt  }
0x67: {  	_ =	shalt  }
0x68: {  	_ =	shalt  }
0x69: {  	_ =	shalt  }
0x6a: {  	_ =	shalt  }
0x6b: {  	_ =	shalt  }
0x6c: {  	_ =	shalt  }
0x6d: {  	_ =	shalt  }
0x6e: {  	_ =	shalt  }
0x6f: {  	_ =	shalt  }
0x70: {  	_ =	shalt  }
0x71: {  	_ =	shalt  }
0x72: {  	_ =	shalt  }
0x73: {  	_ =	shalt  }
0x74: {  	_ =	shalt  }
0x75: {  	_ =	shalt  }
0x76: {  	_ =	shalt  }
0x77: {  	_ =	shalt  }
0x78: {  	_ =	shalt  }
0x79: {  	_ =	shalt  }
0x7a: {  	_ =	shalt  }
0x7b: {  	_ =	shalt  }
0x7c: {  	_ =	shalt  }
0x7d: {  	_ =	shalt  }
0x7e: {  	_ =	shalt  }
0x7f: {  	_ =	shalt  }
0x80: {  	_ =	shalt  }
0x81: {  	_ =	shalt  }
0x82: {  	_ =	shalt  }
0x83: {  	_ =	shalt  }
0x84: {  	_ =	shalt  }
0x85: {  	_ =	shalt  }
0x86: {  	_ =	shalt  }
0x87: {  	_ =	shalt  }
.Lfunc_end0:
.L_simem_size_0:
called_computation_lowered:
.L_overlay_start_0:
0x88: {  	s2 =	sld [smem:$0x3FD9]  }
0x89: {  	s3 =	sld [smem:$0x3FFE];
	_ =	sdelay $0x1  }
0x8a: {  	s1 =	srdreg.scid  }
0x8b: {  	s0 =	sand.u32 $0x1, s1  }
0x8c: {  	s17 =	sshll.u32 s0, $0xA;
	s2 =	sadd.s32 s3, s2  }
0x8d: {  	s2 =	sadd.s32 s2, s17  }
0x8e: {  	[smem:$0x3FBF] =	sst s2  }
0x8f: {  	_ = 	snop  }
0x90: {  	s2 =	sld [smem:$0x3FC9];
	(tm) =	ssettm $0x1  }
0x91: {  	s18 =	sld [smem:$0x3FFB];
	_ =	sdelay $0x3  }
0x92: {  	_ =	strace s18  }
0x93: {  	s3 =	sld [smem:$0x3FFC];
	_ =	sdelay $0x3  }
0x94: {  	_ =	strace s3  }
0x95: {  	s3 =	sld [smem:$0x3FFD];
	_ =	sdelay $0x3  }
0x96: {  	_ =	strace s3  }
0x97: {  	_ =	strace $0x8FFFFFFF  }
0x98: {  	s19 =	sld [smem:$0x3FDB];
	_ =	sdelay $0x1  }
0x99: {  	s4 =	simm.s32 $_scs_section_size  }
0x9a: {  	s5 =	simm.s32 $_size__tile_overlayer_lowered;
	s6 =	simm.s32 $_tile_overlayer_lowered  }
0x9b: {  	s22 =	simm.s32 $0x1BFF;
	s21 =	sshll.u32 s6, $0x1;
	s3 =	sadd.s32 s4, s19  }
0x9c: {  	s7 =	simm.s32 $0x0;
	s20 =	sshll.u32 s5, $0x1;
	s5 =	sadd.s32 s21, s3  }
0x9d: {  	[timem:s7], [sflag:s22] =	dma.local [hbm:s5], s20  }
0x9e: {  	_ =	swait.ge [sflag:s22], s20  }
0x9f: {  	s4 =	ssub.s32 $0x0, s20;
	[sflag:s22] =	ssyncset.done $0x0  }
0xa0: {  	[sflag:s22] =	ssyncadd.s32 s4;
	_ =	sdelay $0x1  }
0xa1: {  	s23 =	simm.s32 $0x1B8B  }
0xa2: {  	_ =	swait.ge [sflag:s23], $0x1  }
0xa3: {  	[sflag:s23] =	ssyncset.done $0x0  }
0xa4: {  	s25 =	simm.s32 $0x1B8E;
	s24 =	sld [smem:$0x3FFE];
	[sflag:s23] =	ssyncadd.s32 $0xFFFFFFFF  }
0xa5: {  	s26 =	simm.s32 $execute0_lowered;
	[smem:$0x3FD2] =	sst s25  }
0xa6: {  	s5 =	sshll.u32 s26, $0x1;
	_ =	strace $0x80000046;
	[dreg:$0x1] =	wrdreg $0xFFFFFFFF  }
0xa7: {  	s28 =	simm.s32 $_size_execute0_lowered;
	s3 =	sadd.s32 s3, s5;
	[dreg:$0x0] =	wrdreg $0x0  }
0xa8: {  	s5 =	sshll.u32 s28, $0x1;
	[dreg:$0x2] =	wrdreg s3  }
0xa9: {  	[dreg:$0x3] =	wrdreg s5  }
0xaa: {  	[dreg:$0x4] =	wrdreg $0xC0  }
0xab: {  	_ =	task [dreg:s7], $0x5FFFF  }
0xac: {  	[dreg:$0x1] =	wrdreg $0xFFFFFFFF  }
0xad: {  	[dreg:$0x0] =	wrdreg $0x60  }
0xae: {  	[dreg:$0x2] =	wrdreg s2  }
0xaf: {  	[dreg:$0x3] =	wrdreg s24  }
0xb0: {  	[dreg:$0x4] =	wrdreg $0x9  }
0xb1: {  	_ =	task.clear_ibuf [dreg:s7], $0x5FFFF;
	_ =	strace $0x90000046  }
0xb2: {  	s29 =	simm.s32 $0x9;
	_ =	strace $0x80000048  }
0xb3: {  	_ =	swait.ge [sflag:s29], $0x1  }
0xb4: {  	[sflag:s29] =	ssyncadd.s32 $0xFFFFFFFF  }
0xb5: {  	_ =	strace $0x90000048  }
0xb6: {  	_ =	sfence  }
0xb7: {  	s30 =	sld [smem:$0x0];
	_ =	sdelay $0x2  }
0xb8: {  	s31 =	sshll.u32 s1, $0xD;
	s1 =	sshrl.u32 s1, $0x2  }
0xb9: {  	s3 =	sand.u32 $0x4000, s31;
	s1 =	sadd.s32 s1, s30  }
0xba: {  	s0 =	sor.u32 s3, s0;
	s1 =	sshll.u32 s1, $0x11  }
0xbb: {  	s0 =	sor.u32 s1, s0  }
0xbc: {  	s0 =	sadd.s32 $0x8F2B, s0  }
0xbd: {  	[sflag:s0] =	ssyncadd.remote.s32 $0x1  }
0xbe: {  	_ =	sfence.sel $0xFFFF  }
0xbf: {  	[dreg:$0x0] =	wrdreg $0xFFFFFFFF;
	(pc) =	sbr.abs _section_cstart, $3  }
0xc0: {  	[dreg:$0x1] =	wrdreg $0xFFFFFFFF  }
0xc1: {  	_ =	task.clear_ibuf [dreg:s7], $0x2FFFF;
	_ =	strace $0x9FFFFFFF  }
0xc2: {  	(tm) =	ssettm $0x7FFFFFFF  }
0xc3: {  	_ =	shalt  }
tec
execute0_lowered:
.L_overlay_start_1:
0x0: {  	(tag) =	ssettag $0x1  }
0x1: {  	s0 =	srdreg.scid;
	s1 =	rddreg [dreg:$0x0]  }
0x2: {  	s2 =	stileid.u32;
	s6 =	rddreg [dreg:$0x1];
	s24 =	simm.s32 $0x100  }
0x3: {  	s25 =	simm.s32 $0x80;
	s26 =	simm.s32 $0x180;
	s9 =	simm.s32 $0x200  }
0x4: {  	s10 =	simm.s32 $0x8200;
	s11 =	simm.s32 $0x1;
	s16 =	simm.s32 $0xDA00  }
0x5: {  	s17 =	simm.s32 $0xE200;
	s28 =	simm.s32 $0x3200;
	s29 =	simm.s32 $0x3A00  }
0x6: {  	s30 =	simm.s32 $0x4200;
	s31 =	simm.s32 $0x4A00;
	s0 =	sand.u32 $0x1, s0  }
0x7: {  	s3 =	sshll.u32 s2, $0x7;
	s2 =	simm.s32 $0x0;
	s18 =	sadd.s32 $0x1E00, s6  }
0x8: {  	s8 =	sadd.s32 $0x2000, s6;
	s4 =	sshll.u32 s0, $0x6;
	[smem:$0x7FF] =	sst s2  }
0x9: {  	s0 =	ssub.s32 $0x2, s0;
	_ =	strace $0x80000047;
	[dreg:$0x9] =	wrdreg s24  }
0xa: {  	s3 =	sor.u32 s4, s3;
	s23 =	sshrl.u32 s0, $0x1;
	[dreg:$0xa] =	wrdreg s25  }
0xb: {  	[dreg:$0xb] =	wrdreg s26;
	s26 =	simm.s32 $0x2A00;
	s5 =	sshrl.u32 s3, $0x3  }
0xc: {  	s19 =	sshll.u32 s3, $0x7;
	s3 =	sor.u32 $0x20, s3;
	s7 =	sadd.s32 s18, s5  }
0xd: {  	s0 =	ssub.s32 s0, s23;
	s5 =	sadd.s32 s8, s5;
	[dreg:$0x3] =	wrdreg s7  }
0xe: {  	s20 =	sadd.s32 s1, s19;
	s21 =	sshrl.u32 s3, $0x3;
	[dreg:$0x4] =	wrdreg s5  }
0xf: {  	s3 =	sshll.u32 s3, $0x7;
	s19 =	simm.s32 $0xF200;
	[dreg:$0x5] =	wrdreg s20  }
0x10: {  	s4 =	sadd.s32 s18, s21;
	s22 =	sadd.s32 s8, s21;
	s1 =	sadd.s32 s1, s3  }
0x11: {  	s3 =	sadd.s32 $0x2200, s6;
	s5 =	sadd.s32 $0x2400, s6;
	s7 =	smax.u32 s0, $0x1  }
0x12: {  	v2 =	vlaneseq.u32;
	s8 =	simm.s32 $0x3;
	s18 =	simm.s32 $0xEA00;
	[dreg:$0x6] =	wrdreg s4  }
0x13: {  	vm0 =	vmmov $0xffff;
	v1 =	vshrl.u32 v2, $0x3;
	s20 =	simm.s32 $0xFA00;
	s21 =	simm.s32 $0x2;
	[dreg:$0x7] =	wrdreg s22  }
0x14: {  	v0 =	vand.u32 $0x7, v2;
	v2 =	vor.u32 $0x8, v2;
	v1 =	vmul.u32 $0x8, v1;
	[dreg:$0x8] =	wrdreg s1;
	s4 =	sadd.s32 $0x2300, s6;
	s6 =	sadd.s32 $0x2500, s6  }
.LBB2_1:
0x15: {  	s22 =	rddreg [dreg:$0x3]  }
0x16: {  	[tilespmem:s2], [sflag:$0x3] =	stream.linear.gather [hbm4b:s22+s2], $0x20, $0x38;
	[tilespmem:$0x10200] =	vst v63  }
0x17: {  	_ =	swait.ge [sflag:s8], $0x20  }
0x18: {  	s13 =	rddreg [dreg:$0x4];
	[sflag:s8] =	ssyncset.done $0x0  }
0x19: {  	s23 =	rddreg [dreg:$0x9];
	[sflag:s8] =	ssyncadd.s32 $0xFFFFFFE0  }
0x1a: {  	[tilespmem:s23], [sflag:$0x3] =	stream.linear.gather [hbm4b:s13+s2], $0x20, $0x38;
	[tilespmem:$0x10200] =	vst v63  }
0x1b: {  	_ =	swait.ge [sflag:s8], $0x20  }
0x1c: {  	s14 =	rddreg [dreg:$0x5];
	[sflag:s8] =	ssyncset.done $0x0  }
0x1d: {  	s15 =	rddreg [dreg:$0x6];
	[sflag:s8] =	ssyncadd.s32 $0xFFFFFFE0  }
0x1e: {  	[tilespmem:s9], [sflag:$0x1] =	stream.linear.gather [hbm4b:s14+s2], $0x8000, $0x38;
	[tilespmem:$0x10200] =	vst v63  }
0x1f: {  	s24 =	rddreg [dreg:$0xa]  }
0x20: {  	[tilespmem:s24], [sflag:$0x3] =	stream.linear.gather [hbm4b:s15+s2], $0x20, $0x38;
	[tilespmem:$0x10200] =	vst v63  }
0x21: {  	_ =	swait.ge [sflag:s8], $0x20  }
0x22: {  	s23 =	rddreg [dreg:$0x7];
	[sflag:s8] =	ssyncset.done $0x0  }
0x23: {  	s24 =	rddreg [dreg:$0xb];
	[sflag:s8] =	ssyncadd.s32 $0xFFFFFFE0  }
0x24: {  	[tilespmem:s24], [sflag:$0x3] =	stream.linear.gather [hbm4b:s23+s2], $0x20, $0x38;
	[tilespmem:$0x10200] =	vst v63  }
0x25: {  	_ =	swait.ge [sflag:s8], $0x20  }
0x26: {  	[sflag:s8] =	ssyncset.done $0x0  }
0x27: {  	s25 =	rddreg [dreg:$0x8];
	[sflag:s8] =	ssyncadd.s32 $0xFFFFFFE0  }
0x28: {  	[tilespmem:s10], [sflag:$0x1] =	stream.linear.gather [hbm4b:s25+s2], $0x8000, $0x38;
	[tilespmem:$0x10200] =	vst v63  }
0x29: {  	_ =	swait.ge [sflag:s11], $0x8000  }
0x2a: {  	[sflag:s11] =	ssyncset.done $0x0  }
0x2b: {  	[sflag:s11] =	ssyncadd.s32 $0xFFFF8000  }
0x2c: {  	v3 =	vld [tilespmem:$0x0];
	_ =	sdelay $0x4  }
0x2d: {  	v4 =	vshll.u32 v3, $0x3  }
0x2e: {  	v3 =	vand.u32 $0x7, v3;
	v4 =	vand.u32 $0xFFFFFFC0, v4  }
0x2f: {  	v3 =	vor.u32 v3, v4  }
0x30: {  	v4 =	vperm.xlane v3, v0;
	_ =	sdelay $0x1  }
0x31: {  	v4 =	vadd.s32 v1, v4;
	_ =	sdelay $0x4  }
0x32: {  	[hbm4b:s3+s2] =	stream.indirect_vreg.scatter [tilespmem:s9], [sflag:$0x2], $0x80, v4, vm0, $0xb8;
	[tilespmem:$0x10200] =	vst v63  }
0x33: {  	s22 =	simm.s32 $0xA00;
	v3 =	vperm.xlane v3, v2  }
0x34: {  	[hbm4b:s4+s2] =	stream.indirect_vreg.scatter [tilespmem:s22], [sflag:$0x2], $0x80, v4, vm0, $0xb8;
	[tilespmem:$0x10200] =	vst v63  }
0x35: {  	s23 =	simm.s32 $0x1200;
	v3 =	vadd.s32 v1, v3  }
0x36: {  	[hbm4b:s5+s2] =	stream.indirect_vreg.scatter [tilespmem:s23], [sflag:$0x2], $0x80, v4, vm0, $0xb8;
	[tilespmem:$0x10200] =	vst v63  }
0x37: {  	s24 =	simm.s32 $0x1A00  }
0x38: {  	[hbm4b:s6+s2] =	stream.indirect_vreg.scatter [tilespmem:s24], [sflag:$0x2], $0x80, v4, vm0, $0xb8;
	[tilespmem:$0x10200] =	vst v63  }
0x39: {  	s25 =	simm.s32 $0x2200  }
0x3a: {  	[hbm4b:s3+s2] =	stream.indirect_vreg.scatter [tilespmem:s25], [sflag:$0x2], $0x80, v3, vm0, $0xb8;
	[tilespmem:$0x10200] =	vst v63  }
0x3b: {  	_ = 	snop  }
0x3c: {  	[hbm4b:s4+s2] =	stream.indirect_vreg.scatter [tilespmem:s26], [sflag:$0x2], $0x80, v3, vm0, $0xb8;
	[tilespmem:$0x10200] =	vst v63  }
0x3d: {  	_ = 	snop  }
0x3e: {  	[hbm4b:s5+s2] =	stream.indirect_vreg.scatter [tilespmem:s28], [sflag:$0x2], $0x80, v3, vm0, $0xb8;
	[tilespmem:$0x10200] =	vst v63  }
0x3f: {  	_ = 	snop  }
0x40: {  	[hbm4b:s6+s2] =	stream.indirect_vreg.scatter [tilespmem:s29], [sflag:$0x2], $0x80, v3, vm0, $0xb8;
	[tilespmem:$0x10200] =	vst v63  }
0x41: {  	v3 =	vld [tilespmem:$0x10];
	_ =	sdelay $0x4  }
0x42: {  	v57 =	vshll.u32 v3, $0x3  }
0x43: {  	v3 =	vand.u32 $0x7, v3;
	v4 =	vand.u32 $0xFFFFFFC0, v57  }
0x44: {  	v3 =	vor.u32 v3, v4  }
0x45: {  	v4 =	vperm.xlane v3, v0;
	_ =	sdelay $0x1  }
0x46: {  	v4 =	vadd.s32 v1, v4;
	_ =	sdelay $0x4  }
0x47: {  	[hbm4b:s3+s2] =	stream.indirect_vreg.scatter [tilespmem:s30], [sflag:$0x2], $0x80, v4, vm0, $0xb8;
	[tilespmem:$0x10200] =	vst v63  }
0x48: {  	v3 =	vperm.xlane v3, v2  }
0x49: {  	[hbm4b:s4+s2] =	stream.indirect_vreg.scatter [tilespmem:s31], [sflag:$0x2], $0x80, v4, vm0, $0xb8;
	[tilespmem:$0x10200] =	vst v63  }
0x4a: {  	s1 =	simm.s32 $0x5200;
	v3 =	vadd.s32 v1, v3  }
0x4b: {  	[hbm4b:s5+s2] =	stream.indirect_vreg.scatter [tilespmem:s1], [sflag:$0x2], $0x80, v4, vm0, $0xb8;
	[tilespmem:$0x10200] =	vst v63  }
0x4c: {  	s0 =	simm.s32 $0x5A00  }
0x4d: {  	[hbm4b:s6+s2] =	stream.indirect_vreg.scatter [tilespmem:s0], [sflag:$0x2], $0x80, v4, vm0, $0xb8;
	[tilespmem:$0x10200] =	vst v63  }
0x4e: {  	s12 =	simm.s32 $0x6200  }
0x4f: {  	[hbm4b:s3+s2] =	stream.indirect_vreg.scatter [tilespmem:s12], [sflag:$0x2], $0x80, v3, vm0, $0xb8;
	[tilespmem:$0x10200] =	vst v63  }
0x50: {  	s13 =	simm.s32 $0x6A00  }
0x51: {  	[hbm4b:s4+s2] =	stream.indirect_vreg.scatter [tilespmem:s13], [sflag:$0x2], $0x80, v3, vm0, $0xb8;
	[tilespmem:$0x10200] =	vst v63  }
0x52: {  	s14 =	simm.s32 $0x7200  }
0x53: {  	[hbm4b:s5+s2] =	stream.indirect_vreg.scatter [tilespmem:s14], [sflag:$0x2], $0x80, v3, vm0, $0xb8;
	[tilespmem:$0x10200] =	vst v63  }
0x54: {  	s15 =	simm.s32 $0x7A00  }
0x55: {  	[hbm4b:s6+s2] =	stream.indirect_vreg.scatter [tilespmem:s15], [sflag:$0x2], $0x80, v3, vm0, $0xb8;
	[tilespmem:$0x10200] =	vst v63  }
0x56: {  	v3 =	vld [tilespmem:$0x100];
	_ =	sdelay $0x4  }
0x57: {  	v58 =	vshll.u32 v3, $0x3  }
0x58: {  	v3 =	vand.u32 $0x7, v3;
	v4 =	vand.u32 $0xFFFFFFC0, v58  }
0x59: {  	v3 =	vor.u32 v3, v4  }
0x5a: {  	v4 =	vperm.xlane v3, v0;
	_ =	sdelay $0x1  }
0x5b: {  	v4 =	vadd.s32 v1, v4;
	_ =	sdelay $0x4  }
0x5c: {  	[hbm4b:s3+s2] =	stream.indirect_vreg.scatter [tilespmem:s9], [sflag:$0x2], $0x80, v4, vm0, $0xb8;
	[tilespmem:$0x10200] =	vst v63  }
0x5d: {  	v3 =	vperm.xlane v3, v2  }
0x5e: {  	[hbm4b:s4+s2] =	stream.indirect_vreg.scatter [tilespmem:s22], [sflag:$0x2], $0x80, v4, vm0, $0xb8;
	[tilespmem:$0x10200] =	vst v63  }
0x5f: {  	v3 =	vadd.s32 v1, v3  }
0x60: {  	[hbm4b:s5+s2] =	stream.indirect_vreg.scatter [tilespmem:s23], [sflag:$0x2], $0x80, v4, vm0, $0xb8;
	[tilespmem:$0x10200] =	vst v63  }
0x61: {  	_ = 	snop  }
0x62: {  	[hbm4b:s6+s2] =	stream.indirect_vreg.scatter [tilespmem:s24], [sflag:$0x2], $0x80, v4, vm0, $0xb8;
	[tilespmem:$0x10200] =	vst v63  }
0x63: {  	_ = 	snop  }
0x64: {  	[hbm4b:s3+s2] =	stream.indirect_vreg.scatter [tilespmem:s25], [sflag:$0x2], $0x80, v3, vm0, $0xb8;
	[tilespmem:$0x10200] =	vst v63  }
0x65: {  	_ = 	snop  }
0x66: {  	[hbm4b:s4+s2] =	stream.indirect_vreg.scatter [tilespmem:s26], [sflag:$0x2], $0x80, v3, vm0, $0xb8;
	[tilespmem:$0x10200] =	vst v63  }
0x67: {  	_ = 	snop  }
0x68: {  	[hbm4b:s5+s2] =	stream.indirect_vreg.scatter [tilespmem:s28], [sflag:$0x2], $0x80, v3, vm0, $0xb8;
	[tilespmem:$0x10200] =	vst v63  }
0x69: {  	_ = 	snop  }
0x6a: {  	[hbm4b:s6+s2] =	stream.indirect_vreg.scatter [tilespmem:s29], [sflag:$0x2], $0x80, v3, vm0, $0xb8;
	[tilespmem:$0x10200] =	vst v63  }
0x6b: {  	v3 =	vld [tilespmem:$0x110];
	_ =	sdelay $0x4  }
0x6c: {  	v59 =	vshll.u32 v3, $0x3  }
0x6d: {  	v3 =	vand.u32 $0x7, v3;
	v4 =	vand.u32 $0xFFFFFFC0, v59  }
0x6e: {  	v3 =	vor.u32 v3, v4  }
0x6f: {  	v4 =	vperm.xlane v3, v0;
	_ =	sdelay $0x1  }
0x70: {  	v4 =	vadd.s32 v1, v4;
	_ =	sdelay $0x4  }
0x71: {  	[hbm4b:s3+s2] =	stream.indirect_vreg.scatter [tilespmem:s30], [sflag:$0x2], $0x80, v4, vm0, $0xb8;
	[tilespmem:$0x10200] =	vst v63  }
0x72: {  	v3 =	vperm.xlane v3, v2  }
0x73: {  	[hbm4b:s4+s2] =	stream.indirect_vreg.scatter [tilespmem:s31], [sflag:$0x2], $0x80, v4, vm0, $0xb8;
	[tilespmem:$0x10200] =	vst v63  }
0x74: {  	v3 =	vadd.s32 v1, v3  }
0x75: {  	[hbm4b:s5+s2] =	stream.indirect_vreg.scatter [tilespmem:s1], [sflag:$0x2], $0x80, v4, vm0, $0xb8;
	[tilespmem:$0x10200] =	vst v63  }
0x76: {  	_ = 	snop  }
0x77: {  	[hbm4b:s6+s2] =	stream.indirect_vreg.scatter [tilespmem:s0], [sflag:$0x2], $0x80, v4, vm0, $0xb8;
	[tilespmem:$0x10200] =	vst v63  }
0x78: {  	_ = 	snop  }
0x79: {  	[hbm4b:s3+s2] =	stream.indirect_vreg.scatter [tilespmem:s12], [sflag:$0x2], $0x80, v3, vm0, $0xb8;
	[tilespmem:$0x10200] =	vst v63  }
0x7a: {  	_ = 	snop  }
0x7b: {  	[hbm4b:s4+s2] =	stream.indirect_vreg.scatter [tilespmem:s13], [sflag:$0x2], $0x80, v3, vm0, $0xb8;
	[tilespmem:$0x10200] =	vst v63  }
0x7c: {  	_ = 	snop  }
0x7d: {  	[hbm4b:s5+s2] =	stream.indirect_vreg.scatter [tilespmem:s14], [sflag:$0x2], $0x80, v3, vm0, $0xb8;
	[tilespmem:$0x10200] =	vst v63  }
0x7e: {  	_ = 	snop  }
0x7f: {  	[hbm4b:s6+s2] =	stream.indirect_vreg.scatter [tilespmem:s15], [sflag:$0x2], $0x80, v3, vm0, $0xb8;
	[tilespmem:$0x10200] =	vst v63  }
0x80: {  	_ =	swait.ge [sflag:s11], $0x8000  }
0x81: {  	[sflag:s11] =	ssyncset.done $0x0  }
0x82: {  	[sflag:s11] =	ssyncadd.s32 $0xFFFF8000  }
0x83: {  	v3 =	vld [tilespmem:$0x80];
	_ =	sdelay $0x4  }
0x84: {  	v60 =	vshll.u32 v3, $0x3  }
0x85: {  	v3 =	vand.u32 $0x7, v3;
	v4 =	vand.u32 $0xFFFFFFC0, v60  }
0x86: {  	v3 =	vor.u32 v3, v4  }
0x87: {  	v4 =	vperm.xlane v3, v0;
	_ =	sdelay $0x1  }
0x88: {  	v4 =	vadd.s32 v1, v4;
	_ =	sdelay $0x4  }
0x89: {  	[hbm4b:s3+s2] =	stream.indirect_vreg.scatter [tilespmem:s10], [sflag:$0x2], $0x80, v4, vm0, $0xb8;
	[tilespmem:$0x10200] =	vst v63  }
0x8a: {  	s0 =	simm.s32 $0x8A00;
	v3 =	vperm.xlane v3, v2  }
0x8b: {  	[hbm4b:s4+s2] =	stream.indirect_vreg.scatter [tilespmem:s0], [sflag:$0x2], $0x80, v4, vm0, $0xb8;
	[tilespmem:$0x10200] =	vst v63  }
0x8c: {  	s1 =	simm.s32 $0x9200;
	v3 =	vadd.s32 v1, v3  }
0x8d: {  	[hbm4b:s5+s2] =	stream.indirect_vreg.scatter [tilespmem:s1], [sflag:$0x2], $0x80, v4, vm0, $0xb8;
	[tilespmem:$0x10200] =	vst v63  }
0x8e: {  	s12 =	simm.s32 $0x9A00  }
0x8f: {  	[hbm4b:s6+s2] =	stream.indirect_vreg.scatter [tilespmem:s12], [sflag:$0x2], $0x80, v4, vm0, $0xb8;
	[tilespmem:$0x10200] =	vst v63  }
0x90: {  	s13 =	simm.s32 $0xA200  }
0x91: {  	[hbm4b:s3+s2] =	stream.indirect_vreg.scatter [tilespmem:s13], [sflag:$0x2], $0x80, v3, vm0, $0xb8;
	[tilespmem:$0x10200] =	vst v63  }
0x92: {  	s14 =	simm.s32 $0xAA00  }
0x93: {  	[hbm4b:s4+s2] =	stream.indirect_vreg.scatter [tilespmem:s14], [sflag:$0x2], $0x80, v3, vm0, $0xb8;
	[tilespmem:$0x10200] =	vst v63  }
0x94: {  	s15 =	simm.s32 $0xB200  }
0x95: {  	[hbm4b:s5+s2] =	stream.indirect_vreg.scatter [tilespmem:s15], [sflag:$0x2], $0x80, v3, vm0, $0xb8;
	[tilespmem:$0x10200] =	vst v63  }
0x96: {  	s22 =	simm.s32 $0xBA00  }
0x97: {  	[hbm4b:s6+s2] =	stream.indirect_vreg.scatter [tilespmem:s22], [sflag:$0x2], $0x80, v3, vm0, $0xb8;
	[tilespmem:$0x10200] =	vst v63  }
0x98: {  	v3 =	vld [tilespmem:$0x90];
	_ =	sdelay $0x4  }
0x99: {  	v61 =	vshll.u32 v3, $0x3  }
0x9a: {  	v3 =	vand.u32 $0x7, v3;
	v4 =	vand.u32 $0xFFFFFFC0, v61  }
0x9b: {  	v3 =	vor.u32 v3, v4  }
0x9c: {  	v4 =	vperm.xlane v3, v0;
	_ =	sdelay $0x1  }
0x9d: {  	v4 =	vadd.s32 v1, v4;
	_ =	sdelay $0x3  }
0x9e: {  	s23 =	simm.s32 $0xC200  }
0x9f: {  	[hbm4b:s3+s2] =	stream.indirect_vreg.scatter [tilespmem:s23], [sflag:$0x2], $0x80, v4, vm0, $0xb8;
	[tilespmem:$0x10200] =	vst v63  }
0xa0: {  	s24 =	simm.s32 $0xCA00;
	v3 =	vperm.xlane v3, v2  }
0xa1: {  	[hbm4b:s4+s2] =	stream.indirect_vreg.scatter [tilespmem:s24], [sflag:$0x2], $0x80, v4, vm0, $0xb8;
	[tilespmem:$0x10200] =	vst v63  }
0xa2: {  	s25 =	simm.s32 $0xD200;
	v3 =	vadd.s32 v1, v3  }
0xa3: {  	[hbm4b:s5+s2] =	stream.indirect_vreg.scatter [tilespmem:s25], [sflag:$0x2], $0x80, v4, vm0, $0xb8;
	[tilespmem:$0x10200] =	vst v63  }
0xa4: {  	_ = 	snop  }
0xa5: {  	[hbm4b:s6+s2] =	stream.indirect_vreg.scatter [tilespmem:s16], [sflag:$0x2], $0x80, v4, vm0, $0xb8;
	[tilespmem:$0x10200] =	vst v63  }
0xa6: {  	_ = 	snop  }
0xa7: {  	[hbm4b:s3+s2] =	stream.indirect_vreg.scatter [tilespmem:s17], [sflag:$0x2], $0x80, v3, vm0, $0xb8;
	[tilespmem:$0x10200] =	vst v63  }
0xa8: {  	_ = 	snop  }
0xa9: {  	[hbm4b:s4+s2] =	stream.indirect_vreg.scatter [tilespmem:s18], [sflag:$0x2], $0x80, v3, vm0, $0xb8;
	[tilespmem:$0x10200] =	vst v63  }
0xaa: {  	_ = 	snop  }
0xab: {  	[hbm4b:s5+s2] =	stream.indirect_vreg.scatter [tilespmem:s19], [sflag:$0x2], $0x80, v3, vm0, $0xb8;
	[tilespmem:$0x10200] =	vst v63  }
0xac: {  	_ = 	snop  }
0xad: {  	[hbm4b:s6+s2] =	stream.indirect_vreg.scatter [tilespmem:s20], [sflag:$0x2], $0x80, v3, vm0, $0xb8;
	[tilespmem:$0x10200] =	vst v63  }
0xae: {  	v3 =	vld [tilespmem:$0x180];
	_ =	sdelay $0x4  }
0xaf: {  	v62 =	vshll.u32 v3, $0x3  }
0xb0: {  	v3 =	vand.u32 $0x7, v3;
	v4 =	vand.u32 $0xFFFFFFC0, v62  }
0xb1: {  	v3 =	vor.u32 v3, v4  }
0xb2: {  	v4 =	vperm.xlane v3, v0;
	_ =	sdelay $0x1  }
0xb3: {  	v4 =	vadd.s32 v1, v4;
	_ =	sdelay $0x4  }
0xb4: {  	[hbm4b:s3+s2] =	stream.indirect_vreg.scatter [tilespmem:s10], [sflag:$0x2], $0x80, v4, vm0, $0xb8;
	[tilespmem:$0x10200] =	vst v63  }
0xb5: {  	v3 =	vperm.xlane v3, v2  }
0xb6: {  	[hbm4b:s4+s2] =	stream.indirect_vreg.scatter [tilespmem:s0], [sflag:$0x2], $0x80, v4, vm0, $0xb8;
	[tilespmem:$0x10200] =	vst v63  }
0xb7: {  	v3 =	vadd.s32 v1, v3  }
0xb8: {  	[hbm4b:s5+s2] =	stream.indirect_vreg.scatter [tilespmem:s1], [sflag:$0x2], $0x80, v4, vm0, $0xb8;
	[tilespmem:$0x10200] =	vst v63  }
0xb9: {  	_ = 	snop  }
0xba: {  	[hbm4b:s6+s2] =	stream.indirect_vreg.scatter [tilespmem:s12], [sflag:$0x2], $0x80, v4, vm0, $0xb8;
	[tilespmem:$0x10200] =	vst v63  }
0xbb: {  	_ = 	snop  }
0xbc: {  	[hbm4b:s3+s2] =	stream.indirect_vreg.scatter [tilespmem:s13], [sflag:$0x2], $0x80, v3, vm0, $0xb8;
	[tilespmem:$0x10200] =	vst v63  }
0xbd: {  	_ = 	snop  }
0xbe: {  	[hbm4b:s4+s2] =	stream.indirect_vreg.scatter [tilespmem:s14], [sflag:$0x2], $0x80, v3, vm0, $0xb8;
	[tilespmem:$0x10200] =	vst v63  }
0xbf: {  	_ = 	snop  }
0xc0: {  	[hbm4b:s5+s2] =	stream.indirect_vreg.scatter [tilespmem:s15], [sflag:$0x2], $0x80, v3, vm0, $0xb8;
	[tilespmem:$0x10200] =	vst v63  }
0xc1: {  	_ = 	snop  }
0xc2: {  	[hbm4b:s6+s2] =	stream.indirect_vreg.scatter [tilespmem:s22], [sflag:$0x2], $0x80, v3, vm0, $0xb8;
	[tilespmem:$0x10200] =	vst v63  }
0xc3: {  	v3 =	vld [tilespmem:$0x190];
	_ =	sdelay $0x4  }
0xc4: {  	v63 =	vshll.u32 v3, $0x3  }
0xc5: {  	v3 =	vand.u32 $0x7, v3;
	v4 =	vand.u32 $0xFFFFFFC0, v63  }
0xc6: {  	v3 =	vor.u32 v3, v4  }
0xc7: {  	v4 =	vperm.xlane v3, v0;
	_ =	sdelay $0x1  }
0xc8: {  	v4 =	vadd.s32 v1, v4;
	_ =	sdelay $0x4  }
0xc9: {  	[hbm4b:s3+s2] =	stream.indirect_vreg.scatter [tilespmem:s23], [sflag:$0x2], $0x80, v4, vm0, $0xb8;
	[tilespmem:$0x10200] =	vst v63  }
0xca: {  	v3 =	vperm.xlane v3, v2  }
0xcb: {  	[hbm4b:s4+s2] =	stream.indirect_vreg.scatter [tilespmem:s24], [sflag:$0x2], $0x80, v4, vm0, $0xb8;
	[tilespmem:$0x10200] =	vst v63  }
0xcc: {  	v3 =	vadd.s32 v1, v3  }
0xcd: {  	[hbm4b:s5+s2] =	stream.indirect_vreg.scatter [tilespmem:s25], [sflag:$0x2], $0x80, v4, vm0, $0xb8;
	[tilespmem:$0x10200] =	vst v63  }
0xce: {  	_ = 	snop  }
0xcf: {  	[hbm4b:s6+s2] =	stream.indirect_vreg.scatter [tilespmem:s16], [sflag:$0x2], $0x80, v4, vm0, $0xb8;
	[tilespmem:$0x10200] =	vst v63  }
0xd0: {  	_ = 	snop  }
0xd1: {  	[hbm4b:s3+s2] =	stream.indirect_vreg.scatter [tilespmem:s17], [sflag:$0x2], $0x80, v3, vm0, $0xb8;
	[tilespmem:$0x10200] =	vst v63  }
0xd2: {  	_ = 	snop  }
0xd3: {  	[hbm4b:s4+s2] =	stream.indirect_vreg.scatter [tilespmem:s18], [sflag:$0x2], $0x80, v3, vm0, $0xb8;
	[tilespmem:$0x10200] =	vst v63  }
0xd4: {  	_ = 	snop  }
0xd5: {  	[hbm4b:s5+s2] =	stream.indirect_vreg.scatter [tilespmem:s19], [sflag:$0x2], $0x80, v3, vm0, $0xb8;
	[tilespmem:$0x10200] =	vst v63  }
0xd6: {  	_ = 	snop  }
0xd7: {  	[hbm4b:s6+s2] =	stream.indirect_vreg.scatter [tilespmem:s20], [sflag:$0x2], $0x80, v3, vm0, $0xb8;
	[tilespmem:$0x10200] =	vst v63  }
0xd8: {  	_ =	swait.ge [sflag:s21], $0x8000  }
0xd9: {  	[sflag:s21] =	ssyncset.done $0x0  }
0xda: {  	[sflag:s21] =	ssyncadd.s32 $0xFFFF8000  }
0xdb: {  	_ =	swait.ge [sflag:s21], $0x8000  }
0xdc: {  	[sflag:s21] =	ssyncset.done $0x0  }
0xdd: {  	[sflag:s21] =	ssyncadd.s32 $0xFFFF8000  }
0xde: {  	p0 =	sne.s32 s7, $0x1;
	_ =	swait.ge [sflag:s21], $0x8000  }
.Ltmp0:
0xdf: {  	[sflag:s21] =	ssyncset.done $0x0;
	(pc) =	sbr.rel @p0 .LBB2_1-.Ltmp0, $4  }
0xe0: {  	[sflag:s21] =	ssyncadd.s32 $0xFFFF8000  }
0xe1: {  	_ =	swait.ge [sflag:s21], $0x8000  }
0xe2: {  	[sflag:s21] =	ssyncset.done $0x0  }
0xe3: {  	s7 =	sadd.s32 $0xFFFFFFFF, s7;
	[sflag:s21] =	ssyncadd.s32 $0xFFFF8000  }
0xe4: {  	_ =	sfence.sel $0x180000  }
0xe5: {  	[bflag:$0x0] =	sbarrier.arrive $0xFFFF  }
0xe6: {  	_ =	strace $0x90000047  }
0xe7: {  	s0 =	stileid.u32;
	[bflag:$0x2] =	sbarrier.arrive $0xFFFF  }
0xe8: {  	p0 =	sne.s32 s0, $0x0;
	s0 =	rddreg [dreg:$0x2]  }
0xe9: {  	s0 =	sadd.s32 @!p0 $0x100000, s0  }
0xea: {  	[sflag:s0] =	ssyncadd.tile.s32 @!p0 $0x1;
	_ =	shalt  }
.Lfunc_end2:
_tile_overlayer_lowered:
.L_overlay_start_2:
0xeb: {  	(tag) =	ssettag $0x2  }
0xec: {  	s0 =	rddreg [dreg:$0x0];
	s2 =	stileid.u32  }
0xed: {  	s1 =	rddreg [dreg:$0x1];
	p0 =	sne.s32 s2, $0x0  }
0xee: {  	s3 =	rddreg [dreg:$0x2];
	[bflag:$0x3] =	sbarrier.arrive $0xFFFF;
	s2 =	simm.s32 @!p0 $0x1C03  }
0xef: {  	[timem:s3], [sflag:s2] =	dma.local @!p0 [hbm:s0], s1  }
0xf0: {  	s0 =	simm.s32 @!p0 $0x3  }
0xf1: {  	_ =	swait.ge @!p0 [sflag:s0], s1  }
0xf2: {  	s1 =	ssub.s32 @!p0 $0x0, s1;
	[sflag:s0] =	ssyncset.done @!p0 $0x0  }
0xf3: {  	[sflag:s0] =	ssyncadd.s32 @!p0 s1  }
0xf4: {  	[bflag:$0x3] =	sbarrier.arrive $0xFFFF  }
0xf5: {  	_ =	shalt  }

</sc_bundles>
